<compile_context>
chip_gen: v7x
topology: tpu7x:2x2x1
jax: 0.10.2.dev20260603
libtpu: 0.0.44.dev20260713+nightly
codegen_flags: <defaults>
</compile_context>

<pallas_src>
import jax
import jax.numpy as jnp
from jax import lax
from jax.experimental import pallas as pl
from jax.experimental.pallas import tpu as pltpu
from jax.experimental.pallas import tpu_sc as plsc

S = 200
B = 4096
D = 64
L = 16
V = 1000000

NC = 2
NS = 16
NW = NC * NS
BW = B // NW
NG = BW // L
N_ROWS2 = V // 2
NFULL = V // 128


def _tbody(tt_hbm, out_hbm, vin0, vin1, vout0, vout1, vin2, vout2,
           g0, g1, w0, w1):
    wid = lax.axis_index("s") * NC + lax.axis_index("c")

    iota = lax.iota(jnp.int32, L)
    hvec = jax.lax.shift_left(iota & 1, 6)
    ivecs = tuple(g * 8 + jax.lax.shift_right_logical(iota, 1)
                  for g in range(NG))
    tvecs = tuple(g * L + iota for g in range(NG))

    def chunk_of(k):
        return wid + NW * k

    def prep(k, vin_v, gsem):
        c = chunk_of(k)
        pltpu.async_copy(tt_hbm.at[:, pl.ds(c * 128, 128)], vin_v, gsem)

    def wait_g(sem, vin_v):
        pltpu.make_async_copy(tt_hbm.at[:, pl.ds(0, 128)], vin_v, sem).wait()

    def wait_w(sem, vout_v):
        pltpu.make_async_copy(vout_v, out_hbm.at[pl.ds(0, 64)], sem).wait()

    def transpose(vin_v, vout_v, ng):
        @plsc.parallel_loop(0, L, unroll=8)
        def _(r):
            rot = (iota + r) & 15
            for dg in range(4):
                drot = dg * L + rot
                cvec = hvec + drot
                for g in range(ng):
                    vals = plsc.load_gather(vin_v, [drot, tvecs[g]])
                    plsc.store_scatter(vout_v, [ivecs[g], cvec], vals)

    nmine = jax.lax.div(NFULL - wid + NW - 1, NW)

    prep(0, vin0, g0)
    prep(1, vin1, g1)
    bufs = ((vin0, vout0, g0, w0), (vin1, vout1, g1, w1))

    def step(i, carry):
        for bsel in range(2):
            k = 2 * i + bsel
            vin_v, vout_v, gsem, wsem = bufs[bsel]

            @pl.when(k < nmine)
            def _():
                @pl.when(k >= 2)
                def _():
                    wait_w(wsem, vout_v)

                wait_g(gsem, vin_v)
                transpose(vin_v, vout_v, NG)

                @pl.when(k + 2 < nmine)
                def _():
                    prep(k + 2, vin_v, gsem)

                c = chunk_of(k)
                pltpu.async_copy(vout_v, out_hbm.at[pl.ds(c * 64, 64)], wsem)
        return carry

    lax.fori_loop(0, 123, step, 0)

    @pl.when(nmine >= 1)
    def _():
        wait_w(w0, vout0)

    @pl.when(nmine >= 2)
    def _():
        wait_w(w1, vout1)

    @pl.when(wid == NW - 1)
    def _():
        pltpu.sync_copy(tt_hbm.at[:, pl.ds(NFULL * 128, 64)], vin2)
        transpose(vin2, vout2, NG // 2)
        pltpu.sync_copy(vout2, out_hbm.at[pl.ds(NFULL * 64, 32)])


def _body(src_hbm, table_hbm, pe_hbm, out_hbm,
          idx_v, pe_v, slab0, slab1, tout0, tout1, g0, g1, w0, w1):
    wid = lax.axis_index("s") * NC + lax.axis_index("c")
    bcol = wid * BW

    pltpu.sync_copy(src_hbm.at[:, pl.ds(bcol, BW)], idx_v)
    pltpu.sync_copy(pe_hbm, pe_v)

    iota = lax.iota(jnp.int32, L)
    bconst = tuple(g * L + iota for g in range(NG))

    def prep_gather(s, slab_v, gsem):
        pltpu.async_copy(table_hbm.at[idx_v.at[s]], slab_v, gsem)

    def compute(s, slab_v, tout_v):
        pe16 = tuple(pe_v[s, pl.ds(dg * L, L)] for dg in range(4))

        @plsc.parallel_loop(0, L, unroll=8)
        def _(r):
            rot = (iota + r) & 15
            for dg in range(4):
                drot = dg * L + rot
                perot = pe16[dg].at[rot].get(mode="promise_in_bounds")
                for g in range(NG):
                    vals = plsc.load_gather(slab_v, [bconst[g], drot]) + perot
                    plsc.store_scatter(tout_v, [drot, bconst[g]], vals)

    def emit(s, tout_v, wsem):
        pltpu.async_copy(tout_v, out_hbm.at[s, :, pl.ds(bcol, BW)], wsem)

    def wait_g(sem, slab_v):
        pltpu.make_async_copy(table_hbm.at[idx_v.at[0]], slab_v, sem).wait()

    def wait_w(sem, tout_v):
        pltpu.make_async_copy(tout_v, out_hbm.at[0, :, pl.ds(bcol, BW)],
                              sem).wait()

    prep_gather(0, slab0, g0)
    prep_gather(1, slab1, g1)

    bufs = ((slab0, tout0, g0, w0), (slab1, tout1, g1, w1))

    def step(i, carry):
        for bsel in range(2):
            s = 2 * i + bsel
            slab_v, tout_v, gsem, wsem = bufs[bsel]

            @pl.when(s >= 2)
            def _():
                wait_w(wsem, tout_v)

            wait_g(gsem, slab_v)
            compute(s, slab_v, tout_v)

            @pl.when(s + 2 < S)
            def _():
                prep_gather(s + 2, slab_v, gsem)

            emit(s, tout_v, wsem)
        return carry

    lax.fori_loop(0, S // 2, step, 0)

    wait_w(w0, tout0)
    wait_w(w1, tout1)


@jax.jit
def _pe_embed(src, table_t, pe2d):
    mesh = plsc.VectorSubcoreMesh(core_axis_name="c", subcore_axis_name="s")

    tkern = pl.kernel(
        _tbody,
        out_type=jax.ShapeDtypeStruct((N_ROWS2, 2 * D), jnp.float32),
        mesh=mesh,
        scratch_types=[
            pltpu.VMEM((D, 2 * D), jnp.float32),
            pltpu.VMEM((D, 2 * D), jnp.float32),
            pltpu.VMEM((D, 2 * D), jnp.float32),
            pltpu.VMEM((D, 2 * D), jnp.float32),
            pltpu.VMEM((D, D), jnp.float32),
            pltpu.VMEM((D // 2, 2 * D), jnp.float32),
            pltpu.SemaphoreType.DMA,
            pltpu.SemaphoreType.DMA,
            pltpu.SemaphoreType.DMA,
            pltpu.SemaphoreType.DMA,
        ],
        compiler_params=pltpu.CompilerParams(
            use_tc_tiling_on_sc=True, needs_layout_passes=False
        ),
    )

    mainkern = pl.kernel(
        _body,
        out_type=jax.ShapeDtypeStruct((S, D, B), jnp.float32),
        mesh=mesh,
        scratch_types=[
            pltpu.VMEM((S, BW), jnp.int32),
            pltpu.VMEM((S, D), jnp.float32),
            pltpu.VMEM((BW, D), jnp.float32),
            pltpu.VMEM((BW, D), jnp.float32),
            pltpu.VMEM((D, BW), jnp.float32),
            pltpu.VMEM((D, BW), jnp.float32),
            pltpu.SemaphoreType.DMA,
            pltpu.SemaphoreType.DMA,
            pltpu.SemaphoreType.DMA,
            pltpu.SemaphoreType.DMA,
        ],
        compiler_params=pltpu.CompilerParams(
            use_tc_tiling_on_sc=False, needs_layout_passes=False
        ),
    )

    t2 = tkern(table_t)
    t3 = t2.reshape(V, D)
    return mainkern(src, t3, pe2d)


def kernel(src, table, pe):
    src = src.astype(jnp.int32)
    table_t = table.T
    pe2d = pe.reshape(S, D)
    out_t = _pe_embed(src, table_t, pe2d)
    return out_t.transpose(0, 2, 1)

# --- scband reference (transcript-rebuilt; emitter-appended) ---
"""Pipeline reference for scband-positional-embedding-48309792146020 (READ-ONLY COPY).

The authoritative reference and input builder live on the scoring server;
editing this copy changes nothing except your own understanding.
"""

import jax, jax.numpy as jnp
import numpy as np

N_TOKENS = 1000000
D_MODEL = 64
MAX_SEQ = 200


def make_pe():
    position = jnp.arange(MAX_SEQ, dtype=jnp.float32)[:, None]
    even_idx = jnp.arange(0, D_MODEL, 2, dtype=jnp.float32)
    odd_idx = jnp.arange(1, D_MODEL, 2, dtype=jnp.float32)
    div_term_even = 10.0 ** (4.0 * 2.0 * even_idx / D_MODEL)
    div_term_odd = 10.0 ** (4.0 * 2.0 * odd_idx / D_MODEL)
    pe = jnp.zeros((MAX_SEQ, 1, D_MODEL), dtype=jnp.float32)
    pe = pe.at[:, 0, 0::2].set(jnp.sin(position / div_term_even))
    pe = pe.at[:, 0, 1::2].set(jnp.cos(position / div_term_odd))
    return pe


def setup_inputs(seed: int = 0) -> dict:
    key = jax.random.key(seed)
    k_src, k_tab = jax.random.split(key)
    src = jax.random.randint(k_src, (200, 4096), 0, N_TOKENS, dtype=jnp.int64)
    # nn.Embedding default init: N(0, 1)
    table = jax.random.normal(k_tab, (N_TOKENS, D_MODEL), dtype=jnp.float32)
    pe = make_pe()
    return {"src": src, "table": table, "pe": pe}


def reference(src, table, pe):
    # embedding lookup (gather)
    emb = jnp.take(table, src, axis=0)  # [S, B, D]
    # add positional encoding, broadcast over batch dim
    out = emb + pe[: src.shape[0], :, :]
    return out

if __name__ == "__main__":
    import jax
    _d = setup_inputs()
    print(jax.jit(kernel)(*tuple(_d.values())))

</pallas_src>

<mosaic_0001>
#map = affine_map<(d0, d1) -> (0, 0)>
module attributes {stable_mosaic.version = 14 : i64} {
  func.func @_tbody(%arg0: i32, %arg1: i32, %arg2: memref<64x1000000xf32, #tpu.memory_space<hbm>>, %arg3: memref<500000x128xf32, #tpu.memory_space<hbm>>, %arg4: memref<64x128xf32, #tpu.memory_space<vmem>>, %arg5: memref<64x128xf32, #tpu.memory_space<vmem>>, %arg6: memref<64x128xf32, #tpu.memory_space<vmem>>, %arg7: memref<64x128xf32, #tpu.memory_space<vmem>>, %arg8: memref<64x64xf32, #tpu.memory_space<vmem>>, %arg9: memref<32x128xf32, #tpu.memory_space<vmem>>, %arg10: memref<!tpu.dma_semaphore, #tpu.memory_space<semaphore_mem>>, %arg11: memref<!tpu.dma_semaphore, #tpu.memory_space<semaphore_mem>>, %arg12: memref<!tpu.dma_semaphore, #tpu.memory_space<semaphore_mem>>, %arg13: memref<!tpu.dma_semaphore, #tpu.memory_space<semaphore_mem>>) attributes {dimension_semantics = [#tpu.dimension_semantics<core_parallel>, #tpu.dimension_semantics<subcore_parallel>], iteration_bounds = array<i64: 2, 16>, scalar_prefetch = 0 : i64, scratch_operands = 10 : i64, tpu.core_type = #tpu.core_type<sc_vector_subcore>, window_params = [{transform_indices = #map}, {transform_indices = #map}]} {
    %mul3A = arith.constant 2 : i32
    %mul3A_0 = arith.muli %arg1, %mul3A : i32
    %add3A = arith.addi %mul3A_0, %arg0 : i32
    %iota3A = tpu.iota {dimensions = array<i32: 0>} : vector<16xi32>
    %and3A = arith.constant 1 : i32
    %and3A_1 = vector.broadcast %and3A : i32 to vector<16xi32>
    %and3A_2 = arith.andi %iota3A, %and3A_1 : vector<16xi32>
    %shift_left3A = arith.constant 6 : i32
    %shift_left3A_3 = vector.broadcast %shift_left3A : i32 to vector<16xi32>
    %shift_left3A_4 = arith.shli %and3A_2, %shift_left3A_3 : vector<16xi32>
    %shift_right_logical3A = arith.constant 1 : i32
    %shift_right_logical3A_5 = vector.broadcast %shift_right_logical3A : i32 to vector<16xi32>
    %shift_right_logical3A_6 = arith.shrui %iota3A, %shift_right_logical3A_5 : vector<16xi32>
    %add3A_7 = arith.constant 0 : i32
    %add3A_8 = vector.broadcast %add3A_7 : i32 to vector<16xi32>
    %add3A_9 = arith.addi %add3A_8, %shift_right_logical3A_6 : vector<16xi32>
    %shift_right_logical3A_10 = arith.constant 1 : i32
    %shift_right_logical3A_11 = vector.broadcast %shift_right_logical3A_10 : i32 to vector<16xi32>
    %shift_right_logical3A_12 = arith.shrui %iota3A, %shift_right_logical3A_11 : vector<16xi32>
    %add3A_13 = arith.constant 8 : i32
    %add3A_14 = vector.broadcast %add3A_13 : i32 to vector<16xi32>
    %add3A_15 = arith.addi %add3A_14, %shift_right_logical3A_12 : vector<16xi32>
    %shift_right_logical3A_16 = arith.constant 1 : i32
    %shift_right_logical3A_17 = vector.broadcast %shift_right_logical3A_16 : i32 to vector<16xi32>
    %shift_right_logical3A_18 = arith.shrui %iota3A, %shift_right_logical3A_17 : vector<16xi32>
    %add3A_19 = arith.constant 16 : i32
    %add3A_20 = vector.broadcast %add3A_19 : i32 to vector<16xi32>
    %add3A_21 = arith.addi %add3A_20, %shift_right_logical3A_18 : vector<16xi32>
    %shift_right_logical3A_22 = arith.constant 1 : i32
    %shift_right_logical3A_23 = vector.broadcast %shift_right_logical3A_22 : i32 to vector<16xi32>
    %shift_right_logical3A_24 = arith.shrui %iota3A, %shift_right_logical3A_23 : vector<16xi32>
    %add3A_25 = arith.constant 24 : i32
    %add3A_26 = vector.broadcast %add3A_25 : i32 to vector<16xi32>
    %add3A_27 = arith.addi %add3A_26, %shift_right_logical3A_24 : vector<16xi32>
    %shift_right_logical3A_28 = arith.constant 1 : i32
    %shift_right_logical3A_29 = vector.broadcast %shift_right_logical3A_28 : i32 to vector<16xi32>
    %shift_right_logical3A_30 = arith.shrui %iota3A, %shift_right_logical3A_29 : vector<16xi32>
    %add3A_31 = arith.constant 32 : i32
    %add3A_32 = vector.broadcast %add3A_31 : i32 to vector<16xi32>
    %add3A_33 = arith.addi %add3A_32, %shift_right_logical3A_30 : vector<16xi32>
    %shift_right_logical3A_34 = arith.constant 1 : i32
    %shift_right_logical3A_35 = vector.broadcast %shift_right_logical3A_34 : i32 to vector<16xi32>
    %shift_right_logical3A_36 = arith.shrui %iota3A, %shift_right_logical3A_35 : vector<16xi32>
    %add3A_37 = arith.constant 40 : i32
    %add3A_38 = vector.broadcast %add3A_37 : i32 to vector<16xi32>
    %add3A_39 = arith.addi %add3A_38, %shift_right_logical3A_36 : vector<16xi32>
    %shift_right_logical3A_40 = arith.constant 1 : i32
    %shift_right_logical3A_41 = vector.broadcast %shift_right_logical3A_40 : i32 to vector<16xi32>
    %shift_right_logical3A_42 = arith.shrui %iota3A, %shift_right_logical3A_41 : vector<16xi32>
    %add3A_43 = arith.constant 48 : i32
    %add3A_44 = vector.broadcast %add3A_43 : i32 to vector<16xi32>
    %add3A_45 = arith.addi %add3A_44, %shift_right_logical3A_42 : vector<16xi32>
    %shift_right_logical3A_46 = arith.constant 1 : i32
    %shift_right_logical3A_47 = vector.broadcast %shift_right_logical3A_46 : i32 to vector<16xi32>
    %shift_right_logical3A_48 = arith.shrui %iota3A, %shift_right_logical3A_47 : vector<16xi32>
    %add3A_49 = arith.constant 56 : i32
    %add3A_50 = vector.broadcast %add3A_49 : i32 to vector<16xi32>
    %add3A_51 = arith.addi %add3A_50, %shift_right_logical3A_48 : vector<16xi32>
    %add3A_52 = arith.constant 0 : i32
    %add3A_53 = vector.broadcast %add3A_52 : i32 to vector<16xi32>
    %add3A_54 = arith.addi %add3A_53, %iota3A : vector<16xi32>
    %add3A_55 = arith.constant 16 : i32
    %add3A_56 = vector.broadcast %add3A_55 : i32 to vector<16xi32>
    %add3A_57 = arith.addi %add3A_56, %iota3A : vector<16xi32>
    %add3A_58 = arith.constant 32 : i32
    %add3A_59 = vector.broadcast %add3A_58 : i32 to vector<16xi32>
    %add3A_60 = arith.addi %add3A_59, %iota3A : vector<16xi32>
    %add3A_61 = arith.constant 48 : i32
    %add3A_62 = vector.broadcast %add3A_61 : i32 to vector<16xi32>
    %add3A_63 = arith.addi %add3A_62, %iota3A : vector<16xi32>
    %add3A_64 = arith.constant 64 : i32
    %add3A_65 = vector.broadcast %add3A_64 : i32 to vector<16xi32>
    %add3A_66 = arith.addi %add3A_65, %iota3A : vector<16xi32>
    %add3A_67 = arith.constant 80 : i32
    %add3A_68 = vector.broadcast %add3A_67 : i32 to vector<16xi32>
    %add3A_69 = arith.addi %add3A_68, %iota3A : vector<16xi32>
    %add3A_70 = arith.constant 96 : i32
    %add3A_71 = vector.broadcast %add3A_70 : i32 to vector<16xi32>
    %add3A_72 = arith.addi %add3A_71, %iota3A : vector<16xi32>
    %add3A_73 = arith.constant 112 : i32
    %add3A_74 = vector.broadcast %add3A_73 : i32 to vector<16xi32>
    %add3A_75 = arith.addi %add3A_74, %iota3A : vector<16xi32>
    %sub3A = arith.constant 7812 : i32
    %sub3A_76 = arith.subi %sub3A, %add3A : i32
    %add3A_77 = arith.constant 32 : i32
    %add3A_78 = arith.addi %sub3A_76, %add3A_77 : i32
    %sub3A_79 = arith.constant 1 : i32
    %sub3A_80 = arith.subi %add3A_78, %sub3A_79 : i32
    %div3A = arith.constant 32 : i32
    %div3A_81 = arith.divsi %sub3A_80, %div3A : i32
    %add3A_82 = arith.constant 0 : i32
    %add3A_83 = arith.addi %add3A, %add3A_82 : i32
    %mul3A_84 = arith.constant 128 : i32
    %mul3A_85 = arith.muli %add3A_83, %mul3A_84 : i32
    %dma_start3A = arith.constant 0 : i32
    %dma_start3A_86 = tpu.memref_slice %arg2[%dma_start3A, %mul3A_85] : memref<64x1000000xf32, #tpu.memory_space<hbm>> -> memref<64x128xf32, #tpu.memory_space<hbm>>
    %dma_start3A_87 = arith.constant 0 : i32
    %dma_start3A_88 = tpu.memref_slice %arg2[%dma_start3A_87, %mul3A_85] : memref<64x1000000xf32, #tpu.memory_space<hbm>> -> memref<64x128xf32, #tpu.memory_space<hbm>>
    tpu.enqueue_dma source(%dma_start3A_88 : memref<64x128xf32, #tpu.memory_space<hbm>>) target(%arg4 : memref<64x128xf32, #tpu.memory_space<vmem>>) target_semaphore(%arg10 : memref<!tpu.dma_semaphore, #tpu.memory_space<semaphore_mem>>)
    %add3A_89 = arith.constant 32 : i32
    %add3A_90 = arith.addi %add3A, %add3A_89 : i32
    %mul3A_91 = arith.constant 128 : i32
    %mul3A_92 = arith.muli %add3A_90, %mul3A_91 : i32
    %dma_start3A_93 = arith.constant 0 : i32
    %dma_start3A_94 = tpu.memref_slice %arg2[%dma_start3A_93, %mul3A_92] : memref<64x1000000xf32, #tpu.memory_space<hbm>> -> memref<64x128xf32, #tpu.memory_space<hbm>>
    %dma_start3A_95 = arith.constant 0 : i32
    %dma_start3A_96 = tpu.memref_slice %arg2[%dma_start3A_95, %mul3A_92] : memref<64x1000000xf32, #tpu.memory_space<hbm>> -> memref<64x128xf32, #tpu.memory_space<hbm>>
    tpu.enqueue_dma source(%dma_start3A_96 : memref<64x128xf32, #tpu.memory_space<hbm>>) target(%arg5 : memref<64x128xf32, #tpu.memory_space<vmem>>) target_semaphore(%arg11 : memref<!tpu.dma_semaphore, #tpu.memory_space<semaphore_mem>>)
    %scan3A = arith.constant 0 : i32
    %scan3A_97 = arith.constant 0 : i32
    %scan3A_98 = arith.constant 123 : i32
    %scan3A_99 = arith.addi %scan3A_97, %scan3A_98 : i32
    %scan3A_100 = arith.constant 1 : i32
    scf.for %scan3A_113 = %scan3A_97 to %scan3A_99 step %scan3A_100  : i32 {
      %mul3A_114 = arith.constant 2 : i32
      %mul3A_115 = arith.muli %mul3A_114, %scan3A_113 : i32
      %add3A_116 = arith.constant 0 : i32
      %add3A_117 = arith.addi %mul3A_115, %add3A_116 : i32
      %lt3A = arith.cmpi slt, %add3A_117, %div3A_81 : i32
      %convert_element_type3A_118 = arith.extui %lt3A : i1 to i32
      %cond3A_119 = arith.constant 0 : i32
      %cond3A_120 = arith.cmpi ne, %convert_element_type3A_118, %cond3A_119 : i32
      scf.if %cond3A_120 {
        %ge3A_129 = arith.constant 2 : i32
        %ge3A_130 = arith.cmpi sge, %add3A_117, %ge3A_129 : i32
        %convert_element_type3A_131 = arith.extui %ge3A_130 : i1 to i32
        %cond3A_132 = arith.constant 0 : i32
        %cond3A_133 = arith.cmpi ne, %convert_element_type3A_131, %cond3A_132 : i32
        scf.if %cond3A_133 {
          %dma_wait3A_156 = arith.constant 0 : i32
          %dma_wait3A_157 = arith.constant 0 : i32
          %dma_wait3A_158 = tpu.memref_slice %arg3[%dma_wait3A_156, %dma_wait3A_157] : memref<500000x128xf32, #tpu.memory_space<hbm>> -> memref<64x128xf32, #tpu.memory_space<hbm>>
          %dma_wait3A_159 = arith.constant 0 : i32
          %dma_wait3A_160 = arith.constant 0 : i32
          %dma_wait3A_161 = tpu.memref_slice %arg3[%dma_wait3A_159, %dma_wait3A_160] : memref<500000x128xf32, #tpu.memory_space<hbm>> -> memref<64x128xf32, #tpu.memory_space<hbm>>
          tpu.wait_dma2 semaphore(%arg12 : memref<!tpu.dma_semaphore, #tpu.memory_space<semaphore_mem>>) src(%arg6 : memref<64x128xf32, #tpu.memory_space<vmem>>) dst(%dma_wait3A_161 : memref<64x128xf32, #tpu.memory_space<hbm>>)
        } else {
        }
        %dma_wait3A = arith.constant 0 : i32
        %dma_wait3A_134 = arith.constant 0 : i32
        %dma_wait3A_135 = tpu.memref_slice %arg2[%dma_wait3A, %dma_wait3A_134] : memref<64x1000000xf32, #tpu.memory_space<hbm>> -> memref<64x128xf32, #tpu.memory_space<hbm>>
        %dma_wait3A_136 = arith.constant 0 : i32
        %dma_wait3A_137 = arith.constant 0 : i32
        %dma_wait3A_138 = tpu.memref_slice %arg2[%dma_wait3A_136, %dma_wait3A_137] : memref<64x1000000xf32, #tpu.memory_space<hbm>> -> memref<64x128xf32, #tpu.memory_space<hbm>>
        tpu.wait_dma2 semaphore(%arg10 : memref<!tpu.dma_semaphore, #tpu.memory_space<semaphore_mem>>) src(%dma_wait3A_138 : memref<64x128xf32, #tpu.memory_space<hbm>>) dst(%arg4 : memref<64x128xf32, #tpu.memory_space<vmem>>)
        %parallel_loop3A = arith.constant 0 : i32
        %parallel_loop3A_139 = arith.constant 16 : i32
        %parallel_loop3A_140 = arith.constant 1 : i32
        scf.for %parallel_loop3A_156 = %parallel_loop3A to %parallel_loop3A_139 step %parallel_loop3A_140  : i32 {
          %parallel_loop3A_157 = vector.broadcast %parallel_loop3A_156 : i32 to vector<16xi32>
          %parallel_loop3A_158 = arith.addi %iota3A, %parallel_loop3A_157 : vector<16xi32>
          %parallel_loop3A_159 = arith.constant 15 : i32
          %parallel_loop3A_160 = vector.broadcast %parallel_loop3A_159 : i32 to vector<16xi32>
          %parallel_loop3A_161 = arith.andi %parallel_loop3A_158, %parallel_loop3A_160 : vector<16xi32>
          %parallel_loop3A_162 = arith.constant 0 : i32
          %parallel_loop3A_163 = vector.broadcast %parallel_loop3A_162 : i32 to vector<16xi32>
          %parallel_loop3A_164 = arith.addi %parallel_loop3A_163, %parallel_loop3A_161 : vector<16xi32>
          %parallel_loop3A_165 = arith.addi %shift_left3A_4, %parallel_loop3A_164 : vector<16xi32>
          %parallel_loop3A_166 = tpu.vector_load_idx %arg4[%parallel_loop3A_164, %add3A_54] : memref<64x128xf32, #tpu.memory_space<vmem>>[vector<16xi32>, vector<16xi32>], vector<16xf32>,
          tpu.vector_store_idx %arg6[%add3A_9, %parallel_loop3A_165], %parallel_loop3A_166 : memref<64x128xf32, #tpu.memory_space<vmem>>[vector<16xi32>, vector<16xi32>], vector<16xf32>,
          %parallel_loop3A_167 = tpu.vector_load_idx %arg4[%parallel_loop3A_164, %add3A_57] : memref<64x128xf32, #tpu.memory_space<vmem>>[vector<16xi32>, vector<16xi32>], vector<16xf32>,
          tpu.vector_store_idx %arg6[%add3A_15, %parallel_loop3A_165], %parallel_loop3A_167 : memref<64x128xf32, #tpu.memory_space<vmem>>[vector<16xi32>, vector<16xi32>], vector<16xf32>,
          %parallel_loop3A_168 = tpu.vector_load_idx %arg4[%parallel_loop3A_164, %add3A_60] : memref<64x128xf32, #tpu.memory_space<vmem>>[vector<16xi32>, vector<16xi32>], vector<16xf32>,
          tpu.vector_store_idx %arg6[%add3A_21, %parallel_loop3A_165], %parallel_loop3A_168 : memref<64x128xf32, #tpu.memory_space<vmem>>[vector<16xi32>, vector<16xi32>], vector<16xf32>,
          %parallel_loop3A_169 = tpu.vector_load_idx %arg4[%parallel_loop3A_164, %add3A_63] : memref<64x128xf32, #tpu.memory_space<vmem>>[vector<16xi32>, vector<16xi32>], vector<16xf32>,
          tpu.vector_store_idx %arg6[%add3A_27, %parallel_loop3A_165], %parallel_loop3A_169 : memref<64x128xf32, #tpu.memory_space<vmem>>[vector<16xi32>, vector<16xi32>], vector<16xf32>,
          %parallel_loop3A_170 = tpu.vector_load_idx %arg4[%parallel_loop3A_164, %add3A_66] : memref<64x128xf32, #tpu.memory_space<vmem>>[vector<16xi32>, vector<16xi32>], vector<16xf32>,
          tpu.vector_store_idx %arg6[%add3A_33, %parallel_loop3A_165], %parallel_loop3A_170 : memref<64x128xf32, #tpu.memory_space<vmem>>[vector<16xi32>, vector<16xi32>], vector<16xf32>,
          %parallel_loop3A_171 = tpu.vector_load_idx %arg4[%parallel_loop3A_164, %add3A_69] : memref<64x128xf32, #tpu.memory_space<vmem>>[vector<16xi32>, vector<16xi32>], vector<16xf32>,
          tpu.vector_store_idx %arg6[%add3A_39, %parallel_loop3A_165], %parallel_loop3A_171 : memref<64x128xf32, #tpu.memory_space<vmem>>[vector<16xi32>, vector<16xi32>], vector<16xf32>,
          %parallel_loop3A_172 = tpu.vector_load_idx %arg4[%parallel_loop3A_164, %add3A_72] : memref<64x128xf32, #tpu.memory_space<vmem>>[vector<16xi32>, vector<16xi32>], vector<16xf32>,
          tpu.vector_store_idx %arg6[%add3A_45, %parallel_loop3A_165], %parallel_loop3A_172 : memref<64x128xf32, #tpu.memory_space<vmem>>[vector<16xi32>, vector<16xi32>], vector<16xf32>,
          %parallel_loop3A_173 = tpu.vector_load_idx %arg4[%parallel_loop3A_164, %add3A_75] : memref<64x128xf32, #tpu.memory_space<vmem>>[vector<16xi32>, vector<16xi32>], vector<16xf32>,
          tpu.vector_store_idx %arg6[%add3A_51, %parallel_loop3A_165], %parallel_loop3A_173 : memref<64x128xf32, #tpu.memory_space<vmem>>[vector<16xi32>, vector<16xi32>], vector<16xf32>,
          %parallel_loop3A_174 = arith.constant 16 : i32
          %parallel_loop3A_175 = vector.broadcast %parallel_loop3A_174 : i32 to vector<16xi32>
          %parallel_loop3A_176 = arith.addi %parallel_loop3A_175, %parallel_loop3A_161 : vector<16xi32>
          %parallel_loop3A_177 = arith.addi %shift_left3A_4, %parallel_loop3A_176 : vector<16xi32>
          %parallel_loop3A_178 = tpu.vector_load_idx %arg4[%parallel_loop3A_176, %add3A_54] : memref<64x128xf32, #tpu.memory_space<vmem>>[vector<16xi32>, vector<16xi32>], vector<16xf32>,
          tpu.vector_store_idx %arg6[%add3A_9, %parallel_loop3A_177], %parallel_loop3A_178 : memref<64x128xf32, #tpu.memory_space<vmem>>[vector<16xi32>, vector<16xi32>], vector<16xf32>,
          %parallel_loop3A_179 = tpu.vector_load_idx %arg4[%parallel_loop3A_176, %add3A_57] : memref<64x128xf32, #tpu.memory_space<vmem>>[vector<16xi32>, vector<16xi32>], vector<16xf32>,
          tpu.vector_store_idx %arg6[%add3A_15, %parallel_loop3A_177], %parallel_loop3A_179 : memref<64x128xf32, #tpu.memory_space<vmem>>[vector<16xi32>, vector<16xi32>], vector<16xf32>,
          %parallel_loop3A_180 = tpu.vector_load_idx %arg4[%parallel_loop3A_176, %add3A_60] : memref<64x128xf32, #tpu.memory_space<vmem>>[vector<16xi32>, vector<16xi32>], vector<16xf32>,
          tpu.vector_store_idx %arg6[%add3A_21, %parallel_loop3A_177], %parallel_loop3A_180 : memref<64x128xf32, #tpu.memory_space<vmem>>[vector<16xi32>, vector<16xi32>], vector<16xf32>,
          %parallel_loop3A_181 = tpu.vector_load_idx %arg4[%parallel_loop3A_176, %add3A_63] : memref<64x128xf32, #tpu.memory_space<vmem>>[vector<16xi32>, vector<16xi32>], vector<16xf32>,
          tpu.vector_store_idx %arg6[%add3A_27, %parallel_loop3A_177], %parallel_loop3A_181 : memref<64x128xf32, #tpu.memory_space<vmem>>[vector<16xi32>, vector<16xi32>], vector<16xf32>,
          %parallel_loop3A_182 = tpu.vector_load_idx %arg4[%parallel_loop3A_176, %add3A_66] : memref<64x128xf32, #tpu.memory_space<vmem>>[vector<16xi32>, vector<16xi32>], vector<16xf32>,
          tpu.vector_store_idx %arg6[%add3A_33, %parallel_loop3A_177], %parallel_loop3A_182 : memref<64x128xf32, #tpu.memory_space<vmem>>[vector<16xi32>, vector<16xi32>], vector<16xf32>,
          %parallel_loop3A_183 = tpu.vector_load_idx %arg4[%parallel_loop3A_176, %add3A_69] : memref<64x128xf32, #tpu.memory_space<vmem>>[vector<16xi32>, vector<16xi32>], vector<16xf32>,
          tpu.vector_store_idx %arg6[%add3A_39, %parallel_loop3A_177], %parallel_loop3A_183 : memref<64x128xf32, #tpu.memory_space<vmem>>[vector<16xi32>, vector<16xi32>], vector<16xf32>,
          %parallel_loop3A_184 = tpu.vector_load_idx %arg4[%parallel_loop3A_176, %add3A_72] : memref<64x128xf32, #tpu.memory_space<vmem>>[vector<16xi32>, vector<16xi32>], vector<16xf32>,
          tpu.vector_store_idx %arg6[%add3A_45, %parallel_loop3A_177], %parallel_loop3A_184 : memref<64x128xf32, #tpu.memory_space<vmem>>[vector<16xi32>, vector<16xi32>], vector<16xf32>,
          %parallel_loop3A_185 = tpu.vector_load_idx %arg4[%parallel_loop3A_176, %add3A_75] : memref<64x128xf32, #tpu.memory_space<vmem>>[vector<16xi32>, vector<16xi32>], vector<16xf32>,
          tpu.vector_store_idx %arg6[%add3A_51, %parallel_loop3A_177], %parallel_loop3A_185 : memref<64x128xf32, #tpu.memory_space<vmem>>[vector<16xi32>, vector<16xi32>], vector<16xf32>,
          %parallel_loop3A_186 = arith.constant 32 : i32
          %parallel_loop3A_187 = vector.broadcast %parallel_loop3A_186 : i32 to vector<16xi32>
          %parallel_loop3A_188 = arith.addi %parallel_loop3A_187, %parallel_loop3A_161 : vector<16xi32>
          %parallel_loop3A_189 = arith.addi %shift_left3A_4, %parallel_loop3A_188 : vector<16xi32>
          %parallel_loop3A_190 = tpu.vector_load_idx %arg4[%parallel_loop3A_188, %add3A_54] : memref<64x128xf32, #tpu.memory_space<vmem>>[vector<16xi32>, vector<16xi32>], vector<16xf32>,
          tpu.vector_store_idx %arg6[%add3A_9, %parallel_loop3A_189], %parallel_loop3A_190 : memref<64x128xf32, #tpu.memory_space<vmem>>[vector<16xi32>, vector<16xi32>], vector<16xf32>,
          %parallel_loop3A_191 = tpu.vector_load_idx %arg4[%parallel_loop3A_188, %add3A_57] : memref<64x128xf32, #tpu.memory_space<vmem>>[vector<16xi32>, vector<16xi32>], vector<16xf32>,
          tpu.vector_store_idx %arg6[%add3A_15, %parallel_loop3A_189], %parallel_loop3A_191 : memref<64x128xf32, #tpu.memory_space<vmem>>[vector<16xi32>, vector<16xi32>], vector<16xf32>,
          %parallel_loop3A_192 = tpu.vector_load_idx %arg4[%parallel_loop3A_188, %add3A_60] : memref<64x128xf32, #tpu.memory_space<vmem>>[vector<16xi32>, vector<16xi32>], vector<16xf32>,
          tpu.vector_store_idx %arg6[%add3A_21, %parallel_loop3A_189], %parallel_loop3A_192 : memref<64x128xf32, #tpu.memory_space<vmem>>[vector<16xi32>, vector<16xi32>], vector<16xf32>,
          %parallel_loop3A_193 = tpu.vector_load_idx %arg4[%parallel_loop3A_188, %add3A_63] : memref<64x128xf32, #tpu.memory_space<vmem>>[vector<16xi32>, vector<16xi32>], vector<16xf32>,
          tpu.vector_store_idx %arg6[%add3A_27, %parallel_loop3A_189], %parallel_loop3A_193 : memref<64x128xf32, #tpu.memory_space<vmem>>[vector<16xi32>, vector<16xi32>], vector<16xf32>,
          %parallel_loop3A_194 = tpu.vector_load_idx %arg4[%parallel_loop3A_188, %add3A_66] : memref<64x128xf32, #tpu.memory_space<vmem>>[vector<16xi32>, vector<16xi32>], vector<16xf32>,
          tpu.vector_store_idx %arg6[%add3A_33, %parallel_loop3A_189], %parallel_loop3A_194 : memref<64x128xf32, #tpu.memory_space<vmem>>[vector<16xi32>, vector<16xi32>], vector<16xf32>,
          %parallel_loop3A_195 = tpu.vector_load_idx %arg4[%parallel_loop3A_188, %add3A_69] : memref<64x128xf32, #tpu.memory_space<vmem>>[vector<16xi32>, vector<16xi32>], vector<16xf32>,
          tpu.vector_store_idx %arg6[%add3A_39, %parallel_loop3A_189], %parallel_loop3A_195 : memref<64x128xf32, #tpu.memory_space<vmem>>[vector<16xi32>, vector<16xi32>], vector<16xf32>,
          %parallel_loop3A_196 = tpu.vector_load_idx %arg4[%parallel_loop3A_188, %add3A_72] : memref<64x128xf32, #tpu.memory_space<vmem>>[vector<16xi32>, vector<16xi32>], vector<16xf32>,
          tpu.vector_store_idx %arg6[%add3A_45, %parallel_loop3A_189], %parallel_loop3A_196 : memref<64x128xf32, #tpu.memory_space<vmem>>[vector<16xi32>, vector<16xi32>], vector<16xf32>,
          %parallel_loop3A_197 = tpu.vector_load_idx %arg4[%parallel_loop3A_188, %add3A_75] : memref<64x128xf32, #tpu.memory_space<vmem>>[vector<16xi32>, vector<16xi32>], vector<16xf32>,
          tpu.vector_store_idx %arg6[%add3A_51, %parallel_loop3A_189], %parallel_loop3A_197 : memref<64x128xf32, #tpu.memory_space<vmem>>[vector<16xi32>, vector<16xi32>], vector<16xf32>,
          %parallel_loop3A_198 = arith.constant 48 : i32
          %parallel_loop3A_199 = vector.broadcast %parallel_loop3A_198 : i32 to vector<16xi32>
          %parallel_loop3A_200 = arith.addi %parallel_loop3A_199, %parallel_loop3A_161 : vector<16xi32>
          %parallel_loop3A_201 = arith.addi %shift_left3A_4, %parallel_loop3A_200 : vector<16xi32>
          %parallel_loop3A_202 = tpu.vector_load_idx %arg4[%parallel_loop3A_200, %add3A_54] : memref<64x128xf32, #tpu.memory_space<vmem>>[vector<16xi32>, vector<16xi32>], vector<16xf32>,
          tpu.vector_store_idx %arg6[%add3A_9, %parallel_loop3A_201], %parallel_loop3A_202 : memref<64x128xf32, #tpu.memory_space<vmem>>[vector<16xi32>, vector<16xi32>], vector<16xf32>,
          %parallel_loop3A_203 = tpu.vector_load_idx %arg4[%parallel_loop3A_200, %add3A_57] : memref<64x128xf32, #tpu.memory_space<vmem>>[vector<16xi32>, vector<16xi32>], vector<16xf32>,
          tpu.vector_store_idx %arg6[%add3A_15, %parallel_loop3A_201], %parallel_loop3A_203 : memref<64x128xf32, #tpu.memory_space<vmem>>[vector<16xi32>, vector<16xi32>], vector<16xf32>,
          %parallel_loop3A_204 = tpu.vector_load_idx %arg4[%parallel_loop3A_200, %add3A_60] : memref<64x128xf32, #tpu.memory_space<vmem>>[vector<16xi32>, vector<16xi32>], vector<16xf32>,
          tpu.vector_store_idx %arg6[%add3A_21, %parallel_loop3A_201], %parallel_loop3A_204 : memref<64x128xf32, #tpu.memory_space<vmem>>[vector<16xi32>, vector<16xi32>], vector<16xf32>,
          %parallel_loop3A_205 = tpu.vector_load_idx %arg4[%parallel_loop3A_200, %add3A_63] : memref<64x128xf32, #tpu.memory_space<vmem>>[vector<16xi32>, vector<16xi32>], vector<16xf32>,
          tpu.vector_store_idx %arg6[%add3A_27, %parallel_loop3A_201], %parallel_loop3A_205 : memref<64x128xf32, #tpu.memory_space<vmem>>[vector<16xi32>, vector<16xi32>], vector<16xf32>,
          %parallel_loop3A_206 = tpu.vector_load_idx %arg4[%parallel_loop3A_200, %add3A_66] : memref<64x128xf32, #tpu.memory_space<vmem>>[vector<16xi32>, vector<16xi32>], vector<16xf32>,
          tpu.vector_store_idx %arg6[%add3A_33, %parallel_loop3A_201], %parallel_loop3A_206 : memref<64x128xf32, #tpu.memory_space<vmem>>[vector<16xi32>, vector<16xi32>], vector<16xf32>,
          %parallel_loop3A_207 = tpu.vector_load_idx %arg4[%parallel_loop3A_200, %add3A_69] : memref<64x128xf32, #tpu.memory_space<vmem>>[vector<16xi32>, vector<16xi32>], vector<16xf32>,
          tpu.vector_store_idx %arg6[%add3A_39, %parallel_loop3A_201], %parallel_loop3A_207 : memref<64x128xf32, #tpu.memory_space<vmem>>[vector<16xi32>, vector<16xi32>], vector<16xf32>,
          %parallel_loop3A_208 = tpu.vector_load_idx %arg4[%parallel_loop3A_200, %add3A_72] : memref<64x128xf32, #tpu.memory_space<vmem>>[vector<16xi32>, vector<16xi32>], vector<16xf32>,
          tpu.vector_store_idx %arg6[%add3A_45, %parallel_loop3A_201], %parallel_loop3A_208 : memref<64x128xf32, #tpu.memory_space<vmem>>[vector<16xi32>, vector<16xi32>], vector<16xf32>,
          %parallel_loop3A_209 = tpu.vector_load_idx %arg4[%parallel_loop3A_200, %add3A_75] : memref<64x128xf32, #tpu.memory_space<vmem>>[vector<16xi32>, vector<16xi32>], vector<16xf32>,
          tpu.vector_store_idx %arg6[%add3A_51, %parallel_loop3A_201], %parallel_loop3A_209 : memref<64x128xf32, #tpu.memory_space<vmem>>[vector<16xi32>, vector<16xi32>], vector<16xf32>,
        } {sc.loop_unroll_factor = 8 : i64, sc.parallel_access}
        %add3A_141 = arith.constant 2 : i32
        %add3A_142 = arith.addi %add3A_117, %add3A_141 : i32
        %lt3A_143 = arith.cmpi slt, %add3A_142, %div3A_81 : i32
        %convert_element_type3A_144 = arith.extui %lt3A_143 : i1 to i32
        %cond3A_145 = arith.constant 0 : i32
        %cond3A_146 = arith.cmpi ne, %convert_element_type3A_144, %cond3A_145 : i32
        scf.if %cond3A_146 {
          %add3A_156 = arith.constant 2 : i32
          %add3A_157 = arith.addi %add3A_117, %add3A_156 : i32
          %mul3A_158 = arith.constant 32 : i32
          %mul3A_159 = arith.muli %mul3A_158, %add3A_157 : i32
          %add3A_160 = arith.addi %add3A, %mul3A_159 : i32
          %mul3A_161 = arith.constant 128 : i32
          %mul3A_162 = arith.muli %add3A_160, %mul3A_161 : i32
          %dma_start3A_163 = arith.constant 0 : i32
          %dma_start3A_164 = tpu.memref_slice %arg2[%dma_start3A_163, %mul3A_162] : memref<64x1000000xf32, #tpu.memory_space<hbm>> -> memref<64x128xf32, #tpu.memory_space<hbm>>
          %dma_start3A_165 = arith.constant 0 : i32
          %dma_start3A_166 = tpu.memref_slice %arg2[%dma_start3A_165, %mul3A_162] : memref<64x1000000xf32, #tpu.memory_space<hbm>> -> memref<64x128xf32, #tpu.memory_space<hbm>>
          tpu.enqueue_dma source(%dma_start3A_166 : memref<64x128xf32, #tpu.memory_space<hbm>>) target(%arg4 : memref<64x128xf32, #tpu.memory_space<vmem>>) target_semaphore(%arg10 : memref<!tpu.dma_semaphore, #tpu.memory_space<semaphore_mem>>)
        } else {
        }
        %mul3A_147 = arith.constant 32 : i32
        %mul3A_148 = arith.muli %mul3A_147, %add3A_117 : i32
        %add3A_149 = arith.addi %add3A, %mul3A_148 : i32
        %mul3A_150 = arith.constant 64 : i32
        %mul3A_151 = arith.muli %add3A_149, %mul3A_150 : i32
        %dma_start3A_152 = arith.constant 0 : i32
        %dma_start3A_153 = tpu.memref_slice %arg3[%mul3A_151, %dma_start3A_152] : memref<500000x128xf32, #tpu.memory_space<hbm>> -> memref<64x128xf32, #tpu.memory_space<hbm>>
        %dma_start3A_154 = arith.constant 0 : i32
        %dma_start3A_155 = tpu.memref_slice %arg3[%mul3A_151, %dma_start3A_154] : memref<500000x128xf32, #tpu.memory_space<hbm>> -> memref<64x128xf32, #tpu.memory_space<hbm>>
        tpu.enqueue_dma source(%arg6 : memref<64x128xf32, #tpu.memory_space<vmem>>) target(%dma_start3A_155 : memref<64x128xf32, #tpu.memory_space<hbm>>) target_semaphore(%arg12 : memref<!tpu.dma_semaphore, #tpu.memory_space<semaphore_mem>>)
      } else {
      }
      %mul3A_121 = arith.constant 2 : i32
      %mul3A_122 = arith.muli %mul3A_121, %scan3A_113 : i32
      %add3A_123 = arith.constant 1 : i32
      %add3A_124 = arith.addi %mul3A_122, %add3A_123 : i32
      %lt3A_125 = arith.cmpi slt, %add3A_124, %div3A_81 : i32
      %convert_element_type3A_126 = arith.extui %lt3A_125 : i1 to i32
      %cond3A_127 = arith.constant 0 : i32
      %cond3A_128 = arith.cmpi ne, %convert_element_type3A_126, %cond3A_127 : i32
      scf.if %cond3A_128 {
        %ge3A_129 = arith.constant 2 : i32
        %ge3A_130 = arith.cmpi sge, %add3A_124, %ge3A_129 : i32
        %convert_element_type3A_131 = arith.extui %ge3A_130 : i1 to i32
        %cond3A_132 = arith.constant 0 : i32
        %cond3A_133 = arith.cmpi ne, %convert_element_type3A_131, %cond3A_132 : i32
        scf.if %cond3A_133 {
          %dma_wait3A_156 = arith.constant 0 : i32
          %dma_wait3A_157 = arith.constant 0 : i32
          %dma_wait3A_158 = tpu.memref_slice %arg3[%dma_wait3A_156, %dma_wait3A_157] : memref<500000x128xf32, #tpu.memory_space<hbm>> -> memref<64x128xf32, #tpu.memory_space<hbm>>
          %dma_wait3A_159 = arith.constant 0 : i32
          %dma_wait3A_160 = arith.constant 0 : i32
          %dma_wait3A_161 = tpu.memref_slice %arg3[%dma_wait3A_159, %dma_wait3A_160] : memref<500000x128xf32, #tpu.memory_space<hbm>> -> memref<64x128xf32, #tpu.memory_space<hbm>>
          tpu.wait_dma2 semaphore(%arg13 : memref<!tpu.dma_semaphore, #tpu.memory_space<semaphore_mem>>) src(%arg7 : memref<64x128xf32, #tpu.memory_space<vmem>>) dst(%dma_wait3A_161 : memref<64x128xf32, #tpu.memory_space<hbm>>)
        } else {
        }
        %dma_wait3A = arith.constant 0 : i32
        %dma_wait3A_134 = arith.constant 0 : i32
        %dma_wait3A_135 = tpu.memref_slice %arg2[%dma_wait3A, %dma_wait3A_134] : memref<64x1000000xf32, #tpu.memory_space<hbm>> -> memref<64x128xf32, #tpu.memory_space<hbm>>
        %dma_wait3A_136 = arith.constant 0 : i32
        %dma_wait3A_137 = arith.constant 0 : i32
        %dma_wait3A_138 = tpu.memref_slice %arg2[%dma_wait3A_136, %dma_wait3A_137] : memref<64x1000000xf32, #tpu.memory_space<hbm>> -> memref<64x128xf32, #tpu.memory_space<hbm>>
        tpu.wait_dma2 semaphore(%arg11 : memref<!tpu.dma_semaphore, #tpu.memory_space<semaphore_mem>>) src(%dma_wait3A_138 : memref<64x128xf32, #tpu.memory_space<hbm>>) dst(%arg5 : memref<64x128xf32, #tpu.memory_space<vmem>>)
        %parallel_loop3A = arith.constant 0 : i32
        %parallel_loop3A_139 = arith.constant 16 : i32
        %parallel_loop3A_140 = arith.constant 1 : i32
        scf.for %parallel_loop3A_156 = %parallel_loop3A to %parallel_loop3A_139 step %parallel_loop3A_140  : i32 {
          %parallel_loop3A_157 = vector.broadcast %parallel_loop3A_156 : i32 to vector<16xi32>
          %parallel_loop3A_158 = arith.addi %iota3A, %parallel_loop3A_157 : vector<16xi32>
          %parallel_loop3A_159 = arith.constant 15 : i32
          %parallel_loop3A_160 = vector.broadcast %parallel_loop3A_159 : i32 to vector<16xi32>
          %parallel_loop3A_161 = arith.andi %parallel_loop3A_158, %parallel_loop3A_160 : vector<16xi32>
          %parallel_loop3A_162 = arith.constant 0 : i32
          %parallel_loop3A_163 = vector.broadcast %parallel_loop3A_162 : i32 to vector<16xi32>
          %parallel_loop3A_164 = arith.addi %parallel_loop3A_163, %parallel_loop3A_161 : vector<16xi32>
          %parallel_loop3A_165 = arith.addi %shift_left3A_4, %parallel_loop3A_164 : vector<16xi32>
          %parallel_loop3A_166 = tpu.vector_load_idx %arg5[%parallel_loop3A_164, %add3A_54] : memref<64x128xf32, #tpu.memory_space<vmem>>[vector<16xi32>, vector<16xi32>], vector<16xf32>,
          tpu.vector_store_idx %arg7[%add3A_9, %parallel_loop3A_165], %parallel_loop3A_166 : memref<64x128xf32, #tpu.memory_space<vmem>>[vector<16xi32>, vector<16xi32>], vector<16xf32>,
          %parallel_loop3A_167 = tpu.vector_load_idx %arg5[%parallel_loop3A_164, %add3A_57] : memref<64x128xf32, #tpu.memory_space<vmem>>[vector<16xi32>, vector<16xi32>], vector<16xf32>,
          tpu.vector_store_idx %arg7[%add3A_15, %parallel_loop3A_165], %parallel_loop3A_167 : memref<64x128xf32, #tpu.memory_space<vmem>>[vector<16xi32>, vector<16xi32>], vector<16xf32>,
          %parallel_loop3A_168 = tpu.vector_load_idx %arg5[%parallel_loop3A_164, %add3A_60] : memref<64x128xf32, #tpu.memory_space<vmem>>[vector<16xi32>, vector<16xi32>], vector<16xf32>,
          tpu.vector_store_idx %arg7[%add3A_21, %parallel_loop3A_165], %parallel_loop3A_168 : memref<64x128xf32, #tpu.memory_space<vmem>>[vector<16xi32>, vector<16xi32>], vector<16xf32>,
          %parallel_loop3A_169 = tpu.vector_load_idx %arg5[%parallel_loop3A_164, %add3A_63] : memref<64x128xf32, #tpu.memory_space<vmem>>[vector<16xi32>, vector<16xi32>], vector<16xf32>,
          tpu.vector_store_idx %arg7[%add3A_27, %parallel_loop3A_165], %parallel_loop3A_169 : memref<64x128xf32, #tpu.memory_space<vmem>>[vector<16xi32>, vector<16xi32>], vector<16xf32>,
          %parallel_loop3A_170 = tpu.vector_load_idx %arg5[%parallel_loop3A_164, %add3A_66] : memref<64x128xf32, #tpu.memory_space<vmem>>[vector<16xi32>, vector<16xi32>], vector<16xf32>,
          tpu.vector_store_idx %arg7[%add3A_33, %parallel_loop3A_165], %parallel_loop3A_170 : memref<64x128xf32, #tpu.memory_space<vmem>>[vector<16xi32>, vector<16xi32>], vector<16xf32>,
          %parallel_loop3A_171 = tpu.vector_load_idx %arg5[%parallel_loop3A_164, %add3A_69] : memref<64x128xf32, #tpu.memory_space<vmem>>[vector<16xi32>, vector<16xi32>], vector<16xf32>,
          tpu.vector_store_idx %arg7[%add3A_39, %parallel_loop3A_165], %parallel_loop3A_171 : memref<64x128xf32, #tpu.memory_space<vmem>>[vector<16xi32>, vector<16xi32>], vector<16xf32>,
          %parallel_loop3A_172 = tpu.vector_load_idx %arg5[%parallel_loop3A_164, %add3A_72] : memref<64x128xf32, #tpu.memory_space<vmem>>[vector<16xi32>, vector<16xi32>], vector<16xf32>,
          tpu.vector_store_idx %arg7[%add3A_45, %parallel_loop3A_165], %parallel_loop3A_172 : memref<64x128xf32, #tpu.memory_space<vmem>>[vector<16xi32>, vector<16xi32>], vector<16xf32>,
          %parallel_loop3A_173 = tpu.vector_load_idx %arg5[%parallel_loop3A_164, %add3A_75] : memref<64x128xf32, #tpu.memory_space<vmem>>[vector<16xi32>, vector<16xi32>], vector<16xf32>,
          tpu.vector_store_idx %arg7[%add3A_51, %parallel_loop3A_165], %parallel_loop3A_173 : memref<64x128xf32, #tpu.memory_space<vmem>>[vector<16xi32>, vector<16xi32>], vector<16xf32>,
          %parallel_loop3A_174 = arith.constant 16 : i32
          %parallel_loop3A_175 = vector.broadcast %parallel_loop3A_174 : i32 to vector<16xi32>
          %parallel_loop3A_176 = arith.addi %parallel_loop3A_175, %parallel_loop3A_161 : vector<16xi32>
          %parallel_loop3A_177 = arith.addi %shift_left3A_4, %parallel_loop3A_176 : vector<16xi32>
          %parallel_loop3A_178 = tpu.vector_load_idx %arg5[%parallel_loop3A_176, %add3A_54] : memref<64x128xf32, #tpu.memory_space<vmem>>[vector<16xi32>, vector<16xi32>], vector<16xf32>,
          tpu.vector_store_idx %arg7[%add3A_9, %parallel_loop3A_177], %parallel_loop3A_178 : memref<64x128xf32, #tpu.memory_space<vmem>>[vector<16xi32>, vector<16xi32>], vector<16xf32>,
          %parallel_loop3A_179 = tpu.vector_load_idx %arg5[%parallel_loop3A_176, %add3A_57] : memref<64x128xf32, #tpu.memory_space<vmem>>[vector<16xi32>, vector<16xi32>], vector<16xf32>,
          tpu.vector_store_idx %arg7[%add3A_15, %parallel_loop3A_177], %parallel_loop3A_179 : memref<64x128xf32, #tpu.memory_space<vmem>>[vector<16xi32>, vector<16xi32>], vector<16xf32>,
          %parallel_loop3A_180 = tpu.vector_load_idx %arg5[%parallel_loop3A_176, %add3A_60] : memref<64x128xf32, #tpu.memory_space<vmem>>[vector<16xi32>, vector<16xi32>], vector<16xf32>,
          tpu.vector_store_idx %arg7[%add3A_21, %parallel_loop3A_177], %parallel_loop3A_180 : memref<64x128xf32, #tpu.memory_space<vmem>>[vector<16xi32>, vector<16xi32>], vector<16xf32>,
          %parallel_loop3A_181 = tpu.vector_load_idx %arg5[%parallel_loop3A_176, %add3A_63] : memref<64x128xf32, #tpu.memory_space<vmem>>[vector<16xi32>, vector<16xi32>], vector<16xf32>,
          tpu.vector_store_idx %arg7[%add3A_27, %parallel_loop3A_177], %parallel_loop3A_181 : memref<64x128xf32, #tpu.memory_space<vmem>>[vector<16xi32>, vector<16xi32>], vector<16xf32>,
          %parallel_loop3A_182 = tpu.vector_load_idx %arg5[%parallel_loop3A_176, %add3A_66] : memref<64x128xf32, #tpu.memory_space<vmem>>[vector<16xi32>, vector<16xi32>], vector<16xf32>,
          tpu.vector_store_idx %arg7[%add3A_33, %parallel_loop3A_177], %parallel_loop3A_182 : memref<64x128xf32, #tpu.memory_space<vmem>>[vector<16xi32>, vector<16xi32>], vector<16xf32>,
          %parallel_loop3A_183 = tpu.vector_load_idx %arg5[%parallel_loop3A_176, %add3A_69] : memref<64x128xf32, #tpu.memory_space<vmem>>[vector<16xi32>, vector<16xi32>], vector<16xf32>,
          tpu.vector_store_idx %arg7[%add3A_39, %parallel_loop3A_177], %parallel_loop3A_183 : memref<64x128xf32, #tpu.memory_space<vmem>>[vector<16xi32>, vector<16xi32>], vector<16xf32>,
          %parallel_loop3A_184 = tpu.vector_load_idx %arg5[%parallel_loop3A_176, %add3A_72] : memref<64x128xf32, #tpu.memory_space<vmem>>[vector<16xi32>, vector<16xi32>], vector<16xf32>,
          tpu.vector_store_idx %arg7[%add3A_45, %parallel_loop3A_177], %parallel_loop3A_184 : memref<64x128xf32, #tpu.memory_space<vmem>>[vector<16xi32>, vector<16xi32>], vector<16xf32>,
          %parallel_loop3A_185 = tpu.vector_load_idx %arg5[%parallel_loop3A_176, %add3A_75] : memref<64x128xf32, #tpu.memory_space<vmem>>[vector<16xi32>, vector<16xi32>], vector<16xf32>,
          tpu.vector_store_idx %arg7[%add3A_51, %parallel_loop3A_177], %parallel_loop3A_185 : memref<64x128xf32, #tpu.memory_space<vmem>>[vector<16xi32>, vector<16xi32>], vector<16xf32>,
          %parallel_loop3A_186 = arith.constant 32 : i32
          %parallel_loop3A_187 = vector.broadcast %parallel_loop3A_186 : i32 to vector<16xi32>
          %parallel_loop3A_188 = arith.addi %parallel_loop3A_187, %parallel_loop3A_161 : vector<16xi32>
          %parallel_loop3A_189 = arith.addi %shift_left3A_4, %parallel_loop3A_188 : vector<16xi32>
          %parallel_loop3A_190 = tpu.vector_load_idx %arg5[%parallel_loop3A_188, %add3A_54] : memref<64x128xf32, #tpu.memory_space<vmem>>[vector<16xi32>, vector<16xi32>], vector<16xf32>,
          tpu.vector_store_idx %arg7[%add3A_9, %parallel_loop3A_189], %parallel_loop3A_190 : memref<64x128xf32, #tpu.memory_space<vmem>>[vector<16xi32>, vector<16xi32>], vector<16xf32>,
          %parallel_loop3A_191 = tpu.vector_load_idx %arg5[%parallel_loop3A_188, %add3A_57] : memref<64x128xf32, #tpu.memory_space<vmem>>[vector<16xi32>, vector<16xi32>], vector<16xf32>,
          tpu.vector_store_idx %arg7[%add3A_15, %parallel_loop3A_189], %parallel_loop3A_191 : memref<64x128xf32, #tpu.memory_space<vmem>>[vector<16xi32>, vector<16xi32>], vector<16xf32>,
          %parallel_loop3A_192 = tpu.vector_load_idx %arg5[%parallel_loop3A_188, %add3A_60] : memref<64x128xf32, #tpu.memory_space<vmem>>[vector<16xi32>, vector<16xi32>], vector<16xf32>,
          tpu.vector_store_idx %arg7[%add3A_21, %parallel_loop3A_189], %parallel_loop3A_192 : memref<64x128xf32, #tpu.memory_space<vmem>>[vector<16xi32>, vector<16xi32>], vector<16xf32>,
          %parallel_loop3A_193 = tpu.vector_load_idx %arg5[%parallel_loop3A_188, %add3A_63] : memref<64x128xf32, #tpu.memory_space<vmem>>[vector<16xi32>, vector<16xi32>], vector<16xf32>,
          tpu.vector_store_idx %arg7[%add3A_27, %parallel_loop3A_189], %parallel_loop3A_193 : memref<64x128xf32, #tpu.memory_space<vmem>>[vector<16xi32>, vector<16xi32>], vector<16xf32>,
          %parallel_loop3A_194 = tpu.vector_load_idx %arg5[%parallel_loop3A_188, %add3A_66] : memref<64x128xf32, #tpu.memory_space<vmem>>[vector<16xi32>, vector<16xi32>], vector<16xf32>,
          tpu.vector_store_idx %arg7[%add3A_33, %parallel_loop3A_189], %parallel_loop3A_194 : memref<64x128xf32, #tpu.memory_space<vmem>>[vector<16xi32>, vector<16xi32>], vector<16xf32>,
          %parallel_loop3A_195 = tpu.vector_load_idx %arg5[%parallel_loop3A_188, %add3A_69] : memref<64x128xf32, #tpu.memory_space<vmem>>[vector<16xi32>, vector<16xi32>], vector<16xf32>,
          tpu.vector_store_idx %arg7[%add3A_39, %parallel_loop3A_189], %parallel_loop3A_195 : memref<64x128xf32, #tpu.memory_space<vmem>>[vector<16xi32>, vector<16xi32>], vector<16xf32>,
          %parallel_loop3A_196 = tpu.vector_load_idx %arg5[%parallel_loop3A_188, %add3A_72] : memref<64x128xf32, #tpu.memory_space<vmem>>[vector<16xi32>, vector<16xi32>], vector<16xf32>,
          tpu.vector_store_idx %arg7[%add3A_45, %parallel_loop3A_189], %parallel_loop3A_196 : memref<64x128xf32, #tpu.memory_space<vmem>>[vector<16xi32>, vector<16xi32>], vector<16xf32>,
          %parallel_loop3A_197 = tpu.vector_load_idx %arg5[%parallel_loop3A_188, %add3A_75] : memref<64x128xf32, #tpu.memory_space<vmem>>[vector<16xi32>, vector<16xi32>], vector<16xf32>,
          tpu.vector_store_idx %arg7[%add3A_51, %parallel_loop3A_189], %parallel_loop3A_197 : memref<64x128xf32, #tpu.memory_space<vmem>>[vector<16xi32>, vector<16xi32>], vector<16xf32>,
          %parallel_loop3A_198 = arith.constant 48 : i32
          %parallel_loop3A_199 = vector.broadcast %parallel_loop3A_198 : i32 to vector<16xi32>
          %parallel_loop3A_200 = arith.addi %parallel_loop3A_199, %parallel_loop3A_161 : vector<16xi32>
          %parallel_loop3A_201 = arith.addi %shift_left3A_4, %parallel_loop3A_200 : vector<16xi32>
          %parallel_loop3A_202 = tpu.vector_load_idx %arg5[%parallel_loop3A_200, %add3A_54] : memref<64x128xf32, #tpu.memory_space<vmem>>[vector<16xi32>, vector<16xi32>], vector<16xf32>,
          tpu.vector_store_idx %arg7[%add3A_9, %parallel_loop3A_201], %parallel_loop3A_202 : memref<64x128xf32, #tpu.memory_space<vmem>>[vector<16xi32>, vector<16xi32>], vector<16xf32>,
          %parallel_loop3A_203 = tpu.vector_load_idx %arg5[%parallel_loop3A_200, %add3A_57] : memref<64x128xf32, #tpu.memory_space<vmem>>[vector<16xi32>, vector<16xi32>], vector<16xf32>,
          tpu.vector_store_idx %arg7[%add3A_15, %parallel_loop3A_201], %parallel_loop3A_203 : memref<64x128xf32, #tpu.memory_space<vmem>>[vector<16xi32>, vector<16xi32>], vector<16xf32>,
          %parallel_loop3A_204 = tpu.vector_load_idx %arg5[%parallel_loop3A_200, %add3A_60] : memref<64x128xf32, #tpu.memory_space<vmem>>[vector<16xi32>, vector<16xi32>], vector<16xf32>,
          tpu.vector_store_idx %arg7[%add3A_21, %parallel_loop3A_201], %parallel_loop3A_204 : memref<64x128xf32, #tpu.memory_space<vmem>>[vector<16xi32>, vector<16xi32>], vector<16xf32>,
          %parallel_loop3A_205 = tpu.vector_load_idx %arg5[%parallel_loop3A_200, %add3A_63] : memref<64x128xf32, #tpu.memory_space<vmem>>[vector<16xi32>, vector<16xi32>], vector<16xf32>,
          tpu.vector_store_idx %arg7[%add3A_27, %parallel_loop3A_201], %parallel_loop3A_205 : memref<64x128xf32, #tpu.memory_space<vmem>>[vector<16xi32>, vector<16xi32>], vector<16xf32>,
          %parallel_loop3A_206 = tpu.vector_load_idx %arg5[%parallel_loop3A_200, %add3A_66] : memref<64x128xf32, #tpu.memory_space<vmem>>[vector<16xi32>, vector<16xi32>], vector<16xf32>,
          tpu.vector_store_idx %arg7[%add3A_33, %parallel_loop3A_201], %parallel_loop3A_206 : memref<64x128xf32, #tpu.memory_space<vmem>>[vector<16xi32>, vector<16xi32>], vector<16xf32>,
          %parallel_loop3A_207 = tpu.vector_load_idx %arg5[%parallel_loop3A_200, %add3A_69] : memref<64x128xf32, #tpu.memory_space<vmem>>[vector<16xi32>, vector<16xi32>], vector<16xf32>,
          tpu.vector_store_idx %arg7[%add3A_39, %parallel_loop3A_201], %parallel_loop3A_207 : memref<64x128xf32, #tpu.memory_space<vmem>>[vector<16xi32>, vector<16xi32>], vector<16xf32>,
          %parallel_loop3A_208 = tpu.vector_load_idx %arg5[%parallel_loop3A_200, %add3A_72] : memref<64x128xf32, #tpu.memory_space<vmem>>[vector<16xi32>, vector<16xi32>], vector<16xf32>,
          tpu.vector_store_idx %arg7[%add3A_45, %parallel_loop3A_201], %parallel_loop3A_208 : memref<64x128xf32, #tpu.memory_space<vmem>>[vector<16xi32>, vector<16xi32>], vector<16xf32>,
          %parallel_loop3A_209 = tpu.vector_load_idx %arg5[%parallel_loop3A_200, %add3A_75] : memref<64x128xf32, #tpu.memory_space<vmem>>[vector<16xi32>, vector<16xi32>], vector<16xf32>,
          tpu.vector_store_idx %arg7[%add3A_51, %parallel_loop3A_201], %parallel_loop3A_209 : memref<64x128xf32, #tpu.memory_space<vmem>>[vector<16xi32>, vector<16xi32>], vector<16xf32>,
        } {sc.loop_unroll_factor = 8 : i64, sc.parallel_access}
        %add3A_141 = arith.constant 2 : i32
        %add3A_142 = arith.addi %add3A_124, %add3A_141 : i32
        %lt3A_143 = arith.cmpi slt, %add3A_142, %div3A_81 : i32
        %convert_element_type3A_144 = arith.extui %lt3A_143 : i1 to i32
        %cond3A_145 = arith.constant 0 : i32
        %cond3A_146 = arith.cmpi ne, %convert_element_type3A_144, %cond3A_145 : i32
        scf.if %cond3A_146 {
          %add3A_156 = arith.constant 2 : i32
          %add3A_157 = arith.addi %add3A_124, %add3A_156 : i32
          %mul3A_158 = arith.constant 32 : i32
          %mul3A_159 = arith.muli %mul3A_158, %add3A_157 : i32
          %add3A_160 = arith.addi %add3A, %mul3A_159 : i32
          %mul3A_161 = arith.constant 128 : i32
          %mul3A_162 = arith.muli %add3A_160, %mul3A_161 : i32
          %dma_start3A_163 = arith.constant 0 : i32
          %dma_start3A_164 = tpu.memref_slice %arg2[%dma_start3A_163, %mul3A_162] : memref<64x1000000xf32, #tpu.memory_space<hbm>> -> memref<64x128xf32, #tpu.memory_space<hbm>>
          %dma_start3A_165 = arith.constant 0 : i32
          %dma_start3A_166 = tpu.memref_slice %arg2[%dma_start3A_165, %mul3A_162] : memref<64x1000000xf32, #tpu.memory_space<hbm>> -> memref<64x128xf32, #tpu.memory_space<hbm>>
          tpu.enqueue_dma source(%dma_start3A_166 : memref<64x128xf32, #tpu.memory_space<hbm>>) target(%arg5 : memref<64x128xf32, #tpu.memory_space<vmem>>) target_semaphore(%arg11 : memref<!tpu.dma_semaphore, #tpu.memory_space<semaphore_mem>>)
        } else {
        }
        %mul3A_147 = arith.constant 32 : i32
        %mul3A_148 = arith.muli %mul3A_147, %add3A_124 : i32
        %add3A_149 = arith.addi %add3A, %mul3A_148 : i32
        %mul3A_150 = arith.constant 64 : i32
        %mul3A_151 = arith.muli %add3A_149, %mul3A_150 : i32
        %dma_start3A_152 = arith.constant 0 : i32
        %dma_start3A_153 = tpu.memref_slice %arg3[%mul3A_151, %dma_start3A_152] : memref<500000x128xf32, #tpu.memory_space<hbm>> -> memref<64x128xf32, #tpu.memory_space<hbm>>
        %dma_start3A_154 = arith.constant 0 : i32
        %dma_start3A_155 = tpu.memref_slice %arg3[%mul3A_151, %dma_start3A_154] : memref<500000x128xf32, #tpu.memory_space<hbm>> -> memref<64x128xf32, #tpu.memory_space<hbm>>
        tpu.enqueue_dma source(%arg7 : memref<64x128xf32, #tpu.memory_space<vmem>>) target(%dma_start3A_155 : memref<64x128xf32, #tpu.memory_space<hbm>>) target_semaphore(%arg13 : memref<!tpu.dma_semaphore, #tpu.memory_space<semaphore_mem>>)
      } else {
      }
    }
    %scan3A_101 = arith.constant 123 : i32
    %ge3A = arith.constant 1 : i32
    %ge3A_102 = arith.cmpi sge, %div3A_81, %ge3A : i32
    %convert_element_type3A = arith.extui %ge3A_102 : i1 to i32
    %cond3A = arith.constant 0 : i32
    %cond3A_103 = arith.cmpi ne, %convert_element_type3A, %cond3A : i32
    scf.if %cond3A_103 {
      %dma_wait3A = arith.constant 0 : i32
      %dma_wait3A_113 = arith.constant 0 : i32
      %dma_wait3A_114 = tpu.memref_slice %arg3[%dma_wait3A, %dma_wait3A_113] : memref<500000x128xf32, #tpu.memory_space<hbm>> -> memref<64x128xf32, #tpu.memory_space<hbm>>
      %dma_wait3A_115 = arith.constant 0 : i32
      %dma_wait3A_116 = arith.constant 0 : i32
      %dma_wait3A_117 = tpu.memref_slice %arg3[%dma_wait3A_115, %dma_wait3A_116] : memref<500000x128xf32, #tpu.memory_space<hbm>> -> memref<64x128xf32, #tpu.memory_space<hbm>>
      tpu.wait_dma2 semaphore(%arg12 : memref<!tpu.dma_semaphore, #tpu.memory_space<semaphore_mem>>) src(%arg6 : memref<64x128xf32, #tpu.memory_space<vmem>>) dst(%dma_wait3A_117 : memref<64x128xf32, #tpu.memory_space<hbm>>)
    } else {
    }
    %ge3A_104 = arith.constant 2 : i32
    %ge3A_105 = arith.cmpi sge, %div3A_81, %ge3A_104 : i32
    %convert_element_type3A_106 = arith.extui %ge3A_105 : i1 to i32
    %cond3A_107 = arith.constant 0 : i32
    %cond3A_108 = arith.cmpi ne, %convert_element_type3A_106, %cond3A_107 : i32
    scf.if %cond3A_108 {
      %dma_wait3A = arith.constant 0 : i32
      %dma_wait3A_113 = arith.constant 0 : i32
      %dma_wait3A_114 = tpu.memref_slice %arg3[%dma_wait3A, %dma_wait3A_113] : memref<500000x128xf32, #tpu.memory_space<hbm>> -> memref<64x128xf32, #tpu.memory_space<hbm>>
      %dma_wait3A_115 = arith.constant 0 : i32
      %dma_wait3A_116 = arith.constant 0 : i32
      %dma_wait3A_117 = tpu.memref_slice %arg3[%dma_wait3A_115, %dma_wait3A_116] : memref<500000x128xf32, #tpu.memory_space<hbm>> -> memref<64x128xf32, #tpu.memory_space<hbm>>
      tpu.wait_dma2 semaphore(%arg13 : memref<!tpu.dma_semaphore, #tpu.memory_space<semaphore_mem>>) src(%arg7 : memref<64x128xf32, #tpu.memory_space<vmem>>) dst(%dma_wait3A_117 : memref<64x128xf32, #tpu.memory_space<hbm>>)
    } else {
    }
    %eq3A = arith.constant 31 : i32
    %eq3A_109 = arith.cmpi eq, %add3A, %eq3A : i32
    %convert_element_type3A_110 = arith.extui %eq3A_109 : i1 to i32
    %cond3A_111 = arith.constant 0 : i32
    %cond3A_112 = arith.cmpi ne, %convert_element_type3A_110, %cond3A_111 : i32
    scf.if %cond3A_112 {
      "tpu.region"() ({
        %run_scoped3A = tpu.sem_alloc : memref<!tpu.dma_semaphore, #tpu.memory_space<semaphore_mem>>
        %dma_start3A_115 = arith.constant 0 : i32
        %dma_start3A_116 = arith.constant 999936 : i32
        %dma_start3A_117 = tpu.memref_slice %arg2[%dma_start3A_115, %dma_start3A_116] : memref<64x1000000xf32, #tpu.memory_space<hbm>> -> memref<64x64xf32, #tpu.memory_space<hbm>>
        %dma_start3A_118 = arith.constant 0 : i32
        %dma_start3A_119 = arith.constant 999936 : i32
        %dma_start3A_120 = tpu.memref_slice %arg2[%dma_start3A_118, %dma_start3A_119] : memref<64x1000000xf32, #tpu.memory_space<hbm>> -> memref<64x64xf32, #tpu.memory_space<hbm>>
        tpu.enqueue_dma source(%dma_start3A_120 : memref<64x64xf32, #tpu.memory_space<hbm>>) target(%arg8 : memref<64x64xf32, #tpu.memory_space<vmem>>) target_semaphore(%run_scoped3A : memref<!tpu.dma_semaphore, #tpu.memory_space<semaphore_mem>>)
        %dma_wait3A = arith.constant 0 : i32
        %dma_wait3A_121 = arith.constant 999936 : i32
        %dma_wait3A_122 = tpu.memref_slice %arg2[%dma_wait3A, %dma_wait3A_121] : memref<64x1000000xf32, #tpu.memory_space<hbm>> -> memref<64x64xf32, #tpu.memory_space<hbm>>
        %dma_wait3A_123 = arith.constant 0 : i32
        %dma_wait3A_124 = arith.constant 999936 : i32
        %dma_wait3A_125 = tpu.memref_slice %arg2[%dma_wait3A_123, %dma_wait3A_124] : memref<64x1000000xf32, #tpu.memory_space<hbm>> -> memref<64x64xf32, #tpu.memory_space<hbm>>
        tpu.wait_dma2 semaphore(%run_scoped3A : memref<!tpu.dma_semaphore, #tpu.memory_space<semaphore_mem>>) src(%dma_wait3A_125 : memref<64x64xf32, #tpu.memory_space<hbm>>) dst(%arg8 : memref<64x64xf32, #tpu.memory_space<vmem>>)
        tpu.yield
      }) : () -> ()
      %parallel_loop3A = arith.constant 0 : i32
      %parallel_loop3A_113 = arith.constant 16 : i32
      %parallel_loop3A_114 = arith.constant 1 : i32
      scf.for %parallel_loop3A_115 = %parallel_loop3A to %parallel_loop3A_113 step %parallel_loop3A_114  : i32 {
        %parallel_loop3A_116 = vector.broadcast %parallel_loop3A_115 : i32 to vector<16xi32>
        %parallel_loop3A_117 = arith.addi %iota3A, %parallel_loop3A_116 : vector<16xi32>
        %parallel_loop3A_118 = arith.constant 15 : i32
        %parallel_loop3A_119 = vector.broadcast %parallel_loop3A_118 : i32 to vector<16xi32>
        %parallel_loop3A_120 = arith.andi %parallel_loop3A_117, %parallel_loop3A_119 : vector<16xi32>
        %parallel_loop3A_121 = arith.constant 0 : i32
        %parallel_loop3A_122 = vector.broadcast %parallel_loop3A_121 : i32 to vector<16xi32>
        %parallel_loop3A_123 = arith.addi %parallel_loop3A_122, %parallel_loop3A_120 : vector<16xi32>
        %parallel_loop3A_124 = arith.addi %shift_left3A_4, %parallel_loop3A_123 : vector<16xi32>
        %parallel_loop3A_125 = tpu.vector_load_idx %arg8[%parallel_loop3A_123, %add3A_54] : memref<64x64xf32, #tpu.memory_space<vmem>>[vector<16xi32>, vector<16xi32>], vector<16xf32>,
        tpu.vector_store_idx %arg9[%add3A_9, %parallel_loop3A_124], %parallel_loop3A_125 : memref<32x128xf32, #tpu.memory_space<vmem>>[vector<16xi32>, vector<16xi32>], vector<16xf32>,
        %parallel_loop3A_126 = tpu.vector_load_idx %arg8[%parallel_loop3A_123, %add3A_57] : memref<64x64xf32, #tpu.memory_space<vmem>>[vector<16xi32>, vector<16xi32>], vector<16xf32>,
        tpu.vector_store_idx %arg9[%add3A_15, %parallel_loop3A_124], %parallel_loop3A_126 : memref<32x128xf32, #tpu.memory_space<vmem>>[vector<16xi32>, vector<16xi32>], vector<16xf32>,
        %parallel_loop3A_127 = tpu.vector_load_idx %arg8[%parallel_loop3A_123, %add3A_60] : memref<64x64xf32, #tpu.memory_space<vmem>>[vector<16xi32>, vector<16xi32>], vector<16xf32>,
        tpu.vector_store_idx %arg9[%add3A_21, %parallel_loop3A_124], %parallel_loop3A_127 : memref<32x128xf32, #tpu.memory_space<vmem>>[vector<16xi32>, vector<16xi32>], vector<16xf32>,
        %parallel_loop3A_128 = tpu.vector_load_idx %arg8[%parallel_loop3A_123, %add3A_63] : memref<64x64xf32, #tpu.memory_space<vmem>>[vector<16xi32>, vector<16xi32>], vector<16xf32>,
        tpu.vector_store_idx %arg9[%add3A_27, %parallel_loop3A_124], %parallel_loop3A_128 : memref<32x128xf32, #tpu.memory_space<vmem>>[vector<16xi32>, vector<16xi32>], vector<16xf32>,
        %parallel_loop3A_129 = arith.constant 16 : i32
        %parallel_loop3A_130 = vector.broadcast %parallel_loop3A_129 : i32 to vector<16xi32>
        %parallel_loop3A_131 = arith.addi %parallel_loop3A_130, %parallel_loop3A_120 : vector<16xi32>
        %parallel_loop3A_132 = arith.addi %shift_left3A_4, %parallel_loop3A_131 : vector<16xi32>
        %parallel_loop3A_133 = tpu.vector_load_idx %arg8[%parallel_loop3A_131, %add3A_54] : memref<64x64xf32, #tpu.memory_space<vmem>>[vector<16xi32>, vector<16xi32>], vector<16xf32>,
        tpu.vector_store_idx %arg9[%add3A_9, %parallel_loop3A_132], %parallel_loop3A_133 : memref<32x128xf32, #tpu.memory_space<vmem>>[vector<16xi32>, vector<16xi32>], vector<16xf32>,
        %parallel_loop3A_134 = tpu.vector_load_idx %arg8[%parallel_loop3A_131, %add3A_57] : memref<64x64xf32, #tpu.memory_space<vmem>>[vector<16xi32>, vector<16xi32>], vector<16xf32>,
        tpu.vector_store_idx %arg9[%add3A_15, %parallel_loop3A_132], %parallel_loop3A_134 : memref<32x128xf32, #tpu.memory_space<vmem>>[vector<16xi32>, vector<16xi32>], vector<16xf32>,
        %parallel_loop3A_135 = tpu.vector_load_idx %arg8[%parallel_loop3A_131, %add3A_60] : memref<64x64xf32, #tpu.memory_space<vmem>>[vector<16xi32>, vector<16xi32>], vector<16xf32>,
        tpu.vector_store_idx %arg9[%add3A_21, %parallel_loop3A_132], %parallel_loop3A_135 : memref<32x128xf32, #tpu.memory_space<vmem>>[vector<16xi32>, vector<16xi32>], vector<16xf32>,
        %parallel_loop3A_136 = tpu.vector_load_idx %arg8[%parallel_loop3A_131, %add3A_63] : memref<64x64xf32, #tpu.memory_space<vmem>>[vector<16xi32>, vector<16xi32>], vector<16xf32>,
        tpu.vector_store_idx %arg9[%add3A_27, %parallel_loop3A_132], %parallel_loop3A_136 : memref<32x128xf32, #tpu.memory_space<vmem>>[vector<16xi32>, vector<16xi32>], vector<16xf32>,
        %parallel_loop3A_137 = arith.constant 32 : i32
        %parallel_loop3A_138 = vector.broadcast %parallel_loop3A_137 : i32 to vector<16xi32>
        %parallel_loop3A_139 = arith.addi %parallel_loop3A_138, %parallel_loop3A_120 : vector<16xi32>
        %parallel_loop3A_140 = arith.addi %shift_left3A_4, %parallel_loop3A_139 : vector<16xi32>
        %parallel_loop3A_141 = tpu.vector_load_idx %arg8[%parallel_loop3A_139, %add3A_54] : memref<64x64xf32, #tpu.memory_space<vmem>>[vector<16xi32>, vector<16xi32>], vector<16xf32>,
        tpu.vector_store_idx %arg9[%add3A_9, %parallel_loop3A_140], %parallel_loop3A_141 : memref<32x128xf32, #tpu.memory_space<vmem>>[vector<16xi32>, vector<16xi32>], vector<16xf32>,
        %parallel_loop3A_142 = tpu.vector_load_idx %arg8[%parallel_loop3A_139, %add3A_57] : memref<64x64xf32, #tpu.memory_space<vmem>>[vector<16xi32>, vector<16xi32>], vector<16xf32>,
        tpu.vector_store_idx %arg9[%add3A_15, %parallel_loop3A_140], %parallel_loop3A_142 : memref<32x128xf32, #tpu.memory_space<vmem>>[vector<16xi32>, vector<16xi32>], vector<16xf32>,
        %parallel_loop3A_143 = tpu.vector_load_idx %arg8[%parallel_loop3A_139, %add3A_60] : memref<64x64xf32, #tpu.memory_space<vmem>>[vector<16xi32>, vector<16xi32>], vector<16xf32>,
        tpu.vector_store_idx %arg9[%add3A_21, %parallel_loop3A_140], %parallel_loop3A_143 : memref<32x128xf32, #tpu.memory_space<vmem>>[vector<16xi32>, vector<16xi32>], vector<16xf32>,
        %parallel_loop3A_144 = tpu.vector_load_idx %arg8[%parallel_loop3A_139, %add3A_63] : memref<64x64xf32, #tpu.memory_space<vmem>>[vector<16xi32>, vector<16xi32>], vector<16xf32>,
        tpu.vector_store_idx %arg9[%add3A_27, %parallel_loop3A_140], %parallel_loop3A_144 : memref<32x128xf32, #tpu.memory_space<vmem>>[vector<16xi32>, vector<16xi32>], vector<16xf32>,
        %parallel_loop3A_145 = arith.constant 48 : i32
        %parallel_loop3A_146 = vector.broadcast %parallel_loop3A_145 : i32 to vector<16xi32>
        %parallel_loop3A_147 = arith.addi %parallel_loop3A_146, %parallel_loop3A_120 : vector<16xi32>
        %parallel_loop3A_148 = arith.addi %shift_left3A_4, %parallel_loop3A_147 : vector<16xi32>
        %parallel_loop3A_149 = tpu.vector_load_idx %arg8[%parallel_loop3A_147, %add3A_54] : memref<64x64xf32, #tpu.memory_space<vmem>>[vector<16xi32>, vector<16xi32>], vector<16xf32>,
        tpu.vector_store_idx %arg9[%add3A_9, %parallel_loop3A_148], %parallel_loop3A_149 : memref<32x128xf32, #tpu.memory_space<vmem>>[vector<16xi32>, vector<16xi32>], vector<16xf32>,
        %parallel_loop3A_150 = tpu.vector_load_idx %arg8[%parallel_loop3A_147, %add3A_57] : memref<64x64xf32, #tpu.memory_space<vmem>>[vector<16xi32>, vector<16xi32>], vector<16xf32>,
        tpu.vector_store_idx %arg9[%add3A_15, %parallel_loop3A_148], %parallel_loop3A_150 : memref<32x128xf32, #tpu.memory_space<vmem>>[vector<16xi32>, vector<16xi32>], vector<16xf32>,
        %parallel_loop3A_151 = tpu.vector_load_idx %arg8[%parallel_loop3A_147, %add3A_60] : memref<64x64xf32, #tpu.memory_space<vmem>>[vector<16xi32>, vector<16xi32>], vector<16xf32>,
        tpu.vector_store_idx %arg9[%add3A_21, %parallel_loop3A_148], %parallel_loop3A_151 : memref<32x128xf32, #tpu.memory_space<vmem>>[vector<16xi32>, vector<16xi32>], vector<16xf32>,
        %parallel_loop3A_152 = tpu.vector_load_idx %arg8[%parallel_loop3A_147, %add3A_63] : memref<64x64xf32, #tpu.memory_space<vmem>>[vector<16xi32>, vector<16xi32>], vector<16xf32>,
        tpu.vector_store_idx %arg9[%add3A_27, %parallel_loop3A_148], %parallel_loop3A_152 : memref<32x128xf32, #tpu.memory_space<vmem>>[vector<16xi32>, vector<16xi32>], vector<16xf32>,
      } {sc.loop_unroll_factor = 8 : i64, sc.parallel_access}
      "tpu.region"() ({
        %run_scoped3A = tpu.sem_alloc : memref<!tpu.dma_semaphore, #tpu.memory_space<semaphore_mem>>
        %dma_start3A_115 = arith.constant 499968 : i32
        %dma_start3A_116 = arith.constant 0 : i32
        %dma_start3A_117 = tpu.memref_slice %arg3[%dma_start3A_115, %dma_start3A_116] : memref<500000x128xf32, #tpu.memory_space<hbm>> -> memref<32x128xf32, #tpu.memory_space<hbm>>
        %dma_start3A_118 = arith.constant 499968 : i32
        %dma_start3A_119 = arith.constant 0 : i32
        %dma_start3A_120 = tpu.memref_slice %arg3[%dma_start3A_118, %dma_start3A_119] : memref<500000x128xf32, #tpu.memory_space<hbm>> -> memref<32x128xf32, #tpu.memory_space<hbm>>
        tpu.enqueue_dma source(%arg9 : memref<32x128xf32, #tpu.memory_space<vmem>>) target(%dma_start3A_120 : memref<32x128xf32, #tpu.memory_space<hbm>>) target_semaphore(%run_scoped3A : memref<!tpu.dma_semaphore, #tpu.memory_space<semaphore_mem>>)
        %dma_wait3A = arith.constant 499968 : i32
        %dma_wait3A_121 = arith.constant 0 : i32
        %dma_wait3A_122 = tpu.memref_slice %arg3[%dma_wait3A, %dma_wait3A_121] : memref<500000x128xf32, #tpu.memory_space<hbm>> -> memref<32x128xf32, #tpu.memory_space<hbm>>
        %dma_wait3A_123 = arith.constant 499968 : i32
        %dma_wait3A_124 = arith.constant 0 : i32
        %dma_wait3A_125 = tpu.memref_slice %arg3[%dma_wait3A_123, %dma_wait3A_124] : memref<500000x128xf32, #tpu.memory_space<hbm>> -> memref<32x128xf32, #tpu.memory_space<hbm>>
        tpu.wait_dma2 semaphore(%run_scoped3A : memref<!tpu.dma_semaphore, #tpu.memory_space<semaphore_mem>>) src(%arg9 : memref<32x128xf32, #tpu.memory_space<vmem>>) dst(%dma_wait3A_125 : memref<32x128xf32, #tpu.memory_space<hbm>>)
        tpu.yield
      }) : () -> ()
    } else {
    }
    return
  }
}

#map = affine_map<(d0, d1) -> (0, 0)>
#map1 = affine_map<(d0, d1) -> (0, 0, 0)>
module attributes {stable_mosaic.version = 14 : i64} {
  func.func @_body(%arg0: i32, %arg1: i32, %arg2: memref<200x4096xi32, #tpu.memory_space<hbm>>, %arg3: memref<1000000x64xf32, #tpu.memory_space<hbm>>, %arg4: memref<200x64xf32, #tpu.memory_space<hbm>>, %arg5: memref<200x64x4096xf32, #tpu.memory_space<hbm>>, %arg6: memref<200x128xi32, #tpu.memory_space<vmem>>, %arg7: memref<200x64xf32, #tpu.memory_space<vmem>>, %arg8: memref<128x64xf32, #tpu.memory_space<vmem>>, %arg9: memref<128x64xf32, #tpu.memory_space<vmem>>, %arg10: memref<64x128xf32, #tpu.memory_space<vmem>>, %arg11: memref<64x128xf32, #tpu.memory_space<vmem>>, %arg12: memref<!tpu.dma_semaphore, #tpu.memory_space<semaphore_mem>>, %arg13: memref<!tpu.dma_semaphore, #tpu.memory_space<semaphore_mem>>, %arg14: memref<!tpu.dma_semaphore, #tpu.memory_space<semaphore_mem>>, %arg15: memref<!tpu.dma_semaphore, #tpu.memory_space<semaphore_mem>>) attributes {dimension_semantics = [#tpu.dimension_semantics<core_parallel>, #tpu.dimension_semantics<subcore_parallel>], iteration_bounds = array<i64: 2, 16>, scalar_prefetch = 0 : i64, scratch_operands = 10 : i64, tpu.core_type = #tpu.core_type<sc_vector_subcore>, window_params = [{transform_indices = #map}, {transform_indices = #map}, {transform_indices = #map}, {transform_indices = #map1}]} {
    %mul3A = arith.constant 2 : i32
    %mul3A_0 = arith.muli %arg1, %mul3A : i32
    %add3A = arith.addi %mul3A_0, %arg0 : i32
    %mul3A_1 = arith.constant 128 : i32
    %mul3A_2 = arith.muli %add3A, %mul3A_1 : i32
    "tpu.region"() ({
      %run_scoped3A = tpu.sem_alloc : memref<!tpu.dma_semaphore, #tpu.memory_space<semaphore_mem>>
      %dma_start3A_58 = arith.constant 0 : i32
      %dma_start3A_59 = tpu.memref_slice %arg2[%dma_start3A_58, %mul3A_2] : memref<200x4096xi32, #tpu.memory_space<hbm>> -> memref<200x128xi32, #tpu.memory_space<hbm>>
      %dma_start3A_60 = arith.constant 0 : i32
      %dma_start3A_61 = tpu.memref_slice %arg2[%dma_start3A_60, %mul3A_2] : memref<200x4096xi32, #tpu.memory_space<hbm>> -> memref<200x128xi32, #tpu.memory_space<hbm>>
      tpu.enqueue_dma source(%dma_start3A_61 : memref<200x128xi32, #tpu.memory_space<hbm>>) target(%arg6 : memref<200x128xi32, #tpu.memory_space<vmem>>) target_semaphore(%run_scoped3A : memref<!tpu.dma_semaphore, #tpu.memory_space<semaphore_mem>>)
      %dma_wait3A_62 = arith.constant 0 : i32
      %dma_wait3A_63 = tpu.memref_slice %arg2[%dma_wait3A_62, %mul3A_2] : memref<200x4096xi32, #tpu.memory_space<hbm>> -> memref<200x128xi32, #tpu.memory_space<hbm>>
      %dma_wait3A_64 = arith.constant 0 : i32
      %dma_wait3A_65 = tpu.memref_slice %arg2[%dma_wait3A_64, %mul3A_2] : memref<200x4096xi32, #tpu.memory_space<hbm>> -> memref<200x128xi32, #tpu.memory_space<hbm>>
      tpu.wait_dma2 semaphore(%run_scoped3A : memref<!tpu.dma_semaphore, #tpu.memory_space<semaphore_mem>>) src(%dma_wait3A_65 : memref<200x128xi32, #tpu.memory_space<hbm>>) dst(%arg6 : memref<200x128xi32, #tpu.memory_space<vmem>>)
      tpu.yield
    }) : () -> ()
    "tpu.region"() ({
      %run_scoped3A = tpu.sem_alloc : memref<!tpu.dma_semaphore, #tpu.memory_space<semaphore_mem>>
      tpu.enqueue_dma source(%arg4 : memref<200x64xf32, #tpu.memory_space<hbm>>) target(%arg7 : memref<200x64xf32, #tpu.memory_space<vmem>>) target_semaphore(%run_scoped3A : memref<!tpu.dma_semaphore, #tpu.memory_space<semaphore_mem>>)
      tpu.wait_dma2 semaphore(%run_scoped3A : memref<!tpu.dma_semaphore, #tpu.memory_space<semaphore_mem>>) src(%arg4 : memref<200x64xf32, #tpu.memory_space<hbm>>) dst(%arg7 : memref<200x64xf32, #tpu.memory_space<vmem>>)
      tpu.yield
    }) : () -> ()
    %iota3A = tpu.iota {dimensions = array<i32: 0>} : vector<16xi32>
    %add3A_3 = arith.constant 0 : i32
    %add3A_4 = vector.broadcast %add3A_3 : i32 to vector<16xi32>
    %add3A_5 = arith.addi %add3A_4, %iota3A : vector<16xi32>
    %add3A_6 = arith.constant 16 : i32
    %add3A_7 = vector.broadcast %add3A_6 : i32 to vector<16xi32>
    %add3A_8 = arith.addi %add3A_7, %iota3A : vector<16xi32>
    %add3A_9 = arith.constant 32 : i32
    %add3A_10 = vector.broadcast %add3A_9 : i32 to vector<16xi32>
    %add3A_11 = arith.addi %add3A_10, %iota3A : vector<16xi32>
    %add3A_12 = arith.constant 48 : i32
    %add3A_13 = vector.broadcast %add3A_12 : i32 to vector<16xi32>
    %add3A_14 = arith.addi %add3A_13, %iota3A : vector<16xi32>
    %add3A_15 = arith.constant 64 : i32
    %add3A_16 = vector.broadcast %add3A_15 : i32 to vector<16xi32>
    %add3A_17 = arith.addi %add3A_16, %iota3A : vector<16xi32>
    %add3A_18 = arith.constant 80 : i32
    %add3A_19 = vector.broadcast %add3A_18 : i32 to vector<16xi32>
    %add3A_20 = arith.addi %add3A_19, %iota3A : vector<16xi32>
    %add3A_21 = arith.constant 96 : i32
    %add3A_22 = vector.broadcast %add3A_21 : i32 to vector<16xi32>
    %add3A_23 = arith.addi %add3A_22, %iota3A : vector<16xi32>
    %add3A_24 = arith.constant 112 : i32
    %add3A_25 = vector.broadcast %add3A_24 : i32 to vector<16xi32>
    %add3A_26 = arith.addi %add3A_25, %iota3A : vector<16xi32>
    %dma_start3A = arith.constant 0 : i32
    %dma_start3A_27 = arith.constant 0 : i32
    %dma_start3A_28 = tpu.memref_slice %arg6[%dma_start3A, %dma_start3A_27] : memref<200x128xi32, #tpu.memory_space<vmem>> -> memref<1x128xi32, #tpu.memory_space<vmem>>
    %dma_start3A_29 = tpu.memref_squeeze %dma_start3A_28 : memref<1x128xi32, #tpu.memory_space<vmem>> -> memref<128xi32, #tpu.memory_space<vmem>>
    %dma_start3A_30 = arith.constant 0 : i32
    %dma_start3A_31 = arith.constant 0 : i32
    %dma_start3A_32 = tpu.memref_slice %arg3[%dma_start3A_30, %dma_start3A_31] : memref<1000000x64xf32, #tpu.memory_space<hbm>> -> memref<1000000x64xf32, #tpu.memory_space<hbm>>
    tpu.enqueue_indirect_dma source(%dma_start3A_32 : memref<1000000x64xf32, #tpu.memory_space<hbm>>) target(%arg8 : memref<128x64xf32, #tpu.memory_space<vmem>>) offsets(%dma_start3A_29 : memref<128xi32, #tpu.memory_space<vmem>>) semaphore(%arg12 : memref<!tpu.dma_semaphore, #tpu.memory_space<semaphore_mem>>)
    %dma_start3A_33 = arith.constant 1 : i32
    %dma_start3A_34 = arith.constant 0 : i32
    %dma_start3A_35 = tpu.memref_slice %arg6[%dma_start3A_33, %dma_start3A_34] : memref<200x128xi32, #tpu.memory_space<vmem>> -> memref<1x128xi32, #tpu.memory_space<vmem>>
    %dma_start3A_36 = tpu.memref_squeeze %dma_start3A_35 : memref<1x128xi32, #tpu.memory_space<vmem>> -> memref<128xi32, #tpu.memory_space<vmem>>
    %dma_start3A_37 = arith.constant 0 : i32
    %dma_start3A_38 = arith.constant 0 : i32
    %dma_start3A_39 = tpu.memref_slice %arg3[%dma_start3A_37, %dma_start3A_38] : memref<1000000x64xf32, #tpu.memory_space<hbm>> -> memref<1000000x64xf32, #tpu.memory_space<hbm>>
    tpu.enqueue_indirect_dma source(%dma_start3A_39 : memref<1000000x64xf32, #tpu.memory_space<hbm>>) target(%arg9 : memref<128x64xf32, #tpu.memory_space<vmem>>) offsets(%dma_start3A_36 : memref<128xi32, #tpu.memory_space<vmem>>) semaphore(%arg13 : memref<!tpu.dma_semaphore, #tpu.memory_space<semaphore_mem>>)
    %scan3A = arith.constant 0 : i32
    %scan3A_40 = arith.constant 0 : i32
    %scan3A_41 = arith.constant 100 : i32
    %scan3A_42 = arith.addi %scan3A_40, %scan3A_41 : i32
    %scan3A_43 = arith.constant 1 : i32
    scf.for %scan3A_58 = %scan3A_40 to %scan3A_42 step %scan3A_43  : i32 {
      %mul3A_59 = arith.constant 2 : i32
      %mul3A_60 = arith.muli %mul3A_59, %scan3A_58 : i32
      %add3A_61 = arith.constant 0 : i32
      %add3A_62 = arith.addi %mul3A_60, %add3A_61 : i32
      %ge3A = arith.constant 2 : i32
      %ge3A_63 = arith.cmpi sge, %add3A_62, %ge3A : i32
      %convert_element_type3A = arith.extui %ge3A_63 : i1 to i32
      %cond3A = arith.constant 0 : i32
      %cond3A_64 = arith.cmpi ne, %convert_element_type3A, %cond3A : i32
      scf.if %cond3A_64 {
        %dma_wait3A_141 = arith.constant 0 : i32
        %dma_wait3A_142 = arith.constant 0 : i32
        %dma_wait3A_143 = tpu.memref_slice %arg5[%dma_wait3A_141, %dma_wait3A_142, %mul3A_2] : memref<200x64x4096xf32, #tpu.memory_space<hbm>> -> memref<1x64x128xf32, #tpu.memory_space<hbm>>
        %dma_wait3A_144 = tpu.memref_squeeze %dma_wait3A_143 : memref<1x64x128xf32, #tpu.memory_space<hbm>> -> memref<64x128xf32, #tpu.memory_space<hbm>>
        %dma_wait3A_145 = arith.constant 0 : i32
        %dma_wait3A_146 = tpu.memref_slice %arg5[%dma_wait3A_141, %dma_wait3A_145, %mul3A_2] : memref<200x64x4096xf32, #tpu.memory_space<hbm>> -> memref<1x64x128xf32, #tpu.memory_space<hbm>>
        %dma_wait3A_147 = tpu.memref_squeeze %dma_wait3A_146 : memref<1x64x128xf32, #tpu.memory_space<hbm>> -> memref<64x128xf32, #tpu.memory_space<hbm>>
        tpu.wait_dma2 semaphore(%arg14 : memref<!tpu.dma_semaphore, #tpu.memory_space<semaphore_mem>>) src(%arg10 : memref<64x128xf32, #tpu.memory_space<vmem>>) dst(%dma_wait3A_147 : memref<64x128xf32, #tpu.memory_space<hbm>>)
      } else {
      }
      %dma_wait3A_65 = arith.constant 0 : i32
      %dma_wait3A_66 = arith.constant 0 : i32
      %dma_wait3A_67 = tpu.memref_slice %arg6[%dma_wait3A_65, %dma_wait3A_66] : memref<200x128xi32, #tpu.memory_space<vmem>> -> memref<1x128xi32, #tpu.memory_space<vmem>>
      %dma_wait3A_68 = tpu.memref_squeeze %dma_wait3A_67 : memref<1x128xi32, #tpu.memory_space<vmem>> -> memref<128xi32, #tpu.memory_space<vmem>>
      %dma_wait3A_69 = arith.constant 0 : i32
      %dma_wait3A_70 = arith.constant 0 : i32
      %dma_wait3A_71 = tpu.memref_slice %arg3[%dma_wait3A_69, %dma_wait3A_70] : memref<1000000x64xf32, #tpu.memory_space<hbm>> -> memref<1000000x64xf32, #tpu.memory_space<hbm>>
      tpu.wait_indirect_dma semaphore(%arg12 : memref<!tpu.dma_semaphore, #tpu.memory_space<semaphore_mem>>) src(%dma_wait3A_71 : memref<1000000x64xf32, #tpu.memory_space<hbm>>) dst(%arg8 : memref<128x64xf32, #tpu.memory_space<vmem>>)
      %get3A = arith.index_cast %add3A_62 : i32 to index
      %get3A_72 = arith.constant 0 : index
      %get3A_73 = tpu.vector_load %arg7[%get3A, %get3A_72] {strides = array<i32>} : memref<200x64xf32, #tpu.memory_space<vmem>>, vector<16xf32>,
      %get3A_74 = arith.index_cast %add3A_62 : i32 to index
      %get3A_75 = arith.constant 16 : index
      %get3A_76 = tpu.vector_load %arg7[%get3A_74, %get3A_75] {strides = array<i32>} : memref<200x64xf32, #tpu.memory_space<vmem>>, vector<16xf32>,
      %get3A_77 = arith.index_cast %add3A_62 : i32 to index
      %get3A_78 = arith.constant 32 : index
      %get3A_79 = tpu.vector_load %arg7[%get3A_77, %get3A_78] {strides = array<i32>} : memref<200x64xf32, #tpu.memory_space<vmem>>, vector<16xf32>,
      %get3A_80 = arith.index_cast %add3A_62 : i32 to index
      %get3A_81 = arith.constant 48 : index
      %get3A_82 = tpu.vector_load %arg7[%get3A_80, %get3A_81] {strides = array<i32>} : memref<200x64xf32, #tpu.memory_space<vmem>>, vector<16xf32>,
      %parallel_loop3A = arith.constant 0 : i32
      %parallel_loop3A_83 = arith.constant 16 : i32
      %parallel_loop3A_84 = arith.constant 1 : i32
      scf.for %parallel_loop3A_141 = %parallel_loop3A to %parallel_loop3A_83 step %parallel_loop3A_84  : i32 {
        %parallel_loop3A_142 = vector.broadcast %parallel_loop3A_141 : i32 to vector<16xi32>
        %parallel_loop3A_143 = arith.addi %iota3A, %parallel_loop3A_142 : vector<16xi32>
        %parallel_loop3A_144 = arith.constant 15 : i32
        %parallel_loop3A_145 = vector.broadcast %parallel_loop3A_144 : i32 to vector<16xi32>
        %parallel_loop3A_146 = arith.andi %parallel_loop3A_143, %parallel_loop3A_145 : vector<16xi32>
        %parallel_loop3A_147 = arith.constant 0 : i32
        %parallel_loop3A_148 = vector.broadcast %parallel_loop3A_147 : i32 to vector<16xi32>
        %parallel_loop3A_149 = arith.addi %parallel_loop3A_148, %parallel_loop3A_146 : vector<16xi32>
        %parallel_loop3A_150 = arith.constant 0 : i32
        %parallel_loop3A_151 = vector.broadcast %parallel_loop3A_150 : i32 to vector<16xi32>
        %parallel_loop3A_152 = arith.cmpi slt, %parallel_loop3A_146, %parallel_loop3A_151 : vector<16xi32>
        %parallel_loop3A_153 = arith.constant 16 : i32
        %parallel_loop3A_154 = vector.broadcast %parallel_loop3A_153 : i32 to vector<16xi32>
        %parallel_loop3A_155 = arith.addi %parallel_loop3A_146, %parallel_loop3A_154 : vector<16xi32>
        %parallel_loop3A_156 = arith.select %parallel_loop3A_152, %parallel_loop3A_155, %parallel_loop3A_146 : vector<16xi1>, vector<16xi32>
        %parallel_loop3A_157 = vector.shape_cast %parallel_loop3A_156 : vector<16xi32> to vector<16x1xi32>
        %parallel_loop3A_158 = vector.shape_cast %parallel_loop3A_157 : vector<16x1xi32> to vector<16xi32>
        %parallel_loop3A_159 = tpu.dynamic_gather %get3A_73[%parallel_loop3A_158] in [0] : vector<16xf32>, vector<16xi32> -> vector<16xf32>
        %parallel_loop3A_160 = tpu.vector_load_idx %arg8[%add3A_5, %parallel_loop3A_149] : memref<128x64xf32, #tpu.memory_space<vmem>>[vector<16xi32>, vector<16xi32>], vector<16xf32>,
        %parallel_loop3A_161 = arith.addf %parallel_loop3A_160, %parallel_loop3A_159 : vector<16xf32>
        tpu.vector_store_idx %arg10[%parallel_loop3A_149, %add3A_5], %parallel_loop3A_161 : memref<64x128xf32, #tpu.memory_space<vmem>>[vector<16xi32>, vector<16xi32>], vector<16xf32>,
        %parallel_loop3A_162 = tpu.vector_load_idx %arg8[%add3A_8, %parallel_loop3A_149] : memref<128x64xf32, #tpu.memory_space<vmem>>[vector<16xi32>, vector<16xi32>], vector<16xf32>,
        %parallel_loop3A_163 = arith.addf %parallel_loop3A_162, %parallel_loop3A_159 : vector<16xf32>
        tpu.vector_store_idx %arg10[%parallel_loop3A_149, %add3A_8], %parallel_loop3A_163 : memref<64x128xf32, #tpu.memory_space<vmem>>[vector<16xi32>, vector<16xi32>], vector<16xf32>,
        %parallel_loop3A_164 = tpu.vector_load_idx %arg8[%add3A_11, %parallel_loop3A_149] : memref<128x64xf32, #tpu.memory_space<vmem>>[vector<16xi32>, vector<16xi32>], vector<16xf32>,
        %parallel_loop3A_165 = arith.addf %parallel_loop3A_164, %parallel_loop3A_159 : vector<16xf32>
        tpu.vector_store_idx %arg10[%parallel_loop3A_149, %add3A_11], %parallel_loop3A_165 : memref<64x128xf32, #tpu.memory_space<vmem>>[vector<16xi32>, vector<16xi32>], vector<16xf32>,
        %parallel_loop3A_166 = tpu.vector_load_idx %arg8[%add3A_14, %parallel_loop3A_149] : memref<128x64xf32, #tpu.memory_space<vmem>>[vector<16xi32>, vector<16xi32>], vector<16xf32>,
        %parallel_loop3A_167 = arith.addf %parallel_loop3A_166, %parallel_loop3A_159 : vector<16xf32>
        tpu.vector_store_idx %arg10[%parallel_loop3A_149, %add3A_14], %parallel_loop3A_167 : memref<64x128xf32, #tpu.memory_space<vmem>>[vector<16xi32>, vector<16xi32>], vector<16xf32>,
        %parallel_loop3A_168 = tpu.vector_load_idx %arg8[%add3A_17, %parallel_loop3A_149] : memref<128x64xf32, #tpu.memory_space<vmem>>[vector<16xi32>, vector<16xi32>], vector<16xf32>,
        %parallel_loop3A_169 = arith.addf %parallel_loop3A_168, %parallel_loop3A_159 : vector<16xf32>
        tpu.vector_store_idx %arg10[%parallel_loop3A_149, %add3A_17], %parallel_loop3A_169 : memref<64x128xf32, #tpu.memory_space<vmem>>[vector<16xi32>, vector<16xi32>], vector<16xf32>,
        %parallel_loop3A_170 = tpu.vector_load_idx %arg8[%add3A_20, %parallel_loop3A_149] : memref<128x64xf32, #tpu.memory_space<vmem>>[vector<16xi32>, vector<16xi32>], vector<16xf32>,
        %parallel_loop3A_171 = arith.addf %parallel_loop3A_170, %parallel_loop3A_159 : vector<16xf32>
        tpu.vector_store_idx %arg10[%parallel_loop3A_149, %add3A_20], %parallel_loop3A_171 : memref<64x128xf32, #tpu.memory_space<vmem>>[vector<16xi32>, vector<16xi32>], vector<16xf32>,
        %parallel_loop3A_172 = tpu.vector_load_idx %arg8[%add3A_23, %parallel_loop3A_149] : memref<128x64xf32, #tpu.memory_space<vmem>>[vector<16xi32>, vector<16xi32>], vector<16xf32>,
        %parallel_loop3A_173 = arith.addf %parallel_loop3A_172, %parallel_loop3A_159 : vector<16xf32>
        tpu.vector_store_idx %arg10[%parallel_loop3A_149, %add3A_23], %parallel_loop3A_173 : memref<64x128xf32, #tpu.memory_space<vmem>>[vector<16xi32>, vector<16xi32>], vector<16xf32>,
        %parallel_loop3A_174 = tpu.vector_load_idx %arg8[%add3A_26, %parallel_loop3A_149] : memref<128x64xf32, #tpu.memory_space<vmem>>[vector<16xi32>, vector<16xi32>], vector<16xf32>,
        %parallel_loop3A_175 = arith.addf %parallel_loop3A_174, %parallel_loop3A_159 : vector<16xf32>
        tpu.vector_store_idx %arg10[%parallel_loop3A_149, %add3A_26], %parallel_loop3A_175 : memref<64x128xf32, #tpu.memory_space<vmem>>[vector<16xi32>, vector<16xi32>], vector<16xf32>,
        %parallel_loop3A_176 = arith.constant 16 : i32
        %parallel_loop3A_177 = vector.broadcast %parallel_loop3A_176 : i32 to vector<16xi32>
        %parallel_loop3A_178 = arith.addi %parallel_loop3A_177, %parallel_loop3A_146 : vector<16xi32>
        %parallel_loop3A_179 = arith.constant 0 : i32
        %parallel_loop3A_180 = vector.broadcast %parallel_loop3A_179 : i32 to vector<16xi32>
        %parallel_loop3A_181 = arith.cmpi slt, %parallel_loop3A_146, %parallel_loop3A_180 : vector<16xi32>
        %parallel_loop3A_182 = arith.constant 16 : i32
        %parallel_loop3A_183 = vector.broadcast %parallel_loop3A_182 : i32 to vector<16xi32>
        %parallel_loop3A_184 = arith.addi %parallel_loop3A_146, %parallel_loop3A_183 : vector<16xi32>
        %parallel_loop3A_185 = arith.select %parallel_loop3A_181, %parallel_loop3A_184, %parallel_loop3A_146 : vector<16xi1>, vector<16xi32>
        %parallel_loop3A_186 = vector.shape_cast %parallel_loop3A_185 : vector<16xi32> to vector<16x1xi32>
        %parallel_loop3A_187 = vector.shape_cast %parallel_loop3A_186 : vector<16x1xi32> to vector<16xi32>
        %parallel_loop3A_188 = tpu.dynamic_gather %get3A_76[%parallel_loop3A_187] in [0] : vector<16xf32>, vector<16xi32> -> vector<16xf32>
        %parallel_loop3A_189 = tpu.vector_load_idx %arg8[%add3A_5, %parallel_loop3A_178] : memref<128x64xf32, #tpu.memory_space<vmem>>[vector<16xi32>, vector<16xi32>], vector<16xf32>,
        %parallel_loop3A_190 = arith.addf %parallel_loop3A_189, %parallel_loop3A_188 : vector<16xf32>
        tpu.vector_store_idx %arg10[%parallel_loop3A_178, %add3A_5], %parallel_loop3A_190 : memref<64x128xf32, #tpu.memory_space<vmem>>[vector<16xi32>, vector<16xi32>], vector<16xf32>,
        %parallel_loop3A_191 = tpu.vector_load_idx %arg8[%add3A_8, %parallel_loop3A_178] : memref<128x64xf32, #tpu.memory_space<vmem>>[vector<16xi32>, vector<16xi32>], vector<16xf32>,
        %parallel_loop3A_192 = arith.addf %parallel_loop3A_191, %parallel_loop3A_188 : vector<16xf32>
        tpu.vector_store_idx %arg10[%parallel_loop3A_178, %add3A_8], %parallel_loop3A_192 : memref<64x128xf32, #tpu.memory_space<vmem>>[vector<16xi32>, vector<16xi32>], vector<16xf32>,
        %parallel_loop3A_193 = tpu.vector_load_idx %arg8[%add3A_11, %parallel_loop3A_178] : memref<128x64xf32, #tpu.memory_space<vmem>>[vector<16xi32>, vector<16xi32>], vector<16xf32>,
        %parallel_loop3A_194 = arith.addf %parallel_loop3A_193, %parallel_loop3A_188 : vector<16xf32>
        tpu.vector_store_idx %arg10[%parallel_loop3A_178, %add3A_11], %parallel_loop3A_194 : memref<64x128xf32, #tpu.memory_space<vmem>>[vector<16xi32>, vector<16xi32>], vector<16xf32>,
        %parallel_loop3A_195 = tpu.vector_load_idx %arg8[%add3A_14, %parallel_loop3A_178] : memref<128x64xf32, #tpu.memory_space<vmem>>[vector<16xi32>, vector<16xi32>], vector<16xf32>,
        %parallel_loop3A_196 = arith.addf %parallel_loop3A_195, %parallel_loop3A_188 : vector<16xf32>
        tpu.vector_store_idx %arg10[%parallel_loop3A_178, %add3A_14], %parallel_loop3A_196 : memref<64x128xf32, #tpu.memory_space<vmem>>[vector<16xi32>, vector<16xi32>], vector<16xf32>,
        %parallel_loop3A_197 = tpu.vector_load_idx %arg8[%add3A_17, %parallel_loop3A_178] : memref<128x64xf32, #tpu.memory_space<vmem>>[vector<16xi32>, vector<16xi32>], vector<16xf32>,
        %parallel_loop3A_198 = arith.addf %parallel_loop3A_197, %parallel_loop3A_188 : vector<16xf32>
        tpu.vector_store_idx %arg10[%parallel_loop3A_178, %add3A_17], %parallel_loop3A_198 : memref<64x128xf32, #tpu.memory_space<vmem>>[vector<16xi32>, vector<16xi32>], vector<16xf32>,
        %parallel_loop3A_199 = tpu.vector_load_idx %arg8[%add3A_20, %parallel_loop3A_178] : memref<128x64xf32, #tpu.memory_space<vmem>>[vector<16xi32>, vector<16xi32>], vector<16xf32>,
        %parallel_loop3A_200 = arith.addf %parallel_loop3A_199, %parallel_loop3A_188 : vector<16xf32>
        tpu.vector_store_idx %arg10[%parallel_loop3A_178, %add3A_20], %parallel_loop3A_200 : memref<64x128xf32, #tpu.memory_space<vmem>>[vector<16xi32>, vector<16xi32>], vector<16xf32>,
        %parallel_loop3A_201 = tpu.vector_load_idx %arg8[%add3A_23, %parallel_loop3A_178] : memref<128x64xf32, #tpu.memory_space<vmem>>[vector<16xi32>, vector<16xi32>], vector<16xf32>,
        %parallel_loop3A_202 = arith.addf %parallel_loop3A_201, %parallel_loop3A_188 : vector<16xf32>
        tpu.vector_store_idx %arg10[%parallel_loop3A_178, %add3A_23], %parallel_loop3A_202 : memref<64x128xf32, #tpu.memory_space<vmem>>[vector<16xi32>, vector<16xi32>], vector<16xf32>,
        %parallel_loop3A_203 = tpu.vector_load_idx %arg8[%add3A_26, %parallel_loop3A_178] : memref<128x64xf32, #tpu.memory_space<vmem>>[vector<16xi32>, vector<16xi32>], vector<16xf32>,
        %parallel_loop3A_204 = arith.addf %parallel_loop3A_203, %parallel_loop3A_188 : vector<16xf32>
        tpu.vector_store_idx %arg10[%parallel_loop3A_178, %add3A_26], %parallel_loop3A_204 : memref<64x128xf32, #tpu.memory_space<vmem>>[vector<16xi32>, vector<16xi32>], vector<16xf32>,
        %parallel_loop3A_205 = arith.constant 32 : i32
        %parallel_loop3A_206 = vector.broadcast %parallel_loop3A_205 : i32 to vector<16xi32>
        %parallel_loop3A_207 = arith.addi %parallel_loop3A_206, %parallel_loop3A_146 : vector<16xi32>
        %parallel_loop3A_208 = arith.constant 0 : i32
        %parallel_loop3A_209 = vector.broadcast %parallel_loop3A_208 : i32 to vector<16xi32>
        %parallel_loop3A_210 = arith.cmpi slt, %parallel_loop3A_146, %parallel_loop3A_209 : vector<16xi32>
        %parallel_loop3A_211 = arith.constant 16 : i32
        %parallel_loop3A_212 = vector.broadcast %parallel_loop3A_211 : i32 to vector<16xi32>
        %parallel_loop3A_213 = arith.addi %parallel_loop3A_146, %parallel_loop3A_212 : vector<16xi32>
        %parallel_loop3A_214 = arith.select %parallel_loop3A_210, %parallel_loop3A_213, %parallel_loop3A_146 : vector<16xi1>, vector<16xi32>
        %parallel_loop3A_215 = vector.shape_cast %parallel_loop3A_214 : vector<16xi32> to vector<16x1xi32>
        %parallel_loop3A_216 = vector.shape_cast %parallel_loop3A_215 : vector<16x1xi32> to vector<16xi32>
        %parallel_loop3A_217 = tpu.dynamic_gather %get3A_79[%parallel_loop3A_216] in [0] : vector<16xf32>, vector<16xi32> -> vector<16xf32>
        %parallel_loop3A_218 = tpu.vector_load_idx %arg8[%add3A_5, %parallel_loop3A_207] : memref<128x64xf32, #tpu.memory_space<vmem>>[vector<16xi32>, vector<16xi32>], vector<16xf32>,
        %parallel_loop3A_219 = arith.addf %parallel_loop3A_218, %parallel_loop3A_217 : vector<16xf32>
        tpu.vector_store_idx %arg10[%parallel_loop3A_207, %add3A_5], %parallel_loop3A_219 : memref<64x128xf32, #tpu.memory_space<vmem>>[vector<16xi32>, vector<16xi32>], vector<16xf32>,
        %parallel_loop3A_220 = tpu.vector_load_idx %arg8[%add3A_8, %parallel_loop3A_207] : memref<128x64xf32, #tpu.memory_space<vmem>>[vector<16xi32>, vector<16xi32>], vector<16xf32>,
        %parallel_loop3A_221 = arith.addf %parallel_loop3A_220, %parallel_loop3A_217 : vector<16xf32>
        tpu.vector_store_idx %arg10[%parallel_loop3A_207, %add3A_8], %parallel_loop3A_221 : memref<64x128xf32, #tpu.memory_space<vmem>>[vector<16xi32>, vector<16xi32>], vector<16xf32>,
        %parallel_loop3A_222 = tpu.vector_load_idx %arg8[%add3A_11, %parallel_loop3A_207] : memref<128x64xf32, #tpu.memory_space<vmem>>[vector<16xi32>, vector<16xi32>], vector<16xf32>,
        %parallel_loop3A_223 = arith.addf %parallel_loop3A_222, %parallel_loop3A_217 : vector<16xf32>
        tpu.vector_store_idx %arg10[%parallel_loop3A_207, %add3A_11], %parallel_loop3A_223 : memref<64x128xf32, #tpu.memory_space<vmem>>[vector<16xi32>, vector<16xi32>], vector<16xf32>,
        %parallel_loop3A_224 = tpu.vector_load_idx %arg8[%add3A_14, %parallel_loop3A_207] : memref<128x64xf32, #tpu.memory_space<vmem>>[vector<16xi32>, vector<16xi32>], vector<16xf32>,
        %parallel_loop3A_225 = arith.addf %parallel_loop3A_224, %parallel_loop3A_217 : vector<16xf32>
        tpu.vector_store_idx %arg10[%parallel_loop3A_207, %add3A_14], %parallel_loop3A_225 : memref<64x128xf32, #tpu.memory_space<vmem>>[vector<16xi32>, vector<16xi32>], vector<16xf32>,
        %parallel_loop3A_226 = tpu.vector_load_idx %arg8[%add3A_17, %parallel_loop3A_207] : memref<128x64xf32, #tpu.memory_space<vmem>>[vector<16xi32>, vector<16xi32>], vector<16xf32>,
        %parallel_loop3A_227 = arith.addf %parallel_loop3A_226, %parallel_loop3A_217 : vector<16xf32>
        tpu.vector_store_idx %arg10[%parallel_loop3A_207, %add3A_17], %parallel_loop3A_227 : memref<64x128xf32, #tpu.memory_space<vmem>>[vector<16xi32>, vector<16xi32>], vector<16xf32>,
        %parallel_loop3A_228 = tpu.vector_load_idx %arg8[%add3A_20, %parallel_loop3A_207] : memref<128x64xf32, #tpu.memory_space<vmem>>[vector<16xi32>, vector<16xi32>], vector<16xf32>,
        %parallel_loop3A_229 = arith.addf %parallel_loop3A_228, %parallel_loop3A_217 : vector<16xf32>
        tpu.vector_store_idx %arg10[%parallel_loop3A_207, %add3A_20], %parallel_loop3A_229 : memref<64x128xf32, #tpu.memory_space<vmem>>[vector<16xi32>, vector<16xi32>], vector<16xf32>,
        %parallel_loop3A_230 = tpu.vector_load_idx %arg8[%add3A_23, %parallel_loop3A_207] : memref<128x64xf32, #tpu.memory_space<vmem>>[vector<16xi32>, vector<16xi32>], vector<16xf32>,
        %parallel_loop3A_231 = arith.addf %parallel_loop3A_230, %parallel_loop3A_217 : vector<16xf32>
        tpu.vector_store_idx %arg10[%parallel_loop3A_207, %add3A_23], %parallel_loop3A_231 : memref<64x128xf32, #tpu.memory_space<vmem>>[vector<16xi32>, vector<16xi32>], vector<16xf32>,
        %parallel_loop3A_232 = tpu.vector_load_idx %arg8[%add3A_26, %parallel_loop3A_207] : memref<128x64xf32, #tpu.memory_space<vmem>>[vector<16xi32>, vector<16xi32>], vector<16xf32>,
        %parallel_loop3A_233 = arith.addf %parallel_loop3A_232, %parallel_loop3A_217 : vector<16xf32>
        tpu.vector_store_idx %arg10[%parallel_loop3A_207, %add3A_26], %parallel_loop3A_233 : memref<64x128xf32, #tpu.memory_space<vmem>>[vector<16xi32>, vector<16xi32>], vector<16xf32>,
        %parallel_loop3A_234 = arith.constant 48 : i32
        %parallel_loop3A_235 = vector.broadcast %parallel_loop3A_234 : i32 to vector<16xi32>
        %parallel_loop3A_236 = arith.addi %parallel_loop3A_235, %parallel_loop3A_146 : vector<16xi32>
        %parallel_loop3A_237 = arith.constant 0 : i32
        %parallel_loop3A_238 = vector.broadcast %parallel_loop3A_237 : i32 to vector<16xi32>
        %parallel_loop3A_239 = arith.cmpi slt, %parallel_loop3A_146, %parallel_loop3A_238 : vector<16xi32>
        %parallel_loop3A_240 = arith.constant 16 : i32
        %parallel_loop3A_241 = vector.broadcast %parallel_loop3A_240 : i32 to vector<16xi32>
        %parallel_loop3A_242 = arith.addi %parallel_loop3A_146, %parallel_loop3A_241 : vector<16xi32>
        %parallel_loop3A_243 = arith.select %parallel_loop3A_239, %parallel_loop3A_242, %parallel_loop3A_146 : vector<16xi1>, vector<16xi32>
        %parallel_loop3A_244 = vector.shape_cast %parallel_loop3A_243 : vector<16xi32> to vector<16x1xi32>
        %parallel_loop3A_245 = vector.shape_cast %parallel_loop3A_244 : vector<16x1xi32> to vector<16xi32>
        %parallel_loop3A_246 = tpu.dynamic_gather %get3A_82[%parallel_loop3A_245] in [0] : vector<16xf32>, vector<16xi32> -> vector<16xf32>
        %parallel_loop3A_247 = tpu.vector_load_idx %arg8[%add3A_5, %parallel_loop3A_236] : memref<128x64xf32, #tpu.memory_space<vmem>>[vector<16xi32>, vector<16xi32>], vector<16xf32>,
        %parallel_loop3A_248 = arith.addf %parallel_loop3A_247, %parallel_loop3A_246 : vector<16xf32>
        tpu.vector_store_idx %arg10[%parallel_loop3A_236, %add3A_5], %parallel_loop3A_248 : memref<64x128xf32, #tpu.memory_space<vmem>>[vector<16xi32>, vector<16xi32>], vector<16xf32>,
        %parallel_loop3A_249 = tpu.vector_load_idx %arg8[%add3A_8, %parallel_loop3A_236] : memref<128x64xf32, #tpu.memory_space<vmem>>[vector<16xi32>, vector<16xi32>], vector<16xf32>,
        %parallel_loop3A_250 = arith.addf %parallel_loop3A_249, %parallel_loop3A_246 : vector<16xf32>
        tpu.vector_store_idx %arg10[%parallel_loop3A_236, %add3A_8], %parallel_loop3A_250 : memref<64x128xf32, #tpu.memory_space<vmem>>[vector<16xi32>, vector<16xi32>], vector<16xf32>,
        %parallel_loop3A_251 = tpu.vector_load_idx %arg8[%add3A_11, %parallel_loop3A_236] : memref<128x64xf32, #tpu.memory_space<vmem>>[vector<16xi32>, vector<16xi32>], vector<16xf32>,
        %parallel_loop3A_252 = arith.addf %parallel_loop3A_251, %parallel_loop3A_246 : vector<16xf32>
        tpu.vector_store_idx %arg10[%parallel_loop3A_236, %add3A_11], %parallel_loop3A_252 : memref<64x128xf32, #tpu.memory_space<vmem>>[vector<16xi32>, vector<16xi32>], vector<16xf32>,
        %parallel_loop3A_253 = tpu.vector_load_idx %arg8[%add3A_14, %parallel_loop3A_236] : memref<128x64xf32, #tpu.memory_space<vmem>>[vector<16xi32>, vector<16xi32>], vector<16xf32>,
        %parallel_loop3A_254 = arith.addf %parallel_loop3A_253, %parallel_loop3A_246 : vector<16xf32>
        tpu.vector_store_idx %arg10[%parallel_loop3A_236, %add3A_14], %parallel_loop3A_254 : memref<64x128xf32, #tpu.memory_space<vmem>>[vector<16xi32>, vector<16xi32>], vector<16xf32>,
        %parallel_loop3A_255 = tpu.vector_load_idx %arg8[%add3A_17, %parallel_loop3A_236] : memref<128x64xf32, #tpu.memory_space<vmem>>[vector<16xi32>, vector<16xi32>], vector<16xf32>,
        %parallel_loop3A_256 = arith.addf %parallel_loop3A_255, %parallel_loop3A_246 : vector<16xf32>
        tpu.vector_store_idx %arg10[%parallel_loop3A_236, %add3A_17], %parallel_loop3A_256 : memref<64x128xf32, #tpu.memory_space<vmem>>[vector<16xi32>, vector<16xi32>], vector<16xf32>,
        %parallel_loop3A_257 = tpu.vector_load_idx %arg8[%add3A_20, %parallel_loop3A_236] : memref<128x64xf32, #tpu.memory_space<vmem>>[vector<16xi32>, vector<16xi32>], vector<16xf32>,
        %parallel_loop3A_258 = arith.addf %parallel_loop3A_257, %parallel_loop3A_246 : vector<16xf32>
        tpu.vector_store_idx %arg10[%parallel_loop3A_236, %add3A_20], %parallel_loop3A_258 : memref<64x128xf32, #tpu.memory_space<vmem>>[vector<16xi32>, vector<16xi32>], vector<16xf32>,
        %parallel_loop3A_259 = tpu.vector_load_idx %arg8[%add3A_23, %parallel_loop3A_236] : memref<128x64xf32, #tpu.memory_space<vmem>>[vector<16xi32>, vector<16xi32>], vector<16xf32>,
        %parallel_loop3A_260 = arith.addf %parallel_loop3A_259, %parallel_loop3A_246 : vector<16xf32>
        tpu.vector_store_idx %arg10[%parallel_loop3A_236, %add3A_23], %parallel_loop3A_260 : memref<64x128xf32, #tpu.memory_space<vmem>>[vector<16xi32>, vector<16xi32>], vector<16xf32>,
        %parallel_loop3A_261 = tpu.vector_load_idx %arg8[%add3A_26, %parallel_loop3A_236] : memref<128x64xf32, #tpu.memory_space<vmem>>[vector<16xi32>, vector<16xi32>], vector<16xf32>,
        %parallel_loop3A_262 = arith.addf %parallel_loop3A_261, %parallel_loop3A_246 : vector<16xf32>
        tpu.vector_store_idx %arg10[%parallel_loop3A_236, %add3A_26], %parallel_loop3A_262 : memref<64x128xf32, #tpu.memory_space<vmem>>[vector<16xi32>, vector<16xi32>], vector<16xf32>,
      } {sc.loop_unroll_factor = 8 : i64, sc.parallel_access}
      %add3A_85 = arith.constant 2 : i32
      %add3A_86 = arith.addi %add3A_62, %add3A_85 : i32
      %lt3A = arith.constant 200 : i32
      %lt3A_87 = arith.cmpi slt, %add3A_86, %lt3A : i32
      %convert_element_type3A_88 = arith.extui %lt3A_87 : i1 to i32
      %cond3A_89 = arith.constant 0 : i32
      %cond3A_90 = arith.cmpi ne, %convert_element_type3A_88, %cond3A_89 : i32
      scf.if %cond3A_90 {
        %add3A_141 = arith.constant 2 : i32
        %add3A_142 = arith.addi %add3A_62, %add3A_141 : i32
        %dma_start3A_143 = arith.constant 0 : i32
        %dma_start3A_144 = tpu.memref_slice %arg6[%add3A_142, %dma_start3A_143] : memref<200x128xi32, #tpu.memory_space<vmem>> -> memref<1x128xi32, #tpu.memory_space<vmem>>
        %dma_start3A_145 = tpu.memref_squeeze %dma_start3A_144 : memref<1x128xi32, #tpu.memory_space<vmem>> -> memref<128xi32, #tpu.memory_space<vmem>>
        %dma_start3A_146 = arith.constant 0 : i32
        %dma_start3A_147 = arith.constant 0 : i32
        %dma_start3A_148 = tpu.memref_slice %arg3[%dma_start3A_146, %dma_start3A_147] : memref<1000000x64xf32, #tpu.memory_space<hbm>> -> memref<1000000x64xf32, #tpu.memory_space<hbm>>
        tpu.enqueue_indirect_dma source(%dma_start3A_148 : memref<1000000x64xf32, #tpu.memory_space<hbm>>) target(%arg8 : memref<128x64xf32, #tpu.memory_space<vmem>>) offsets(%dma_start3A_145 : memref<128xi32, #tpu.memory_space<vmem>>) semaphore(%arg12 : memref<!tpu.dma_semaphore, #tpu.memory_space<semaphore_mem>>)
      } else {
      }
      %dma_start3A_91 = arith.constant 0 : i32
      %dma_start3A_92 = tpu.memref_slice %arg5[%add3A_62, %dma_start3A_91, %mul3A_2] : memref<200x64x4096xf32, #tpu.memory_space<hbm>> -> memref<1x64x128xf32, #tpu.memory_space<hbm>>
      %dma_start3A_93 = tpu.memref_squeeze %dma_start3A_92 : memref<1x64x128xf32, #tpu.memory_space<hbm>> -> memref<64x128xf32, #tpu.memory_space<hbm>>
      %dma_start3A_94 = arith.constant 0 : i32
      %dma_start3A_95 = tpu.memref_slice %arg5[%add3A_62, %dma_start3A_94, %mul3A_2] : memref<200x64x4096xf32, #tpu.memory_space<hbm>> -> memref<1x64x128xf32, #tpu.memory_space<hbm>>
      %dma_start3A_96 = tpu.memref_squeeze %dma_start3A_95 : memref<1x64x128xf32, #tpu.memory_space<hbm>> -> memref<64x128xf32, #tpu.memory_space<hbm>>
      tpu.enqueue_dma source(%arg10 : memref<64x128xf32, #tpu.memory_space<vmem>>) target(%dma_start3A_96 : memref<64x128xf32, #tpu.memory_space<hbm>>) target_semaphore(%arg14 : memref<!tpu.dma_semaphore, #tpu.memory_space<semaphore_mem>>)
      %mul3A_97 = arith.constant 2 : i32
      %mul3A_98 = arith.muli %mul3A_97, %scan3A_58 : i32
      %add3A_99 = arith.constant 1 : i32
      %add3A_100 = arith.addi %mul3A_98, %add3A_99 : i32
      %ge3A_101 = arith.constant 2 : i32
      %ge3A_102 = arith.cmpi sge, %add3A_100, %ge3A_101 : i32
      %convert_element_type3A_103 = arith.extui %ge3A_102 : i1 to i32
      %cond3A_104 = arith.constant 0 : i32
      %cond3A_105 = arith.cmpi ne, %convert_element_type3A_103, %cond3A_104 : i32
      scf.if %cond3A_105 {
        %dma_wait3A_141 = arith.constant 0 : i32
        %dma_wait3A_142 = arith.constant 0 : i32
        %dma_wait3A_143 = tpu.memref_slice %arg5[%dma_wait3A_141, %dma_wait3A_142, %mul3A_2] : memref<200x64x4096xf32, #tpu.memory_space<hbm>> -> memref<1x64x128xf32, #tpu.memory_space<hbm>>
        %dma_wait3A_144 = tpu.memref_squeeze %dma_wait3A_143 : memref<1x64x128xf32, #tpu.memory_space<hbm>> -> memref<64x128xf32, #tpu.memory_space<hbm>>
        %dma_wait3A_145 = arith.constant 0 : i32
        %dma_wait3A_146 = tpu.memref_slice %arg5[%dma_wait3A_141, %dma_wait3A_145, %mul3A_2] : memref<200x64x4096xf32, #tpu.memory_space<hbm>> -> memref<1x64x128xf32, #tpu.memory_space<hbm>>
        %dma_wait3A_147 = tpu.memref_squeeze %dma_wait3A_146 : memref<1x64x128xf32, #tpu.memory_space<hbm>> -> memref<64x128xf32, #tpu.memory_space<hbm>>
        tpu.wait_dma2 semaphore(%arg15 : memref<!tpu.dma_semaphore, #tpu.memory_space<semaphore_mem>>) src(%arg11 : memref<64x128xf32, #tpu.memory_space<vmem>>) dst(%dma_wait3A_147 : memref<64x128xf32, #tpu.memory_space<hbm>>)
      } else {
      }
      %dma_wait3A_106 = arith.constant 0 : i32
      %dma_wait3A_107 = arith.constant 0 : i32
      %dma_wait3A_108 = tpu.memref_slice %arg6[%dma_wait3A_106, %dma_wait3A_107] : memref<200x128xi32, #tpu.memory_space<vmem>> -> memref<1x128xi32, #tpu.memory_space<vmem>>
      %dma_wait3A_109 = tpu.memref_squeeze %dma_wait3A_108 : memref<1x128xi32, #tpu.memory_space<vmem>> -> memref<128xi32, #tpu.memory_space<vmem>>
      %dma_wait3A_110 = arith.constant 0 : i32
      %dma_wait3A_111 = arith.constant 0 : i32
      %dma_wait3A_112 = tpu.memref_slice %arg3[%dma_wait3A_110, %dma_wait3A_111] : memref<1000000x64xf32, #tpu.memory_space<hbm>> -> memref<1000000x64xf32, #tpu.memory_space<hbm>>
      tpu.wait_indirect_dma semaphore(%arg13 : memref<!tpu.dma_semaphore, #tpu.memory_space<semaphore_mem>>) src(%dma_wait3A_112 : memref<1000000x64xf32, #tpu.memory_space<hbm>>) dst(%arg9 : memref<128x64xf32, #tpu.memory_space<vmem>>)
      %get3A_113 = arith.index_cast %add3A_100 : i32 to index
      %get3A_114 = arith.constant 0 : index
      %get3A_115 = tpu.vector_load %arg7[%get3A_113, %get3A_114] {strides = array<i32>} : memref<200x64xf32, #tpu.memory_space<vmem>>, vector<16xf32>,
      %get3A_116 = arith.index_cast %add3A_100 : i32 to index
      %get3A_117 = arith.constant 16 : index
      %get3A_118 = tpu.vector_load %arg7[%get3A_116, %get3A_117] {strides = array<i32>} : memref<200x64xf32, #tpu.memory_space<vmem>>, vector<16xf32>,
      %get3A_119 = arith.index_cast %add3A_100 : i32 to index
      %get3A_120 = arith.constant 32 : index
      %get3A_121 = tpu.vector_load %arg7[%get3A_119, %get3A_120] {strides = array<i32>} : memref<200x64xf32, #tpu.memory_space<vmem>>, vector<16xf32>,
      %get3A_122 = arith.index_cast %add3A_100 : i32 to index
      %get3A_123 = arith.constant 48 : index
      %get3A_124 = tpu.vector_load %arg7[%get3A_122, %get3A_123] {strides = array<i32>} : memref<200x64xf32, #tpu.memory_space<vmem>>, vector<16xf32>,
      %parallel_loop3A_125 = arith.constant 0 : i32
      %parallel_loop3A_126 = arith.constant 16 : i32
      %parallel_loop3A_127 = arith.constant 1 : i32
      scf.for %parallel_loop3A_141 = %parallel_loop3A_125 to %parallel_loop3A_126 step %parallel_loop3A_127  : i32 {
        %parallel_loop3A_142 = vector.broadcast %parallel_loop3A_141 : i32 to vector<16xi32>
        %parallel_loop3A_143 = arith.addi %iota3A, %parallel_loop3A_142 : vector<16xi32>
        %parallel_loop3A_144 = arith.constant 15 : i32
        %parallel_loop3A_145 = vector.broadcast %parallel_loop3A_144 : i32 to vector<16xi32>
        %parallel_loop3A_146 = arith.andi %parallel_loop3A_143, %parallel_loop3A_145 : vector<16xi32>
        %parallel_loop3A_147 = arith.constant 0 : i32
        %parallel_loop3A_148 = vector.broadcast %parallel_loop3A_147 : i32 to vector<16xi32>
        %parallel_loop3A_149 = arith.addi %parallel_loop3A_148, %parallel_loop3A_146 : vector<16xi32>
        %parallel_loop3A_150 = arith.constant 0 : i32
        %parallel_loop3A_151 = vector.broadcast %parallel_loop3A_150 : i32 to vector<16xi32>
        %parallel_loop3A_152 = arith.cmpi slt, %parallel_loop3A_146, %parallel_loop3A_151 : vector<16xi32>
        %parallel_loop3A_153 = arith.constant 16 : i32
        %parallel_loop3A_154 = vector.broadcast %parallel_loop3A_153 : i32 to vector<16xi32>
        %parallel_loop3A_155 = arith.addi %parallel_loop3A_146, %parallel_loop3A_154 : vector<16xi32>
        %parallel_loop3A_156 = arith.select %parallel_loop3A_152, %parallel_loop3A_155, %parallel_loop3A_146 : vector<16xi1>, vector<16xi32>
        %parallel_loop3A_157 = vector.shape_cast %parallel_loop3A_156 : vector<16xi32> to vector<16x1xi32>
        %parallel_loop3A_158 = vector.shape_cast %parallel_loop3A_157 : vector<16x1xi32> to vector<16xi32>
        %parallel_loop3A_159 = tpu.dynamic_gather %get3A_115[%parallel_loop3A_158] in [0] : vector<16xf32>, vector<16xi32> -> vector<16xf32>
        %parallel_loop3A_160 = tpu.vector_load_idx %arg9[%add3A_5, %parallel_loop3A_149] : memref<128x64xf32, #tpu.memory_space<vmem>>[vector<16xi32>, vector<16xi32>], vector<16xf32>,
        %parallel_loop3A_161 = arith.addf %parallel_loop3A_160, %parallel_loop3A_159 : vector<16xf32>
        tpu.vector_store_idx %arg11[%parallel_loop3A_149, %add3A_5], %parallel_loop3A_161 : memref<64x128xf32, #tpu.memory_space<vmem>>[vector<16xi32>, vector<16xi32>], vector<16xf32>,
        %parallel_loop3A_162 = tpu.vector_load_idx %arg9[%add3A_8, %parallel_loop3A_149] : memref<128x64xf32, #tpu.memory_space<vmem>>[vector<16xi32>, vector<16xi32>], vector<16xf32>,
        %parallel_loop3A_163 = arith.addf %parallel_loop3A_162, %parallel_loop3A_159 : vector<16xf32>
        tpu.vector_store_idx %arg11[%parallel_loop3A_149, %add3A_8], %parallel_loop3A_163 : memref<64x128xf32, #tpu.memory_space<vmem>>[vector<16xi32>, vector<16xi32>], vector<16xf32>,
        %parallel_loop3A_164 = tpu.vector_load_idx %arg9[%add3A_11, %parallel_loop3A_149] : memref<128x64xf32, #tpu.memory_space<vmem>>[vector<16xi32>, vector<16xi32>], vector<16xf32>,
        %parallel_loop3A_165 = arith.addf %parallel_loop3A_164, %parallel_loop3A_159 : vector<16xf32>
        tpu.vector_store_idx %arg11[%parallel_loop3A_149, %add3A_11], %parallel_loop3A_165 : memref<64x128xf32, #tpu.memory_space<vmem>>[vector<16xi32>, vector<16xi32>], vector<16xf32>,
        %parallel_loop3A_166 = tpu.vector_load_idx %arg9[%add3A_14, %parallel_loop3A_149] : memref<128x64xf32, #tpu.memory_space<vmem>>[vector<16xi32>, vector<16xi32>], vector<16xf32>,
        %parallel_loop3A_167 = arith.addf %parallel_loop3A_166, %parallel_loop3A_159 : vector<16xf32>
        tpu.vector_store_idx %arg11[%parallel_loop3A_149, %add3A_14], %parallel_loop3A_167 : memref<64x128xf32, #tpu.memory_space<vmem>>[vector<16xi32>, vector<16xi32>], vector<16xf32>,
        %parallel_loop3A_168 = tpu.vector_load_idx %arg9[%add3A_17, %parallel_loop3A_149] : memref<128x64xf32, #tpu.memory_space<vmem>>[vector<16xi32>, vector<16xi32>], vector<16xf32>,
        %parallel_loop3A_169 = arith.addf %parallel_loop3A_168, %parallel_loop3A_159 : vector<16xf32>
        tpu.vector_store_idx %arg11[%parallel_loop3A_149, %add3A_17], %parallel_loop3A_169 : memref<64x128xf32, #tpu.memory_space<vmem>>[vector<16xi32>, vector<16xi32>], vector<16xf32>,
        %parallel_loop3A_170 = tpu.vector_load_idx %arg9[%add3A_20, %parallel_loop3A_149] : memref<128x64xf32, #tpu.memory_space<vmem>>[vector<16xi32>, vector<16xi32>], vector<16xf32>,
        %parallel_loop3A_171 = arith.addf %parallel_loop3A_170, %parallel_loop3A_159 : vector<16xf32>
        tpu.vector_store_idx %arg11[%parallel_loop3A_149, %add3A_20], %parallel_loop3A_171 : memref<64x128xf32, #tpu.memory_space<vmem>>[vector<16xi32>, vector<16xi32>], vector<16xf32>,
        %parallel_loop3A_172 = tpu.vector_load_idx %arg9[%add3A_23, %parallel_loop3A_149] : memref<128x64xf32, #tpu.memory_space<vmem>>[vector<16xi32>, vector<16xi32>], vector<16xf32>,
        %parallel_loop3A_173 = arith.addf %parallel_loop3A_172, %parallel_loop3A_159 : vector<16xf32>
        tpu.vector_store_idx %arg11[%parallel_loop3A_149, %add3A_23], %parallel_loop3A_173 : memref<64x128xf32, #tpu.memory_space<vmem>>[vector<16xi32>, vector<16xi32>], vector<16xf32>,
        %parallel_loop3A_174 = tpu.vector_load_idx %arg9[%add3A_26, %parallel_loop3A_149] : memref<128x64xf32, #tpu.memory_space<vmem>>[vector<16xi32>, vector<16xi32>], vector<16xf32>,
        %parallel_loop3A_175 = arith.addf %parallel_loop3A_174, %parallel_loop3A_159 : vector<16xf32>
        tpu.vector_store_idx %arg11[%parallel_loop3A_149, %add3A_26], %parallel_loop3A_175 : memref<64x128xf32, #tpu.memory_space<vmem>>[vector<16xi32>, vector<16xi32>], vector<16xf32>,
        %parallel_loop3A_176 = arith.constant 16 : i32
        %parallel_loop3A_177 = vector.broadcast %parallel_loop3A_176 : i32 to vector<16xi32>
        %parallel_loop3A_178 = arith.addi %parallel_loop3A_177, %parallel_loop3A_146 : vector<16xi32>
        %parallel_loop3A_179 = arith.constant 0 : i32
        %parallel_loop3A_180 = vector.broadcast %parallel_loop3A_179 : i32 to vector<16xi32>
        %parallel_loop3A_181 = arith.cmpi slt, %parallel_loop3A_146, %parallel_loop3A_180 : vector<16xi32>
        %parallel_loop3A_182 = arith.constant 16 : i32
        %parallel_loop3A_183 = vector.broadcast %parallel_loop3A_182 : i32 to vector<16xi32>
        %parallel_loop3A_184 = arith.addi %parallel_loop3A_146, %parallel_loop3A_183 : vector<16xi32>
        %parallel_loop3A_185 = arith.select %parallel_loop3A_181, %parallel_loop3A_184, %parallel_loop3A_146 : vector<16xi1>, vector<16xi32>
        %parallel_loop3A_186 = vector.shape_cast %parallel_loop3A_185 : vector<16xi32> to vector<16x1xi32>
        %parallel_loop3A_187 = vector.shape_cast %parallel_loop3A_186 : vector<16x1xi32> to vector<16xi32>
        %parallel_loop3A_188 = tpu.dynamic_gather %get3A_118[%parallel_loop3A_187] in [0] : vector<16xf32>, vector<16xi32> -> vector<16xf32>
        %parallel_loop3A_189 = tpu.vector_load_idx %arg9[%add3A_5, %parallel_loop3A_178] : memref<128x64xf32, #tpu.memory_space<vmem>>[vector<16xi32>, vector<16xi32>], vector<16xf32>,
        %parallel_loop3A_190 = arith.addf %parallel_loop3A_189, %parallel_loop3A_188 : vector<16xf32>
        tpu.vector_store_idx %arg11[%parallel_loop3A_178, %add3A_5], %parallel_loop3A_190 : memref<64x128xf32, #tpu.memory_space<vmem>>[vector<16xi32>, vector<16xi32>], vector<16xf32>,
        %parallel_loop3A_191 = tpu.vector_load_idx %arg9[%add3A_8, %parallel_loop3A_178] : memref<128x64xf32, #tpu.memory_space<vmem>>[vector<16xi32>, vector<16xi32>], vector<16xf32>,
        %parallel_loop3A_192 = arith.addf %parallel_loop3A_191, %parallel_loop3A_188 : vector<16xf32>
        tpu.vector_store_idx %arg11[%parallel_loop3A_178, %add3A_8], %parallel_loop3A_192 : memref<64x128xf32, #tpu.memory_space<vmem>>[vector<16xi32>, vector<16xi32>], vector<16xf32>,
        %parallel_loop3A_193 = tpu.vector_load_idx %arg9[%add3A_11, %parallel_loop3A_178] : memref<128x64xf32, #tpu.memory_space<vmem>>[vector<16xi32>, vector<16xi32>], vector<16xf32>,
        %parallel_loop3A_194 = arith.addf %parallel_loop3A_193, %parallel_loop3A_188 : vector<16xf32>
        tpu.vector_store_idx %arg11[%parallel_loop3A_178, %add3A_11], %parallel_loop3A_194 : memref<64x128xf32, #tpu.memory_space<vmem>>[vector<16xi32>, vector<16xi32>], vector<16xf32>,
        %parallel_loop3A_195 = tpu.vector_load_idx %arg9[%add3A_14, %parallel_loop3A_178] : memref<128x64xf32, #tpu.memory_space<vmem>>[vector<16xi32>, vector<16xi32>], vector<16xf32>,
        %parallel_loop3A_196 = arith.addf %parallel_loop3A_195, %parallel_loop3A_188 : vector<16xf32>
        tpu.vector_store_idx %arg11[%parallel_loop3A_178, %add3A_14], %parallel_loop3A_196 : memref<64x128xf32, #tpu.memory_space<vmem>>[vector<16xi32>, vector<16xi32>], vector<16xf32>,
        %parallel_loop3A_197 = tpu.vector_load_idx %arg9[%add3A_17, %parallel_loop3A_178] : memref<128x64xf32, #tpu.memory_space<vmem>>[vector<16xi32>, vector<16xi32>], vector<16xf32>,
        %parallel_loop3A_198 = arith.addf %parallel_loop3A_197, %parallel_loop3A_188 : vector<16xf32>
        tpu.vector_store_idx %arg11[%parallel_loop3A_178, %add3A_17], %parallel_loop3A_198 : memref<64x128xf32, #tpu.memory_space<vmem>>[vector<16xi32>, vector<16xi32>], vector<16xf32>,
        %parallel_loop3A_199 = tpu.vector_load_idx %arg9[%add3A_20, %parallel_loop3A_178] : memref<128x64xf32, #tpu.memory_space<vmem>>[vector<16xi32>, vector<16xi32>], vector<16xf32>,
        %parallel_loop3A_200 = arith.addf %parallel_loop3A_199, %parallel_loop3A_188 : vector<16xf32>
        tpu.vector_store_idx %arg11[%parallel_loop3A_178, %add3A_20], %parallel_loop3A_200 : memref<64x128xf32, #tpu.memory_space<vmem>>[vector<16xi32>, vector<16xi32>], vector<16xf32>,
        %parallel_loop3A_201 = tpu.vector_load_idx %arg9[%add3A_23, %parallel_loop3A_178] : memref<128x64xf32, #tpu.memory_space<vmem>>[vector<16xi32>, vector<16xi32>], vector<16xf32>,
        %parallel_loop3A_202 = arith.addf %parallel_loop3A_201, %parallel_loop3A_188 : vector<16xf32>
        tpu.vector_store_idx %arg11[%parallel_loop3A_178, %add3A_23], %parallel_loop3A_202 : memref<64x128xf32, #tpu.memory_space<vmem>>[vector<16xi32>, vector<16xi32>], vector<16xf32>,
        %parallel_loop3A_203 = tpu.vector_load_idx %arg9[%add3A_26, %parallel_loop3A_178] : memref<128x64xf32, #tpu.memory_space<vmem>>[vector<16xi32>, vector<16xi32>], vector<16xf32>,
        %parallel_loop3A_204 = arith.addf %parallel_loop3A_203, %parallel_loop3A_188 : vector<16xf32>
        tpu.vector_store_idx %arg11[%parallel_loop3A_178, %add3A_26], %parallel_loop3A_204 : memref<64x128xf32, #tpu.memory_space<vmem>>[vector<16xi32>, vector<16xi32>], vector<16xf32>,
        %parallel_loop3A_205 = arith.constant 32 : i32
        %parallel_loop3A_206 = vector.broadcast %parallel_loop3A_205 : i32 to vector<16xi32>
        %parallel_loop3A_207 = arith.addi %parallel_loop3A_206, %parallel_loop3A_146 : vector<16xi32>
        %parallel_loop3A_208 = arith.constant 0 : i32
        %parallel_loop3A_209 = vector.broadcast %parallel_loop3A_208 : i32 to vector<16xi32>
        %parallel_loop3A_210 = arith.cmpi slt, %parallel_loop3A_146, %parallel_loop3A_209 : vector<16xi32>
        %parallel_loop3A_211 = arith.constant 16 : i32
        %parallel_loop3A_212 = vector.broadcast %parallel_loop3A_211 : i32 to vector<16xi32>
        %parallel_loop3A_213 = arith.addi %parallel_loop3A_146, %parallel_loop3A_212 : vector<16xi32>
        %parallel_loop3A_214 = arith.select %parallel_loop3A_210, %parallel_loop3A_213, %parallel_loop3A_146 : vector<16xi1>, vector<16xi32>
        %parallel_loop3A_215 = vector.shape_cast %parallel_loop3A_214 : vector<16xi32> to vector<16x1xi32>
        %parallel_loop3A_216 = vector.shape_cast %parallel_loop3A_215 : vector<16x1xi32> to vector<16xi32>
        %parallel_loop3A_217 = tpu.dynamic_gather %get3A_121[%parallel_loop3A_216] in [0] : vector<16xf32>, vector<16xi32> -> vector<16xf32>
        %parallel_loop3A_218 = tpu.vector_load_idx %arg9[%add3A_5, %parallel_loop3A_207] : memref<128x64xf32, #tpu.memory_space<vmem>>[vector<16xi32>, vector<16xi32>], vector<16xf32>,
        %parallel_loop3A_219 = arith.addf %parallel_loop3A_218, %parallel_loop3A_217 : vector<16xf32>
        tpu.vector_store_idx %arg11[%parallel_loop3A_207, %add3A_5], %parallel_loop3A_219 : memref<64x128xf32, #tpu.memory_space<vmem>>[vector<16xi32>, vector<16xi32>], vector<16xf32>,
        %parallel_loop3A_220 = tpu.vector_load_idx %arg9[%add3A_8, %parallel_loop3A_207] : memref<128x64xf32, #tpu.memory_space<vmem>>[vector<16xi32>, vector<16xi32>], vector<16xf32>,
        %parallel_loop3A_221 = arith.addf %parallel_loop3A_220, %parallel_loop3A_217 : vector<16xf32>
        tpu.vector_store_idx %arg11[%parallel_loop3A_207, %add3A_8], %parallel_loop3A_221 : memref<64x128xf32, #tpu.memory_space<vmem>>[vector<16xi32>, vector<16xi32>], vector<16xf32>,
        %parallel_loop3A_222 = tpu.vector_load_idx %arg9[%add3A_11, %parallel_loop3A_207] : memref<128x64xf32, #tpu.memory_space<vmem>>[vector<16xi32>, vector<16xi32>], vector<16xf32>,
        %parallel_loop3A_223 = arith.addf %parallel_loop3A_222, %parallel_loop3A_217 : vector<16xf32>
        tpu.vector_store_idx %arg11[%parallel_loop3A_207, %add3A_11], %parallel_loop3A_223 : memref<64x128xf32, #tpu.memory_space<vmem>>[vector<16xi32>, vector<16xi32>], vector<16xf32>,
        %parallel_loop3A_224 = tpu.vector_load_idx %arg9[%add3A_14, %parallel_loop3A_207] : memref<128x64xf32, #tpu.memory_space<vmem>>[vector<16xi32>, vector<16xi32>], vector<16xf32>,
        %parallel_loop3A_225 = arith.addf %parallel_loop3A_224, %parallel_loop3A_217 : vector<16xf32>
        tpu.vector_store_idx %arg11[%parallel_loop3A_207, %add3A_14], %parallel_loop3A_225 : memref<64x128xf32, #tpu.memory_space<vmem>>[vector<16xi32>, vector<16xi32>], vector<16xf32>,
        %parallel_loop3A_226 = tpu.vector_load_idx %arg9[%add3A_17, %parallel_loop3A_207] : memref<128x64xf32, #tpu.memory_space<vmem>>[vector<16xi32>, vector<16xi32>], vector<16xf32>,
        %parallel_loop3A_227 = arith.addf %parallel_loop3A_226, %parallel_loop3A_217 : vector<16xf32>
        tpu.vector_store_idx %arg11[%parallel_loop3A_207, %add3A_17], %parallel_loop3A_227 : memref<64x128xf32, #tpu.memory_space<vmem>>[vector<16xi32>, vector<16xi32>], vector<16xf32>,
        %parallel_loop3A_228 = tpu.vector_load_idx %arg9[%add3A_20, %parallel_loop3A_207] : memref<128x64xf32, #tpu.memory_space<vmem>>[vector<16xi32>, vector<16xi32>], vector<16xf32>,
        %parallel_loop3A_229 = arith.addf %parallel_loop3A_228, %parallel_loop3A_217 : vector<16xf32>
        tpu.vector_store_idx %arg11[%parallel_loop3A_207, %add3A_20], %parallel_loop3A_229 : memref<64x128xf32, #tpu.memory_space<vmem>>[vector<16xi32>, vector<16xi32>], vector<16xf32>,
        %parallel_loop3A_230 = tpu.vector_load_idx %arg9[%add3A_23, %parallel_loop3A_207] : memref<128x64xf32, #tpu.memory_space<vmem>>[vector<16xi32>, vector<16xi32>], vector<16xf32>,
        %parallel_loop3A_231 = arith.addf %parallel_loop3A_230, %parallel_loop3A_217 : vector<16xf32>
        tpu.vector_store_idx %arg11[%parallel_loop3A_207, %add3A_23], %parallel_loop3A_231 : memref<64x128xf32, #tpu.memory_space<vmem>>[vector<16xi32>, vector<16xi32>], vector<16xf32>,
        %parallel_loop3A_232 = tpu.vector_load_idx %arg9[%add3A_26, %parallel_loop3A_207] : memref<128x64xf32, #tpu.memory_space<vmem>>[vector<16xi32>, vector<16xi32>], vector<16xf32>,
        %parallel_loop3A_233 = arith.addf %parallel_loop3A_232, %parallel_loop3A_217 : vector<16xf32>
        tpu.vector_store_idx %arg11[%parallel_loop3A_207, %add3A_26], %parallel_loop3A_233 : memref<64x128xf32, #tpu.memory_space<vmem>>[vector<16xi32>, vector<16xi32>], vector<16xf32>,
        %parallel_loop3A_234 = arith.constant 48 : i32
        %parallel_loop3A_235 = vector.broadcast %parallel_loop3A_234 : i32 to vector<16xi32>
        %parallel_loop3A_236 = arith.addi %parallel_loop3A_235, %parallel_loop3A_146 : vector<16xi32>
        %parallel_loop3A_237 = arith.constant 0 : i32
        %parallel_loop3A_238 = vector.broadcast %parallel_loop3A_237 : i32 to vector<16xi32>
        %parallel_loop3A_239 = arith.cmpi slt, %parallel_loop3A_146, %parallel_loop3A_238 : vector<16xi32>
        %parallel_loop3A_240 = arith.constant 16 : i32
        %parallel_loop3A_241 = vector.broadcast %parallel_loop3A_240 : i32 to vector<16xi32>
        %parallel_loop3A_242 = arith.addi %parallel_loop3A_146, %parallel_loop3A_241 : vector<16xi32>
        %parallel_loop3A_243 = arith.select %parallel_loop3A_239, %parallel_loop3A_242, %parallel_loop3A_146 : vector<16xi1>, vector<16xi32>
        %parallel_loop3A_244 = vector.shape_cast %parallel_loop3A_243 : vector<16xi32> to vector<16x1xi32>
        %parallel_loop3A_245 = vector.shape_cast %parallel_loop3A_244 : vector<16x1xi32> to vector<16xi32>
        %parallel_loop3A_246 = tpu.dynamic_gather %get3A_124[%parallel_loop3A_245] in [0] : vector<16xf32>, vector<16xi32> -> vector<16xf32>
        %parallel_loop3A_247 = tpu.vector_load_idx %arg9[%add3A_5, %parallel_loop3A_236] : memref<128x64xf32, #tpu.memory_space<vmem>>[vector<16xi32>, vector<16xi32>], vector<16xf32>,
        %parallel_loop3A_248 = arith.addf %parallel_loop3A_247, %parallel_loop3A_246 : vector<16xf32>
        tpu.vector_store_idx %arg11[%parallel_loop3A_236, %add3A_5], %parallel_loop3A_248 : memref<64x128xf32, #tpu.memory_space<vmem>>[vector<16xi32>, vector<16xi32>], vector<16xf32>,
        %parallel_loop3A_249 = tpu.vector_load_idx %arg9[%add3A_8, %parallel_loop3A_236] : memref<128x64xf32, #tpu.memory_space<vmem>>[vector<16xi32>, vector<16xi32>], vector<16xf32>,
        %parallel_loop3A_250 = arith.addf %parallel_loop3A_249, %parallel_loop3A_246 : vector<16xf32>
        tpu.vector_store_idx %arg11[%parallel_loop3A_236, %add3A_8], %parallel_loop3A_250 : memref<64x128xf32, #tpu.memory_space<vmem>>[vector<16xi32>, vector<16xi32>], vector<16xf32>,
        %parallel_loop3A_251 = tpu.vector_load_idx %arg9[%add3A_11, %parallel_loop3A_236] : memref<128x64xf32, #tpu.memory_space<vmem>>[vector<16xi32>, vector<16xi32>], vector<16xf32>,
        %parallel_loop3A_252 = arith.addf %parallel_loop3A_251, %parallel_loop3A_246 : vector<16xf32>
        tpu.vector_store_idx %arg11[%parallel_loop3A_236, %add3A_11], %parallel_loop3A_252 : memref<64x128xf32, #tpu.memory_space<vmem>>[vector<16xi32>, vector<16xi32>], vector<16xf32>,
        %parallel_loop3A_253 = tpu.vector_load_idx %arg9[%add3A_14, %parallel_loop3A_236] : memref<128x64xf32, #tpu.memory_space<vmem>>[vector<16xi32>, vector<16xi32>], vector<16xf32>,
        %parallel_loop3A_254 = arith.addf %parallel_loop3A_253, %parallel_loop3A_246 : vector<16xf32>
        tpu.vector_store_idx %arg11[%parallel_loop3A_236, %add3A_14], %parallel_loop3A_254 : memref<64x128xf32, #tpu.memory_space<vmem>>[vector<16xi32>, vector<16xi32>], vector<16xf32>,
        %parallel_loop3A_255 = tpu.vector_load_idx %arg9[%add3A_17, %parallel_loop3A_236] : memref<128x64xf32, #tpu.memory_space<vmem>>[vector<16xi32>, vector<16xi32>], vector<16xf32>,
        %parallel_loop3A_256 = arith.addf %parallel_loop3A_255, %parallel_loop3A_246 : vector<16xf32>
        tpu.vector_store_idx %arg11[%parallel_loop3A_236, %add3A_17], %parallel_loop3A_256 : memref<64x128xf32, #tpu.memory_space<vmem>>[vector<16xi32>, vector<16xi32>], vector<16xf32>,
        %parallel_loop3A_257 = tpu.vector_load_idx %arg9[%add3A_20, %parallel_loop3A_236] : memref<128x64xf32, #tpu.memory_space<vmem>>[vector<16xi32>, vector<16xi32>], vector<16xf32>,
        %parallel_loop3A_258 = arith.addf %parallel_loop3A_257, %parallel_loop3A_246 : vector<16xf32>
        tpu.vector_store_idx %arg11[%parallel_loop3A_236, %add3A_20], %parallel_loop3A_258 : memref<64x128xf32, #tpu.memory_space<vmem>>[vector<16xi32>, vector<16xi32>], vector<16xf32>,
        %parallel_loop3A_259 = tpu.vector_load_idx %arg9[%add3A_23, %parallel_loop3A_236] : memref<128x64xf32, #tpu.memory_space<vmem>>[vector<16xi32>, vector<16xi32>], vector<16xf32>,
        %parallel_loop3A_260 = arith.addf %parallel_loop3A_259, %parallel_loop3A_246 : vector<16xf32>
        tpu.vector_store_idx %arg11[%parallel_loop3A_236, %add3A_23], %parallel_loop3A_260 : memref<64x128xf32, #tpu.memory_space<vmem>>[vector<16xi32>, vector<16xi32>], vector<16xf32>,
        %parallel_loop3A_261 = tpu.vector_load_idx %arg9[%add3A_26, %parallel_loop3A_236] : memref<128x64xf32, #tpu.memory_space<vmem>>[vector<16xi32>, vector<16xi32>], vector<16xf32>,
        %parallel_loop3A_262 = arith.addf %parallel_loop3A_261, %parallel_loop3A_246 : vector<16xf32>
        tpu.vector_store_idx %arg11[%parallel_loop3A_236, %add3A_26], %parallel_loop3A_262 : memref<64x128xf32, #tpu.memory_space<vmem>>[vector<16xi32>, vector<16xi32>], vector<16xf32>,
      } {sc.loop_unroll_factor = 8 : i64, sc.parallel_access}
      %add3A_128 = arith.constant 2 : i32
      %add3A_129 = arith.addi %add3A_100, %add3A_128 : i32
      %lt3A_130 = arith.constant 200 : i32
      %lt3A_131 = arith.cmpi slt, %add3A_129, %lt3A_130 : i32
      %convert_element_type3A_132 = arith.extui %lt3A_131 : i1 to i32
      %cond3A_133 = arith.constant 0 : i32
      %cond3A_134 = arith.cmpi ne, %convert_element_type3A_132, %cond3A_133 : i32
      scf.if %cond3A_134 {
        %add3A_141 = arith.constant 2 : i32
        %add3A_142 = arith.addi %add3A_100, %add3A_141 : i32
        %dma_start3A_143 = arith.constant 0 : i32
        %dma_start3A_144 = tpu.memref_slice %arg6[%add3A_142, %dma_start3A_143] : memref<200x128xi32, #tpu.memory_space<vmem>> -> memref<1x128xi32, #tpu.memory_space<vmem>>
        %dma_start3A_145 = tpu.memref_squeeze %dma_start3A_144 : memref<1x128xi32, #tpu.memory_space<vmem>> -> memref<128xi32, #tpu.memory_space<vmem>>
        %dma_start3A_146 = arith.constant 0 : i32
        %dma_start3A_147 = arith.constant 0 : i32
        %dma_start3A_148 = tpu.memref_slice %arg3[%dma_start3A_146, %dma_start3A_147] : memref<1000000x64xf32, #tpu.memory_space<hbm>> -> memref<1000000x64xf32, #tpu.memory_space<hbm>>
        tpu.enqueue_indirect_dma source(%dma_start3A_148 : memref<1000000x64xf32, #tpu.memory_space<hbm>>) target(%arg9 : memref<128x64xf32, #tpu.memory_space<vmem>>) offsets(%dma_start3A_145 : memref<128xi32, #tpu.memory_space<vmem>>) semaphore(%arg13 : memref<!tpu.dma_semaphore, #tpu.memory_space<semaphore_mem>>)
      } else {
      }
      %dma_start3A_135 = arith.constant 0 : i32
      %dma_start3A_136 = tpu.memref_slice %arg5[%add3A_100, %dma_start3A_135, %mul3A_2] : memref<200x64x4096xf32, #tpu.memory_space<hbm>> -> memref<1x64x128xf32, #tpu.memory_space<hbm>>
      %dma_start3A_137 = tpu.memref_squeeze %dma_start3A_136 : memref<1x64x128xf32, #tpu.memory_space<hbm>> -> memref<64x128xf32, #tpu.memory_space<hbm>>
      %dma_start3A_138 = arith.constant 0 : i32
      %dma_start3A_139 = tpu.memref_slice %arg5[%add3A_100, %dma_start3A_138, %mul3A_2] : memref<200x64x4096xf32, #tpu.memory_space<hbm>> -> memref<1x64x128xf32, #tpu.memory_space<hbm>>
      %dma_start3A_140 = tpu.memref_squeeze %dma_start3A_139 : memref<1x64x128xf32, #tpu.memory_space<hbm>> -> memref<64x128xf32, #tpu.memory_space<hbm>>
      tpu.enqueue_dma source(%arg11 : memref<64x128xf32, #tpu.memory_space<vmem>>) target(%dma_start3A_140 : memref<64x128xf32, #tpu.memory_space<hbm>>) target_semaphore(%arg15 : memref<!tpu.dma_semaphore, #tpu.memory_space<semaphore_mem>>)
    }
    %scan3A_44 = arith.constant 100 : i32
    %dma_wait3A = arith.constant 0 : i32
    %dma_wait3A_45 = arith.constant 0 : i32
    %dma_wait3A_46 = tpu.memref_slice %arg5[%dma_wait3A, %dma_wait3A_45, %mul3A_2] : memref<200x64x4096xf32, #tpu.memory_space<hbm>> -> memref<1x64x128xf32, #tpu.memory_space<hbm>>
    %dma_wait3A_47 = tpu.memref_squeeze %dma_wait3A_46 : memref<1x64x128xf32, #tpu.memory_space<hbm>> -> memref<64x128xf32, #tpu.memory_space<hbm>>
    %dma_wait3A_48 = arith.constant 0 : i32
    %dma_wait3A_49 = tpu.memref_slice %arg5[%dma_wait3A, %dma_wait3A_48, %mul3A_2] : memref<200x64x4096xf32, #tpu.memory_space<hbm>> -> memref<1x64x128xf32, #tpu.memory_space<hbm>>
    %dma_wait3A_50 = tpu.memref_squeeze %dma_wait3A_49 : memref<1x64x128xf32, #tpu.memory_space<hbm>> -> memref<64x128xf32, #tpu.memory_space<hbm>>
    tpu.wait_dma2 semaphore(%arg14 : memref<!tpu.dma_semaphore, #tpu.memory_space<semaphore_mem>>) src(%arg10 : memref<64x128xf32, #tpu.memory_space<vmem>>) dst(%dma_wait3A_50 : memref<64x128xf32, #tpu.memory_space<hbm>>)
    %dma_wait3A_51 = arith.constant 0 : i32
    %dma_wait3A_52 = arith.constant 0 : i32
    %dma_wait3A_53 = tpu.memref_slice %arg5[%dma_wait3A_51, %dma_wait3A_52, %mul3A_2] : memref<200x64x4096xf32, #tpu.memory_space<hbm>> -> memref<1x64x128xf32, #tpu.memory_space<hbm>>
    %dma_wait3A_54 = tpu.memref_squeeze %dma_wait3A_53 : memref<1x64x128xf32, #tpu.memory_space<hbm>> -> memref<64x128xf32, #tpu.memory_space<hbm>>
    %dma_wait3A_55 = arith.constant 0 : i32
    %dma_wait3A_56 = tpu.memref_slice %arg5[%dma_wait3A_51, %dma_wait3A_55, %mul3A_2] : memref<200x64x4096xf32, #tpu.memory_space<hbm>> -> memref<1x64x128xf32, #tpu.memory_space<hbm>>
    %dma_wait3A_57 = tpu.memref_squeeze %dma_wait3A_56 : memref<1x64x128xf32, #tpu.memory_space<hbm>> -> memref<64x128xf32, #tpu.memory_space<hbm>>
    tpu.wait_dma2 semaphore(%arg15 : memref<!tpu.dma_semaphore, #tpu.memory_space<semaphore_mem>>) src(%arg11 : memref<64x128xf32, #tpu.memory_space<vmem>>) dst(%dma_wait3A_57 : memref<64x128xf32, #tpu.memory_space<hbm>>)
    return
  }
}

</mosaic_0001>

<sc_bundles>
// kernel: _pe_embed.4.cloned.1.call-start
scs
__scs_entry_jumppad:
0x0: {  	(pc) =	sbr.rel $0x88, $3  }
0x1: {  	(tag) =	ssettag $0x0;
	lr =	simm.s32 $0x1  }
0x2: {  	[smem:$0x3F9E] =	sst lr;
	_ =	strace $0xD0000000  }
0x3: {  	_ = 	snop  }
0x4: {  	_ = 	snop  }
0x5: {  	_ = 	snop  }
0x6: {  	_ = 	snop  }
0x7: {  	_ = 	snop  }
__scs_overlays_trampoline_lowered:
0x8: {  	[smem:$0x3FAD] =	sst s0  }
0x9: {  	[smem:$0x3FAE] =	sst s1  }
0xa: {  	[smem:$0x3FAF] =	sst s2  }
0xb: {  	[smem:$0x3FB0] =	sst s3  }
0xc: {  	[smem:$0x3FB1] =	sst s4  }
0xd: {  	[smem:$0x3FB2] =	sst s5  }
0xe: {  	[smem:$0x3FB3] =	sst s6  }
0xf: {  	[smem:$0x3FB4] =	sst s7  }
0x10: {  	[smem:$0x3FB5] =	sst s8  }
0x11: {  	[smem:$0x3FB6] =	sst s9;
	s0 =	simm.s32 @!p0 $0x0  }
0x12: {  	s1 =	sld [smem:$0x3F9C];
	s0 =	simm.s32 @p0 $0x1  }
0x13: {  	[smem:$0x3FB7] =	sst s0;
	s0 =	simm.s32 @!p1 $0x0  }
0x14: {  	s2 =	sld [smem:$0x3F9B];
	s0 =	simm.s32 @p1 $0x1  }
0x15: {  	[smem:$0x3FB8] =	sst s0;
	s0 =	simm.s32 @!p2 $0x0  }
0x16: {  	s3 =	sld [smem:$0x3FDB];
	s0 =	simm.s32 @p2 $0x1  }
0x17: {  	s4 =	simm.s32 $0x1BF5;
	[smem:$0x3FBA] =	sst s0  }
0x18: {  	s0 =	sld [smem:$0x3F9D];
	_ =	swait.ge [sflag:s4], $0x0  }
0x19: {  	s7 =	sld [smem:$0x3F9E]  }
0x1a: {  	s8 =	sadd.s32 $0xFFFFE003, lr  }
0x1b: {  	s9 =	sadd.s32 $0xFFFFFEF7, lr;
	s5 =	simm.s32 $0xFFFFFFFF;
	p2 =	slt.u32 s8, $0xFFFFF086  }
0x1c: {  	p1 =	slt.u32 s9, $0xF7A;
	s5 =	simm.s32 @!p2 $0x0  }
0x1d: {  	s5 =	simm.s32 @p1 $0x1;
	p0 =	seq.s32 s7, s2  }
0x1e: {  	s7 =	smul.u32 @!p0 $0xF7A, s2;
	p2 =	seq.s32 @!p0 s5, $0x0  }
0x1f: {  	s9 =	smul.u32 $0xF7A, s1;
	s8 =	simm.s32 @!p0 $0x1BF5;
	p2 =	por !p2, p0  }
0x20: {  	[sflag:s8] =	ssyncset.s32 @!p0 $0xFFFFF086;
	s6 =	sadd.s32 @!p0 s3, s7;
	s7 =	simm.s32 @!p0 $0x108  }
0x21: {  	s3 =	sadd.s32 s3, s9;
	s6 =	sadd.s32 @!p0 $0x88, s6;
	s7 =	simm.s32 @p2 $0x1082  }
0x22: {  	[simem:s7], [sflag:s8] =	dma.local @!p0 [hbm:s6], $0xF7A  }
0x23: {  	s9 =	sor.u32 $0xD0000000, s2;
	s6 =	simm.s32 $0x108;
	_ =	swait.ge @!p0 [sflag:s8], $0x0  }
0x24: {  	s3 =	sadd.s32 $0x88, s3;
	s6 =	simm.s32 @!p1 $0x1082;
	[sflag:s4] =	ssyncset.s32 $0xFFFFF086  }
0x25: {  	[simem:s6], [sflag:s4] =	dma.local [hbm:s3], $0xF7A  }
0x26: {  	[smem:$0x3F9E] =	sst s1;
	(tag) =	ssettag s2;
	_ =	strace s9  }
0x27: {  	s1 =	sld [smem:$0x3FAE]  }
0x28: {  	s2 =	sld [smem:$0x3FAF]  }
0x29: {  	s4 =	sld [smem:$0x3FB1]  }
0x2a: {  	p0 =	seq.s32 s5, $0x0;
	s5 =	sld [smem:$0x3FB2]  }
0x2b: {  	s6 =	sld [smem:$0x3FB3]  }
0x2c: {  	s7 =	sld [smem:$0x3FB4]  }
0x2d: {  	s3 =	simm.s32 $0x108;
	s8 =	sld [smem:$0x3FB5]  }
0x2e: {  	s3 =	simm.s32 @!p0 $0x1082;
	s9 =	sld [smem:$0x3FB6]  }
0x2f: {  	lr =	sadd.s32 s0, s3;
	s0 =	sld [smem:$0x3FAD]  }
0x30: {  	s3 =	sld [smem:$0x3FB0]  }
0x31: {  	[smem:$0x3FB9] =	sst s10  }
0x32: {  	s10 =	sld [smem:$0x3FB7];
	_ =	sdelay $0x3  }
0x33: {  	p0 =	seq.s32 s10, $0x1;
	s10 =	sld [smem:$0x3FB9];
	_ =	sdelay $0x3  }
0x34: {  	[smem:$0x3FB9] =	sst s10  }
0x35: {  	s10 =	sld [smem:$0x3FB8];
	_ =	sdelay $0x3  }
0x36: {  	p1 =	seq.s32 s10, $0x1;
	s10 =	sld [smem:$0x3FB9];
	_ =	sdelay $0x3  }
0x37: {  	[smem:$0x3FB9] =	sst s10  }
0x38: {  	s10 =	sld [smem:$0x3FBA]  }
0x39: {  	_ = 	snop;
	(pc) =	sbr.ind lr, $3  }
0x3a: {  	_ = 	snop  }
0x3b: {  	_ = 	snop  }
0x3c: {  	p2 =	seq.s32 s10, $0x1;
	s10 =	sld [smem:$0x3FB9]  }
0x3d: {  	_ =	shalt  }
0x3e: {  	_ =	shalt  }
0x3f: {  	_ =	shalt  }
0x40: {  	_ =	shalt  }
0x41: {  	_ =	shalt  }
0x42: {  	_ =	shalt  }
0x43: {  	_ =	shalt  }
0x44: {  	_ =	shalt  }
0x45: {  	_ =	shalt  }
0x46: {  	_ =	shalt  }
0x47: {  	_ =	shalt  }
0x48: {  	_ =	shalt  }
0x49: {  	_ =	shalt  }
0x4a: {  	_ =	shalt  }
0x4b: {  	_ =	shalt  }
0x4c: {  	_ =	shalt  }
0x4d: {  	_ =	shalt  }
0x4e: {  	_ =	shalt  }
0x4f: {  	_ =	shalt  }
0x50: {  	_ =	shalt  }
0x51: {  	_ =	shalt  }
0x52: {  	_ =	shalt  }
0x53: {  	_ =	shalt  }
0x54: {  	_ =	shalt  }
0x55: {  	_ =	shalt  }
0x56: {  	_ =	shalt  }
0x57: {  	_ =	shalt  }
0x58: {  	_ =	shalt  }
0x59: {  	_ =	shalt  }
0x5a: {  	_ =	shalt  }
0x5b: {  	_ =	shalt  }
0x5c: {  	_ =	shalt  }
0x5d: {  	_ =	shalt  }
0x5e: {  	_ =	shalt  }
0x5f: {  	_ =	shalt  }
0x60: {  	_ =	shalt  }
0x61: {  	_ =	shalt  }
0x62: {  	_ =	shalt  }
0x63: {  	_ =	shalt  }
0x64: {  	_ =	shalt  }
0x65: {  	_ =	shalt  }
0x66: {  	_ =	shalt  }
0x67: {  	_ =	shalt  }
0x68: {  	_ =	shalt  }
0x69: {  	_ =	shalt  }
0x6a: {  	_ =	shalt  }
0x6b: {  	_ =	shalt  }
0x6c: {  	_ =	shalt  }
0x6d: {  	_ =	shalt  }
0x6e: {  	_ =	shalt  }
0x6f: {  	_ =	shalt  }
0x70: {  	_ =	shalt  }
0x71: {  	_ =	shalt  }
0x72: {  	_ =	shalt  }
0x73: {  	_ =	shalt  }
0x74: {  	_ =	shalt  }
0x75: {  	_ =	shalt  }
0x76: {  	_ =	shalt  }
0x77: {  	_ =	shalt  }
0x78: {  	_ =	shalt  }
0x79: {  	_ =	shalt  }
0x7a: {  	_ =	shalt  }
0x7b: {  	_ =	shalt  }
0x7c: {  	_ =	shalt  }
0x7d: {  	_ =	shalt  }
0x7e: {  	_ =	shalt  }
0x7f: {  	_ =	shalt  }
0x80: {  	_ =	shalt  }
0x81: {  	_ =	shalt  }
0x82: {  	_ =	shalt  }
0x83: {  	_ =	shalt  }
0x84: {  	_ =	shalt  }
0x85: {  	_ =	shalt  }
0x86: {  	_ =	shalt  }
0x87: {  	_ =	shalt  }
.Lfunc_end0:
.L_simem_size_0:
called_computation_lowered:
.L_overlay_start_0:
0x88: {  	s2 =	sld [smem:$0x3FD9]  }
0x89: {  	s3 =	sld [smem:$0x3FFE];
	_ =	sdelay $0x1  }
0x8a: {  	s1 =	srdreg.scid  }
0x8b: {  	s0 =	sand.u32 $0x1, s1  }
0x8c: {  	s17 =	sshll.u32 s0, $0xA;
	s2 =	sadd.s32 s3, s2  }
0x8d: {  	s2 =	sadd.s32 s2, s17  }
0x8e: {  	[smem:$0x3FC5] =	sst s2  }
0x8f: {  	_ = 	snop  }
0x90: {  	s2 =	sld [smem:$0x3FC8];
	(tm) =	ssettm $0x1  }
0x91: {  	s18 =	sld [smem:$0x3FFB];
	_ =	sdelay $0x3  }
0x92: {  	_ =	strace s18  }
0x93: {  	s3 =	sld [smem:$0x3FFC];
	_ =	sdelay $0x3  }
0x94: {  	_ =	strace s3  }
0x95: {  	s3 =	sld [smem:$0x3FFD];
	_ =	sdelay $0x3  }
0x96: {  	_ =	strace s3  }
0x97: {  	_ =	strace $0x8FFFFFFF  }
0x98: {  	s19 =	sld [smem:$0x3FDB];
	_ =	sdelay $0x1  }
0x99: {  	s4 =	simm.s32 $_scs_section_size  }
0x9a: {  	s5 =	simm.s32 $_size__tile_overlayer_lowered;
	s6 =	simm.s32 $_tile_overlayer_lowered  }
0x9b: {  	s22 =	simm.s32 $0x1BFF;
	s21 =	sshll.u32 s6, $0x1;
	s3 =	sadd.s32 s4, s19  }
0x9c: {  	s7 =	simm.s32 $0x0;
	s20 =	sshll.u32 s5, $0x1;
	s5 =	sadd.s32 s21, s3  }
0x9d: {  	[timem:s7], [sflag:s22] =	dma.local [hbm:s5], s20  }
0x9e: {  	_ =	swait.ge [sflag:s22], s20  }
0x9f: {  	s4 =	ssub.s32 $0x0, s20;
	[sflag:s22] =	ssyncset.done $0x0  }
0xa0: {  	[sflag:s22] =	ssyncadd.s32 s4;
	_ =	sdelay $0x1  }
0xa1: {  	s23 =	simm.s32 $0x1B8B  }
0xa2: {  	_ =	swait.ge [sflag:s23], $0x1  }
0xa3: {  	[sflag:s23] =	ssyncset.done $0x0  }
0xa4: {  	s25 =	simm.s32 $0x1B8E;
	s24 =	sld [smem:$0x3FFE];
	[sflag:s23] =	ssyncadd.s32 $0xFFFFFFFF  }
0xa5: {  	s26 =	simm.s32 $execute0_lowered;
	[smem:$0x3FD2] =	sst s25  }
0xa6: {  	s5 =	sshll.u32 s26, $0x1;
	_ =	strace $0x80000046;
	[dreg:$0x1] =	wrdreg $0xFFFFFFFF  }
0xa7: {  	s28 =	simm.s32 $_size_execute0_lowered;
	s3 =	sadd.s32 s3, s5;
	[dreg:$0x0] =	wrdreg $0x0  }
0xa8: {  	s5 =	sshll.u32 s28, $0x1;
	[dreg:$0x2] =	wrdreg s3  }
0xa9: {  	[dreg:$0x3] =	wrdreg s5  }
0xaa: {  	[dreg:$0x4] =	wrdreg $0xC0  }
0xab: {  	_ =	task [dreg:s7], $0x5FFFF  }
0xac: {  	[dreg:$0x1] =	wrdreg $0xFFFFFFFF  }
0xad: {  	[dreg:$0x0] =	wrdreg $0x60  }
0xae: {  	[dreg:$0x2] =	wrdreg s2  }
0xaf: {  	[dreg:$0x3] =	wrdreg s24  }
0xb0: {  	[dreg:$0x4] =	wrdreg $0x9  }
0xb1: {  	_ =	task.clear_ibuf [dreg:s7], $0x5FFFF;
	_ =	strace $0x90000046  }
0xb2: {  	s29 =	simm.s32 $0x9;
	_ =	strace $0x80000048  }
0xb3: {  	_ =	swait.ge [sflag:s29], $0x1  }
0xb4: {  	[sflag:s29] =	ssyncadd.s32 $0xFFFFFFFF  }
0xb5: {  	_ =	strace $0x90000048  }
0xb6: {  	_ =	sfence  }
0xb7: {  	s30 =	sld [smem:$0x0];
	_ =	sdelay $0x2  }
0xb8: {  	s31 =	sshll.u32 s1, $0xD;
	s1 =	sshrl.u32 s1, $0x2  }
0xb9: {  	s3 =	sand.u32 $0x4000, s31;
	s1 =	sadd.s32 s1, s30  }
0xba: {  	s0 =	sor.u32 s3, s0;
	s1 =	sshll.u32 s1, $0x11  }
0xbb: {  	s0 =	sor.u32 s1, s0  }
0xbc: {  	s0 =	sadd.s32 $0x8F2B, s0  }
0xbd: {  	[sflag:s0] =	ssyncadd.remote.s32 $0x1  }
0xbe: {  	_ =	sfence.sel $0xFFFF  }
0xbf: {  	[dreg:$0x0] =	wrdreg $0xFFFFFFFF;
	(pc) =	sbr.abs _section_cstart, $3  }
0xc0: {  	[dreg:$0x1] =	wrdreg $0xFFFFFFFF  }
0xc1: {  	_ =	task.clear_ibuf [dreg:s7], $0x2FFFF;
	_ =	strace $0x9FFFFFFF  }
0xc2: {  	(tm) =	ssettm $0x7FFFFFFF  }
0xc3: {  	_ =	shalt  }
tec
execute0_lowered:
.L_overlay_start_1:
0x0: {  	(tag) =	ssettag $0x1  }
0x1: {  	s7 =	rddreg [dreg:$0x0]  }
0x2: {  	v43 =	vlaneseq.u32;
	s8 =	rddreg [dreg:$0x1];
	s2 =	simm.s32 $0x0  }
0x3: {  	[smem:$0x7FF] =	sst s2;
	v20 =	vor.u32 $0x1820, v43  }
0x4: {  	s0 =	rddreg [dreg:$0x2];
	v61 =	vor.u32 $0x1870, v43;
	_ =	strace $0x80000047;
	[tilespmem:$0x1FC10] =	vst v20  }
0x5: {  	v40 =	vor.u32 $0x1800, v43;
	[tilespmem:$0x1FC40] =	vst v61  }
0x6: {  	v41 =	vor.u32 $0x1810, v43;
	[tilespmem:$0x1FC60] =	vst v40  }
0x7: {  	v60 =	vor.u32 $0x1840, v43;
	[tilespmem:$0x1FC80] =	vst v41  }
0x8: {  	v0 =	vor.u32 $0x840, v43;
	[tilespmem:$0x1FCB0] =	vst v60  }
0x9: {  	v6 =	vor.u32 $0x850, v43;
	[tilespmem:$0x1FCC0] =	vst v0  }
0xa: {  	v24 =	vor.u32 $0x860, v43;
	[tilespmem:$0x1FCD0] =	vst v6  }
0xb: {  	v4 =	vor.u32 $0x870, v43;
	[tilespmem:$0x1FCE0] =	vst v24  }
0xc: {  	v56 =	vor.u32 $0x1040, v43;
	[tilespmem:$0x1FCF0] =	vst v4  }
0xd: {  	v37 =	vor.u32 $0x1050, v43;
	[tilespmem:$0x1FD40] =	vst v56  }
0xe: {  	v38 =	vor.u32 $0x1060, v43;
	[tilespmem:$0x1FD60] =	vst v37  }
0xf: {  	v45 =	vor.u32 $0x1070, v43;
	[tilespmem:$0x1FD80] =	vst v38  }
0x10: {  	v27 =	vor.u32 $0x70, v43;
	[tilespmem:$0x1FDA0] =	vst v45  }
0x11: {  	v34 =	vor.u32 $0x1850, v43;
	[tilespmem:$0x1FDC0] =	vst v27  }
0x12: {  	v36 =	vor.u32 $0x1860, v43;
	[tilespmem:$0x1FDE0] =	vst v34  }
0x13: {  	v32 =	vor.u32 $0x1030, v43;
	[tilespmem:$0x1FE00] =	vst v36  }
0x14: {  	v1 =	vor.u32 $0x1000, v43;
	[tilespmem:$0x1FE10] =	vst v32  }
0x15: {  	v5 =	vor.u32 $0x1010, v43;
	[tilespmem:$0x1FE30] =	vst v1  }
0x16: {  	v9 =	vor.u32 $0x1020, v43;
	[tilespmem:$0x1FE50] =	vst v5  }
0x17: {  	v58 =	vor.u32 $0x10, v43;
	[tilespmem:$0x1FE70] =	vst v9  }
0x18: {  	v52 =	vor.u32 $0x20, v43;
	[tilespmem:$0x1FEA0] =	vst v58  }
0x19: {  	v46 =	vor.u32 $0x30, v43;
	[tilespmem:$0x1FEC0] =	vst v52  }
0x1a: {  	v8 =	vor.u32 $0x40, v43;
	[tilespmem:$0x1FEE0] =	vst v46  }
0x1b: {  	v25 =	vor.u32 $0x50, v43;
	[tilespmem:$0x1FF00] =	vst v8  }
0x1c: {  	v53 =	vor.u32 $0x60, v43;
	[tilespmem:$0x1FF20] =	vst v25  }
0x1d: {  	v49 =	vor.u32 $0x800, v43;
	[tilespmem:$0x1FF40] =	vst v53  }
0x1e: {  	v16 =	vor.u32 $0x810, v43;
	[tilespmem:$0x1FF60] =	vst v49  }
0x1f: {  	v30 =	vor.u32 $0x820, v43;
	[tilespmem:$0x1FF80] =	vst v16  }
0x20: {  	v2 =	vor.u32 $0x830, v43;
	[tilespmem:$0x1FFA0] =	vst v30  }
0x21: {  	v48 =	vmul.u32 $0x40, v43;
	v22 =	vor.u32 $0x1830, v43;
	[tilespmem:$0x1FFC0] =	vst v2  }
0x22: {  	[tilespmem:$0x1FFF0] =	vst v22  }
0x23: {  	v21 =	vor.u32 $0xC30, v48;
	[tilespmem:$0x1FE90] =	vst v48  }
0x24: {  	v33 =	vor.u32 $0x1830, v48;
	[tilespmem:$0x1FC20] =	vst v21  }
0x25: {  	v62 =	vor.u32 $0x1C30, v48;
	[tilespmem:$0x1FC30] =	vst v33  }
0x26: {  	v31 =	vor.u32 $0x30, v48;
	[tilespmem:$0x1FC50] =	vst v62  }
0x27: {  	v42 =	vor.u32 $0x430, v48;
	[tilespmem:$0x1FC70] =	vst v31  }
0x28: {  	v44 =	vor.u32 $0x1C20, v48;
	[tilespmem:$0x1FC90] =	vst v42  }
0x29: {  	v59 =	vor.u32 $0x1010, v48;
	[tilespmem:$0x1FCA0] =	vst v44  }
0x2a: {  	v19 =	vor.u32 $0x1410, v48;
	[tilespmem:$0x1FD00] =	vst v59  }
0x2b: {  	v18 =	vor.u32 $0x1810, v48;
	[tilespmem:$0x1FD10] =	vst v19  }
0x2c: {  	v28 =	vor.u32 $0x1C10, v48;
	[tilespmem:$0x1FD20] =	vst v18  }
0x2d: {  	v57 =	vor.u32 $0x1020, v48;
	[tilespmem:$0x1FD30] =	vst v28  }
0x2e: {  	v23 =	vor.u32 $0x1420, v48;
	[tilespmem:$0x1FD50] =	vst v57  }
0x2f: {  	v39 =	vor.u32 $0x1820, v48;
	[tilespmem:$0x1FD70] =	vst v23  }
0x30: {  	v15 =	vor.u32 $0x1C00, v48;
	[tilespmem:$0x1FD90] =	vst v39  }
0x31: {  	v35 =	vor.u32 $0x1430, v48;
	[tilespmem:$0x1FDB0] =	vst v15  }
0x32: {  	v14 =	vor.u32 $0xC20, v48;
	[tilespmem:$0x1FDF0] =	vst v35  }
0x33: {  	v3 =	vor.u32 $0x20, v48;
	[tilespmem:$0x1FE20] =	vst v14  }
0x34: {  	v7 =	vor.u32 $0x420, v48;
	[tilespmem:$0x1FE40] =	vst v3  }
0x35: {  	v11 =	vor.u32 $0x820, v48;
	[tilespmem:$0x1FE60] =	vst v7  }
0x36: {  	v50 =	vor.u32 $0x400, v48;
	[tilespmem:$0x1FE80] =	vst v11  }
0x37: {  	s3 =	srdreg.scid;
	v54 =	vor.u32 $0x800, v48;
	[tilespmem:$0x1FEB0] =	vst v50  }
0x38: {  	s1 =	stileid.u32;
	s11 =	simm.s32 $0x7A1400;
	s12 =	simm.s32 $0x2000;
	v47 =	vor.u32 $0xC00, v48;
	[tilespmem:$0x1FED0] =	vst v54  }
0x39: {  	s13 =	simm.s32 $0x1;
	s14 =	simm.s32 $0x4000;
	s15 =	simm.s32 $0x2;
	v10 =	vor.u32 $0x1000, v48;
	[tilespmem:$0x1FEF0] =	vst v47  }
0x3a: {  	s16 =	simm.s32 $0x6000;
	s18 =	simm.s32 $0x4;
	s19 =	simm.s32 $0x8000;
	v26 =	vor.u32 $0x1400, v48;
	[tilespmem:$0x1FF10] =	vst v10  }
0x3b: {  	s20 =	simm.s32 $0x5;
	s3 =	sand.u32 $0x1, s3;
	s4 =	sshll.u32 s1, $0x1;
	v55 =	vor.u32 $0x1800, v48;
	[tilespmem:$0x1FF30] =	vst v26  }
0x3c: {  	s21 =	simm.s32 $0xA000;
	s17 =	sor.u32 s3, s4;
	s3 =	ssub.s32 $0x2, s3;
	v29 =	vor.u32 $0x10, v48;
	[tilespmem:$0x1FF50] =	vst v55  }
0x3d: {  	s22 =	simm.s32 $0x0;
	v17 =	vor.u32 $0x410, v48;
	s4 =	sshll.u32 s17, $0xA;
	s5 =	sshrl.u32 s3, $0x1;
	[tilespmem:$0x1FF70] =	vst v29  }
.Ltmp0:
0x3e: {  	v51 =	vor.u32 $0x810, v48;
	s6 =	sshll.u32 s17, $0x7;
	s31 =	ssub.s32 $0x1EA3, s17;
	[tilespmem:$0x1FF90] =	vst v17;
	(pc) =	sbr.rel .LBB2_1-.Ltmp0, $4  }
0x3f: {  	v63 =	vor.u32 $0xC10, v48;
	p0 =	sne.s32 s17, $0x1F;
	s17 =	simm.s32 $0x3;
	s9 =	sadd.s32 s4, s8;
	[tilespmem:$0x1FFB0] =	vst v51  }
0x40: {  	v20 =	vor.u32 $0x830, v48;
	s10 =	ssub.s32 s3, s5;
	s3 =	sadd.s32 s7, s6;
	s6 =	sshrl.u32 s31, $0x5;
	[tilespmem:$0x1FFD0] =	vst v63  }
0x41: {  	s7 =	sadd.s32 $0xF4200, s7;
	s8 =	sadd.s32 $0x7A1C00, s8;
	v21 =	vor.u32 $0x1030, v48;
	[tilespmem:$0x1FFE0] =	vst v20;
	s4 =	sadd.s32 $0x1000, s3  }
0x42: {  	s5 =	sadd.s32 $0xC00, s9;
	s9 =	smax.u32 s10, $0x1;
	s10 =	simm.s32 $0x400;
	[tilespmem:$0x1FDD0] =	vst v21  }
.LBB2_15:
0x43: {  	s22 =	sadd.s32 $0x1, s22  }
0x44: {  	p1 =	sne.s32 s22, s9  }
.Ltmp1:
0x45: {  	_ = 	snop;
	(pc) =	sbr.rel @!p1 .LBB2_16-.Ltmp1, $1  }
0x46: {  	_ =	sdelay $0x3  }
.LBB2_1:
.Ltmp2:
0x47: {  	(pc) =	sbr.rel .LBB2_2-.Ltmp2, $4  }
0x48: {  	_ = 	snop  }
0x49: {  	[tilespmem:s2], [sflag:$0x1] =	stream.strided.gather [hbm4b:s3+s10], $0x2000, s11, s10, $0x38;
	[tilespmem:$0xB000] =	vst v63  }
0x4a: {  	s23 =	simm.s32 $0x0  }
0x4b: {  	[tilespmem:s12], [sflag:$0x2] =	stream.strided.gather [hbm4b:s4+s10], $0x2000, s11, s10, $0x38;
	[tilespmem:$0xB000] =	vst v63  }
.LBB2_10:
0x4c: {  	s23 =	sadd.s32 $0x1, s23  }
0x4d: {  	p1 =	sne.s32 s23, $0x7B  }
.Ltmp3:
0x4e: {  	_ = 	snop;
	(pc) =	sbr.rel @!p1 .LBB2_11-.Ltmp3, $1  }
0x4f: {  	_ =	sdelay $0x3  }
.LBB2_2:
0x50: {  	s24 =	sshll.u32 s23, $0x1  }
0x51: {  	p2 =	sge.u32 s24, s6  }
.Ltmp4:
0x52: {  	_ = 	snop;
	(pc) =	sbr.rel @p2 .LBB2_6-.Ltmp4, $2  }
0x53: {  	_ =	sdelay $0x2  }
0x54: {  	p1 =	seq.s32 s23, $0x0  }
0x55: {  	s25 =	simm.s32 @!p1 $0x3  }
0x56: {  	_ =	swait.ge @!p1 [sflag:s25], $0x2000  }
0x57: {  	[sflag:s25] =	ssyncset.done @!p1 $0x0  }
0x58: {  	[sflag:s25] =	ssyncadd.s32 @!p1 $0xFFFFE000  }
0x59: {  	_ =	swait.ge [sflag:s13], $0x2000  }
0x5a: {  	[sflag:s13] =	ssyncset.done $0x0  }
0x5b: {  	p2 =	por $0x1, $0x1;
	s25 =	simm.s32 $0x0;
	v27 =	vld [tilespmem:$0x1FC40];
	[sflag:s13] =	ssyncadd.s32 $0xFFFFE000  }
.LBB2_4:
0x5c: {  	v0 =	vadd.s32 s25, v43  }
0x5d: {  	v8 =	vand.u32 $0xF, v0  }
0x5e: {  	v1 =	vshll.u32 v8, $0x7  }
0x5f: {  	v50 =	vld [tilespmem:$0x1FE90];
	v9 =	vor.u32 v43, v1  }
0x60: {  	v51 =	vld [tilespmem:$0x1FEA0];
	_ =	sdelay $0x3  }
0x61: {  	v10 =	vor.u32 v50, v8;
	v9 =	vld.idx.msk [tilespmem:v9+s2+$0x0], $0xffff  }
0x62: {  	v52 =	vld [tilespmem:$0x1FEB0];
	v11 =	vor.u32 v51, v1  }
0x63: {  	v53 =	vld [tilespmem:$0x1FEC0];
	_ =	sdelay $0x2  }
0x64: {  	[tilespmem:v10+s14+$0x0] =	vst.idx.msk $0xffff, v9  }
0x65: {  	v5 =	vor.u32 v52, v8;
	v9 =	vld.idx.msk [tilespmem:v11+s2+$0x0], $0xffff  }
0x66: {  	v54 =	vld [tilespmem:$0x1FED0];
	v6 =	vor.u32 v53, v1  }
0x67: {  	v55 =	vld [tilespmem:$0x1FEE0];
	_ =	sdelay $0x2  }
0x68: {  	[tilespmem:v5+s14+$0x0] =	vst.idx.msk $0xffff, v9  }
0x69: {  	v7 =	vor.u32 v54, v8;
	v9 =	vld.idx.msk [tilespmem:v6+s2+$0x0], $0xffff  }
0x6a: {  	v34 =	vld [tilespmem:$0x1FEF0];
	v12 =	vor.u32 v55, v1  }
0x6b: {  	v32 =	vld [tilespmem:$0x1FF00];
	_ =	sdelay $0x2  }
0x6c: {  	[tilespmem:v7+s14+$0x0] =	vst.idx.msk $0xffff, v9  }
0x6d: {  	v13 =	vor.u32 v34, v8;
	v9 =	vld.idx.msk [tilespmem:v12+s2+$0x0], $0xffff  }
0x6e: {  	v37 =	vld [tilespmem:$0x1FF10];
	v14 =	vor.u32 v32, v1;
	_ =	sdelay $0x3  }
0x6f: {  	[tilespmem:v13+s14+$0x0] =	vst.idx.msk $0xffff, v9  }
0x70: {  	v15 =	vor.u32 v37, v8;
	v9 =	vld.idx.msk [tilespmem:v14+s2+$0x0], $0xffff;
	_ =	sdelay $0x1  }
0x71: {  	v38 =	vld [tilespmem:$0x1FF20];
	s26 =	sor.u32 $0x1, s25  }
0x72: {  	v26 =	vadd.s32 s26, v43  }
0x73: {  	v10 =	vand.u32 $0xF, v26  }
0x74: {  	[tilespmem:v15+s14+$0x0] =	vst.idx.msk $0xffff, v9;
	v9 =	vshll.u32 v10, $0x7  }
0x75: {  	v14 =	vor.u32 v43, v9  }
0x76: {  	v2 =	vmov v22;
	v22 =	vld [tilespmem:$0x1FF30];
	v16 =	vor.u32 v38, v1;
	_ =	sdelay $0x3  }
0x77: {  	v33 =	vor.u32 v50, v10;
	v17 =	vld.idx.msk [tilespmem:v14+s2+$0x0], $0xffff  }
0x78: {  	v12 =	vor.u32 v22, v8;
	v11 =	vld.idx.msk [tilespmem:v16+s2+$0x0], $0xffff;
	v35 =	vor.u32 v51, v9;
	_ =	sdelay $0x3  }
0x79: {  	[tilespmem:v33+s14+$0x0] =	vst.idx.msk $0xffff, v17  }
0x7a: {  	v36 =	vor.u32 v52, v10;
	[tilespmem:v12+s14+$0x0] =	vst.idx.msk $0xffff, v11;
	v12 =	vld.idx.msk [tilespmem:v35+s2+$0x0], $0xffff  }
0x7b: {  	v39 =	vor.u32 v53, v9;
	_ =	sdelay $0x3  }
0x7c: {  	[tilespmem:v36+s14+$0x0] =	vst.idx.msk $0xffff, v12  }
0x7d: {  	v45 =	vor.u32 v54, v10;
	v12 =	vld.idx.msk [tilespmem:v39+s2+$0x0], $0xffff  }
0x7e: {  	v46 =	vor.u32 v55, v9;
	_ =	sdelay $0x3  }
0x7f: {  	v3 =	vmov v20;
	v20 =	vld [tilespmem:$0x1FF40];
	[tilespmem:v45+s14+$0x0] =	vst.idx.msk $0xffff, v12  }
0x80: {  	v47 =	vor.u32 v34, v10;
	v12 =	vld.idx.msk [tilespmem:v46+s2+$0x0], $0xffff  }
0x81: {  	v48 =	vor.u32 v32, v9;
	_ =	sdelay $0x2  }
0x82: {  	v21 =	vld [tilespmem:$0x1FF50];
	v13 =	vor.u32 v20, v1  }
0x83: {  	v23 =	vld [tilespmem:$0x1FDC0];
	[tilespmem:v47+s14+$0x0] =	vst.idx.msk $0xffff, v12  }
0x84: {  	v49 =	vor.u32 v37, v10;
	v12 =	vld.idx.msk [tilespmem:v48+s2+$0x0], $0xffff  }
0x85: {  	v56 =	vor.u32 v38, v9;
	_ =	sdelay $0x1  }
0x86: {  	v11 =	vld.idx.msk [tilespmem:v13+s2+$0x0], $0xffff  }
0x87: {  	v15 =	vor.u32 v21, v8;
	v33 =	vld [tilespmem:$0x1FDB0]  }
0x88: {  	v59 =	vor.u32 v23, v1;
	v35 =	vld [tilespmem:$0x1FF60];
	[tilespmem:v49+s14+$0x0] =	vst.idx.msk $0xffff, v12  }
0x89: {  	v57 =	vor.u32 v22, v10;
	v12 =	vld.idx.msk [tilespmem:v56+s2+$0x0], $0xffff  }
0x8a: {  	v58 =	vor.u32 v20, v9;
	_ =	sdelay $0x1  }
0x8b: {  	[tilespmem:v15+s14+$0x0] =	vst.idx.msk $0xffff, v11  }
0x8c: {  	v11 =	vld.idx.msk [tilespmem:v59+s2+$0x0], $0xffff;
	v62 =	vor.u32 v33, v8  }
0x8d: {  	v63 =	vor.u32 v35, v1;
	v36 =	vld [tilespmem:$0x1FF70];
	[tilespmem:v57+s14+$0x0] =	vst.idx.msk $0xffff, v12  }
0x8e: {  	v61 =	vor.u32 v21, v10;
	v13 =	vld.idx.msk [tilespmem:v58+s2+$0x0], $0xffff  }
0x8f: {  	v24 =	vor.u32 v23, v9;
	v39 =	vld [tilespmem:$0x1FF80];
	_ =	sdelay $0x1  }
0x90: {  	[tilespmem:v62+s14+$0x0] =	vst.idx.msk $0xffff, v11  }
0x91: {  	v11 =	vld.idx.msk [tilespmem:v63+s2+$0x0], $0xffff  }
0x92: {  	v5 =	vor.u32 v36, v0;
	v45 =	vld [tilespmem:$0x1FF90];
	[tilespmem:v61+s14+$0x0] =	vst.idx.msk $0xffff, v13  }
0x93: {  	v4 =	vor.u32 v33, v10;
	v6 =	vor.u32 v39, v1;
	v14 =	vld.idx.msk [tilespmem:v24+s2+$0x0], $0xffff  }
0x94: {  	v24 =	vor.u32 v35, v9;
	_ =	sdelay $0x2  }
0x95: {  	v46 =	vld [tilespmem:$0x1FFA0];
	[tilespmem:v5+s14+$0x0] =	vst.idx.msk $0xffff, v11  }
0x96: {  	v11 =	vld.idx.msk [tilespmem:v6+s2+$0x0], $0xffff;
	v48 =	vor.u32 v45, v0;
	[tilespmem:v4+s14+$0x0] =	vst.idx.msk $0xffff, v14  }
0x97: {  	v7 =	vor.u32 v36, v26;
	v14 =	vld.idx.msk [tilespmem:v24+s2+$0x0], $0xffff  }
0x98: {  	v24 =	vor.u32 v39, v9;
	_ =	sdelay $0x2  }
0x99: {  	v47 =	vld [tilespmem:$0x1FFB0];
	v49 =	vor.u32 v46, v1;
	[tilespmem:v48+s14+$0x0] =	vst.idx.msk $0xffff, v11  }
0x9a: {  	v48 =	vld [tilespmem:$0x1FFC0];
	[tilespmem:v7+s14+$0x0] =	vst.idx.msk $0xffff, v14  }
0x9b: {  	v56 =	vor.u32 v45, v26;
	v14 =	vld.idx.msk [tilespmem:v24+s2+$0x0], $0xffff;
	_ =	sdelay $0x2  }
0x9c: {  	v11 =	vld.idx.msk [tilespmem:v49+s2+$0x0], $0xffff;
	v57 =	vor.u32 v47, v0;
	v24 =	vor.u32 v46, v9  }
0x9d: {  	v49 =	vld [tilespmem:$0x1FFD0];
	v58 =	vor.u32 v48, v1  }
0x9e: {  	[tilespmem:v56+s14+$0x0] =	vst.idx.msk $0xffff, v14;
	v56 =	vld [tilespmem:$0x1FCC0];
	_ =	sdelay $0x2  }
0x9f: {  	v59 =	vor.u32 v47, v26;
	[tilespmem:v57+s14+$0x0] =	vst.idx.msk $0xffff, v11;
	v14 =	vld.idx.msk [tilespmem:v24+s2+$0x0], $0xffff  }
0xa0: {  	v11 =	vld.idx.msk [tilespmem:v58+s2+$0x0], $0xffff;
	v61 =	vor.u32 v49, v0;
	v24 =	vor.u32 v48, v9  }
0xa1: {  	v57 =	vld [tilespmem:$0x1FD00];
	v62 =	vor.u32 v56, v1  }
0xa2: {  	v58 =	vld [tilespmem:$0x1FCD0];
	_ =	sdelay $0x1  }
0xa3: {  	[tilespmem:v59+s14+$0x0] =	vst.idx.msk $0xffff, v14  }
0xa4: {  	v63 =	vor.u32 v49, v26;
	[tilespmem:v61+s14+$0x0] =	vst.idx.msk $0xffff, v11;
	v14 =	vld.idx.msk [tilespmem:v24+s2+$0x0], $0xffff  }
0xa5: {  	v4 =	vor.u32 v57, v0;
	v24 =	vor.u32 v56, v9;
	v11 =	vld.idx.msk [tilespmem:v62+s2+$0x0], $0xffff  }
0xa6: {  	v5 =	vor.u32 v58, v1;
	v59 =	vld [tilespmem:$0x1FD10]  }
0xa7: {  	v61 =	vld [tilespmem:$0x1FCE0];
	_ =	sdelay $0x1  }
0xa8: {  	[tilespmem:v63+s14+$0x0] =	vst.idx.msk $0xffff, v14  }
0xa9: {  	v6 =	vor.u32 v57, v26;
	v14 =	vld.idx.msk [tilespmem:v24+s2+$0x0], $0xffff;
	[tilespmem:v4+s14+$0x0] =	vst.idx.msk $0xffff, v11  }
0xaa: {  	v7 =	vor.u32 v59, v0;
	v24 =	vor.u32 v58, v9;
	v11 =	vld.idx.msk [tilespmem:v5+s2+$0x0], $0xffff  }
0xab: {  	v63 =	vor.u32 v61, v1  }
0xac: {  	v62 =	vld [tilespmem:$0x1FD20];
	_ =	sdelay $0x1  }
0xad: {  	[tilespmem:v6+s14+$0x0] =	vst.idx.msk $0xffff, v14  }
0xae: {  	v4 =	vor.u32 v59, v26;
	v14 =	vld.idx.msk [tilespmem:v24+s2+$0x0], $0xffff;
	[tilespmem:v7+s14+$0x0] =	vst.idx.msk $0xffff, v11  }
0xaf: {  	v24 =	vor.u32 v61, v9;
	v11 =	vld.idx.msk [tilespmem:v63+s2+$0x0], $0xffff  }
0xb0: {  	v5 =	vor.u32 v62, v0;
	v63 =	vld [tilespmem:$0x1FCF0];
	_ =	sdelay $0x2  }
0xb1: {  	[tilespmem:v4+s14+$0x0] =	vst.idx.msk $0xffff, v14  }
0xb2: {  	v14 =	vld.idx.msk [tilespmem:v24+s2+$0x0], $0xffff  }
0xb3: {  	v15 =	vor.u32 v62, v26;
	v6 =	vor.u32 v63, v1;
	[tilespmem:v5+s14+$0x0] =	vst.idx.msk $0xffff, v11;
	v5 =	vld [tilespmem:$0x1FD30]  }
0xb4: {  	v24 =	vor.u32 v63, v9  }
0xb5: {  	v4 =	vld [tilespmem:$0x1FE30];
	_ =	sdelay $0x1  }
0xb6: {  	v17 =	vld [tilespmem:$0x1FE40]  }
0xb7: {  	[tilespmem:v15+s14+$0x0] =	vst.idx.msk $0xffff, v14;
	v11 =	vld.idx.msk [tilespmem:v6+s2+$0x0], $0xffff;
	v12 =	vor.u32 v5, v0  }
0xb8: {  	v14 =	vld.idx.msk [tilespmem:v24+s2+$0x0], $0xffff;
	v15 =	vor.u32 v5, v26  }
0xb9: {  	v7 =	vor.u32 v4, v1  }
0xba: {  	v24 =	vor.u32 v4, v9  }
0xbb: {  	v4 =	vld [tilespmem:$0x1FE50]  }
0xbc: {  	[tilespmem:v12+s14+$0x0] =	vst.idx.msk $0xffff, v11  }
0xbd: {  	v12 =	vor.u32 v17, v8;
	[tilespmem:v15+s14+$0x0] =	vst.idx.msk $0xffff, v14;
	v15 =	vor.u32 v17, v10;
	v17 =	vld [tilespmem:$0x1FE60]  }
0xbe: {  	v11 =	vld.idx.msk [tilespmem:v7+s2+$0x0], $0xffff  }
0xbf: {  	v14 =	vld.idx.msk [tilespmem:v24+s2+$0x0], $0xffff  }
0xc0: {  	v7 =	vor.u32 v4, v1  }
0xc1: {  	v24 =	vor.u32 v4, v9;
	v4 =	vld [tilespmem:$0x1FE70];
	_ =	sdelay $0x1  }
0xc2: {  	[tilespmem:v12+s14+$0x0] =	vst.idx.msk $0xffff, v11  }
0xc3: {  	v12 =	vor.u32 v17, v8;
	[tilespmem:v15+s14+$0x0] =	vst.idx.msk $0xffff, v14;
	v15 =	vor.u32 v17, v10;
	v17 =	vld [tilespmem:$0x1FE80]  }
0xc4: {  	v11 =	vld.idx.msk [tilespmem:v7+s2+$0x0], $0xffff  }
0xc5: {  	v7 =	vor.u32 v4, v1;
	v14 =	vld.idx.msk [tilespmem:v24+s2+$0x0], $0xffff  }
0xc6: {  	v24 =	vor.u32 v4, v9;
	v4 =	vld [tilespmem:$0x1FE10];
	_ =	sdelay $0x2  }
0xc7: {  	[tilespmem:v12+s14+$0x0] =	vst.idx.msk $0xffff, v11  }
0xc8: {  	v12 =	vor.u32 v17, v8;
	v11 =	vld.idx.msk [tilespmem:v7+s2+$0x0], $0xffff  }
0xc9: {  	v7 =	vor.u32 v4, v1;
	_ =	sdelay $0x2  }
0xca: {  	[tilespmem:v15+s14+$0x0] =	vst.idx.msk $0xffff, v14  }
0xcb: {  	v14 =	vld.idx.msk [tilespmem:v24+s2+$0x0], $0xffff;
	[tilespmem:v12+s14+$0x0] =	vst.idx.msk $0xffff, v11  }
0xcc: {  	v15 =	vor.u32 v17, v10;
	v11 =	vld.idx.msk [tilespmem:v7+s2+$0x0], $0xffff  }
0xcd: {  	v24 =	vor.u32 v4, v9;
	v17 =	vld [tilespmem:$0x1FE20];
	_ =	sdelay $0x1  }
0xce: {  	v4 =	vld [tilespmem:$0x1FD40];
	_ =	sdelay $0x1  }
0xcf: {  	[tilespmem:v15+s14+$0x0] =	vst.idx.msk $0xffff, v14  }
0xd0: {  	v14 =	vld.idx.msk [tilespmem:v24+s2+$0x0], $0xffff;
	v12 =	vor.u32 v17, v8  }
0xd1: {  	v15 =	vor.u32 v17, v10;
	v17 =	vld [tilespmem:$0x1FD50]  }
0xd2: {  	v7 =	vor.u32 v4, v1  }
0xd3: {  	v24 =	vor.u32 v4, v9  }
0xd4: {  	v4 =	vld [tilespmem:$0x1FD60]  }
0xd5: {  	[tilespmem:v12+s14+$0x0] =	vst.idx.msk $0xffff, v11  }
0xd6: {  	v12 =	vor.u32 v17, v8;
	[tilespmem:v15+s14+$0x0] =	vst.idx.msk $0xffff, v14;
	v15 =	vor.u32 v17, v10;
	v17 =	vld [tilespmem:$0x1FD70]  }
0xd7: {  	v11 =	vld.idx.msk [tilespmem:v7+s2+$0x0], $0xffff  }
0xd8: {  	v14 =	vld.idx.msk [tilespmem:v24+s2+$0x0], $0xffff  }
0xd9: {  	v7 =	vor.u32 v4, v1  }
0xda: {  	v24 =	vor.u32 v4, v9;
	v4 =	vld [tilespmem:$0x1FD80];
	_ =	sdelay $0x1  }
0xdb: {  	[tilespmem:v12+s14+$0x0] =	vst.idx.msk $0xffff, v11  }
0xdc: {  	v12 =	vor.u32 v17, v8;
	[tilespmem:v15+s14+$0x0] =	vst.idx.msk $0xffff, v14;
	v15 =	vor.u32 v17, v10;
	v17 =	vld [tilespmem:$0x1FD90]  }
0xdd: {  	v11 =	vld.idx.msk [tilespmem:v7+s2+$0x0], $0xffff  }
0xde: {  	v7 =	vor.u32 v4, v1;
	v14 =	vld.idx.msk [tilespmem:v24+s2+$0x0], $0xffff  }
0xdf: {  	v24 =	vor.u32 v4, v9;
	v4 =	vld [tilespmem:$0x1FDA0];
	_ =	sdelay $0x2  }
0xe0: {  	[tilespmem:v12+s14+$0x0] =	vst.idx.msk $0xffff, v11  }
0xe1: {  	v12 =	vor.u32 v17, v8;
	v11 =	vld.idx.msk [tilespmem:v7+s2+$0x0], $0xffff  }
0xe2: {  	v7 =	vor.u32 v4, v1;
	_ =	sdelay $0x2  }
0xe3: {  	[tilespmem:v15+s14+$0x0] =	vst.idx.msk $0xffff, v14  }
0xe4: {  	v5 =	vor.u32 v17, v10;
	v14 =	vld.idx.msk [tilespmem:v24+s2+$0x0], $0xffff;
	[tilespmem:v12+s14+$0x0] =	vst.idx.msk $0xffff, v11  }
0xe5: {  	v8 =	vor.u32 v44, v8;
	v24 =	vor.u32 v4, v9;
	v11 =	vld.idx.msk [tilespmem:v7+s2+$0x0], $0xffff  }
0xe6: {  	v7 =	vor.u32 v40, v1;
	_ =	sdelay $0x2  }
0xe7: {  	[tilespmem:v5+s14+$0x0] =	vst.idx.msk $0xffff, v14  }
0xe8: {  	v10 =	vor.u32 v44, v10;
	v16 =	vld.idx.msk [tilespmem:v24+s2+$0x0], $0xffff;
	[tilespmem:v8+s14+$0x0] =	vst.idx.msk $0xffff, v11  }
0xe9: {  	v17 =	vor.u32 v40, v9;
	v40 =	vor.u32 v31, v0;
	v8 =	vld.idx.msk [tilespmem:v7+s2+$0x0], $0xffff;
	_ =	sdelay $0x3  }
0xea: {  	v44 =	vor.u32 v41, v1;
	[tilespmem:v10+s14+$0x0] =	vst.idx.msk $0xffff, v16  }
0xeb: {  	[tilespmem:v40+s14+$0x0] =	vst.idx.msk $0xffff, v8;
	v40 =	vld [tilespmem:$0x1FC10]  }
0xec: {  	v5 =	vor.u32 v31, v26;
	v4 =	vld.idx.msk [tilespmem:v17+s2+$0x0], $0xffff  }
0xed: {  	v16 =	vor.u32 v41, v9;
	_ =	sdelay $0x1  }
0xee: {  	v17 =	vor.u32 v42, v0;
	v8 =	vld.idx.msk [tilespmem:v44+s2+$0x0], $0xffff  }
0xef: {  	v41 =	vor.u32 v40, v1  }
0xf0: {  	[tilespmem:v5+s14+$0x0] =	vst.idx.msk $0xffff, v4  }
0xf1: {  	v12 =	vld.idx.msk [tilespmem:v16+s2+$0x0], $0xffff;
	v44 =	vor.u32 v42, v26  }
0xf2: {  	v5 =	vor.u32 v40, v9  }
0xf3: {  	[tilespmem:v17+s14+$0x0] =	vst.idx.msk $0xffff, v8  }
0xf4: {  	v6 =	vor.u32 v3, v0;
	v8 =	vld.idx.msk [tilespmem:v41+s2+$0x0], $0xffff  }
0xf5: {  	v7 =	vor.u32 v2, v1;
	v40 =	vld [tilespmem:$0x1FC20]  }
0xf6: {  	[tilespmem:v44+s14+$0x0] =	vst.idx.msk $0xffff, v12  }
0xf7: {  	v16 =	vor.u32 v3, v26;
	v12 =	vld.idx.msk [tilespmem:v5+s2+$0x0], $0xffff  }
0xf8: {  	v17 =	vor.u32 v2, v9  }
0xf9: {  	[tilespmem:v6+s14+$0x0] =	vst.idx.msk $0xffff, v8  }
0xfa: {  	v41 =	vor.u32 v40, v0;
	v8 =	vld.idx.msk [tilespmem:v7+s2+$0x0], $0xffff;
	_ =	sdelay $0x1  }
0xfb: {  	[tilespmem:v16+s14+$0x0] =	vst.idx.msk $0xffff, v12  }
0xfc: {  	v42 =	vor.u32 v60, v1;
	v44 =	vor.u32 v40, v26;
	v12 =	vld.idx.msk [tilespmem:v17+s2+$0x0], $0xffff  }
0xfd: {  	v16 =	vor.u32 v60, v9;
	v17 =	vld [tilespmem:$0x1FDD0]  }
0xfe: {  	[tilespmem:v41+s14+$0x0] =	vst.idx.msk $0xffff, v8;
	v41 =	vld [tilespmem:$0x1FDE0];
	_ =	sdelay $0x2  }
0xff: {  	[tilespmem:v44+s14+$0x0] =	vst.idx.msk $0xffff, v12;
	v8 =	vld.idx.msk [tilespmem:v42+s2+$0x0], $0xffff  }
0x100: {  	v40 =	vor.u32 v17, v0;
	v12 =	vld.idx.msk [tilespmem:v16+s2+$0x0], $0xffff  }
0x101: {  	v16 =	vld [tilespmem:$0x1FDF0];
	v42 =	vor.u32 v41, v1  }
0x102: {  	v60 =	vor.u32 v41, v9;
	v41 =	vld [tilespmem:$0x1FE00];
	_ =	sdelay $0x2  }
0x103: {  	v44 =	vor.u32 v17, v26;
	[tilespmem:v40+s14+$0x0] =	vst.idx.msk $0xffff, v8  }
0x104: {  	v17 =	vor.u32 v16, v0;
	v8 =	vld.idx.msk [tilespmem:v42+s2+$0x0], $0xffff  }
0x105: {  	v42 =	vor.u32 v41, v1;
	_ =	sdelay $0x2  }
0x106: {  	[tilespmem:v44+s14+$0x0] =	vst.idx.msk $0xffff, v12;
	v40 =	vld [tilespmem:$0x1FC30]  }
0x107: {  	v44 =	vor.u32 v16, v26;
	v12 =	vld.idx.msk [tilespmem:v60+s2+$0x0], $0xffff;
	[tilespmem:v17+s14+$0x0] =	vst.idx.msk $0xffff, v8  }
0x108: {  	s28 =	sor.u32 $0x4, s25;
	v60 =	vor.u32 v41, v9;
	v41 =	vld.idx.msk [tilespmem:v42+s2+$0x0], $0xffff  }
0x109: {  	v10 =	vadd.s32 s28, v43;
	v42 =	vld [tilespmem:$0x1FC40]  }
0x10a: {  	v30 =	vand.u32 $0xF, v10  }
0x10b: {  	s29 =	sor.u32 $0x5, s25;
	v24 =	vshll.u32 v30, $0x7  }
0x10c: {  	s30 =	sor.u32 $0x2, s25;
	v11 =	vadd.s32 s29, v43;
	v7 =	vor.u32 v43, v24;
	v16 =	vld [tilespmem:$0x1FC50];
	v25 =	vor.u32 v40, v0;
	[tilespmem:v44+s14+$0x0] =	vst.idx.msk $0xffff, v12  }
0x10d: {  	s31 =	sor.u32 $0x3, s25;
	v1 =	vor.u32 v27, v1;
	v27 =	vor.u32 v40, v26;
	v8 =	vadd.s32 s30, v43;
	v44 =	vld.idx.msk [tilespmem:v60+s2+$0x0], $0xffff  }
0x10e: {  	v28 =	vand.u32 $0xF, v8;
	v3 =	vor.u32 v42, v9;
	v9 =	vadd.s32 s31, v43  }
0x10f: {  	v31 =	vand.u32 $0xF, v11;
	s30 =	sor.u32 $0x6, s25;
	v14 =	vshll.u32 v28, $0x7;
	v29 =	vand.u32 $0xF, v9  }
0x110: {  	v12 =	vadd.s32 s30, v43;
	v5 =	vor.u32 v43, v14;
	v15 =	vshll.u32 v29, $0x7  }
0x111: {  	v2 =	vor.u32 v16, v0;
	v0 =	vand.u32 $0xF, v12;
	s31 =	sor.u32 $0x7, s25;
	[tilespmem:v25+s14+$0x0] =	vst.idx.msk $0xffff, v41;
	v6 =	vor.u32 v43, v15  }
0x112: {  	v25 =	vshll.u32 v31, $0x7;
	[tilespmem:v27+s14+$0x0] =	vst.idx.msk $0xffff, v44;
	v27 =	vshll.u32 v0, $0x7;
	v13 =	vadd.s32 s31, v43;
	v40 =	vld.idx.msk [tilespmem:v1+s2+$0x0], $0xffff  }
0x113: {  	v7 =	vld.idx.msk [tilespmem:v7+s2+$0x0], $0xffff;
	v44 =	vor.u32 v50, v30;
	v4 =	vor.u32 v43, v25;
	v1 =	vand.u32 $0xF, v13  }
0x114: {  	v41 =	vor.u32 v16, v26;
	v60 =	vor.u32 v43, v27;
	v26 =	vshll.u32 v1, $0x7;
	v3 =	vld.idx.msk [tilespmem:v3+s2+$0x0], $0xffff  }
0x115: {  	v16 =	vor.u32 v50, v28;
	v5 =	vld.idx.msk [tilespmem:v5+s2+$0x0], $0xffff;
	v17 =	vor.u32 v43, v26  }
0x116: {  	v18 =	vor.u32 v51, v14;
	v43 =	vor.u32 v50, v29;
	v6 =	vld.idx.msk [tilespmem:v6+s2+$0x0], $0xffff  }
0x117: {  	v42 =	vld [tilespmem:$0x1FC90];
	[tilespmem:v2+s14+$0x0] =	vst.idx.msk $0xffff, v40;
	v2 =	vor.u32 v51, v24  }
0x118: {  	v19 =	vor.u32 v51, v15;
	[tilespmem:v44+s14+$0x0] =	vst.idx.msk $0xffff, v7;
	v4 =	vld.idx.msk [tilespmem:v4+s2+$0x0], $0xffff;
	v40 =	vor.u32 v50, v31  }
0x119: {  	[tilespmem:v41+s14+$0x0] =	vst.idx.msk $0xffff, v3;
	v3 =	vor.u32 v51, v25;
	v41 =	vld.idx.msk [tilespmem:v60+s2+$0x0], $0xffff;
	v60 =	vor.u32 v50, v0  }
0x11a: {  	[tilespmem:v16+s14+$0x0] =	vst.idx.msk $0xffff, v5;
	v5 =	vor.u32 v51, v27;
	v16 =	vld.idx.msk [tilespmem:v17+s2+$0x0], $0xffff;
	v50 =	vor.u32 v50, v1  }
0x11b: {  	v18 =	vld.idx.msk [tilespmem:v18+s2+$0x0], $0xffff;
	v51 =	vor.u32 v51, v26;
	[tilespmem:v43+s14+$0x0] =	vst.idx.msk $0xffff, v6;
	v6 =	vor.u32 v52, v28  }
0x11c: {  	v7 =	vor.u32 v53, v14;
	v2 =	vld.idx.msk [tilespmem:v2+s2+$0x0], $0xffff  }
0x11d: {  	v44 =	vor.u32 v52, v29;
	[tilespmem:v40+s14+$0x0] =	vst.idx.msk $0xffff, v4;
	v19 =	vld.idx.msk [tilespmem:v19+s2+$0x0], $0xffff  }
0x11e: {  	v4 =	vor.u32 v53, v15;
	v40 =	vor.u32 v52, v30;
	[tilespmem:v60+s14+$0x0] =	vst.idx.msk $0xffff, v41;
	v3 =	vld.idx.msk [tilespmem:v3+s2+$0x0], $0xffff  }
0x11f: {  	v41 =	vor.u32 v53, v24;
	v60 =	vor.u32 v52, v31;
	[tilespmem:v50+s14+$0x0] =	vst.idx.msk $0xffff, v16;
	v5 =	vld.idx.msk [tilespmem:v5+s2+$0x0], $0xffff  }
0x120: {  	v16 =	vor.u32 v53, v25;
	v50 =	vor.u32 v52, v0;
	[tilespmem:v6+s14+$0x0] =	vst.idx.msk $0xffff, v18;
	v18 =	vld.idx.msk [tilespmem:v51+s2+$0x0], $0xffff  }
0x121: {  	v6 =	vor.u32 v53, v27;
	v51 =	vor.u32 v52, v1;
	v7 =	vld.idx.msk [tilespmem:v7+s2+$0x0], $0xffff  }
0x122: {  	v52 =	vor.u32 v53, v26;
	[tilespmem:v44+s14+$0x0] =	vst.idx.msk $0xffff, v19;
	v19 =	vor.u32 v54, v28;
	v44 =	vld [tilespmem:$0x1FCA0]  }
0x123: {  	[tilespmem:v40+s14+$0x0] =	vst.idx.msk $0xffff, v2;
	v2 =	vor.u32 v55, v14;
	v53 =	vor.u32 v54, v29;
	v4 =	vld.idx.msk [tilespmem:v4+s2+$0x0], $0xffff  }
0x124: {  	[tilespmem:v60+s14+$0x0] =	vst.idx.msk $0xffff, v3;
	v3 =	vor.u32 v55, v15;
	v41 =	vld.idx.msk [tilespmem:v41+s2+$0x0], $0xffff;
	v60 =	vor.u32 v54, v30  }
0x125: {  	[tilespmem:v50+s14+$0x0] =	vst.idx.msk $0xffff, v5;
	v5 =	vor.u32 v55, v24;
	v16 =	vld.idx.msk [tilespmem:v16+s2+$0x0], $0xffff;
	v50 =	vor.u32 v54, v31  }
0x126: {  	[tilespmem:v51+s14+$0x0] =	vst.idx.msk $0xffff, v18;
	v18 =	vor.u32 v55, v25;
	v6 =	vld.idx.msk [tilespmem:v6+s2+$0x0], $0xffff;
	v51 =	vor.u32 v54, v0  }
0x127: {  	[tilespmem:v19+s14+$0x0] =	vst.idx.msk $0xffff, v7;
	v7 =	vor.u32 v55, v27;
	v19 =	vld.idx.msk [tilespmem:v52+s2+$0x0], $0xffff;
	v52 =	vor.u32 v54, v1  }
0x128: {  	v54 =	vor.u32 v55, v26;
	v2 =	vld.idx.msk [tilespmem:v2+s2+$0x0], $0xffff;
	[tilespmem:v53+s14+$0x0] =	vst.idx.msk $0xffff, v4;
	v53 =	vor.u32 v34, v28  }
0x129: {  	v55 =	vor.u32 v32, v14;
	[tilespmem:v60+s14+$0x0] =	vst.idx.msk $0xffff, v41;
	v60 =	vor.u32 v34, v29;
	v3 =	vld.idx.msk [tilespmem:v3+s2+$0x0], $0xffff  }
0x12a: {  	v17 =	vor.u32 v34, v30;
	[tilespmem:v50+s14+$0x0] =	vst.idx.msk $0xffff, v16;
	v16 =	vor.u32 v32, v15;
	v5 =	vld.idx.msk [tilespmem:v5+s2+$0x0], $0xffff  }
0x12b: {  	v50 =	vor.u32 v32, v24;
	[tilespmem:v51+s14+$0x0] =	vst.idx.msk $0xffff, v6;
	v18 =	vld.idx.msk [tilespmem:v18+s2+$0x0], $0xffff;
	v51 =	vor.u32 v34, v31  }
0x12c: {  	[tilespmem:v52+s14+$0x0] =	vst.idx.msk $0xffff, v19;
	v19 =	vor.u32 v32, v25;
	v7 =	vld.idx.msk [tilespmem:v7+s2+$0x0], $0xffff;
	v52 =	vor.u32 v34, v0  }
0x12d: {  	[tilespmem:v53+s14+$0x0] =	vst.idx.msk $0xffff, v2;
	v2 =	vor.u32 v32, v27;
	v53 =	vld.idx.msk [tilespmem:v54+s2+$0x0], $0xffff;
	v54 =	vor.u32 v34, v1  }
0x12e: {  	v41 =	vld.idx.msk [tilespmem:v55+s2+$0x0], $0xffff;
	[tilespmem:v60+s14+$0x0] =	vst.idx.msk $0xffff, v3;
	v55 =	vor.u32 v37, v28;
	v60 =	vor.u32 v32, v26  }
0x12f: {  	v34 =	vor.u32 v37, v29;
	[tilespmem:v17+s14+$0x0] =	vst.idx.msk $0xffff, v5;
	v32 =	vor.u32 v38, v14;
	v16 =	vld.idx.msk [tilespmem:v16+s2+$0x0], $0xffff  }
0x130: {  	v43 =	vor.u32 v37, v30;
	v6 =	vld.idx.msk [tilespmem:v50+s2+$0x0], $0xffff;
	[tilespmem:v51+s14+$0x0] =	vst.idx.msk $0xffff, v18;
	v18 =	vor.u32 v38, v15  }
0x131: {  	v50 =	vor.u32 v38, v24;
	v51 =	vor.u32 v37, v31;
	[tilespmem:v52+s14+$0x0] =	vst.idx.msk $0xffff, v7;
	v19 =	vld.idx.msk [tilespmem:v19+s2+$0x0], $0xffff  }
0x132: {  	v52 =	vor.u32 v38, v25;
	[tilespmem:v54+s14+$0x0] =	vst.idx.msk $0xffff, v53;
	v2 =	vld.idx.msk [tilespmem:v2+s2+$0x0], $0xffff;
	v53 =	vor.u32 v37, v0  }
0x133: {  	v54 =	vor.u32 v38, v27;
	[tilespmem:v55+s14+$0x0] =	vst.idx.msk $0xffff, v41;
	v55 =	vld.idx.msk [tilespmem:v60+s2+$0x0], $0xffff;
	v60 =	vor.u32 v37, v1  }
0x134: {  	v5 =	vld.idx.msk [tilespmem:v32+s2+$0x0], $0xffff;
	[tilespmem:v34+s14+$0x0] =	vst.idx.msk $0xffff, v16;
	v34 =	vor.u32 v38, v26  }
0x135: {  	[tilespmem:v43+s14+$0x0] =	vst.idx.msk $0xffff, v6;
	v18 =	vld.idx.msk [tilespmem:v18+s2+$0x0], $0xffff  }
0x136: {  	v32 =	vor.u32 v22, v28;
	v7 =	vld.idx.msk [tilespmem:v50+s2+$0x0], $0xffff;
	[tilespmem:v51+s14+$0x0] =	vst.idx.msk $0xffff, v19  }
0x137: {  	v37 =	vor.u32 v20, v14;
	v38 =	vor.u32 v22, v29;
	[tilespmem:v53+s14+$0x0] =	vst.idx.msk $0xffff, v2;
	v4 =	vld.idx.msk [tilespmem:v52+s2+$0x0], $0xffff  }
0x138: {  	v50 =	vor.u32 v22, v30;
	v19 =	vor.u32 v20, v15;
	[tilespmem:v60+s14+$0x0] =	vst.idx.msk $0xffff, v55;
	v3 =	vld.idx.msk [tilespmem:v54+s2+$0x0], $0xffff  }
0x139: {  	v51 =	vor.u32 v20, v24;
	v52 =	vor.u32 v22, v31;
	v53 =	vor.u32 v20, v25;
	v60 =	vld.idx.msk [tilespmem:v34+s2+$0x0], $0xffff  }
0x13a: {  	v54 =	vor.u32 v22, v0;
	v55 =	vor.u32 v20, v27;
	v34 =	vor.u32 v20, v26;
	v20 =	vld [tilespmem:$0x1FE30]  }
0x13b: {  	[tilespmem:v32+s14+$0x0] =	vst.idx.msk $0xffff, v5;
	v32 =	vor.u32 v22, v1;
	v22 =	vld [tilespmem:$0x1FFF0]  }
0x13c: {  	v6 =	vld.idx.msk [tilespmem:v37+s2+$0x0], $0xffff;
	[tilespmem:v38+s14+$0x0] =	vst.idx.msk $0xffff, v18  }
0x13d: {  	v18 =	vor.u32 v21, v28;
	[tilespmem:v50+s14+$0x0] =	vst.idx.msk $0xffff, v7;
	v19 =	vld.idx.msk [tilespmem:v19+s2+$0x0], $0xffff  }
0x13e: {  	v37 =	vor.u32 v23, v14;
	v2 =	vld.idx.msk [tilespmem:v51+s2+$0x0], $0xffff;
	[tilespmem:v52+s14+$0x0] =	vst.idx.msk $0xffff, v4  }
0x13f: {  	v38 =	vor.u32 v21, v29;
	v50 =	vor.u32 v23, v15;
	[tilespmem:v54+s14+$0x0] =	vst.idx.msk $0xffff, v3;
	v41 =	vld.idx.msk [tilespmem:v53+s2+$0x0], $0xffff  }
0x140: {  	v51 =	vor.u32 v21, v30;
	v52 =	vor.u32 v23, v24;
	v53 =	vor.u32 v21, v31;
	v5 =	vld.idx.msk [tilespmem:v55+s2+$0x0], $0xffff  }
0x141: {  	[tilespmem:v32+s14+$0x0] =	vst.idx.msk $0xffff, v60;
	v55 =	vor.u32 v21, v0;
	v32 =	vor.u32 v21, v1;
	v21 =	vld [tilespmem:$0x1FD30]  }
0x142: {  	v54 =	vor.u32 v23, v25;
	[tilespmem:v18+s14+$0x0] =	vst.idx.msk $0xffff, v6;
	v18 =	vld.idx.msk [tilespmem:v34+s2+$0x0], $0xffff  }
0x143: {  	v60 =	vor.u32 v23, v27;
	v34 =	vor.u32 v23, v26;
	v23 =	vld [tilespmem:$0x1FDD0]  }
0x144: {  	v7 =	vld.idx.msk [tilespmem:v37+s2+$0x0], $0xffff;
	[tilespmem:v38+s14+$0x0] =	vst.idx.msk $0xffff, v19;
	v19 =	vor.u32 v33, v28  }
0x145: {  	[tilespmem:v51+s14+$0x0] =	vst.idx.msk $0xffff, v2;
	v37 =	vor.u32 v35, v14;
	v38 =	vor.u32 v33, v29;
	v4 =	vld.idx.msk [tilespmem:v50+s2+$0x0], $0xffff  }
0x146: {  	v51 =	vor.u32 v33, v30;
	v50 =	vor.u32 v35, v15;
	v3 =	vld.idx.msk [tilespmem:v52+s2+$0x0], $0xffff;
	[tilespmem:v53+s14+$0x0] =	vst.idx.msk $0xffff, v41  }
0x147: {  	v52 =	vor.u32 v35, v24;
	v53 =	vor.u32 v33, v31;
	[tilespmem:v55+s14+$0x0] =	vst.idx.msk $0xffff, v5;
	v16 =	vld.idx.msk [tilespmem:v54+s2+$0x0], $0xffff  }
0x148: {  	v54 =	vor.u32 v33, v0;
	[tilespmem:v32+s14+$0x0] =	vst.idx.msk $0xffff, v18;
	v18 =	vor.u32 v35, v25;
	v6 =	vld.idx.msk [tilespmem:v60+s2+$0x0], $0xffff  }
0x149: {  	v55 =	vor.u32 v35, v27;
	v60 =	vor.u32 v33, v1;
	[tilespmem:v19+s14+$0x0] =	vst.idx.msk $0xffff, v7;
	v19 =	vld.idx.msk [tilespmem:v34+s2+$0x0], $0xffff  }
0x14a: {  	v33 =	vor.u32 v35, v26;
	v2 =	vld.idx.msk [tilespmem:v37+s2+$0x0], $0xffff;
	[tilespmem:v38+s14+$0x0] =	vst.idx.msk $0xffff, v4  }
0x14b: {  	v32 =	vor.u32 v36, v8;
	v35 =	vor.u32 v36, v9;
	[tilespmem:v51+s14+$0x0] =	vst.idx.msk $0xffff, v3;
	v41 =	vld.idx.msk [tilespmem:v50+s2+$0x0], $0xffff  }
0x14c: {  	v34 =	vor.u32 v39, v14;
	v37 =	vor.u32 v39, v15;
	v5 =	vld.idx.msk [tilespmem:v52+s2+$0x0], $0xffff;
	[tilespmem:v53+s14+$0x0] =	vst.idx.msk $0xffff, v16  }
0x14d: {  	v38 =	vor.u32 v36, v10;
	v51 =	vor.u32 v36, v11;
	[tilespmem:v54+s14+$0x0] =	vst.idx.msk $0xffff, v6;
	v18 =	vld.idx.msk [tilespmem:v18+s2+$0x0], $0xffff  }
0x14e: {  	v50 =	vor.u32 v39, v24;
	v52 =	vor.u32 v36, v12;
	[tilespmem:v60+s14+$0x0] =	vst.idx.msk $0xffff, v19;
	v7 =	vld.idx.msk [tilespmem:v55+s2+$0x0], $0xffff  }
0x14f: {  	v53 =	vor.u32 v39, v27;
	v19 =	vor.u32 v39, v25;
	v55 =	vor.u32 v36, v13;
	v54 =	vld.idx.msk [tilespmem:v33+s2+$0x0], $0xffff  }
0x150: {  	v60 =	vor.u32 v45, v8;
	[tilespmem:v32+s14+$0x0] =	vst.idx.msk $0xffff, v2;
	v32 =	vor.u32 v39, v26;
	v39 =	vld [tilespmem:$0x1FC60]  }
0x151: {  	v36 =	vor.u32 v46, v24;
	v33 =	vor.u32 v46, v14;
	v3 =	vld.idx.msk [tilespmem:v34+s2+$0x0], $0xffff;
	[tilespmem:v35+s14+$0x0] =	vst.idx.msk $0xffff, v41  }
0x152: {  	[tilespmem:v38+s14+$0x0] =	vst.idx.msk $0xffff, v5;
	v34 =	vor.u32 v45, v9;
	v35 =	vor.u32 v45, v10;
	v16 =	vld.idx.msk [tilespmem:v37+s2+$0x0], $0xffff  }
0x153: {  	v38 =	vor.u32 v46, v25;
	v6 =	vld.idx.msk [tilespmem:v50+s2+$0x0], $0xffff;
	[tilespmem:v51+s14+$0x0] =	vst.idx.msk $0xffff, v18;
	v18 =	vor.u32 v46, v15  }
0x154: {  	v37 =	vor.u32 v45, v11;
	v50 =	vor.u32 v45, v12;
	[tilespmem:v52+s14+$0x0] =	vst.idx.msk $0xffff, v7;
	v19 =	vld.idx.msk [tilespmem:v19+s2+$0x0], $0xffff  }
0x155: {  	v51 =	vor.u32 v46, v27;
	[tilespmem:v55+s14+$0x0] =	vst.idx.msk $0xffff, v54;
	v2 =	vld.idx.msk [tilespmem:v53+s2+$0x0], $0xffff;
	v53 =	vor.u32 v45, v13  }
0x156: {  	v54 =	vor.u32 v47, v8;
	v55 =	vor.u32 v46, v26;
	[tilespmem:v60+s14+$0x0] =	vst.idx.msk $0xffff, v3;
	v52 =	vld.idx.msk [tilespmem:v32+s2+$0x0], $0xffff  }
0x157: {  	v60 =	vor.u32 v48, v14;
	v32 =	vor.u32 v47, v9;
	v5 =	vld.idx.msk [tilespmem:v33+s2+$0x0], $0xffff;
	[tilespmem:v34+s14+$0x0] =	vst.idx.msk $0xffff, v16  }
0x158: {  	[tilespmem:v35+s14+$0x0] =	vst.idx.msk $0xffff, v6;
	v33 =	vor.u32 v47, v10;
	v34 =	vor.u32 v48, v24;
	v18 =	vld.idx.msk [tilespmem:v18+s2+$0x0], $0xffff  }
0x159: {  	v35 =	vor.u32 v47, v11;
	v7 =	vld.idx.msk [tilespmem:v36+s2+$0x0], $0xffff;
	[tilespmem:v37+s14+$0x0] =	vst.idx.msk $0xffff, v19;
	v19 =	vor.u32 v48, v15  }
0x15a: {  	v36 =	vor.u32 v48, v25;
	v37 =	vor.u32 v47, v12;
	[tilespmem:v50+s14+$0x0] =	vst.idx.msk $0xffff, v2;
	v4 =	vld.idx.msk [tilespmem:v38+s2+$0x0], $0xffff  }
0x15b: {  	v38 =	vor.u32 v48, v27;
	[tilespmem:v53+s14+$0x0] =	vst.idx.msk $0xffff, v52;
	v3 =	vld.idx.msk [tilespmem:v51+s2+$0x0], $0xffff;
	v51 =	vor.u32 v47, v13  }
0x15c: {  	v52 =	vor.u32 v48, v26;
	v53 =	vor.u32 v56, v14;
	[tilespmem:v54+s14+$0x0] =	vst.idx.msk $0xffff, v5;
	v50 =	vld.idx.msk [tilespmem:v55+s2+$0x0], $0xffff  }
0x15d: {  	v48 =	vor.u32 v58, v14;
	v6 =	vld.idx.msk [tilespmem:v60+s2+$0x0], $0xffff;
	[tilespmem:v32+s14+$0x0] =	vst.idx.msk $0xffff, v18;
	v18 =	vor.u32 v49, v8  }
0x15e: {  	v54 =	vor.u32 v49, v9;
	v55 =	vor.u32 v56, v15;
	[tilespmem:v33+s14+$0x0] =	vst.idx.msk $0xffff, v7;
	v19 =	vld.idx.msk [tilespmem:v19+s2+$0x0], $0xffff  }
0x15f: {  	v60 =	vor.u32 v49, v10;
	v32 =	vor.u32 v56, v24;
	v2 =	vld.idx.msk [tilespmem:v34+s2+$0x0], $0xffff;
	[tilespmem:v35+s14+$0x0] =	vst.idx.msk $0xffff, v4  }
0x160: {  	v33 =	vor.u32 v49, v11;
	v34 =	vor.u32 v56, v25;
	[tilespmem:v37+s14+$0x0] =	vst.idx.msk $0xffff, v3;
	v41 =	vld.idx.msk [tilespmem:v36+s2+$0x0], $0xffff  }
0x161: {  	v35 =	vor.u32 v49, v12;
	v36 =	vor.u32 v56, v27;
	[tilespmem:v51+s14+$0x0] =	vst.idx.msk $0xffff, v50;
	v5 =	vld.idx.msk [tilespmem:v38+s2+$0x0], $0xffff  }
0x162: {  	v37 =	vor.u32 v49, v13;
	v49 =	vor.u32 v57, v9;
	[tilespmem:v18+s14+$0x0] =	vst.idx.msk $0xffff, v6;
	v18 =	vld.idx.msk [tilespmem:v52+s2+$0x0], $0xffff  }
0x163: {  	v38 =	vor.u32 v56, v26;
	v7 =	vld.idx.msk [tilespmem:v53+s2+$0x0], $0xffff;
	[tilespmem:v54+s14+$0x0] =	vst.idx.msk $0xffff, v19;
	v19 =	vor.u32 v57, v8  }
0x164: {  	v50 =	vor.u32 v58, v15;
	v51 =	vor.u32 v57, v10;
	[tilespmem:v60+s14+$0x0] =	vst.idx.msk $0xffff, v2;
	v4 =	vld.idx.msk [tilespmem:v55+s2+$0x0], $0xffff  }
0x165: {  	v56 =	vor.u32 v57, v13;
	v52 =	vor.u32 v58, v24;
	v3 =	vld.idx.msk [tilespmem:v32+s2+$0x0], $0xffff;
	[tilespmem:v33+s14+$0x0] =	vst.idx.msk $0xffff, v41  }
0x166: {  	v53 =	vor.u32 v57, v11;
	v54 =	vor.u32 v57, v12;
	[tilespmem:v35+s14+$0x0] =	vst.idx.msk $0xffff, v5;
	v16 =	vld.idx.msk [tilespmem:v34+s2+$0x0], $0xffff  }
0x167: {  	v57 =	vor.u32 v59, v8;
	[tilespmem:v37+s14+$0x0] =	vst.idx.msk $0xffff, v18;
	v18 =	vor.u32 v58, v25;
	v6 =	vld.idx.msk [tilespmem:v36+s2+$0x0], $0xffff  }
0x168: {  	v60 =	vor.u32 v61, v14;
	v55 =	vor.u32 v58, v27;
	[tilespmem:v19+s14+$0x0] =	vst.idx.msk $0xffff, v7;
	v19 =	vld.idx.msk [tilespmem:v38+s2+$0x0], $0xffff  }
0x169: {  	v32 =	vor.u32 v59, v9;
	v58 =	vor.u32 v58, v26;
	v2 =	vld.idx.msk [tilespmem:v48+s2+$0x0], $0xffff;
	[tilespmem:v49+s14+$0x0] =	vst.idx.msk $0xffff, v4  }
0x16a: {  	v33 =	vor.u32 v61, v15;
	v34 =	vor.u32 v59, v10;
	[tilespmem:v51+s14+$0x0] =	vst.idx.msk $0xffff, v3;
	v41 =	vld.idx.msk [tilespmem:v50+s2+$0x0], $0xffff  }
0x16b: {  	v35 =	vor.u32 v61, v24;
	v36 =	vor.u32 v59, v11;
	v5 =	vld.idx.msk [tilespmem:v52+s2+$0x0], $0xffff;
	[tilespmem:v53+s14+$0x0] =	vst.idx.msk $0xffff, v16  }
0x16c: {  	v37 =	vor.u32 v59, v12;
	v38 =	vor.u32 v61, v27;
	[tilespmem:v54+s14+$0x0] =	vst.idx.msk $0xffff, v6;
	v18 =	vld.idx.msk [tilespmem:v18+s2+$0x0], $0xffff  }
0x16d: {  	v49 =	vor.u32 v59, v13;
	[tilespmem:v56+s14+$0x0] =	vst.idx.msk $0xffff, v19;
	v19 =	vor.u32 v61, v25;
	v7 =	vld.idx.msk [tilespmem:v55+s2+$0x0], $0xffff  }
0x16e: {  	v51 =	vor.u32 v61, v26;
	v50 =	vor.u32 v62, v8;
	[tilespmem:v57+s14+$0x0] =	vst.idx.msk $0xffff, v2;
	v48 =	vld.idx.msk [tilespmem:v58+s2+$0x0], $0xffff  }
0x16f: {  	v52 =	vor.u32 v63, v14;
	v53 =	vor.u32 v62, v9;
	v3 =	vld.idx.msk [tilespmem:v60+s2+$0x0], $0xffff;
	[tilespmem:v32+s14+$0x0] =	vst.idx.msk $0xffff, v41  }
0x170: {  	v54 =	vor.u32 v62, v10;
	v55 =	vor.u32 v63, v24;
	[tilespmem:v34+s14+$0x0] =	vst.idx.msk $0xffff, v5;
	v16 =	vld.idx.msk [tilespmem:v33+s2+$0x0], $0xffff  }
0x171: {  	v56 =	vor.u32 v62, v11;
	v61 =	vor.u32 v62, v13;
	v6 =	vld.idx.msk [tilespmem:v35+s2+$0x0], $0xffff;
	[tilespmem:v36+s14+$0x0] =	vst.idx.msk $0xffff, v18  }
0x172: {  	v57 =	vor.u32 v63, v25;
	v18 =	vor.u32 v63, v15;
	[tilespmem:v37+s14+$0x0] =	vst.idx.msk $0xffff, v7;
	v19 =	vld.idx.msk [tilespmem:v19+s2+$0x0], $0xffff  }
0x173: {  	v58 =	vor.u32 v62, v12;
	v62 =	vor.u32 v21, v8;
	[tilespmem:v49+s14+$0x0] =	vst.idx.msk $0xffff, v48;
	v2 =	vld.idx.msk [tilespmem:v38+s2+$0x0], $0xffff  }
0x174: {  	v34 =	vor.u32 v21, v9;
	v35 =	vor.u32 v21, v10;
	v37 =	vor.u32 v21, v11;
	v60 =	vld.idx.msk [tilespmem:v51+s2+$0x0], $0xffff  }
0x175: {  	v48 =	vor.u32 v21, v12;
	[tilespmem:v50+s14+$0x0] =	vst.idx.msk $0xffff, v3;
	v51 =	vor.u32 v21, v13;
	v21 =	vld [tilespmem:$0x1FE40]  }
0x176: {  	v59 =	vor.u32 v63, v27;
	v5 =	vld.idx.msk [tilespmem:v52+s2+$0x0], $0xffff;
	[tilespmem:v53+s14+$0x0] =	vst.idx.msk $0xffff, v16  }
0x177: {  	v32 =	vor.u32 v63, v26;
	v33 =	vor.u32 v20, v14;
	[tilespmem:v54+s14+$0x0] =	vst.idx.msk $0xffff, v6;
	v18 =	vld.idx.msk [tilespmem:v18+s2+$0x0], $0xffff  }
0x178: {  	v36 =	vor.u32 v20, v24;
	v38 =	vor.u32 v20, v25;
	v49 =	vor.u32 v20, v27;
	v7 =	vld.idx.msk [tilespmem:v55+s2+$0x0], $0xffff  }
0x179: {  	v52 =	vor.u32 v20, v26;
	[tilespmem:v56+s14+$0x0] =	vst.idx.msk $0xffff, v19;
	v19 =	vor.u32 v20, v15;
	v20 =	vld [tilespmem:$0x1FE50]  }
0x17a: {  	[tilespmem:v58+s14+$0x0] =	vst.idx.msk $0xffff, v2;
	v4 =	vld.idx.msk [tilespmem:v57+s2+$0x0], $0xffff  }
0x17b: {  	[tilespmem:v61+s14+$0x0] =	vst.idx.msk $0xffff, v60;
	v3 =	vld.idx.msk [tilespmem:v59+s2+$0x0], $0xffff  }
0x17c: {  	v54 =	vor.u32 v21, v29;
	[tilespmem:v62+s14+$0x0] =	vst.idx.msk $0xffff, v5;
	v50 =	vld.idx.msk [tilespmem:v32+s2+$0x0], $0xffff  }
0x17d: {  	v56 =	vor.u32 v21, v30;
	v58 =	vor.u32 v21, v31;
	v60 =	vor.u32 v21, v0;
	v6 =	vld.idx.msk [tilespmem:v33+s2+$0x0], $0xffff  }
0x17e: {  	v62 =	vor.u32 v21, v1;
	[tilespmem:v34+s14+$0x0] =	vst.idx.msk $0xffff, v18;
	v18 =	vor.u32 v21, v28;
	v21 =	vld [tilespmem:$0x1FE60]  }
0x17f: {  	[tilespmem:v35+s14+$0x0] =	vst.idx.msk $0xffff, v7;
	v53 =	vor.u32 v20, v14;
	v19 =	vld.idx.msk [tilespmem:v19+s2+$0x0], $0xffff  }
0x180: {  	v55 =	vor.u32 v20, v15;
	v2 =	vld.idx.msk [tilespmem:v36+s2+$0x0], $0xffff;
	v57 =	vor.u32 v20, v24;
	v59 =	vor.u32 v20, v25  }
0x181: {  	v61 =	vor.u32 v20, v27;
	v63 =	vor.u32 v20, v26;
	v20 =	vld [tilespmem:$0x1FE70];
	[tilespmem:v37+s14+$0x0] =	vst.idx.msk $0xffff, v4  }
0x182: {  	[tilespmem:v48+s14+$0x0] =	vst.idx.msk $0xffff, v3;
	v41 =	vld.idx.msk [tilespmem:v38+s2+$0x0], $0xffff  }
0x183: {  	[tilespmem:v51+s14+$0x0] =	vst.idx.msk $0xffff, v50;
	v5 =	vld.idx.msk [tilespmem:v49+s2+$0x0], $0xffff  }
0x184: {  	[tilespmem:v18+s14+$0x0] =	vst.idx.msk $0xffff, v6;
	v18 =	vld.idx.msk [tilespmem:v52+s2+$0x0], $0xffff;
	v33 =	vor.u32 v21, v29  }
0x185: {  	v35 =	vor.u32 v21, v30;
	v37 =	vor.u32 v21, v31;
	v38 =	vor.u32 v21, v0;
	v7 =	vld.idx.msk [tilespmem:v53+s2+$0x0], $0xffff  }
0x186: {  	v49 =	vor.u32 v21, v1;
	[tilespmem:v54+s14+$0x0] =	vst.idx.msk $0xffff, v19;
	v19 =	vor.u32 v21, v28;
	v21 =	vld [tilespmem:$0x1FE80]  }
0x187: {  	[tilespmem:v56+s14+$0x0] =	vst.idx.msk $0xffff, v2;
	v4 =	vld.idx.msk [tilespmem:v55+s2+$0x0], $0xffff  }
0x188: {  	v3 =	vld.idx.msk [tilespmem:v57+s2+$0x0], $0xffff;
	[tilespmem:v58+s14+$0x0] =	vst.idx.msk $0xffff, v41  }
0x189: {  	v32 =	vor.u32 v20, v14;
	v34 =	vor.u32 v20, v15;
	[tilespmem:v60+s14+$0x0] =	vst.idx.msk $0xffff, v5;
	v16 =	vld.idx.msk [tilespmem:v59+s2+$0x0], $0xffff  }
0x18a: {  	v36 =	vor.u32 v20, v24;
	v48 =	vor.u32 v20, v27;
	[tilespmem:v62+s14+$0x0] =	vst.idx.msk $0xffff, v18;
	v6 =	vld.idx.msk [tilespmem:v61+s2+$0x0], $0xffff  }
0x18b: {  	v51 =	vor.u32 v20, v26;
	v18 =	vor.u32 v20, v25;
	v20 =	vld [tilespmem:$0x1FE10];
	[tilespmem:v19+s14+$0x0] =	vst.idx.msk $0xffff, v7  }
0x18c: {  	v19 =	vld.idx.msk [tilespmem:v63+s2+$0x0], $0xffff;
	v50 =	vor.u32 v21, v28;
	v53 =	vor.u32 v21, v29;
	v55 =	vor.u32 v21, v30  }
0x18d: {  	v57 =	vor.u32 v21, v31;
	v58 =	vor.u32 v21, v0;
	v61 =	vor.u32 v21, v1;
	v21 =	vld [tilespmem:$0x1FE20]  }
0x18e: {  	v2 =	vld.idx.msk [tilespmem:v32+s2+$0x0], $0xffff;
	[tilespmem:v33+s14+$0x0] =	vst.idx.msk $0xffff, v4  }
0x18f: {  	[tilespmem:v35+s14+$0x0] =	vst.idx.msk $0xffff, v3;
	v41 =	vld.idx.msk [tilespmem:v34+s2+$0x0], $0xffff  }
0x190: {  	v5 =	vld.idx.msk [tilespmem:v36+s2+$0x0], $0xffff;
	[tilespmem:v37+s14+$0x0] =	vst.idx.msk $0xffff, v16;
	v52 =	vor.u32 v20, v14  }
0x191: {  	v54 =	vor.u32 v20, v15;
	[tilespmem:v38+s14+$0x0] =	vst.idx.msk $0xffff, v6;
	v56 =	vor.u32 v20, v24;
	v18 =	vld.idx.msk [tilespmem:v18+s2+$0x0], $0xffff  }
0x192: {  	v59 =	vor.u32 v20, v27;
	v63 =	vor.u32 v20, v26;
	[tilespmem:v49+s14+$0x0] =	vst.idx.msk $0xffff, v19;
	v7 =	vld.idx.msk [tilespmem:v48+s2+$0x0], $0xffff  }
0x193: {  	v19 =	vor.u32 v20, v25;
	v62 =	vor.u32 v21, v28;
	v20 =	vld [tilespmem:$0x1FD40];
	v33 =	vor.u32 v21, v29  }
0x194: {  	v34 =	vor.u32 v21, v30;
	v36 =	vor.u32 v21, v31;
	[tilespmem:v50+s14+$0x0] =	vst.idx.msk $0xffff, v2;
	v60 =	vld.idx.msk [tilespmem:v51+s2+$0x0], $0xffff  }
0x195: {  	v38 =	vor.u32 v21, v0;
	v50 =	vor.u32 v21, v1;
	v21 =	vld [tilespmem:$0x1FD50];
	[tilespmem:v53+s14+$0x0] =	vst.idx.msk $0xffff, v41  }
0x196: {  	[tilespmem:v55+s14+$0x0] =	vst.idx.msk $0xffff, v5;
	v3 =	vld.idx.msk [tilespmem:v52+s2+$0x0], $0xffff  }
0x197: {  	v16 =	vld.idx.msk [tilespmem:v54+s2+$0x0], $0xffff;
	[tilespmem:v57+s14+$0x0] =	vst.idx.msk $0xffff, v18  }
0x198: {  	v6 =	vld.idx.msk [tilespmem:v56+s2+$0x0], $0xffff;
	v32 =	vor.u32 v20, v14;
	v18 =	vor.u32 v20, v15;
	v35 =	vor.u32 v20, v24  }
0x199: {  	v37 =	vor.u32 v20, v25;
	v48 =	vor.u32 v20, v27;
	v52 =	vor.u32 v20, v26;
	v20 =	vld [tilespmem:$0x1FD60]  }
0x19a: {  	[tilespmem:v58+s14+$0x0] =	vst.idx.msk $0xffff, v7;
	v19 =	vld.idx.msk [tilespmem:v19+s2+$0x0], $0xffff  }
0x19b: {  	[tilespmem:v61+s14+$0x0] =	vst.idx.msk $0xffff, v60;
	v2 =	vld.idx.msk [tilespmem:v59+s2+$0x0], $0xffff;
	v51 =	vor.u32 v21, v28;
	v54 =	vor.u32 v21, v29  }
0x19c: {  	v55 =	vor.u32 v21, v30;
	v57 =	vor.u32 v21, v31;
	v49 =	vld.idx.msk [tilespmem:v63+s2+$0x0], $0xffff;
	[tilespmem:v62+s14+$0x0] =	vst.idx.msk $0xffff, v3  }
0x19d: {  	v59 =	vor.u32 v21, v0;
	[tilespmem:v33+s14+$0x0] =	vst.idx.msk $0xffff, v16;
	v62 =	vor.u32 v21, v1;
	v21 =	vld [tilespmem:$0x1FD70]  }
0x19e: {  	[tilespmem:v34+s14+$0x0] =	vst.idx.msk $0xffff, v6;
	v5 =	vld.idx.msk [tilespmem:v32+s2+$0x0], $0xffff;
	v53 =	vor.u32 v20, v14  }
0x19f: {  	v18 =	vld.idx.msk [tilespmem:v18+s2+$0x0], $0xffff;
	[tilespmem:v36+s14+$0x0] =	vst.idx.msk $0xffff, v19;
	v19 =	vor.u32 v20, v15;
	v56 =	vor.u32 v20, v24  }
0x1a0: {  	v58 =	vor.u32 v20, v25;
	v60 =	vor.u32 v20, v27;
	v63 =	vor.u32 v20, v26;
	v20 =	vld [tilespmem:$0x1FD80]  }
0x1a1: {  	v7 =	vld.idx.msk [tilespmem:v35+s2+$0x0], $0xffff;
	[tilespmem:v38+s14+$0x0] =	vst.idx.msk $0xffff, v2  }
0x1a2: {  	v4 =	vld.idx.msk [tilespmem:v37+s2+$0x0], $0xffff;
	[tilespmem:v50+s14+$0x0] =	vst.idx.msk $0xffff, v49;
	v33 =	vor.u32 v21, v29;
	v35 =	vor.u32 v21, v30  }
0x1a3: {  	v3 =	vld.idx.msk [tilespmem:v48+s2+$0x0], $0xffff;
	v37 =	vor.u32 v21, v31;
	v48 =	vor.u32 v21, v0;
	[tilespmem:v51+s14+$0x0] =	vst.idx.msk $0xffff, v5  }
0x1a4: {  	v61 =	vld.idx.msk [tilespmem:v52+s2+$0x0], $0xffff;
	v50 =	vor.u32 v21, v1;
	[tilespmem:v54+s14+$0x0] =	vst.idx.msk $0xffff, v18;
	v18 =	vor.u32 v21, v28  }
0x1a5: {  	v32 =	vor.u32 v20, v14;
	v34 =	vor.u32 v20, v15;
	v36 =	vor.u32 v20, v24;
	v21 =	vld [tilespmem:$0x1FD90]  }
0x1a6: {  	v38 =	vor.u32 v20, v25;
	v49 =	vor.u32 v20, v27;
	v51 =	vor.u32 v20, v26;
	v20 =	vld [tilespmem:$0x1FDA0]  }
0x1a7: {  	[tilespmem:v55+s14+$0x0] =	vst.idx.msk $0xffff, v7;
	v6 =	vld.idx.msk [tilespmem:v53+s2+$0x0], $0xffff  }
0x1a8: {  	v2 =	vld.idx.msk [tilespmem:v56+s2+$0x0], $0xffff  }
0x1a9: {  	v19 =	vld.idx.msk [tilespmem:v19+s2+$0x0], $0xffff;
	[tilespmem:v57+s14+$0x0] =	vst.idx.msk $0xffff, v4  }
0x1aa: {  	[tilespmem:v59+s14+$0x0] =	vst.idx.msk $0xffff, v3;
	v41 =	vld.idx.msk [tilespmem:v58+s2+$0x0], $0xffff  }
0x1ab: {  	[tilespmem:v62+s14+$0x0] =	vst.idx.msk $0xffff, v61;
	v5 =	vld.idx.msk [tilespmem:v60+s2+$0x0], $0xffff  }
0x1ac: {  	v53 =	vor.u32 v21, v29;
	v55 =	vor.u32 v21, v30;
	[tilespmem:v18+s14+$0x0] =	vst.idx.msk $0xffff, v6;
	v18 =	vld.idx.msk [tilespmem:v63+s2+$0x0], $0xffff  }
0x1ad: {  	v57 =	vor.u32 v21, v31;
	v58 =	vor.u32 v21, v0;
	[tilespmem:v35+s14+$0x0] =	vst.idx.msk $0xffff, v2;
	v35 =	vld [tilespmem:$0x1FC60]  }
0x1ae: {  	[tilespmem:v33+s14+$0x0] =	vst.idx.msk $0xffff, v19;
	v19 =	vor.u32 v21, v28;
	v33 =	vor.u32 v21, v1;
	v21 =	vld [tilespmem:$0x1FC10]  }
0x1af: {  	v7 =	vld.idx.msk [tilespmem:v32+s2+$0x0], $0xffff  }
0x1b0: {  	v4 =	vld.idx.msk [tilespmem:v34+s2+$0x0], $0xffff  }
0x1b1: {  	v3 =	vld.idx.msk [tilespmem:v36+s2+$0x0], $0xffff  }
0x1b2: {  	v34 =	vld [tilespmem:$0x1FCA0]  }
0x1b3: {  	[tilespmem:v37+s14+$0x0] =	vst.idx.msk $0xffff, v41;
	v41 =	vld [tilespmem:$0x1FC80]  }
0x1b4: {  	v36 =	vld [tilespmem:$0x1FC60]  }
0x1b5: {  	v37 =	vld [tilespmem:$0x1FCA0]  }
0x1b6: {  	v52 =	vor.u32 v20, v14;
	v16 =	vld.idx.msk [tilespmem:v38+s2+$0x0], $0xffff  }
0x1b7: {  	v54 =	vor.u32 v20, v15;
	v56 =	vor.u32 v20, v24;
	[tilespmem:v48+s14+$0x0] =	vst.idx.msk $0xffff, v5;
	v38 =	vld [tilespmem:$0x1FC60]  }
0x1b8: {  	v59 =	vor.u32 v20, v27;
	v6 =	vld.idx.msk [tilespmem:v49+s2+$0x0], $0xffff;
	[tilespmem:v50+s14+$0x0] =	vst.idx.msk $0xffff, v18;
	v18 =	vor.u32 v20, v25  }
0x1b9: {  	[tilespmem:v53+s14+$0x0] =	vst.idx.msk $0xffff, v4;
	v4 =	vor.u32 v34, v28;
	v28 =	vor.u32 v20, v26;
	v20 =	vld [tilespmem:$0x1FCA0]  }
0x1ba: {  	v17 =	vor.u32 v37, v30;
	v30 =	vld [tilespmem:$0x1FCA0]  }
0x1bb: {  	[tilespmem:v19+s14+$0x0] =	vst.idx.msk $0xffff, v7;
	v19 =	vld.idx.msk [tilespmem:v51+s2+$0x0], $0xffff  }
0x1bc: {  	v2 =	vld.idx.msk [tilespmem:v52+s2+$0x0], $0xffff  }
0x1bd: {  	[tilespmem:v55+s14+$0x0] =	vst.idx.msk $0xffff, v3;
	v40 =	vld.idx.msk [tilespmem:v54+s2+$0x0], $0xffff  }
0x1be: {  	v5 =	vld.idx.msk [tilespmem:v56+s2+$0x0], $0xffff  }
0x1bf: {  	[tilespmem:v58+s14+$0x0] =	vst.idx.msk $0xffff, v6;
	v29 =	vor.u32 v20, v29;
	v30 =	vor.u32 v30, v31;
	v31 =	vld [tilespmem:$0x1FC70]  }
0x1c0: {  	v3 =	vor.u32 v35, v14;
	[tilespmem:v33+s14+$0x0] =	vst.idx.msk $0xffff, v19;
	v19 =	vld [tilespmem:$0x1FC60]  }
0x1c1: {  	[tilespmem:v57+s14+$0x0] =	vst.idx.msk $0xffff, v16;
	v16 =	vor.u32 v36, v15;
	v7 =	vld.idx.msk [tilespmem:v59+s2+$0x0], $0xffff  }
0x1c2: {  	v6 =	vor.u32 v38, v24;
	v18 =	vld.idx.msk [tilespmem:v18+s2+$0x0], $0xffff  }
0x1c3: {  	v0 =	vor.u32 v44, v0;
	[tilespmem:v4+s14+$0x0] =	vst.idx.msk $0xffff, v2;
	v45 =	vld.idx.msk [tilespmem:v28+s2+$0x0], $0xffff  }
0x1c4: {  	v2 =	vor.u32 v39, v27;
	[tilespmem:v29+s14+$0x0] =	vst.idx.msk $0xffff, v40;
	v40 =	vld [tilespmem:$0x1FC60]  }
0x1c5: {  	v3 =	vld.idx.msk [tilespmem:v3+s2+$0x0], $0xffff;
	v19 =	vor.u32 v19, v25;
	v28 =	vor.u32 v31, v8  }
0x1c6: {  	v46 =	vor.u32 v41, v14;
	[tilespmem:v17+s14+$0x0] =	vst.idx.msk $0xffff, v5;
	v47 =	vor.u32 v31, v9;
	v16 =	vld.idx.msk [tilespmem:v16+s2+$0x0], $0xffff  }
0x1c7: {  	v6 =	vld.idx.msk [tilespmem:v6+s2+$0x0], $0xffff;
	[tilespmem:v30+s14+$0x0] =	vst.idx.msk $0xffff, v18;
	v18 =	vor.u32 v41, v15;
	v30 =	vor.u32 v31, v10  }
0x1c8: {  	v1 =	vor.u32 v44, v1;
	v20 =	vld [tilespmem:$0x1FFE0];
	[tilespmem:v0+s14+$0x0] =	vst.idx.msk $0xffff, v7  }
0x1c9: {  	v51 =	vor.u32 v31, v12;
	v2 =	vld.idx.msk [tilespmem:v2+s2+$0x0], $0xffff;
	v29 =	vor.u32 v40, v26  }
0x1ca: {  	v48 =	vor.u32 v41, v24;
	v49 =	vld.idx.msk [tilespmem:v19+s2+$0x0], $0xffff;
	v19 =	vor.u32 v31, v11;
	[tilespmem:v28+s14+$0x0] =	vst.idx.msk $0xffff, v3  }
0x1cb: {  	v53 =	vor.u32 v42, v8;
	v52 =	vor.u32 v41, v27;
	v5 =	vld.idx.msk [tilespmem:v46+s2+$0x0], $0xffff;
	[tilespmem:v47+s14+$0x0] =	vst.idx.msk $0xffff, v16  }
0x1cc: {  	v55 =	vor.u32 v21, v14;
	[tilespmem:v30+s14+$0x0] =	vst.idx.msk $0xffff, v6;
	v30 =	vor.u32 v42, v9;
	v18 =	vld.idx.msk [tilespmem:v18+s2+$0x0], $0xffff  }
0x1cd: {  	v60 =	vld [tilespmem:$0x1FCB0];
	v50 =	vor.u32 v41, v25;
	[tilespmem:v1+s14+$0x0] =	vst.idx.msk $0xffff, v45  }
0x1ce: {  	v56 =	vor.u32 v21, v15;
	[tilespmem:v51+s14+$0x0] =	vst.idx.msk $0xffff, v2;
	v28 =	vld.idx.msk [tilespmem:v29+s2+$0x0], $0xffff;
	v29 =	vor.u32 v31, v13  }
0x1cf: {  	v0 =	vld.idx.msk [tilespmem:v48+s2+$0x0], $0xffff;
	[tilespmem:v19+s14+$0x0] =	vst.idx.msk $0xffff, v49;
	v19 =	vor.u32 v42, v10  }
0x1d0: {  	v54 =	vor.u32 v41, v26;
	v3 =	vld.idx.msk [tilespmem:v52+s2+$0x0], $0xffff;
	[tilespmem:v53+s14+$0x0] =	vst.idx.msk $0xffff, v5  }
0x1d1: {  	v57 =	vor.u32 v21, v24;
	v6 =	vld.idx.msk [tilespmem:v55+s2+$0x0], $0xffff;
	[tilespmem:v30+s14+$0x0] =	vst.idx.msk $0xffff, v18;
	v18 =	vor.u32 v20, v8  }
0x1d2: {  	v63 =	vor.u32 v22, v14;
	v58 =	vor.u32 v42, v11;
	v59 =	vor.u32 v21, v27;
	v1 =	vld.idx.msk [tilespmem:v50+s2+$0x0], $0xffff  }
0x1d3: {  	v7 =	vld.idx.msk [tilespmem:v56+s2+$0x0], $0xffff;
	[tilespmem:v29+s14+$0x0] =	vst.idx.msk $0xffff, v28;
	v28 =	vor.u32 v21, v25;
	v29 =	vor.u32 v42, v12  }
0x1d4: {  	v30 =	vor.u32 v21, v26;
	[tilespmem:v19+s14+$0x0] =	vst.idx.msk $0xffff, v0;
	v19 =	vor.u32 v20, v9;
	v21 =	vld [tilespmem:$0x1FC20]  }
0x1d5: {  	v62 =	vor.u32 v42, v13;
	v33 =	vor.u32 v22, v15;
	v61 =	vld.idx.msk [tilespmem:v54+s2+$0x0], $0xffff  }
0x1d6: {  	v2 =	vld.idx.msk [tilespmem:v57+s2+$0x0], $0xffff;
	[tilespmem:v18+s14+$0x0] =	vst.idx.msk $0xffff, v6  }
0x1d7: {  	v34 =	vor.u32 v20, v10;
	[tilespmem:v58+s14+$0x0] =	vst.idx.msk $0xffff, v1;
	v0 =	vld.idx.msk [tilespmem:v63+s2+$0x0], $0xffff  }
0x1d8: {  	v35 =	vor.u32 v22, v24;
	[tilespmem:v29+s14+$0x0] =	vst.idx.msk $0xffff, v3;
	v28 =	vld.idx.msk [tilespmem:v28+s2+$0x0], $0xffff;
	v29 =	vor.u32 v20, v11  }
0x1d9: {  	v36 =	vor.u32 v22, v25;
	[tilespmem:v19+s14+$0x0] =	vst.idx.msk $0xffff, v7;
	v39 =	vor.u32 v21, v8;
	v5 =	vld.idx.msk [tilespmem:v59+s2+$0x0], $0xffff  }
0x1da: {  	v37 =	vor.u32 v20, v12;
	v45 =	vor.u32 v60, v14;
	[tilespmem:v62+s14+$0x0] =	vst.idx.msk $0xffff, v61;
	v1 =	vld.idx.msk [tilespmem:v33+s2+$0x0], $0xffff  }
0x1db: {  	v38 =	vor.u32 v22, v27;
	v18 =	vld.idx.msk [tilespmem:v30+s2+$0x0], $0xffff;
	v30 =	vor.u32 v20, v13  }
0x1dc: {  	v19 =	vor.u32 v22, v26;
	[tilespmem:v34+s14+$0x0] =	vst.idx.msk $0xffff, v2;
	v62 =	vld [tilespmem:$0x1FDF0]  }
0x1dd: {  	v3 =	vld.idx.msk [tilespmem:v35+s2+$0x0], $0xffff;
	[tilespmem:v29+s14+$0x0] =	vst.idx.msk $0xffff, v28  }
0x1de: {  	v46 =	vor.u32 v21, v9;
	[tilespmem:v39+s14+$0x0] =	vst.idx.msk $0xffff, v0;
	v16 =	vld.idx.msk [tilespmem:v36+s2+$0x0], $0xffff  }
0x1df: {  	v28 =	vor.u32 v60, v15;
	v29 =	vor.u32 v21, v10;
	[tilespmem:v37+s14+$0x0] =	vst.idx.msk $0xffff, v5;
	v2 =	vld.idx.msk [tilespmem:v45+s2+$0x0], $0xffff  }
0x1e0: {  	v47 =	vor.u32 v60, v24;
	v48 =	vor.u32 v21, v11;
	[tilespmem:v30+s14+$0x0] =	vst.idx.msk $0xffff, v18;
	v6 =	vld.idx.msk [tilespmem:v38+s2+$0x0], $0xffff  }
0x1e1: {  	v51 =	vor.u32 v23, v8;
	v50 =	vld.idx.msk [tilespmem:v19+s2+$0x0], $0xffff  }
0x1e2: {  	v30 =	vor.u32 v21, v12;
	v19 =	vor.u32 v21, v13;
	v21 =	vld [tilespmem:$0x1FDE0]  }
0x1e3: {  	[tilespmem:v46+s14+$0x0] =	vst.idx.msk $0xffff, v1;
	v45 =	vld [tilespmem:$0x1FC40]  }
0x1e4: {  	v18 =	vor.u32 v60, v25;
	[tilespmem:v29+s14+$0x0] =	vst.idx.msk $0xffff, v3;
	v28 =	vld.idx.msk [tilespmem:v28+s2+$0x0], $0xffff  }
0x1e5: {  	v49 =	vor.u32 v60, v27;
	v55 =	vor.u32 v23, v10;
	[tilespmem:v48+s14+$0x0] =	vst.idx.msk $0xffff, v16;
	v5 =	vld.idx.msk [tilespmem:v47+s2+$0x0], $0xffff  }
0x1e6: {  	v61 =	vor.u32 v23, v13;
	v29 =	vor.u32 v23, v9;
	[tilespmem:v51+s14+$0x0] =	vst.idx.msk $0xffff, v2;
	v47 =	vld [tilespmem:$0x1FC40]  }
0x1e7: {  	v51 =	vld [tilespmem:$0x1FC40];
	[tilespmem:v30+s14+$0x0] =	vst.idx.msk $0xffff, v6;
	v30 =	vor.u32 v23, v11;
	v53 =	vor.u32 v21, v14  }
0x1e8: {  	v54 =	vor.u32 v21, v15;
	[tilespmem:v19+s14+$0x0] =	vst.idx.msk $0xffff, v50;
	v19 =	vor.u32 v23, v12;
	v23 =	vld [tilespmem:$0x1FE00]  }
0x1e9: {  	v18 =	vld.idx.msk [tilespmem:v18+s2+$0x0], $0xffff  }
0x1ea: {  	v52 =	vor.u32 v60, v26;
	v56 =	vor.u32 v21, v24;
	v57 =	vor.u32 v21, v25;
	v0 =	vld.idx.msk [tilespmem:v49+s2+$0x0], $0xffff  }
0x1eb: {  	v58 =	vor.u32 v21, v27;
	[tilespmem:v29+s14+$0x0] =	vst.idx.msk $0xffff, v28;
	v29 =	vor.u32 v21, v26;
	v21 =	vld [tilespmem:$0x1FC30]  }
0x1ec: {  	v28 =	vor.u32 v62, v8;
	v3 =	vld.idx.msk [tilespmem:v53+s2+$0x0], $0xffff  }
0x1ed: {  	v33 =	vor.u32 v62, v9;
	v63 =	vor.u32 v23, v14;
	v16 =	vld.idx.msk [tilespmem:v54+s2+$0x0], $0xffff  }
0x1ee: {  	v49 =	vld [tilespmem:$0x1FC40];
	[tilespmem:v30+s14+$0x0] =	vst.idx.msk $0xffff, v18;
	v18 =	vor.u32 v23, v15  }
0x1ef: {  	v59 =	vld.idx.msk [tilespmem:v52+s2+$0x0], $0xffff;
	[tilespmem:v55+s14+$0x0] =	vst.idx.msk $0xffff, v5  }
0x1f0: {  	v30 =	vor.u32 v62, v10;
	v6 =	vld.idx.msk [tilespmem:v56+s2+$0x0], $0xffff;
	[tilespmem:v19+s14+$0x0] =	vst.idx.msk $0xffff, v0  }
0x1f1: {  	v7 =	vld.idx.msk [tilespmem:v57+s2+$0x0], $0xffff;
	v19 =	vor.u32 v62, v11;
	[tilespmem:v28+s14+$0x0] =	vst.idx.msk $0xffff, v3  }
0x1f2: {  	v38 =	vor.u32 v21, v8;
	[tilespmem:v33+s14+$0x0] =	vst.idx.msk $0xffff, v16;
	v5 =	vld.idx.msk [tilespmem:v63+s2+$0x0], $0xffff  }
0x1f3: {  	v46 =	vld.idx.msk [tilespmem:v18+s2+$0x0], $0xffff;
	v18 =	vor.u32 v21, v9  }
0x1f4: {  	v34 =	vor.u32 v23, v24;
	[tilespmem:v61+s14+$0x0] =	vst.idx.msk $0xffff, v59;
	v1 =	vld.idx.msk [tilespmem:v58+s2+$0x0], $0xffff  }
0x1f5: {  	v36 =	vor.u32 v62, v12;
	v35 =	vor.u32 v23, v25;
	v28 =	vld.idx.msk [tilespmem:v29+s2+$0x0], $0xffff;
	[tilespmem:v30+s14+$0x0] =	vst.idx.msk $0xffff, v6  }
0x1f6: {  	v37 =	vor.u32 v23, v27;
	v29 =	vor.u32 v62, v13;
	[tilespmem:v19+s14+$0x0] =	vst.idx.msk $0xffff, v7;
	v19 =	vld [tilespmem:$0x1FC40]  }
0x1f7: {  	v39 =	vor.u32 v23, v26;
	[tilespmem:v38+s14+$0x0] =	vst.idx.msk $0xffff, v5;
	v5 =	vor.u32 v51, v27;
	v27 =	vld [tilespmem:$0x1FC40]  }
0x1f8: {  	v6 =	vor.u32 v45, v14;
	[tilespmem:v18+s14+$0x0] =	vst.idx.msk $0xffff, v46;
	v18 =	vld [tilespmem:$0x1FC50]  }
0x1f9: {  	v48 =	vor.u32 v21, v10;
	v7 =	vor.u32 v47, v15;
	v0 =	vld.idx.msk [tilespmem:v34+s2+$0x0], $0xffff  }
0x1fa: {  	v50 =	vor.u32 v21, v11;
	[tilespmem:v36+s14+$0x0] =	vst.idx.msk $0xffff, v1;
	v1 =	vor.u32 v49, v24;
	v2 =	vld.idx.msk [tilespmem:v35+s2+$0x0], $0xffff  }
0x1fb: {  	v24 =	vor.u32 v21, v12;
	v3 =	vld.idx.msk [tilespmem:v37+s2+$0x0], $0xffff;
	[tilespmem:v29+s14+$0x0] =	vst.idx.msk $0xffff, v28;
	v19 =	vor.u32 v19, v25  }
0x1fc: {  	v53 =	vor.u32 v21, v13;
	v52 =	vld.idx.msk [tilespmem:v39+s2+$0x0], $0xffff  }
0x1fd: {  	v6 =	vld.idx.msk [tilespmem:v6+s2+$0x0], $0xffff;
	v8 =	vor.u32 v18, v8;
	v54 =	vor.u32 v27, v26  }
0x1fe: {  	[tilespmem:v48+s14+$0x0] =	vst.idx.msk $0xffff, v0;
	v55 =	vld.idx.msk [tilespmem:v7+s2+$0x0], $0xffff;
	v56 =	vor.u32 v18, v9  }
0x1ff: {  	[tilespmem:v50+s14+$0x0] =	vst.idx.msk $0xffff, v2;
	v1 =	vld.idx.msk [tilespmem:v1+s2+$0x0], $0xffff;
	v57 =	vor.u32 v18, v10  }
0x200: {  	[tilespmem:v24+s14+$0x0] =	vst.idx.msk $0xffff, v3;
	v58 =	vld.idx.msk [tilespmem:v19+s2+$0x0], $0xffff;
	v59 =	vor.u32 v18, v11  }
0x201: {  	[tilespmem:v53+s14+$0x0] =	vst.idx.msk $0xffff, v52;
	v5 =	vld.idx.msk [tilespmem:v5+s2+$0x0], $0xffff;
	v61 =	vor.u32 v18, v12  }
0x202: {  	p3 =	por p2, p2;
	v63 =	vor.u32 v18, v13;
	[tilespmem:v8+s14+$0x0] =	vst.idx.msk $0xffff, v6;
	v62 =	vld.idx.msk [tilespmem:v54+s2+$0x0], $0xffff  }
.Ltmp5:
0x203: {  	[tilespmem:v56+s14+$0x0] =	vst.idx.msk $0xffff, v55;
	(pc) =	sbr.rel @p3 .LBB2_4-.Ltmp5, $4  }
0x204: {  	[tilespmem:v57+s14+$0x0] =	vst.idx.msk $0xffff, v1  }
0x205: {  	[tilespmem:v59+s14+$0x0] =	vst.idx.msk $0xffff, v58  }
0x206: {  	[tilespmem:v61+s14+$0x0] =	vst.idx.msk $0xffff, v5  }
0x207: {  	p2 =	por $0x0, $0x0;
	s25 =	simm.s32 $0x8;
	v43 =	vlaneseq.u32;
	[tilespmem:v63+s14+$0x0] =	vst.idx.msk $0xffff, v62  }
0x208: {  	v48 =	vld [tilespmem:$0x1FE90]  }
0x209: {  	v58 =	vld [tilespmem:$0x1FEA0]  }
0x20a: {  	v50 =	vld [tilespmem:$0x1FEB0]  }
0x20b: {  	v52 =	vld [tilespmem:$0x1FEC0]  }
0x20c: {  	v54 =	vld [tilespmem:$0x1FED0]  }
0x20d: {  	v46 =	vld [tilespmem:$0x1FEE0]  }
0x20e: {  	v47 =	vld [tilespmem:$0x1FEF0]  }
0x20f: {  	v8 =	vld [tilespmem:$0x1FF00]  }
0x210: {  	v10 =	vld [tilespmem:$0x1FF10]  }
0x211: {  	v25 =	vld [tilespmem:$0x1FF20]  }
0x212: {  	v26 =	vld [tilespmem:$0x1FF30]  }
0x213: {  	v53 =	vld [tilespmem:$0x1FF40]  }
0x214: {  	v55 =	vld [tilespmem:$0x1FF50]  }
0x215: {  	v49 =	vld [tilespmem:$0x1FF60]  }
0x216: {  	v29 =	vld [tilespmem:$0x1FF70]  }
0x217: {  	v16 =	vld [tilespmem:$0x1FF80]  }
0x218: {  	v17 =	vld [tilespmem:$0x1FF90]  }
0x219: {  	v30 =	vld [tilespmem:$0x1FFA0]  }
0x21a: {  	v51 =	vld [tilespmem:$0x1FFB0]  }
0x21b: {  	v2 =	vld [tilespmem:$0x1FFC0]  }
0x21c: {  	v63 =	vld [tilespmem:$0x1FFD0]  }
0x21d: {  	v1 =	vld [tilespmem:$0x1FE30]  }
0x21e: {  	s25 =	sadd.s32 $0x2, s24;
	v3 =	vld [tilespmem:$0x1FE40]  }
0x21f: {  	v5 =	vld [tilespmem:$0x1FE50];
	p2 =	sge.u32 s25, s6  }
0x220: {  	s31 =	sshll.u32 s23, $0x10;
	v7 =	vld [tilespmem:$0x1FE60];
	s25 =	sshll.u32 @!p2 s25, $0xC;
	s26 =	simm.s32 @!p2 $0x400  }
0x221: {  	v9 =	vld [tilespmem:$0x1FE70];
	s28 =	simm.s32 @!p2 $0x7A1400;
	s29 =	simm.s32 @!p2 $0x0;
	s25 =	sadd.s32 @!p2 s25, s3  }
0x222: {  	v11 =	vld [tilespmem:$0x1FE80];
	[tilespmem:s29], [sflag:$0x1] =	stream.strided.gather @!p2 [hbm4b:s25+s26], $0x2000, s28, s26, $0x38  }
0x223: {  	v32 =	vld [tilespmem:$0x1FE10];
	s25 =	sadd.s32 s31, s5  }
0x224: {  	v14 =	vld [tilespmem:$0x1FE20];
	[hbm4b:s25+s2] =	stream.linear.scatter [tilespmem:s14], [sflag:$0x3], $0x2000, $0x38  }
.LBB2_6:
0x225: {  	s25 =	sor.u32 $0x1, s24  }
0x226: {  	p2 =	sge.u32 s25, s6  }
.Ltmp6:
0x227: {  	_ = 	snop;
	(pc) =	sbr.rel @p2 .LBB2_10-.Ltmp6, $1  }
0x228: {  	_ =	sdelay $0x3  }
0x229: {  	s26 =	simm.s32 @!p1 $0x4  }
0x22a: {  	_ =	swait.ge @!p1 [sflag:s26], $0x2000  }
0x22b: {  	[sflag:s26] =	ssyncset.done @!p1 $0x0  }
0x22c: {  	[sflag:s26] =	ssyncadd.s32 @!p1 $0xFFFFE000  }
0x22d: {  	_ =	swait.ge [sflag:s15], $0x2000  }
0x22e: {  	v24 =	vld [tilespmem:$0x1FC30]  }
0x22f: {  	[sflag:s15] =	ssyncset.done $0x0;
	v25 =	vld [tilespmem:$0x1FC40]  }
0x230: {  	s26 =	simm.s32 $0x0;
	p1 =	por $0x1, $0x1;
	v27 =	vld [tilespmem:$0x1FC50];
	[sflag:s15] =	ssyncadd.s32 $0xFFFFE000  }
.LBB2_8:
0x231: {  	v0 =	vadd.s32 s26, v43  }
0x232: {  	v8 =	vand.u32 $0xF, v0  }
0x233: {  	v1 =	vshll.u32 v8, $0x7  }
0x234: {  	v49 =	vld [tilespmem:$0x1FE90];
	v2 =	vor.u32 v43, v1  }
0x235: {  	v48 =	vld [tilespmem:$0x1FEA0];
	_ =	sdelay $0x3  }
0x236: {  	v3 =	vor.u32 v49, v8;
	v2 =	vld.idx.msk [tilespmem:v2+s12+$0x0], $0xffff  }
0x237: {  	v50 =	vld [tilespmem:$0x1FEB0];
	s28 =	sor.u32 $0x1, s26;
	v4 =	vor.u32 v48, v1  }
0x238: {  	v51 =	vld [tilespmem:$0x1FEC0];
	v26 =	vadd.s32 s28, v43  }
0x239: {  	v10 =	vand.u32 $0xF, v26  }
0x23a: {  	v9 =	vshll.u32 v10, $0x7  }
0x23b: {  	v5 =	vor.u32 v43, v9;
	[tilespmem:v3+s16+$0x0] =	vst.idx.msk $0xffff, v2  }
0x23c: {  	v15 =	vor.u32 v50, v8;
	v2 =	vld.idx.msk [tilespmem:v4+s12+$0x0], $0xffff  }
0x23d: {  	v52 =	vld [tilespmem:$0x1FED0];
	v16 =	vor.u32 v51, v1  }
0x23e: {  	v57 =	vld [tilespmem:$0x1FEE0];
	_ =	sdelay $0x1  }
0x23f: {  	v35 =	vor.u32 v49, v10;
	v33 =	vld.idx.msk [tilespmem:v5+s12+$0x0], $0xffff  }
0x240: {  	v37 =	vor.u32 v48, v9;
	[tilespmem:v15+s16+$0x0] =	vst.idx.msk $0xffff, v2  }
0x241: {  	v17 =	vor.u32 v52, v8;
	v2 =	vld.idx.msk [tilespmem:v16+s12+$0x0], $0xffff  }
0x242: {  	v34 =	vld [tilespmem:$0x1FEF0];
	v18 =	vor.u32 v57, v1  }
0x243: {  	v53 =	vld [tilespmem:$0x1FF00]  }
0x244: {  	[tilespmem:v35+s16+$0x0] =	vst.idx.msk $0xffff, v33  }
0x245: {  	v38 =	vor.u32 v50, v10;
	v3 =	vld.idx.msk [tilespmem:v37+s12+$0x0], $0xffff  }
0x246: {  	v39 =	vor.u32 v51, v9;
	[tilespmem:v17+s16+$0x0] =	vst.idx.msk $0xffff, v2  }
0x247: {  	v19 =	vor.u32 v34, v8;
	v2 =	vld.idx.msk [tilespmem:v18+s12+$0x0], $0xffff  }
0x248: {  	v54 =	vld [tilespmem:$0x1FF10];
	v20 =	vor.u32 v53, v1  }
0x249: {  	v58 =	vld [tilespmem:$0x1FF20]  }
0x24a: {  	[tilespmem:v38+s16+$0x0] =	vst.idx.msk $0xffff, v3  }
0x24b: {  	v45 =	vor.u32 v52, v10;
	v3 =	vld.idx.msk [tilespmem:v39+s12+$0x0], $0xffff  }
0x24c: {  	v46 =	vor.u32 v57, v9;
	[tilespmem:v19+s16+$0x0] =	vst.idx.msk $0xffff, v2  }
0x24d: {  	v21 =	vor.u32 v54, v8;
	v2 =	vld.idx.msk [tilespmem:v20+s12+$0x0], $0xffff  }
0x24e: {  	v36 =	vld [tilespmem:$0x1FF30];
	v22 =	vor.u32 v58, v1  }
0x24f: {  	v63 =	vld [tilespmem:$0x1FF40]  }
0x250: {  	[tilespmem:v45+s16+$0x0] =	vst.idx.msk $0xffff, v3  }
0x251: {  	v47 =	vor.u32 v34, v10;
	v3 =	vld.idx.msk [tilespmem:v46+s12+$0x0], $0xffff  }
0x252: {  	v55 =	vor.u32 v53, v9;
	[tilespmem:v21+s16+$0x0] =	vst.idx.msk $0xffff, v2  }
0x253: {  	v23 =	vor.u32 v36, v8;
	v2 =	vld.idx.msk [tilespmem:v22+s12+$0x0], $0xffff  }
0x254: {  	v32 =	vor.u32 v63, v1;
	_ =	sdelay $0x1  }
0x255: {  	[tilespmem:v47+s16+$0x0] =	vst.idx.msk $0xffff, v3  }
0x256: {  	v3 =	vld.idx.msk [tilespmem:v55+s12+$0x0], $0xffff  }
0x257: {  	v55 =	vld [tilespmem:$0x1FF50];
	[tilespmem:v23+s16+$0x0] =	vst.idx.msk $0xffff, v2  }
0x258: {  	v2 =	vld.idx.msk [tilespmem:v32+s12+$0x0], $0xffff  }
0x259: {  	v32 =	vld [tilespmem:$0x1FDC0];
	_ =	sdelay $0x1  }
0x25a: {  	v56 =	vor.u32 v54, v10  }
0x25b: {  	v59 =	vor.u32 v58, v9  }
0x25c: {  	v6 =	vor.u32 v55, v8  }
0x25d: {  	v62 =	vor.u32 v32, v1;
	_ =	sdelay $0x1  }
0x25e: {  	[tilespmem:v56+s16+$0x0] =	vst.idx.msk $0xffff, v3  }
0x25f: {  	v60 =	vor.u32 v36, v10;
	v3 =	vld.idx.msk [tilespmem:v59+s12+$0x0], $0xffff  }
0x260: {  	v61 =	vor.u32 v63, v9;
	[tilespmem:v6+s16+$0x0] =	vst.idx.msk $0xffff, v2  }
0x261: {  	v2 =	vld.idx.msk [tilespmem:v62+s12+$0x0], $0xffff  }
0x262: {  	v62 =	vld [tilespmem:$0x1FDB0]  }
0x263: {  	v37 =	vld [tilespmem:$0x1FF60]  }
0x264: {  	[tilespmem:v60+s16+$0x0] =	vst.idx.msk $0xffff, v3  }
0x265: {  	v11 =	vor.u32 v55, v10;
	v4 =	vld.idx.msk [tilespmem:v61+s12+$0x0], $0xffff  }
0x266: {  	v7 =	vor.u32 v32, v9  }
0x267: {  	v12 =	vor.u32 v62, v8  }
0x268: {  	v13 =	vor.u32 v37, v1;
	v20 =	vld [tilespmem:$0x1FF70]  }
0x269: {  	v35 =	vld [tilespmem:$0x1FF80]  }
0x26a: {  	[tilespmem:v11+s16+$0x0] =	vst.idx.msk $0xffff, v4  }
0x26b: {  	v5 =	vld.idx.msk [tilespmem:v7+s12+$0x0], $0xffff;
	v14 =	vor.u32 v62, v10  }
0x26c: {  	v15 =	vor.u32 v37, v9;
	[tilespmem:v12+s16+$0x0] =	vst.idx.msk $0xffff, v2  }
0x26d: {  	v16 =	vor.u32 v20, v0;
	v2 =	vld.idx.msk [tilespmem:v13+s12+$0x0], $0xffff  }
0x26e: {  	v17 =	vor.u32 v35, v1;
	v23 =	vld [tilespmem:$0x1FF90];
	_ =	sdelay $0x1  }
0x26f: {  	[tilespmem:v14+s16+$0x0] =	vst.idx.msk $0xffff, v5  }
0x270: {  	v18 =	vor.u32 v20, v26;
	v5 =	vld.idx.msk [tilespmem:v15+s12+$0x0], $0xffff  }
0x271: {  	v38 =	vld [tilespmem:$0x1FFA0];
	v19 =	vor.u32 v35, v9;
	[tilespmem:v16+s16+$0x0] =	vst.idx.msk $0xffff, v2  }
0x272: {  	v22 =	vor.u32 v23, v0;
	v2 =	vld.idx.msk [tilespmem:v17+s12+$0x0], $0xffff;
	_ =	sdelay $0x2  }
0x273: {  	v45 =	vld [tilespmem:$0x1FFB0];
	[tilespmem:v18+s16+$0x0] =	vst.idx.msk $0xffff, v5  }
0x274: {  	v33 =	vor.u32 v38, v1;
	v5 =	vld.idx.msk [tilespmem:v19+s12+$0x0], $0xffff  }
0x275: {  	v39 =	vor.u32 v23, v26;
	[tilespmem:v22+s16+$0x0] =	vst.idx.msk $0xffff, v2;
	v22 =	vld [tilespmem:$0x1FFC0]  }
0x276: {  	v56 =	vor.u32 v38, v9;
	_ =	sdelay $0x1  }
0x277: {  	v46 =	vld [tilespmem:$0x1FFD0]  }
0x278: {  	v59 =	vor.u32 v45, v0;
	v2 =	vld.idx.msk [tilespmem:v33+s12+$0x0], $0xffff  }
0x279: {  	v47 =	vld [tilespmem:$0x1FCC0];
	[tilespmem:v39+s16+$0x0] =	vst.idx.msk $0xffff, v5;
	v60 =	vor.u32 v22, v1  }
0x27a: {  	v61 =	vor.u32 v45, v26;
	v5 =	vld.idx.msk [tilespmem:v56+s12+$0x0], $0xffff;
	_ =	sdelay $0x2  }
0x27b: {  	v11 =	vor.u32 v22, v9;
	[tilespmem:v59+s16+$0x0] =	vst.idx.msk $0xffff, v2  }
0x27c: {  	v12 =	vor.u32 v46, v0;
	v2 =	vld.idx.msk [tilespmem:v60+s12+$0x0], $0xffff  }
0x27d: {  	v13 =	vor.u32 v47, v1;
	[tilespmem:v61+s16+$0x0] =	vst.idx.msk $0xffff, v5;
	v61 =	vld [tilespmem:$0x1FD00]  }
0x27e: {  	v56 =	vld [tilespmem:$0x1FCD0];
	_ =	sdelay $0x1  }
0x27f: {  	v14 =	vor.u32 v46, v26;
	v5 =	vld.idx.msk [tilespmem:v11+s12+$0x0], $0xffff  }
0x280: {  	v15 =	vor.u32 v47, v9;
	[tilespmem:v12+s16+$0x0] =	vst.idx.msk $0xffff, v2  }
0x281: {  	v16 =	vor.u32 v61, v0;
	v2 =	vld.idx.msk [tilespmem:v13+s12+$0x0], $0xffff  }
0x282: {  	v17 =	vor.u32 v56, v1;
	v60 =	vld [tilespmem:$0x1FD10]  }
0x283: {  	v21 =	vld [tilespmem:$0x1FCE0]  }
0x284: {  	[tilespmem:v14+s16+$0x0] =	vst.idx.msk $0xffff, v5  }
0x285: {  	v18 =	vor.u32 v61, v26;
	v5 =	vld.idx.msk [tilespmem:v15+s12+$0x0], $0xffff  }
0x286: {  	v19 =	vor.u32 v56, v9;
	[tilespmem:v16+s16+$0x0] =	vst.idx.msk $0xffff, v2  }
0x287: {  	v33 =	vor.u32 v60, v0;
	v2 =	vld.idx.msk [tilespmem:v17+s12+$0x0], $0xffff  }
0x288: {  	v39 =	vor.u32 v21, v1;
	_ =	sdelay $0x1  }
0x289: {  	[tilespmem:v18+s16+$0x0] =	vst.idx.msk $0xffff, v5  }
0x28a: {  	v5 =	vld.idx.msk [tilespmem:v19+s12+$0x0], $0xffff  }
0x28b: {  	[tilespmem:v33+s16+$0x0] =	vst.idx.msk $0xffff, v2;
	v33 =	vld [tilespmem:$0x1FD20]  }
0x28c: {  	v59 =	vor.u32 v60, v26;
	v2 =	vld.idx.msk [tilespmem:v39+s12+$0x0], $0xffff  }
0x28d: {  	v11 =	vor.u32 v21, v9;
	v39 =	vld [tilespmem:$0x1FCF0];
	_ =	sdelay $0x3  }
0x28e: {  	[tilespmem:v59+s16+$0x0] =	vst.idx.msk $0xffff, v5;
	v59 =	vld [tilespmem:$0x1FD30];
	v12 =	vor.u32 v33, v0  }
0x28f: {  	v5 =	vld.idx.msk [tilespmem:v11+s12+$0x0], $0xffff;
	v14 =	vor.u32 v33, v26;
	v13 =	vor.u32 v39, v1  }
0x290: {  	v11 =	vld [tilespmem:$0x1FE30];
	v15 =	vor.u32 v39, v9;
	_ =	sdelay $0x2  }
0x291: {  	[tilespmem:v12+s16+$0x0] =	vst.idx.msk $0xffff, v2  }
0x292: {  	v16 =	vor.u32 v59, v0;
	[tilespmem:v14+s16+$0x0] =	vst.idx.msk $0xffff, v5;
	v2 =	vld.idx.msk [tilespmem:v13+s12+$0x0], $0xffff  }
0x293: {  	v18 =	vor.u32 v59, v26;
	v17 =	vor.u32 v11, v1;
	v5 =	vld.idx.msk [tilespmem:v15+s12+$0x0], $0xffff  }
0x294: {  	v19 =	vor.u32 v11, v9;
	v12 =	vld [tilespmem:$0x1FE40];
	_ =	sdelay $0x1  }
0x295: {  	v15 =	vld [tilespmem:$0x1FE50]  }
0x296: {  	[tilespmem:v16+s16+$0x0] =	vst.idx.msk $0xffff, v2  }
0x297: {  	[tilespmem:v18+s16+$0x0] =	vst.idx.msk $0xffff, v5;
	v2 =	vld.idx.msk [tilespmem:v17+s12+$0x0], $0xffff  }
0x298: {  	v14 =	vor.u32 v12, v8;
	v5 =	vld.idx.msk [tilespmem:v19+s12+$0x0], $0xffff  }
0x299: {  	v17 =	vor.u32 v12, v10;
	v19 =	vld [tilespmem:$0x1FE60]  }
0x29a: {  	v16 =	vor.u32 v15, v1  }
0x29b: {  	v18 =	vor.u32 v15, v9;
	v15 =	vld [tilespmem:$0x1FE70];
	_ =	sdelay $0x1  }
0x29c: {  	[tilespmem:v14+s16+$0x0] =	vst.idx.msk $0xffff, v2  }
0x29d: {  	v14 =	vor.u32 v19, v8;
	[tilespmem:v17+s16+$0x0] =	vst.idx.msk $0xffff, v5;
	v17 =	vor.u32 v19, v10;
	v19 =	vld [tilespmem:$0x1FE80]  }
0x29e: {  	v2 =	vld.idx.msk [tilespmem:v16+s12+$0x0], $0xffff  }
0x29f: {  	v16 =	vor.u32 v15, v1;
	v5 =	vld.idx.msk [tilespmem:v18+s12+$0x0], $0xffff  }
0x2a0: {  	v18 =	vor.u32 v15, v9;
	v15 =	vld [tilespmem:$0x1FE10];
	_ =	sdelay $0x2  }
0x2a1: {  	[tilespmem:v14+s16+$0x0] =	vst.idx.msk $0xffff, v2  }
0x2a2: {  	v14 =	vor.u32 v19, v8;
	[tilespmem:v17+s16+$0x0] =	vst.idx.msk $0xffff, v5;
	v2 =	vld.idx.msk [tilespmem:v16+s12+$0x0], $0xffff  }
0x2a3: {  	v17 =	vor.u32 v19, v10;
	v16 =	vor.u32 v15, v1;
	v5 =	vld.idx.msk [tilespmem:v18+s12+$0x0], $0xffff;
	_ =	sdelay $0x3  }
0x2a4: {  	v19 =	vld [tilespmem:$0x1FE20];
	[tilespmem:v14+s16+$0x0] =	vst.idx.msk $0xffff, v2  }
0x2a5: {  	[tilespmem:v17+s16+$0x0] =	vst.idx.msk $0xffff, v5;
	v2 =	vld.idx.msk [tilespmem:v16+s12+$0x0], $0xffff  }
0x2a6: {  	v14 =	vld [tilespmem:$0x1FD40];
	_ =	sdelay $0x2  }
0x2a7: {  	v18 =	vor.u32 v15, v9  }
0x2a8: {  	v13 =	vor.u32 v19, v8  }
0x2a9: {  	v15 =	vor.u32 v14, v1;
	_ =	sdelay $0x2  }
0x2aa: {  	v16 =	vld.idx.msk [tilespmem:v18+s12+$0x0], $0xffff  }
0x2ab: {  	v17 =	vor.u32 v19, v10;
	v19 =	vld [tilespmem:$0x1FD50];
	[tilespmem:v13+s16+$0x0] =	vst.idx.msk $0xffff, v2  }
0x2ac: {  	v18 =	vor.u32 v14, v9;
	v2 =	vld.idx.msk [tilespmem:v15+s12+$0x0], $0xffff  }
0x2ad: {  	v15 =	vld [tilespmem:$0x1FD60];
	_ =	sdelay $0x2  }
0x2ae: {  	v14 =	vor.u32 v19, v8;
	[tilespmem:v17+s16+$0x0] =	vst.idx.msk $0xffff, v16;
	v17 =	vor.u32 v19, v10;
	v19 =	vld [tilespmem:$0x1FD70]  }
0x2af: {  	v5 =	vld.idx.msk [tilespmem:v18+s12+$0x0], $0xffff  }
0x2b0: {  	v18 =	vor.u32 v15, v9  }
0x2b1: {  	v16 =	vor.u32 v15, v1;
	v15 =	vld [tilespmem:$0x1FD80];
	_ =	sdelay $0x1  }
0x2b2: {  	[tilespmem:v14+s16+$0x0] =	vst.idx.msk $0xffff, v2  }
0x2b3: {  	v14 =	vor.u32 v19, v8;
	[tilespmem:v17+s16+$0x0] =	vst.idx.msk $0xffff, v5;
	v17 =	vor.u32 v19, v10;
	v19 =	vld [tilespmem:$0x1FD90]  }
0x2b4: {  	v5 =	vld.idx.msk [tilespmem:v18+s12+$0x0], $0xffff  }
0x2b5: {  	v2 =	vld.idx.msk [tilespmem:v16+s12+$0x0], $0xffff;
	v18 =	vor.u32 v15, v9  }
0x2b6: {  	v16 =	vor.u32 v15, v1;
	v15 =	vld [tilespmem:$0x1FDA0];
	_ =	sdelay $0x2  }
0x2b7: {  	[tilespmem:v17+s16+$0x0] =	vst.idx.msk $0xffff, v5  }
0x2b8: {  	[tilespmem:v14+s16+$0x0] =	vst.idx.msk $0xffff, v2;
	v17 =	vor.u32 v19, v10;
	v5 =	vld.idx.msk [tilespmem:v18+s12+$0x0], $0xffff  }
0x2b9: {  	v14 =	vor.u32 v19, v8;
	v2 =	vld.idx.msk [tilespmem:v16+s12+$0x0], $0xffff;
	v18 =	vor.u32 v15, v9  }
0x2ba: {  	v16 =	vor.u32 v15, v1;
	_ =	sdelay $0x2  }
0x2bb: {  	[tilespmem:v17+s16+$0x0] =	vst.idx.msk $0xffff, v5  }
0x2bc: {  	v12 =	vor.u32 v44, v10;
	[tilespmem:v14+s16+$0x0] =	vst.idx.msk $0xffff, v2;
	v5 =	vld.idx.msk [tilespmem:v18+s12+$0x0], $0xffff  }
0x2bd: {  	v13 =	vor.u32 v40, v9;
	v19 =	vor.u32 v44, v8;
	v2 =	vld.idx.msk [tilespmem:v16+s12+$0x0], $0xffff  }
0x2be: {  	v11 =	vor.u32 v40, v1;
	_ =	sdelay $0x2  }
0x2bf: {  	[tilespmem:v12+s16+$0x0] =	vst.idx.msk $0xffff, v5  }
0x2c0: {  	v16 =	vor.u32 v31, v26;
	[tilespmem:v19+s16+$0x0] =	vst.idx.msk $0xffff, v2;
	v5 =	vld.idx.msk [tilespmem:v13+s12+$0x0], $0xffff  }
0x2c1: {  	v14 =	vor.u32 v31, v0;
	v17 =	vor.u32 v41, v9;
	v2 =	vld.idx.msk [tilespmem:v11+s12+$0x0], $0xffff  }
0x2c2: {  	v15 =	vor.u32 v41, v1;
	v19 =	vld [tilespmem:$0x1FC10];
	_ =	sdelay $0x2  }
0x2c3: {  	v44 =	vld [tilespmem:$0x1FFE0];
	[tilespmem:v16+s16+$0x0] =	vst.idx.msk $0xffff, v5  }
0x2c4: {  	v41 =	vor.u32 v42, v26;
	[tilespmem:v14+s16+$0x0] =	vst.idx.msk $0xffff, v2;
	v5 =	vld.idx.msk [tilespmem:v17+s12+$0x0], $0xffff  }
0x2c5: {  	v18 =	vor.u32 v42, v0;
	v42 =	vor.u32 v19, v9;
	v2 =	vld.idx.msk [tilespmem:v15+s12+$0x0], $0xffff  }
0x2c6: {  	v13 =	vld [tilespmem:$0x1FFF0];
	v40 =	vor.u32 v19, v1;
	_ =	sdelay $0x2  }
0x2c7: {  	v17 =	vld [tilespmem:$0x1FC20];
	[tilespmem:v41+s16+$0x0] =	vst.idx.msk $0xffff, v5  }
0x2c8: {  	v15 =	vor.u32 v44, v26;
	[tilespmem:v18+s16+$0x0] =	vst.idx.msk $0xffff, v2;
	v5 =	vld.idx.msk [tilespmem:v42+s12+$0x0], $0xffff  }
0x2c9: {  	v12 =	vor.u32 v44, v0;
	v16 =	vor.u32 v13, v9;
	v2 =	vld.idx.msk [tilespmem:v40+s12+$0x0], $0xffff  }
0x2ca: {  	v19 =	vld [tilespmem:$0x1FCB0];
	v14 =	vor.u32 v13, v1;
	_ =	sdelay $0x2  }
0x2cb: {  	v44 =	vld [tilespmem:$0x1FDD0];
	[tilespmem:v15+s16+$0x0] =	vst.idx.msk $0xffff, v5  }
0x2cc: {  	v41 =	vor.u32 v17, v26;
	[tilespmem:v12+s16+$0x0] =	vst.idx.msk $0xffff, v2;
	v5 =	vld.idx.msk [tilespmem:v16+s12+$0x0], $0xffff  }
0x2cd: {  	v18 =	vor.u32 v17, v0;
	v42 =	vor.u32 v19, v9;
	v2 =	vld.idx.msk [tilespmem:v14+s12+$0x0], $0xffff  }
0x2ce: {  	v13 =	vld [tilespmem:$0x1FDE0];
	v40 =	vor.u32 v19, v1;
	_ =	sdelay $0x2  }
0x2cf: {  	v17 =	vld [tilespmem:$0x1FDF0];
	[tilespmem:v41+s16+$0x0] =	vst.idx.msk $0xffff, v5  }
0x2d0: {  	v15 =	vor.u32 v44, v26;
	[tilespmem:v18+s16+$0x0] =	vst.idx.msk $0xffff, v2;
	v5 =	vld.idx.msk [tilespmem:v42+s12+$0x0], $0xffff  }
0x2d1: {  	v12 =	vor.u32 v44, v0;
	v16 =	vor.u32 v13, v9;
	v2 =	vld.idx.msk [tilespmem:v40+s12+$0x0], $0xffff  }
0x2d2: {  	v19 =	vld [tilespmem:$0x1FE00];
	v14 =	vor.u32 v13, v1;
	_ =	sdelay $0x2  }
0x2d3: {  	[tilespmem:v15+s16+$0x0] =	vst.idx.msk $0xffff, v5  }
0x2d4: {  	v41 =	vor.u32 v17, v26;
	[tilespmem:v12+s16+$0x0] =	vst.idx.msk $0xffff, v2;
	v5 =	vld.idx.msk [tilespmem:v16+s12+$0x0], $0xffff  }
0x2d5: {  	v18 =	vor.u32 v17, v0;
	v42 =	vor.u32 v19, v9;
	v2 =	vld.idx.msk [tilespmem:v14+s12+$0x0], $0xffff  }
0x2d6: {  	v40 =	vor.u32 v19, v1  }
0x2d7: {  	s29 =	sor.u32 $0x2, s26  }
0x2d8: {  	v8 =	vadd.s32 s29, v43  }
0x2d9: {  	v28 =	vand.u32 $0xF, v8;
	v44 =	vor.u32 v24, v26;
	[tilespmem:v41+s16+$0x0] =	vst.idx.msk $0xffff, v5  }
0x2da: {  	s30 =	sor.u32 $0x3, s26;
	v13 =	vor.u32 v24, v0;
	v14 =	vshll.u32 v28, $0x7;
	[tilespmem:v18+s16+$0x0] =	vst.idx.msk $0xffff, v2;
	v5 =	vld.idx.msk [tilespmem:v42+s12+$0x0], $0xffff  }
0x2db: {  	v41 =	vor.u32 v25, v9;
	v9 =	vadd.s32 s30, v43;
	v40 =	vld.idx.msk [tilespmem:v40+s12+$0x0], $0xffff;
	v42 =	vor.u32 v43, v14  }
0x2dc: {  	s31 =	sor.u32 $0x4, s26;
	v1 =	vor.u32 v25, v1;
	v29 =	vand.u32 $0xF, v9  }
0x2dd: {  	v10 =	vadd.s32 s31, v43;
	v15 =	vshll.u32 v29, $0x7  }
0x2de: {  	s29 =	sor.u32 $0x5, s26;
	v30 =	vand.u32 $0xF, v10;
	v7 =	vor.u32 v43, v15  }
0x2df: {  	v11 =	vadd.s32 s29, v43;
	v24 =	vshll.u32 v30, $0x7;
	v19 =	vor.u32 v49, v28;
	s30 =	sor.u32 $0x6, s26;
	[tilespmem:v44+s16+$0x0] =	vst.idx.msk $0xffff, v5;
	v44 =	vld [tilespmem:$0x1FC50]  }
0x2e0: {  	v31 =	vand.u32 $0xF, v11;
	v16 =	vor.u32 v43, v24;
	v12 =	vadd.s32 s30, v43;
	[tilespmem:v13+s16+$0x0] =	vst.idx.msk $0xffff, v40;
	v6 =	vld.idx.msk [tilespmem:v42+s12+$0x0], $0xffff  }
0x2e1: {  	s31 =	sor.u32 $0x7, s26;
	v2 =	vor.u32 v27, v0;
	v25 =	vshll.u32 v31, $0x7;
	v0 =	vand.u32 $0xF, v12;
	v17 =	vld.idx.msk [tilespmem:v1+s12+$0x0], $0xffff  }
0x2e2: {  	v3 =	vor.u32 v43, v25;
	v27 =	vshll.u32 v0, $0x7;
	v13 =	vadd.s32 s31, v43;
	v4 =	vld.idx.msk [tilespmem:v41+s12+$0x0], $0xffff  }
0x2e3: {  	v42 =	vor.u32 v49, v29;
	v1 =	vand.u32 $0xF, v13;
	v41 =	vor.u32 v48, v14;
	v7 =	vld.idx.msk [tilespmem:v7+s12+$0x0], $0xffff  }
0x2e4: {  	v18 =	vor.u32 v43, v27;
	v5 =	vor.u32 v44, v26;
	v26 =	vshll.u32 v1, $0x7  }
0x2e5: {  	v40 =	vor.u32 v43, v26  }
0x2e6: {  	v16 =	vld.idx.msk [tilespmem:v16+s12+$0x0], $0xffff;
	v44 =	vor.u32 v49, v30;
	[tilespmem:v19+s16+$0x0] =	vst.idx.msk $0xffff, v6;
	v43 =	vor.u32 v48, v15  }
0x2e7: {  	v3 =	vld.idx.msk [tilespmem:v3+s12+$0x0], $0xffff;
	[tilespmem:v2+s16+$0x0] =	vst.idx.msk $0xffff, v17;
	v2 =	vor.u32 v48, v24;
	v17 =	vor.u32 v49, v31  }
0x2e8: {  	v41 =	vld.idx.msk [tilespmem:v41+s12+$0x0], $0xffff;
	[tilespmem:v42+s16+$0x0] =	vst.idx.msk $0xffff, v7;
	v7 =	vor.u32 v50, v28  }
0x2e9: {  	[tilespmem:v5+s16+$0x0] =	vst.idx.msk $0xffff, v4;
	v4 =	vor.u32 v48, v25;
	v5 =	vld.idx.msk [tilespmem:v18+s12+$0x0], $0xffff;
	v18 =	vor.u32 v49, v0  }
0x2ea: {  	v6 =	vor.u32 v48, v27;
	v42 =	vor.u32 v48, v26;
	v19 =	vld.idx.msk [tilespmem:v40+s12+$0x0], $0xffff;
	v40 =	vor.u32 v49, v1  }
0x2eb: {  	[tilespmem:v44+s16+$0x0] =	vst.idx.msk $0xffff, v16;
	v16 =	vor.u32 v51, v14;
	v48 =	vor.u32 v50, v29;
	v43 =	vld.idx.msk [tilespmem:v43+s12+$0x0], $0xffff  }
0x2ec: {  	[tilespmem:v17+s16+$0x0] =	vst.idx.msk $0xffff, v3;
	v2 =	vld.idx.msk [tilespmem:v2+s12+$0x0], $0xffff;
	v49 =	vor.u32 v50, v30  }
0x2ed: {  	v3 =	vor.u32 v51, v15;
	[tilespmem:v7+s16+$0x0] =	vst.idx.msk $0xffff, v41  }
0x2ee: {  	[tilespmem:v18+s16+$0x0] =	vst.idx.msk $0xffff, v5;
	v5 =	vor.u32 v51, v24;
	v4 =	vld.idx.msk [tilespmem:v4+s12+$0x0], $0xffff;
	v18 =	vor.u32 v50, v31  }
0x2ef: {  	[tilespmem:v40+s16+$0x0] =	vst.idx.msk $0xffff, v19;
	v19 =	vor.u32 v51, v25;
	v6 =	vld.idx.msk [tilespmem:v6+s12+$0x0], $0xffff;
	v40 =	vor.u32 v50, v0  }
0x2f0: {  	v7 =	vor.u32 v51, v27;
	v16 =	vld.idx.msk [tilespmem:v16+s12+$0x0], $0xffff;
	[tilespmem:v48+s16+$0x0] =	vst.idx.msk $0xffff, v43;
	v43 =	vor.u32 v52, v28  }
0x2f1: {  	[tilespmem:v49+s16+$0x0] =	vst.idx.msk $0xffff, v2;
	v49 =	vor.u32 v57, v14;
	v41 =	vld.idx.msk [tilespmem:v42+s12+$0x0], $0xffff;
	v42 =	vor.u32 v50, v1  }
0x2f2: {  	v48 =	vor.u32 v51, v26;
	v3 =	vld.idx.msk [tilespmem:v3+s12+$0x0], $0xffff;
	v50 =	vor.u32 v52, v29  }
0x2f3: {  	v51 =	vor.u32 v52, v30;
	[tilespmem:v18+s16+$0x0] =	vst.idx.msk $0xffff, v4;
	v4 =	vor.u32 v57, v15;
	v5 =	vld.idx.msk [tilespmem:v5+s12+$0x0], $0xffff  }
0x2f4: {  	[tilespmem:v40+s16+$0x0] =	vst.idx.msk $0xffff, v6;
	v6 =	vor.u32 v57, v24;
	v19 =	vld.idx.msk [tilespmem:v19+s12+$0x0], $0xffff  }
0x2f5: {  	v40 =	vor.u32 v52, v31;
	[tilespmem:v43+s16+$0x0] =	vst.idx.msk $0xffff, v16;
	v7 =	vld.idx.msk [tilespmem:v7+s12+$0x0], $0xffff  }
0x2f6: {  	[tilespmem:v42+s16+$0x0] =	vst.idx.msk $0xffff, v41;
	v41 =	vor.u32 v57, v25;
	v42 =	vor.u32 v52, v0;
	v2 =	vld.idx.msk [tilespmem:v49+s12+$0x0], $0xffff  }
0x2f7: {  	v16 =	vor.u32 v57, v27;
	[tilespmem:v50+s16+$0x0] =	vst.idx.msk $0xffff, v3;
	v43 =	vld.idx.msk [tilespmem:v48+s12+$0x0], $0xffff  }
0x2f8: {  	v44 =	vor.u32 v52, v1;
	[tilespmem:v51+s16+$0x0] =	vst.idx.msk $0xffff, v5;
	v4 =	vld.idx.msk [tilespmem:v4+s12+$0x0], $0xffff  }
0x2f9: {  	v49 =	vor.u32 v57, v26;
	v48 =	vor.u32 v34, v28;
	v6 =	vld.idx.msk [tilespmem:v6+s12+$0x0], $0xffff  }
0x2fa: {  	v50 =	vor.u32 v53, v14;
	v51 =	vor.u32 v34, v29;
	[tilespmem:v40+s16+$0x0] =	vst.idx.msk $0xffff, v19;
	v40 =	vld [tilespmem:$0x1FC60]  }
0x2fb: {  	v52 =	vor.u32 v34, v30;
	v19 =	vor.u32 v53, v15;
	[tilespmem:v42+s16+$0x0] =	vst.idx.msk $0xffff, v7;
	v41 =	vld.idx.msk [tilespmem:v41+s12+$0x0], $0xffff  }
0x2fc: {  	v7 =	vor.u32 v53, v24;
	v16 =	vld.idx.msk [tilespmem:v16+s12+$0x0], $0xffff  }
0x2fd: {  	v42 =	vor.u32 v34, v31;
	[tilespmem:v44+s16+$0x0] =	vst.idx.msk $0xffff, v43;
	v44 =	vld [tilespmem:$0x1FCA0]  }
0x2fe: {  	v57 =	vor.u32 v34, v0;
	v43 =	vor.u32 v53, v25;
	[tilespmem:v48+s16+$0x0] =	vst.idx.msk $0xffff, v2;
	v3 =	vld.idx.msk [tilespmem:v49+s12+$0x0], $0xffff  }
0x2ff: {  	v2 =	vor.u32 v53, v27;
	v48 =	vor.u32 v34, v1;
	v5 =	vld.idx.msk [tilespmem:v50+s12+$0x0], $0xffff;
	[tilespmem:v51+s16+$0x0] =	vst.idx.msk $0xffff, v4  }
0x300: {  	v49 =	vor.u32 v54, v28;
	v50 =	vor.u32 v53, v26;
	[tilespmem:v52+s16+$0x0] =	vst.idx.msk $0xffff, v6;
	v19 =	vld.idx.msk [tilespmem:v19+s12+$0x0], $0xffff  }
0x301: {  	v51 =	vor.u32 v58, v14;
	v52 =	vor.u32 v54, v29;
	v7 =	vld.idx.msk [tilespmem:v7+s12+$0x0], $0xffff  }
0x302: {  	v53 =	vor.u32 v54, v30;
	[tilespmem:v42+s16+$0x0] =	vst.idx.msk $0xffff, v41;
	v41 =	vor.u32 v58, v15;
	v42 =	vld [tilespmem:$0x1FC90]  }
0x303: {  	[tilespmem:v57+s16+$0x0] =	vst.idx.msk $0xffff, v16;
	v16 =	vor.u32 v58, v24;
	v43 =	vld.idx.msk [tilespmem:v43+s12+$0x0], $0xffff;
	v57 =	vor.u32 v54, v31  }
0x304: {  	v17 =	vor.u32 v54, v0;
	[tilespmem:v48+s16+$0x0] =	vst.idx.msk $0xffff, v3;
	v3 =	vor.u32 v58, v25;
	v2 =	vld.idx.msk [tilespmem:v2+s12+$0x0], $0xffff  }
0x305: {  	v34 =	vor.u32 v58, v27;
	[tilespmem:v49+s16+$0x0] =	vst.idx.msk $0xffff, v5;
	v49 =	vor.u32 v54, v1;
	v48 =	vld.idx.msk [tilespmem:v50+s12+$0x0], $0xffff  }
0x306: {  	v6 =	vld.idx.msk [tilespmem:v51+s12+$0x0], $0xffff;
	v50 =	vor.u32 v36, v28;
	v51 =	vor.u32 v58, v26;
	[tilespmem:v52+s16+$0x0] =	vst.idx.msk $0xffff, v19  }
0x307: {  	v52 =	vor.u32 v63, v14;
	[tilespmem:v53+s16+$0x0] =	vst.idx.msk $0xffff, v7;
	v41 =	vld.idx.msk [tilespmem:v41+s12+$0x0], $0xffff;
	v53 =	vor.u32 v36, v29  }
0x308: {  	v54 =	vor.u32 v63, v15;
	[tilespmem:v57+s16+$0x0] =	vst.idx.msk $0xffff, v43;
	v16 =	vld.idx.msk [tilespmem:v16+s12+$0x0], $0xffff;
	v57 =	vor.u32 v36, v30  }
0x309: {  	v58 =	vor.u32 v36, v31;
	[tilespmem:v17+s16+$0x0] =	vst.idx.msk $0xffff, v2;
	v2 =	vor.u32 v63, v24;
	v3 =	vld.idx.msk [tilespmem:v3+s12+$0x0], $0xffff  }
0x30a: {  	v5 =	vor.u32 v63, v25;
	[tilespmem:v49+s16+$0x0] =	vst.idx.msk $0xffff, v48;
	v4 =	vld.idx.msk [tilespmem:v34+s12+$0x0], $0xffff;
	v34 =	vor.u32 v36, v0  }
0x30b: {  	[tilespmem:v50+s16+$0x0] =	vst.idx.msk $0xffff, v6;
	v48 =	vor.u32 v63, v27;
	v50 =	vor.u32 v36, v1;
	v49 =	vld.idx.msk [tilespmem:v51+s12+$0x0], $0xffff  }
0x30c: {  	v7 =	vld.idx.msk [tilespmem:v52+s12+$0x0], $0xffff;
	v51 =	vor.u32 v55, v28;
	v52 =	vor.u32 v63, v26;
	[tilespmem:v53+s16+$0x0] =	vst.idx.msk $0xffff, v41  }
0x30d: {  	v53 =	vor.u32 v32, v14;
	[tilespmem:v57+s16+$0x0] =	vst.idx.msk $0xffff, v16;
	v43 =	vld.idx.msk [tilespmem:v54+s12+$0x0], $0xffff;
	v54 =	vor.u32 v55, v29  }
0x30e: {  	v57 =	vor.u32 v32, v15;
	[tilespmem:v58+s16+$0x0] =	vst.idx.msk $0xffff, v3;
	v2 =	vld.idx.msk [tilespmem:v2+s12+$0x0], $0xffff;
	v58 =	vor.u32 v55, v30  }
0x30f: {  	v63 =	vor.u32 v32, v24;
	[tilespmem:v34+s16+$0x0] =	vst.idx.msk $0xffff, v4;
	v5 =	vld.idx.msk [tilespmem:v5+s12+$0x0], $0xffff;
	v34 =	vor.u32 v55, v31  }
0x310: {  	v36 =	vor.u32 v32, v25;
	[tilespmem:v50+s16+$0x0] =	vst.idx.msk $0xffff, v49;
	v6 =	vld.idx.msk [tilespmem:v48+s12+$0x0], $0xffff;
	v48 =	vor.u32 v55, v0  }
0x311: {  	[tilespmem:v51+s16+$0x0] =	vst.idx.msk $0xffff, v7;
	v49 =	vor.u32 v32, v27;
	v51 =	vor.u32 v55, v1;
	v50 =	vld.idx.msk [tilespmem:v52+s12+$0x0], $0xffff  }
0x312: {  	v16 =	vld.idx.msk [tilespmem:v53+s12+$0x0], $0xffff;
	v52 =	vor.u32 v62, v28;
	v53 =	vor.u32 v32, v26;
	[tilespmem:v54+s16+$0x0] =	vst.idx.msk $0xffff, v43  }
0x313: {  	v55 =	vor.u32 v62, v29;
	v54 =	vor.u32 v37, v14;
	[tilespmem:v58+s16+$0x0] =	vst.idx.msk $0xffff, v2;
	v3 =	vld.idx.msk [tilespmem:v57+s12+$0x0], $0xffff  }
0x314: {  	v57 =	vor.u32 v37, v15;
	v58 =	vor.u32 v62, v30;
	[tilespmem:v34+s16+$0x0] =	vst.idx.msk $0xffff, v5;
	v4 =	vld.idx.msk [tilespmem:v63+s12+$0x0], $0xffff  }
0x315: {  	v32 =	vor.u32 v62, v31;
	v63 =	vor.u32 v37, v24;
	[tilespmem:v48+s16+$0x0] =	vst.idx.msk $0xffff, v6;
	v19 =	vld.idx.msk [tilespmem:v36+s12+$0x0], $0xffff  }
0x316: {  	v34 =	vor.u32 v37, v25;
	v36 =	vor.u32 v62, v0;
	[tilespmem:v51+s16+$0x0] =	vst.idx.msk $0xffff, v50;
	v7 =	vld.idx.msk [tilespmem:v49+s12+$0x0], $0xffff  }
0x317: {  	v48 =	vor.u32 v37, v27;
	[tilespmem:v52+s16+$0x0] =	vst.idx.msk $0xffff, v16;
	v50 =	vor.u32 v62, v1;
	v49 =	vld.idx.msk [tilespmem:v53+s12+$0x0], $0xffff  }
0x318: {  	v51 =	vor.u32 v20, v8;
	v52 =	vor.u32 v37, v26;
	v2 =	vld.idx.msk [tilespmem:v54+s12+$0x0], $0xffff;
	[tilespmem:v55+s16+$0x0] =	vst.idx.msk $0xffff, v3  }
0x319: {  	v53 =	vor.u32 v35, v14;
	v54 =	vor.u32 v20, v9;
	[tilespmem:v58+s16+$0x0] =	vst.idx.msk $0xffff, v4;
	v5 =	vld.idx.msk [tilespmem:v57+s12+$0x0], $0xffff  }
0x31a: {  	v55 =	vor.u32 v35, v15;
	v57 =	vor.u32 v20, v10;
	[tilespmem:v32+s16+$0x0] =	vst.idx.msk $0xffff, v19;
	v6 =	vld.idx.msk [tilespmem:v63+s12+$0x0], $0xffff  }
0x31b: {  	v62 =	vor.u32 v20, v11;
	v58 =	vor.u32 v35, v24;
	[tilespmem:v36+s16+$0x0] =	vst.idx.msk $0xffff, v7;
	v41 =	vld.idx.msk [tilespmem:v34+s12+$0x0], $0xffff  }
0x31c: {  	v63 =	vor.u32 v35, v25;
	v32 =	vor.u32 v20, v12;
	[tilespmem:v50+s16+$0x0] =	vst.idx.msk $0xffff, v49;
	v16 =	vld.idx.msk [tilespmem:v48+s12+$0x0], $0xffff  }
0x31d: {  	v37 =	vor.u32 v20, v13;
	v34 =	vor.u32 v35, v27;
	[tilespmem:v51+s16+$0x0] =	vst.idx.msk $0xffff, v2;
	v36 =	vld.idx.msk [tilespmem:v52+s12+$0x0], $0xffff  }
0x31e: {  	v48 =	vor.u32 v23, v8;
	v49 =	vor.u32 v35, v26;
	v4 =	vld.idx.msk [tilespmem:v53+s12+$0x0], $0xffff;
	[tilespmem:v54+s16+$0x0] =	vst.idx.msk $0xffff, v5  }
0x31f: {  	v50 =	vor.u32 v38, v14;
	v51 =	vor.u32 v23, v9;
	[tilespmem:v57+s16+$0x0] =	vst.idx.msk $0xffff, v6;
	v19 =	vld.idx.msk [tilespmem:v55+s12+$0x0], $0xffff  }
0x320: {  	v52 =	vor.u32 v38, v15;
	v53 =	vor.u32 v23, v10;
	[tilespmem:v62+s16+$0x0] =	vst.idx.msk $0xffff, v41;
	v7 =	vld.idx.msk [tilespmem:v58+s12+$0x0], $0xffff  }
0x321: {  	v54 =	vor.u32 v38, v24;
	v55 =	vor.u32 v23, v11;
	[tilespmem:v32+s16+$0x0] =	vst.idx.msk $0xffff, v16;
	v43 =	vld.idx.msk [tilespmem:v63+s12+$0x0], $0xffff  }
0x322: {  	v57 =	vor.u32 v38, v25;
	v58 =	vor.u32 v23, v12;
	[tilespmem:v37+s16+$0x0] =	vst.idx.msk $0xffff, v36;
	v2 =	vld.idx.msk [tilespmem:v34+s12+$0x0], $0xffff  }
0x323: {  	v62 =	vor.u32 v38, v27;
	v23 =	vor.u32 v23, v13;
	[tilespmem:v48+s16+$0x0] =	vst.idx.msk $0xffff, v4;
	v63 =	vld.idx.msk [tilespmem:v49+s12+$0x0], $0xffff  }
0x324: {  	v32 =	vor.u32 v45, v8;
	v34 =	vor.u32 v38, v26;
	v6 =	vld.idx.msk [tilespmem:v50+s12+$0x0], $0xffff;
	[tilespmem:v51+s16+$0x0] =	vst.idx.msk $0xffff, v19  }
0x325: {  	v35 =	vor.u32 v22, v14;
	v36 =	vor.u32 v45, v9;
	[tilespmem:v53+s16+$0x0] =	vst.idx.msk $0xffff, v7;
	v41 =	vld.idx.msk [tilespmem:v52+s12+$0x0], $0xffff  }
0x326: {  	v37 =	vor.u32 v22, v15;
	v38 =	vor.u32 v45, v10;
	[tilespmem:v55+s16+$0x0] =	vst.idx.msk $0xffff, v43;
	v16 =	vld.idx.msk [tilespmem:v54+s12+$0x0], $0xffff  }
0x327: {  	v48 =	vor.u32 v22, v24;
	v49 =	vor.u32 v45, v11;
	[tilespmem:v58+s16+$0x0] =	vst.idx.msk $0xffff, v2;
	v3 =	vld.idx.msk [tilespmem:v57+s12+$0x0], $0xffff  }
0x328: {  	v50 =	vor.u32 v22, v25;
	v51 =	vor.u32 v45, v12;
	[tilespmem:v23+s16+$0x0] =	vst.idx.msk $0xffff, v63;
	v4 =	vld.idx.msk [tilespmem:v62+s12+$0x0], $0xffff  }
0x329: {  	v52 =	vor.u32 v22, v27;
	v54 =	vor.u32 v45, v13;
	[tilespmem:v32+s16+$0x0] =	vst.idx.msk $0xffff, v6;
	v53 =	vld.idx.msk [tilespmem:v34+s12+$0x0], $0xffff  }
0x32a: {  	v55 =	vor.u32 v46, v8;
	v57 =	vor.u32 v22, v26;
	v7 =	vld.idx.msk [tilespmem:v35+s12+$0x0], $0xffff;
	[tilespmem:v36+s16+$0x0] =	vst.idx.msk $0xffff, v41  }
0x32b: {  	v58 =	vor.u32 v47, v14;
	v62 =	vor.u32 v46, v9;
	[tilespmem:v38+s16+$0x0] =	vst.idx.msk $0xffff, v16;
	v43 =	vld.idx.msk [tilespmem:v37+s12+$0x0], $0xffff  }
0x32c: {  	v22 =	vor.u32 v46, v10;
	v63 =	vor.u32 v47, v15;
	[tilespmem:v49+s16+$0x0] =	vst.idx.msk $0xffff, v3;
	v2 =	vld.idx.msk [tilespmem:v48+s12+$0x0], $0xffff  }
0x32d: {  	v23 =	vor.u32 v47, v24;
	v32 =	vor.u32 v46, v11;
	[tilespmem:v51+s16+$0x0] =	vst.idx.msk $0xffff, v4;
	v5 =	vld.idx.msk [tilespmem:v50+s12+$0x0], $0xffff  }
0x32e: {  	v34 =	vor.u32 v47, v25;
	v35 =	vor.u32 v46, v12;
	[tilespmem:v54+s16+$0x0] =	vst.idx.msk $0xffff, v53;
	v6 =	vld.idx.msk [tilespmem:v52+s12+$0x0], $0xffff  }
0x32f: {  	v36 =	vor.u32 v47, v27;
	v38 =	vor.u32 v46, v13;
	[tilespmem:v55+s16+$0x0] =	vst.idx.msk $0xffff, v7;
	v37 =	vld.idx.msk [tilespmem:v57+s12+$0x0], $0xffff  }
0x330: {  	v48 =	vor.u32 v61, v8;
	v49 =	vor.u32 v47, v26;
	v16 =	vld.idx.msk [tilespmem:v58+s12+$0x0], $0xffff;
	[tilespmem:v62+s16+$0x0] =	vst.idx.msk $0xffff, v43  }
0x331: {  	v50 =	vor.u32 v56, v14;
	v51 =	vor.u32 v61, v9;
	[tilespmem:v22+s16+$0x0] =	vst.idx.msk $0xffff, v2;
	v3 =	vld.idx.msk [tilespmem:v63+s12+$0x0], $0xffff  }
0x332: {  	v52 =	vor.u32 v56, v15;
	v53 =	vor.u32 v61, v10;
	[tilespmem:v32+s16+$0x0] =	vst.idx.msk $0xffff, v5;
	v4 =	vld.idx.msk [tilespmem:v23+s12+$0x0], $0xffff  }
0x333: {  	v54 =	vor.u32 v56, v24;
	v55 =	vor.u32 v61, v11;
	[tilespmem:v35+s16+$0x0] =	vst.idx.msk $0xffff, v6;
	v19 =	vld.idx.msk [tilespmem:v34+s12+$0x0], $0xffff  }
0x334: {  	v57 =	vor.u32 v56, v25;
	v58 =	vor.u32 v61, v12;
	[tilespmem:v38+s16+$0x0] =	vst.idx.msk $0xffff, v37;
	v7 =	vld.idx.msk [tilespmem:v36+s12+$0x0], $0xffff  }
0x335: {  	v62 =	vor.u32 v56, v27;
	v22 =	vor.u32 v61, v13;
	[tilespmem:v48+s16+$0x0] =	vst.idx.msk $0xffff, v16;
	v63 =	vld.idx.msk [tilespmem:v49+s12+$0x0], $0xffff  }
0x336: {  	v23 =	vor.u32 v60, v8;
	v32 =	vor.u32 v56, v26;
	v2 =	vld.idx.msk [tilespmem:v50+s12+$0x0], $0xffff;
	[tilespmem:v51+s16+$0x0] =	vst.idx.msk $0xffff, v3  }
0x337: {  	v34 =	vor.u32 v21, v14;
	v35 =	vor.u32 v60, v9;
	[tilespmem:v53+s16+$0x0] =	vst.idx.msk $0xffff, v4;
	v5 =	vld.idx.msk [tilespmem:v52+s12+$0x0], $0xffff  }
0x338: {  	v36 =	vor.u32 v21, v15;
	v37 =	vor.u32 v60, v10;
	[tilespmem:v55+s16+$0x0] =	vst.idx.msk $0xffff, v19;
	v6 =	vld.idx.msk [tilespmem:v54+s12+$0x0], $0xffff  }
0x339: {  	v38 =	vor.u32 v21, v24;
	[tilespmem:v58+s16+$0x0] =	vst.idx.msk $0xffff, v7;
	v41 =	vld.idx.msk [tilespmem:v57+s12+$0x0], $0xffff  }
0x33a: {  	v48 =	vor.u32 v60, v11;
	[tilespmem:v22+s16+$0x0] =	vst.idx.msk $0xffff, v63;
	v16 =	vld.idx.msk [tilespmem:v62+s12+$0x0], $0xffff  }
0x33b: {  	v49 =	vor.u32 v21, v25;
	v50 =	vor.u32 v60, v12;
	[tilespmem:v23+s16+$0x0] =	vst.idx.msk $0xffff, v2;
	v52 =	vld.idx.msk [tilespmem:v32+s12+$0x0], $0xffff  }
0x33c: {  	v51 =	vor.u32 v21, v27;
	v53 =	vor.u32 v60, v13;
	v4 =	vld.idx.msk [tilespmem:v34+s12+$0x0], $0xffff;
	[tilespmem:v35+s16+$0x0] =	vst.idx.msk $0xffff, v5  }
0x33d: {  	v54 =	vor.u32 v33, v8;
	v55 =	vor.u32 v21, v26;
	[tilespmem:v37+s16+$0x0] =	vst.idx.msk $0xffff, v6;
	v19 =	vld.idx.msk [tilespmem:v36+s12+$0x0], $0xffff  }
0x33e: {  	v56 =	vor.u32 v39, v14;
	v57 =	vor.u32 v33, v9;
	v7 =	vld.idx.msk [tilespmem:v38+s12+$0x0], $0xffff  }
0x33f: {  	v58 =	vor.u32 v39, v15;
	[tilespmem:v48+s16+$0x0] =	vst.idx.msk $0xffff, v41;
	v48 =	vld [tilespmem:$0x1FE30]  }
0x340: {  	v60 =	vor.u32 v33, v10;
	[tilespmem:v50+s16+$0x0] =	vst.idx.msk $0xffff, v16;
	v43 =	vld.idx.msk [tilespmem:v49+s12+$0x0], $0xffff  }
0x341: {  	v61 =	vor.u32 v39, v24;
	v62 =	vor.u32 v33, v11;
	[tilespmem:v53+s16+$0x0] =	vst.idx.msk $0xffff, v52;
	v2 =	vld.idx.msk [tilespmem:v51+s12+$0x0], $0xffff  }
0x342: {  	v63 =	vor.u32 v39, v25;
	[tilespmem:v54+s16+$0x0] =	vst.idx.msk $0xffff, v4;
	v35 =	vld.idx.msk [tilespmem:v55+s12+$0x0], $0xffff  }
0x343: {  	v32 =	vor.u32 v33, v12;
	v6 =	vld.idx.msk [tilespmem:v56+s12+$0x0], $0xffff;
	[tilespmem:v57+s16+$0x0] =	vst.idx.msk $0xffff, v19  }
0x344: {  	v34 =	vor.u32 v39, v27;
	v36 =	vor.u32 v33, v13;
	v41 =	vld.idx.msk [tilespmem:v58+s12+$0x0], $0xffff  }
0x345: {  	v37 =	vor.u32 v59, v8;
	v38 =	vor.u32 v39, v26;
	[tilespmem:v60+s16+$0x0] =	vst.idx.msk $0xffff, v7;
	v60 =	vld [tilespmem:$0x1FE40]  }
0x346: {  	v49 =	vor.u32 v48, v14;
	[tilespmem:v62+s16+$0x0] =	vst.idx.msk $0xffff, v43;
	v16 =	vld.idx.msk [tilespmem:v61+s12+$0x0], $0xffff  }
0x347: {  	v50 =	vor.u32 v59, v9;
	v3 =	vld.idx.msk [tilespmem:v63+s12+$0x0], $0xffff  }
0x348: {  	v52 =	vor.u32 v59, v10;
	v51 =	vor.u32 v48, v15;
	[tilespmem:v32+s16+$0x0] =	vst.idx.msk $0xffff, v2;
	v63 =	vld [tilespmem:$0x1FE50]  }
0x349: {  	v53 =	vor.u32 v48, v24;
	[tilespmem:v36+s16+$0x0] =	vst.idx.msk $0xffff, v35;
	v4 =	vld.idx.msk [tilespmem:v34+s12+$0x0], $0xffff  }
0x34a: {  	v54 =	vor.u32 v59, v11;
	[tilespmem:v37+s16+$0x0] =	vst.idx.msk $0xffff, v6;
	v58 =	vld.idx.msk [tilespmem:v38+s12+$0x0], $0xffff  }
0x34b: {  	v56 =	vor.u32 v59, v12;
	v55 =	vor.u32 v48, v25;
	v7 =	vld.idx.msk [tilespmem:v49+s12+$0x0], $0xffff  }
0x34c: {  	v59 =	vor.u32 v59, v13;
	v57 =	vor.u32 v48, v27;
	[tilespmem:v50+s16+$0x0] =	vst.idx.msk $0xffff, v41;
	v50 =	vld [tilespmem:$0x1FE60]  }
0x34d: {  	v62 =	vor.u32 v48, v26;
	v61 =	vor.u32 v60, v28;
	[tilespmem:v52+s16+$0x0] =	vst.idx.msk $0xffff, v16;
	v43 =	vld.idx.msk [tilespmem:v51+s12+$0x0], $0xffff  }
0x34e: {  	v23 =	vor.u32 v60, v29;
	v22 =	vor.u32 v63, v14;
	v2 =	vld.idx.msk [tilespmem:v53+s12+$0x0], $0xffff  }
0x34f: {  	[tilespmem:v54+s16+$0x0] =	vst.idx.msk $0xffff, v3;
	v32 =	vor.u32 v63, v15;
	v53 =	vld [tilespmem:$0x1FE70]  }
0x350: {  	v33 =	vor.u32 v60, v30;
	[tilespmem:v56+s16+$0x0] =	vst.idx.msk $0xffff, v4;
	v5 =	vld.idx.msk [tilespmem:v55+s12+$0x0], $0xffff  }
0x351: {  	v35 =	vor.u32 v60, v31;
	v34 =	vor.u32 v63, v24;
	[tilespmem:v59+s16+$0x0] =	vst.idx.msk $0xffff, v58;
	v6 =	vld.idx.msk [tilespmem:v57+s12+$0x0], $0xffff  }
0x352: {  	v36 =	vor.u32 v63, v25;
	[tilespmem:v61+s16+$0x0] =	vst.idx.msk $0xffff, v7;
	v48 =	vld.idx.msk [tilespmem:v62+s12+$0x0], $0xffff  }
0x353: {  	v37 =	vor.u32 v60, v0;
	[tilespmem:v23+s16+$0x0] =	vst.idx.msk $0xffff, v43;
	v16 =	vld.idx.msk [tilespmem:v22+s12+$0x0], $0xffff  }
0x354: {  	v49 =	vor.u32 v60, v1;
	v38 =	vor.u32 v63, v27;
	v3 =	vld.idx.msk [tilespmem:v32+s12+$0x0], $0xffff  }
0x355: {  	v52 =	vor.u32 v63, v26;
	v51 =	vor.u32 v50, v28;
	[tilespmem:v33+s16+$0x0] =	vst.idx.msk $0xffff, v2;
	v33 =	vld [tilespmem:$0x1FE80]  }
0x356: {  	v55 =	vor.u32 v50, v29;
	v54 =	vor.u32 v53, v14;
	[tilespmem:v35+s16+$0x0] =	vst.idx.msk $0xffff, v5;
	v4 =	vld.idx.msk [tilespmem:v34+s12+$0x0], $0xffff  }
0x357: {  	v56 =	vor.u32 v53, v15;
	v19 =	vld.idx.msk [tilespmem:v36+s12+$0x0], $0xffff  }
0x358: {  	v57 =	vor.u32 v50, v30;
	[tilespmem:v37+s16+$0x0] =	vst.idx.msk $0xffff, v6;
	v36 =	vld [tilespmem:$0x1FE10]  }
0x359: {  	v59 =	vor.u32 v50, v31;
	v58 =	vor.u32 v53, v24;
	[tilespmem:v49+s16+$0x0] =	vst.idx.msk $0xffff, v48;
	v7 =	vld.idx.msk [tilespmem:v38+s12+$0x0], $0xffff  }
0x35a: {  	v60 =	vor.u32 v53, v25;
	v63 =	vld.idx.msk [tilespmem:v52+s12+$0x0], $0xffff;
	[tilespmem:v51+s16+$0x0] =	vst.idx.msk $0xffff, v16  }
0x35b: {  	v61 =	vor.u32 v50, v0;
	[tilespmem:v55+s16+$0x0] =	vst.idx.msk $0xffff, v3;
	v2 =	vld.idx.msk [tilespmem:v54+s12+$0x0], $0xffff  }
0x35c: {  	v62 =	vor.u32 v53, v27;
	v32 =	vor.u32 v50, v1;
	v5 =	vld.idx.msk [tilespmem:v56+s12+$0x0], $0xffff  }
0x35d: {  	v35 =	vor.u32 v53, v26;
	v34 =	vor.u32 v33, v28;
	[tilespmem:v57+s16+$0x0] =	vst.idx.msk $0xffff, v4;
	v57 =	vld [tilespmem:$0x1FE20]  }
0x35e: {  	v38 =	vor.u32 v33, v29;
	v37 =	vor.u32 v36, v14;
	[tilespmem:v59+s16+$0x0] =	vst.idx.msk $0xffff, v19;
	v6 =	vld.idx.msk [tilespmem:v58+s12+$0x0], $0xffff  }
0x35f: {  	v48 =	vor.u32 v36, v15;
	v41 =	vld.idx.msk [tilespmem:v60+s12+$0x0], $0xffff  }
0x360: {  	v49 =	vor.u32 v33, v30;
	[tilespmem:v61+s16+$0x0] =	vst.idx.msk $0xffff, v7;
	v60 =	vld [tilespmem:$0x1FD40]  }
0x361: {  	v51 =	vor.u32 v33, v31;
	v50 =	vor.u32 v36, v24;
	[tilespmem:v32+s16+$0x0] =	vst.idx.msk $0xffff, v63;
	v16 =	vld.idx.msk [tilespmem:v62+s12+$0x0], $0xffff  }
0x362: {  	v52 =	vor.u32 v36, v25;
	v55 =	vld.idx.msk [tilespmem:v35+s12+$0x0], $0xffff;
	[tilespmem:v34+s16+$0x0] =	vst.idx.msk $0xffff, v2  }
0x363: {  	v53 =	vor.u32 v33, v0;
	[tilespmem:v38+s16+$0x0] =	vst.idx.msk $0xffff, v5;
	v4 =	vld.idx.msk [tilespmem:v37+s12+$0x0], $0xffff  }
0x364: {  	v56 =	vor.u32 v33, v1;
	v54 =	vor.u32 v36, v27;
	v19 =	vld.idx.msk [tilespmem:v48+s12+$0x0], $0xffff  }
0x365: {  	v59 =	vor.u32 v36, v26;
	v58 =	vor.u32 v57, v28;
	[tilespmem:v49+s16+$0x0] =	vst.idx.msk $0xffff, v6;
	v49 =	vld [tilespmem:$0x1FD50]  }
0x366: {  	v62 =	vor.u32 v57, v29;
	v61 =	vor.u32 v60, v14;
	[tilespmem:v51+s16+$0x0] =	vst.idx.msk $0xffff, v41;
	v7 =	vld.idx.msk [tilespmem:v50+s12+$0x0], $0xffff  }
0x367: {  	v63 =	vor.u32 v60, v15;
	v43 =	vld.idx.msk [tilespmem:v52+s12+$0x0], $0xffff  }
0x368: {  	v32 =	vor.u32 v57, v30;
	[tilespmem:v53+s16+$0x0] =	vst.idx.msk $0xffff, v16;
	v52 =	vld [tilespmem:$0x1FD60]  }
0x369: {  	v34 =	vor.u32 v57, v31;
	v33 =	vor.u32 v60, v24;
	[tilespmem:v56+s16+$0x0] =	vst.idx.msk $0xffff, v55;
	v2 =	vld.idx.msk [tilespmem:v54+s12+$0x0], $0xffff  }
0x36a: {  	v35 =	vor.u32 v60, v25;
	v38 =	vld.idx.msk [tilespmem:v59+s12+$0x0], $0xffff;
	[tilespmem:v58+s16+$0x0] =	vst.idx.msk $0xffff, v4  }
0x36b: {  	v36 =	vor.u32 v57, v0;
	[tilespmem:v62+s16+$0x0] =	vst.idx.msk $0xffff, v19;
	v6 =	vld.idx.msk [tilespmem:v61+s12+$0x0], $0xffff  }
0x36c: {  	v48 =	vor.u32 v57, v1;
	v37 =	vor.u32 v60, v27;
	v41 =	vld.idx.msk [tilespmem:v63+s12+$0x0], $0xffff  }
0x36d: {  	v51 =	vor.u32 v60, v26;
	v50 =	vor.u32 v49, v28;
	[tilespmem:v32+s16+$0x0] =	vst.idx.msk $0xffff, v7;
	v32 =	vld [tilespmem:$0x1FD70]  }
0x36e: {  	v54 =	vor.u32 v49, v29;
	[tilespmem:v34+s16+$0x0] =	vst.idx.msk $0xffff, v43;
	v16 =	vld.idx.msk [tilespmem:v33+s12+$0x0], $0xffff  }
0x36f: {  	v53 =	vor.u32 v52, v14;
	v3 =	vld.idx.msk [tilespmem:v35+s12+$0x0], $0xffff  }
0x370: {  	v55 =	vor.u32 v52, v15;
	[tilespmem:v36+s16+$0x0] =	vst.idx.msk $0xffff, v2;
	v35 =	vld [tilespmem:$0x1FD80]  }
0x371: {  	v56 =	vor.u32 v49, v30;
	[tilespmem:v48+s16+$0x0] =	vst.idx.msk $0xffff, v38;
	v4 =	vld.idx.msk [tilespmem:v37+s12+$0x0], $0xffff  }
0x372: {  	v58 =	vor.u32 v49, v31;
	v57 =	vor.u32 v52, v24;
	v62 =	vld.idx.msk [tilespmem:v51+s12+$0x0], $0xffff;
	[tilespmem:v50+s16+$0x0] =	vst.idx.msk $0xffff, v6  }
0x373: {  	v59 =	vor.u32 v52, v25;
	[tilespmem:v54+s16+$0x0] =	vst.idx.msk $0xffff, v41;
	v41 =	vld [tilespmem:$0x1FC80]  }
0x374: {  	v60 =	vor.u32 v49, v0;
	v7 =	vld.idx.msk [tilespmem:v53+s12+$0x0], $0xffff  }
0x375: {  	v63 =	vor.u32 v49, v1;
	v61 =	vor.u32 v52, v27;
	v43 =	vld.idx.msk [tilespmem:v55+s12+$0x0], $0xffff  }
0x376: {  	v34 =	vor.u32 v52, v26;
	[tilespmem:v56+s16+$0x0] =	vst.idx.msk $0xffff, v16;
	v56 =	vld [tilespmem:$0x1FD90]  }
0x377: {  	v37 =	vor.u32 v32, v29;
	[tilespmem:v58+s16+$0x0] =	vst.idx.msk $0xffff, v3;
	v2 =	vld.idx.msk [tilespmem:v57+s12+$0x0], $0xffff  }
0x378: {  	v33 =	vor.u32 v32, v28;
	v38 =	vor.u32 v35, v15;
	v5 =	vld.idx.msk [tilespmem:v59+s12+$0x0], $0xffff  }
0x379: {  	v36 =	vor.u32 v35, v14;
	[tilespmem:v60+s16+$0x0] =	vst.idx.msk $0xffff, v4;
	v59 =	vld [tilespmem:$0x1FDA0]  }
0x37a: {  	v48 =	vor.u32 v32, v30;
	[tilespmem:v63+s16+$0x0] =	vst.idx.msk $0xffff, v62;
	v6 =	vld.idx.msk [tilespmem:v61+s12+$0x0], $0xffff  }
0x37b: {  	v49 =	vor.u32 v35, v24;
	v54 =	vld.idx.msk [tilespmem:v34+s12+$0x0], $0xffff  }
0x37c: {  	v50 =	vor.u32 v32, v31;
	[tilespmem:v37+s16+$0x0] =	vst.idx.msk $0xffff, v43;
	v37 =	vld [tilespmem:$0x1FCA0]  }
0x37d: {  	[tilespmem:v33+s16+$0x0] =	vst.idx.msk $0xffff, v7;
	v61 =	vor.u32 v56, v29;
	v3 =	vld.idx.msk [tilespmem:v38+s12+$0x0], $0xffff  }
0x37e: {  	v52 =	vor.u32 v32, v0;
	v51 =	vor.u32 v35, v25;
	v16 =	vld.idx.msk [tilespmem:v36+s12+$0x0], $0xffff  }
0x37f: {  	v53 =	vor.u32 v35, v27;
	[tilespmem:v48+s16+$0x0] =	vst.idx.msk $0xffff, v2;
	v48 =	vld [tilespmem:$0x1FC60]  }
0x380: {  	v55 =	vor.u32 v32, v1;
	v4 =	vld.idx.msk [tilespmem:v49+s12+$0x0], $0xffff  }
0x381: {  	v58 =	vor.u32 v35, v26;
	[tilespmem:v50+s16+$0x0] =	vst.idx.msk $0xffff, v5;
	v49 =	vld [tilespmem:$0x1FCA0]  }
0x382: {  	v57 =	vor.u32 v56, v28;
	[tilespmem:v61+s16+$0x0] =	vst.idx.msk $0xffff, v3;
	v3 =	vor.u32 v37, v28;
	v28 =	vld [tilespmem:$0x1FCA0]  }
0x383: {  	[tilespmem:v52+s16+$0x0] =	vst.idx.msk $0xffff, v6;
	v19 =	vld.idx.msk [tilespmem:v51+s12+$0x0], $0xffff  }
0x384: {  	v60 =	vor.u32 v59, v14;
	v7 =	vld.idx.msk [tilespmem:v53+s12+$0x0], $0xffff  }
0x385: {  	v63 =	vor.u32 v56, v30;
	v62 =	vor.u32 v59, v15;
	[tilespmem:v55+s16+$0x0] =	vst.idx.msk $0xffff, v54;
	v54 =	vld [tilespmem:$0x1FC70]  }
0x386: {  	v23 =	vor.u32 v56, v31;
	v22 =	vor.u32 v59, v24;
	v35 =	vld.idx.msk [tilespmem:v58+s12+$0x0], $0xffff  }
0x387: {  	v33 =	vor.u32 v56, v0;
	v32 =	vor.u32 v59, v25;
	v28 =	vor.u32 v28, v30;
	v30 =	vld [tilespmem:$0x1FCA0]  }
0x388: {  	v34 =	vor.u32 v59, v27;
	[tilespmem:v57+s16+$0x0] =	vst.idx.msk $0xffff, v16;
	v57 =	vld [tilespmem:$0x1FC70]  }
0x389: {  	v36 =	vor.u32 v56, v1;
	v2 =	vld.idx.msk [tilespmem:v60+s12+$0x0], $0xffff  }
0x38a: {  	v38 =	vor.u32 v59, v26;
	[tilespmem:v63+s16+$0x0] =	vst.idx.msk $0xffff, v4;
	v5 =	vld.idx.msk [tilespmem:v62+s12+$0x0], $0xffff  }
0x38b: {  	v4 =	vor.u32 v48, v14;
	v18 =	vor.u32 v49, v29;
	[tilespmem:v23+s16+$0x0] =	vst.idx.msk $0xffff, v19;
	v6 =	vld.idx.msk [tilespmem:v22+s12+$0x0], $0xffff  }
0x38c: {  	[tilespmem:v33+s16+$0x0] =	vst.idx.msk $0xffff, v7;
	v29 =	vld.idx.msk [tilespmem:v32+s12+$0x0], $0xffff;
	v30 =	vor.u32 v30, v31  }
0x38d: {  	v16 =	vld.idx.msk [tilespmem:v34+s12+$0x0], $0xffff;
	v31 =	vor.u32 v40, v25  }
0x38e: {  	[tilespmem:v36+s16+$0x0] =	vst.idx.msk $0xffff, v35;
	v36 =	vld [tilespmem:$0x1FC10]  }
0x38f: {  	v0 =	vor.u32 v44, v0;
	v50 =	vor.u32 v40, v15;
	v53 =	vld.idx.msk [tilespmem:v38+s12+$0x0], $0xffff;
	[tilespmem:v3+s16+$0x0] =	vst.idx.msk $0xffff, v2  }
0x390: {  	v52 =	vor.u32 v40, v27;
	[tilespmem:v18+s16+$0x0] =	vst.idx.msk $0xffff, v5;
	v5 =	vor.u32 v54, v8;
	v4 =	vld.idx.msk [tilespmem:v4+s12+$0x0], $0xffff  }
0x391: {  	v56 =	vor.u32 v41, v14;
	[tilespmem:v30+s16+$0x0] =	vst.idx.msk $0xffff, v29;
	v29 =	vld [tilespmem:$0x1FC70]  }
0x392: {  	v51 =	vor.u32 v40, v24;
	v59 =	vld.idx.msk [tilespmem:v31+s12+$0x0], $0xffff  }
0x393: {  	v1 =	vor.u32 v44, v1;
	v31 =	vld [tilespmem:$0x1FC70]  }
0x394: {  	v55 =	vor.u32 v40, v26;
	v18 =	vld.idx.msk [tilespmem:v50+s12+$0x0], $0xffff;
	[tilespmem:v0+s16+$0x0] =	vst.idx.msk $0xffff, v16  }
0x395: {  	v19 =	vor.u32 v57, v9;
	v2 =	vld.idx.msk [tilespmem:v52+s12+$0x0], $0xffff;
	[tilespmem:v5+s16+$0x0] =	vst.idx.msk $0xffff, v4  }
0x396: {  	v34 =	vor.u32 v42, v8;
	[tilespmem:v28+s16+$0x0] =	vst.idx.msk $0xffff, v6;
	v28 =	vor.u32 v41, v15;
	v6 =	vld.idx.msk [tilespmem:v56+s12+$0x0], $0xffff  }
0x397: {  	v37 =	vor.u32 v36, v14;
	v7 =	vld.idx.msk [tilespmem:v51+s12+$0x0], $0xffff;
	v29 =	vor.u32 v29, v10  }
0x398: {  	v58 =	vor.u32 v41, v24;
	[tilespmem:v1+s16+$0x0] =	vst.idx.msk $0xffff, v53;
	v52 =	vld [tilespmem:$0x1FFF0];
	v30 =	vor.u32 v31, v11  }
0x399: {  	v63 =	vld.idx.msk [tilespmem:v55+s12+$0x0], $0xffff;
	v61 =	vor.u32 v31, v12  }
0x39a: {  	v60 =	vor.u32 v41, v25;
	v51 =	vld [tilespmem:$0x1FFE0];
	[tilespmem:v19+s16+$0x0] =	vst.idx.msk $0xffff, v18;
	v33 =	vor.u32 v31, v13  }
0x39b: {  	v35 =	vor.u32 v41, v26;
	v28 =	vld.idx.msk [tilespmem:v28+s12+$0x0], $0xffff;
	[tilespmem:v34+s16+$0x0] =	vst.idx.msk $0xffff, v6  }
0x39c: {  	v62 =	vor.u32 v41, v27;
	[tilespmem:v29+s16+$0x0] =	vst.idx.msk $0xffff, v7;
	v7 =	vld.idx.msk [tilespmem:v37+s12+$0x0], $0xffff  }
0x39d: {  	v29 =	vor.u32 v42, v9;
	[tilespmem:v30+s16+$0x0] =	vst.idx.msk $0xffff, v59;
	v0 =	vld.idx.msk [tilespmem:v58+s12+$0x0], $0xffff  }
0x39e: {  	v38 =	vor.u32 v36, v15;
	v30 =	vor.u32 v42, v10;
	[tilespmem:v61+s16+$0x0] =	vst.idx.msk $0xffff, v2;
	v61 =	vld [tilespmem:$0x1FC20]  }
0x39f: {  	v45 =	vor.u32 v42, v11;
	v39 =	vor.u32 v36, v24;
	[tilespmem:v33+s16+$0x0] =	vst.idx.msk $0xffff, v63;
	v1 =	vld.idx.msk [tilespmem:v60+s12+$0x0], $0xffff  }
0x3a0: {  	v50 =	vor.u32 v42, v13;
	v49 =	vld.idx.msk [tilespmem:v35+s12+$0x0], $0xffff  }
0x3a1: {  	v47 =	vor.u32 v42, v12;
	v46 =	vor.u32 v36, v25;
	v4 =	vld.idx.msk [tilespmem:v62+s12+$0x0], $0xffff  }
0x3a2: {  	v48 =	vor.u32 v36, v27;
	v63 =	vld [tilespmem:$0x1FCB0];
	[tilespmem:v29+s16+$0x0] =	vst.idx.msk $0xffff, v28  }
0x3a3: {  	[tilespmem:v30+s16+$0x0] =	vst.idx.msk $0xffff, v0;
	v16 =	vld.idx.msk [tilespmem:v38+s12+$0x0], $0xffff  }
0x3a4: {  	v28 =	vor.u32 v51, v8;
	v29 =	vor.u32 v36, v26;
	[tilespmem:v45+s16+$0x0] =	vst.idx.msk $0xffff, v1;
	v2 =	vld.idx.msk [tilespmem:v39+s12+$0x0], $0xffff  }
0x3a5: {  	v53 =	vor.u32 v52, v14;
	v30 =	vor.u32 v51, v9;
	[tilespmem:v50+s16+$0x0] =	vst.idx.msk $0xffff, v49;
	v49 =	vld [tilespmem:$0x1FDE0]  }
0x3a6: {  	v54 =	vor.u32 v52, v15;
	v55 =	vor.u32 v51, v10;
	[tilespmem:v47+s16+$0x0] =	vst.idx.msk $0xffff, v4;
	v5 =	vld.idx.msk [tilespmem:v46+s12+$0x0], $0xffff  }
0x3a7: {  	v56 =	vor.u32 v52, v24;
	v57 =	vor.u32 v51, v11;
	v6 =	vld.idx.msk [tilespmem:v48+s12+$0x0], $0xffff  }
0x3a8: {  	v59 =	vor.u32 v51, v12;
	v46 =	vld [tilespmem:$0x1FDD0]  }
0x3a9: {  	v58 =	vor.u32 v52, v25;
	[tilespmem:v28+s16+$0x0] =	vst.idx.msk $0xffff, v7;
	v28 =	vld.idx.msk [tilespmem:v29+s12+$0x0], $0xffff  }
0x3aa: {  	v60 =	vor.u32 v52, v27;
	v29 =	vor.u32 v51, v13;
	v0 =	vld.idx.msk [tilespmem:v53+s12+$0x0], $0xffff;
	[tilespmem:v30+s16+$0x0] =	vst.idx.msk $0xffff, v16  }
0x3ab: {  	v30 =	vor.u32 v52, v26;
	[tilespmem:v55+s16+$0x0] =	vst.idx.msk $0xffff, v2;
	v1 =	vld.idx.msk [tilespmem:v54+s12+$0x0], $0xffff  }
0x3ac: {  	v62 =	vor.u32 v61, v8;
	[tilespmem:v57+s16+$0x0] =	vst.idx.msk $0xffff, v5;
	v4 =	vld.idx.msk [tilespmem:v56+s12+$0x0], $0xffff  }
0x3ad: {  	v33 =	vor.u32 v63, v14;
	v34 =	vor.u32 v61, v9;
	[tilespmem:v59+s16+$0x0] =	vst.idx.msk $0xffff, v6;
	v59 =	vld [tilespmem:$0x1FDF0]  }
0x3ae: {  	v35 =	vor.u32 v63, v15;
	v36 =	vor.u32 v61, v10;
	v37 =	vor.u32 v63, v24;
	v18 =	vld.idx.msk [tilespmem:v58+s12+$0x0], $0xffff  }
0x3af: {  	v38 =	vor.u32 v61, v11;
	v50 =	vor.u32 v49, v14;
	v7 =	vld.idx.msk [tilespmem:v60+s12+$0x0], $0xffff;
	[tilespmem:v29+s16+$0x0] =	vst.idx.msk $0xffff, v28  }
0x3b0: {  	v52 =	vor.u32 v49, v15;
	v54 =	vor.u32 v49, v24;
	v55 =	vor.u32 v49, v25;
	v45 =	vld.idx.msk [tilespmem:v30+s12+$0x0], $0xffff  }
0x3b1: {  	v56 =	vor.u32 v49, v27;
	v28 =	vor.u32 v63, v25;
	[tilespmem:v62+s16+$0x0] =	vst.idx.msk $0xffff, v0;
	v62 =	vld [tilespmem:$0x1FE00]  }
0x3b2: {  	v29 =	vor.u32 v61, v12;
	v30 =	vor.u32 v61, v13;
	v61 =	vor.u32 v49, v26;
	v49 =	vld [tilespmem:$0x1FC40]  }
0x3b3: {  	v39 =	vor.u32 v63, v27;
	v2 =	vld.idx.msk [tilespmem:v33+s12+$0x0], $0xffff;
	[tilespmem:v34+s16+$0x0] =	vst.idx.msk $0xffff, v1  }
0x3b4: {  	[tilespmem:v36+s16+$0x0] =	vst.idx.msk $0xffff, v4;
	v5 =	vld.idx.msk [tilespmem:v35+s12+$0x0], $0xffff  }
0x3b5: {  	v48 =	vor.u32 v63, v26;
	v6 =	vld.idx.msk [tilespmem:v37+s12+$0x0], $0xffff  }
0x3b6: {  	v47 =	vor.u32 v46, v8;
	[tilespmem:v38+s16+$0x0] =	vst.idx.msk $0xffff, v18;
	v38 =	vld [tilespmem:$0x1FC30]  }
0x3b7: {  	[tilespmem:v29+s16+$0x0] =	vst.idx.msk $0xffff, v7;
	v28 =	vld.idx.msk [tilespmem:v28+s12+$0x0], $0xffff  }
0x3b8: {  	v0 =	vld.idx.msk [tilespmem:v39+s12+$0x0], $0xffff  }
0x3b9: {  	v51 =	vor.u32 v46, v9;
	[tilespmem:v30+s16+$0x0] =	vst.idx.msk $0xffff, v45;
	v45 =	vld [tilespmem:$0x1FC40]  }
0x3ba: {  	v57 =	vld.idx.msk [tilespmem:v48+s12+$0x0], $0xffff  }
0x3bb: {  	v53 =	vor.u32 v46, v10;
	[tilespmem:v47+s16+$0x0] =	vst.idx.msk $0xffff, v2;
	v47 =	vld [tilespmem:$0x1FC40]  }
0x3bc: {  	v29 =	vor.u32 v46, v11;
	v48 =	vld [tilespmem:$0x1FC30]  }
0x3bd: {  	v30 =	vor.u32 v46, v12;
	v4 =	vld.idx.msk [tilespmem:v50+s12+$0x0], $0xffff  }
0x3be: {  	v58 =	vor.u32 v46, v13;
	[tilespmem:v51+s16+$0x0] =	vst.idx.msk $0xffff, v5;
	v51 =	vld [tilespmem:$0x1FC40]  }
0x3bf: {  	v60 =	vor.u32 v59, v8;
	v18 =	vld.idx.msk [tilespmem:v52+s12+$0x0], $0xffff  }
0x3c0: {  	v22 =	vor.u32 v59, v9;
	v63 =	vor.u32 v62, v14;
	[tilespmem:v53+s16+$0x0] =	vst.idx.msk $0xffff, v6;
	v53 =	vld [tilespmem:$0x1FC40]  }
0x3c1: {  	[tilespmem:v29+s16+$0x0] =	vst.idx.msk $0xffff, v28;
	v28 =	vor.u32 v62, v15;
	v7 =	vld.idx.msk [tilespmem:v54+s12+$0x0], $0xffff  }
0x3c2: {  	[tilespmem:v30+s16+$0x0] =	vst.idx.msk $0xffff, v0;
	v16 =	vld.idx.msk [tilespmem:v55+s12+$0x0], $0xffff  }
0x3c3: {  	v34 =	vor.u32 v59, v12;
	[tilespmem:v58+s16+$0x0] =	vst.idx.msk $0xffff, v57;
	v1 =	vld.idx.msk [tilespmem:v56+s12+$0x0], $0xffff  }
0x3c4: {  	v29 =	vor.u32 v59, v10;
	[tilespmem:v60+s16+$0x0] =	vst.idx.msk $0xffff, v4;
	v36 =	vld.idx.msk [tilespmem:v61+s12+$0x0], $0xffff  }
0x3c5: {  	v23 =	vor.u32 v62, v24;
	v30 =	vor.u32 v59, v11;
	v6 =	vld.idx.msk [tilespmem:v63+s12+$0x0], $0xffff;
	[tilespmem:v22+s16+$0x0] =	vst.idx.msk $0xffff, v18  }
0x3c6: {  	v18 =	vor.u32 v38, v8;
	v46 =	vld.idx.msk [tilespmem:v28+s12+$0x0], $0xffff  }
0x3c7: {  	v37 =	vor.u32 v59, v13;
	v28 =	vld [tilespmem:$0x1FC30]  }
0x3c8: {  	v33 =	vor.u32 v62, v25;
	[tilespmem:v34+s16+$0x0] =	vst.idx.msk $0xffff, v1;
	v1 =	vor.u32 v49, v24;
	v24 =	vld [tilespmem:$0x1FC30]  }
0x3c9: {  	v35 =	vor.u32 v62, v27;
	v5 =	vor.u32 v51, v25;
	v25 =	vld [tilespmem:$0x1FC40];
	[tilespmem:v29+s16+$0x0] =	vst.idx.msk $0xffff, v7  }
0x3ca: {  	v39 =	vor.u32 v62, v26;
	v7 =	vor.u32 v45, v14;
	[tilespmem:v30+s16+$0x0] =	vst.idx.msk $0xffff, v16;
	v0 =	vld.idx.msk [tilespmem:v23+s12+$0x0], $0xffff  }
0x3cb: {  	v16 =	vor.u32 v48, v10;
	[tilespmem:v18+s16+$0x0] =	vst.idx.msk $0xffff, v6;
	v6 =	vor.u32 v53, v27;
	v27 =	vld [tilespmem:$0x1FC50]  }
0x3cc: {  	v28 =	vor.u32 v28, v9  }
0x3cd: {  	v15 =	vor.u32 v47, v15;
	v2 =	vld.idx.msk [tilespmem:v33+s12+$0x0], $0xffff;
	v50 =	vor.u32 v24, v11  }
0x3ce: {  	[tilespmem:v37+s16+$0x0] =	vst.idx.msk $0xffff, v36;
	v4 =	vld.idx.msk [tilespmem:v35+s12+$0x0], $0xffff;
	v52 =	vor.u32 v24, v12  }
0x3cf: {  	v54 =	vld.idx.msk [tilespmem:v39+s12+$0x0], $0xffff;
	v55 =	vor.u32 v24, v13  }
0x3d0: {  	v56 =	vor.u32 v25, v26;
	v7 =	vld.idx.msk [tilespmem:v7+s12+$0x0], $0xffff;
	[tilespmem:v16+s16+$0x0] =	vst.idx.msk $0xffff, v0;
	v8 =	vor.u32 v27, v8  }
0x3d1: {  	v1 =	vld.idx.msk [tilespmem:v1+s12+$0x0], $0xffff;
	v58 =	vor.u32 v27, v10;
	[tilespmem:v28+s16+$0x0] =	vst.idx.msk $0xffff, v46  }
0x3d2: {  	v9 =	vor.u32 v27, v9;
	v57 =	vld.idx.msk [tilespmem:v15+s12+$0x0], $0xffff;
	[tilespmem:v50+s16+$0x0] =	vst.idx.msk $0xffff, v2  }
0x3d3: {  	v59 =	vor.u32 v27, v11;
	[tilespmem:v52+s16+$0x0] =	vst.idx.msk $0xffff, v4;
	v3 =	vld.idx.msk [tilespmem:v5+s12+$0x0], $0xffff  }
0x3d4: {  	v61 =	vor.u32 v27, v12;
	[tilespmem:v55+s16+$0x0] =	vst.idx.msk $0xffff, v54;
	v60 =	vld.idx.msk [tilespmem:v6+s12+$0x0], $0xffff  }
0x3d5: {  	p2 =	por p1, p1;
	v63 =	vor.u32 v27, v13;
	v62 =	vld.idx.msk [tilespmem:v56+s12+$0x0], $0xffff;
	[tilespmem:v8+s16+$0x0] =	vst.idx.msk $0xffff, v7  }
.Ltmp7:
0x3d6: {  	[tilespmem:v58+s16+$0x0] =	vst.idx.msk $0xffff, v1;
	(pc) =	sbr.rel @p2 .LBB2_8-.Ltmp7, $4  }
0x3d7: {  	[tilespmem:v9+s16+$0x0] =	vst.idx.msk $0xffff, v57  }
0x3d8: {  	[tilespmem:v59+s16+$0x0] =	vst.idx.msk $0xffff, v3  }
0x3d9: {  	[tilespmem:v61+s16+$0x0] =	vst.idx.msk $0xffff, v60  }
0x3da: {  	p1 =	por $0x0, $0x0;
	s26 =	simm.s32 $0x8;
	v43 =	vlaneseq.u32;
	[tilespmem:v63+s16+$0x0] =	vst.idx.msk $0xffff, v62  }
0x3db: {  	v48 =	vld [tilespmem:$0x1FE90]  }
0x3dc: {  	v58 =	vld [tilespmem:$0x1FEA0]  }
0x3dd: {  	v50 =	vld [tilespmem:$0x1FEB0]  }
0x3de: {  	v52 =	vld [tilespmem:$0x1FEC0]  }
0x3df: {  	v54 =	vld [tilespmem:$0x1FED0]  }
0x3e0: {  	v46 =	vld [tilespmem:$0x1FEE0]  }
0x3e1: {  	v47 =	vld [tilespmem:$0x1FEF0]  }
0x3e2: {  	v8 =	vld [tilespmem:$0x1FF00]  }
0x3e3: {  	v10 =	vld [tilespmem:$0x1FF10]  }
0x3e4: {  	v25 =	vld [tilespmem:$0x1FF20]  }
0x3e5: {  	v26 =	vld [tilespmem:$0x1FF30]  }
0x3e6: {  	v53 =	vld [tilespmem:$0x1FF40]  }
0x3e7: {  	v55 =	vld [tilespmem:$0x1FF50]  }
0x3e8: {  	v49 =	vld [tilespmem:$0x1FF60]  }
0x3e9: {  	v29 =	vld [tilespmem:$0x1FF70]  }
0x3ea: {  	v16 =	vld [tilespmem:$0x1FF80]  }
0x3eb: {  	v17 =	vld [tilespmem:$0x1FF90]  }
0x3ec: {  	v30 =	vld [tilespmem:$0x1FFA0]  }
0x3ed: {  	v51 =	vld [tilespmem:$0x1FFB0]  }
0x3ee: {  	v2 =	vld [tilespmem:$0x1FFC0]  }
0x3ef: {  	v63 =	vld [tilespmem:$0x1FFD0]  }
0x3f0: {  	v1 =	vld [tilespmem:$0x1FE30]  }
0x3f1: {  	v3 =	vld [tilespmem:$0x1FE40]  }
0x3f2: {  	v5 =	vld [tilespmem:$0x1FE50]  }
0x3f3: {  	v7 =	vld [tilespmem:$0x1FE60]  }
0x3f4: {  	s24 =	sadd.s32 $0x3, s24;
	v9 =	vld [tilespmem:$0x1FE70]  }
0x3f5: {  	s31 =	sshll.u32 s25, $0xF;
	v11 =	vld [tilespmem:$0x1FE80];
	p1 =	sge.u32 s24, s6  }
.Ltmp8:
0x3f6: {  	v32 =	vld [tilespmem:$0x1FE10];
	s24 =	sshll.u32 @!p1 s24, $0xC;
	s26 =	simm.s32 @!p1 $0x400;
	(pc) =	sbr.rel .LBB2_10-.Ltmp8, $4  }
0x3f7: {  	v14 =	vld [tilespmem:$0x1FE20];
	s28 =	simm.s32 @!p1 $0x7A1400;
	s29 =	simm.s32 @!p1 $0x2000;
	s24 =	sadd.s32 @!p1 s24, s3  }
0x3f8: {  	v20 =	vld [tilespmem:$0x1FFE0];
	[tilespmem:s29], [sflag:$0x2] =	stream.strided.gather @!p1 [hbm4b:s24+s26], $0x2000, s28, s26, $0x38  }
0x3f9: {  	v22 =	vld [tilespmem:$0x1FFF0];
	s24 =	sadd.s32 s31, s5  }
0x3fa: {  	v60 =	vld [tilespmem:$0x1FCB0];
	[hbm4b:s24+s2] =	stream.linear.scatter [tilespmem:s16], [sflag:$0x4], $0x2000, $0x38  }
.LBB2_11:
0x3fb: {  	_ =	swait.ge [sflag:s17], $0x2000  }
.Ltmp9:
0x3fc: {  	[sflag:s17] =	ssyncset.done $0x0;
	(pc) =	sbr.rel @p0 .LBB2_15-.Ltmp9, $4  }
0x3fd: {  	[sflag:s17] =	ssyncadd.s32 $0xFFFFE000  }
0x3fe: {  	_ =	swait.ge [sflag:s18], $0x2000  }
0x3ff: {  	[sflag:s18] =	ssyncset.done $0x0  }
0x400: {  	[sflag:s18] =	ssyncadd.s32 $0xFFFFE000  }
0x401: {  	v57 =	vmovc v26;
	v56 =	vmovc v25;
	v39 =	vmov v51;
	v51 =	vmov v10;
	v59 =	vmov v49;
	[tilespmem:s19], [sflag:$0x5] =	stream.strided.gather [hbm4b:s7+s10], $0x2000, s11, s10, $0x38;
	[tilespmem:$0xB000] =	vst v63  }
0x402: {  	v49 =	vmovc v8;
	v45 =	vmovc v58;
	v60 =	vmov v29;
	v37 =	vmov v16;
	v38 =	vmov v17;
	_ =	swait.ge [sflag:s20], $0x2000  }
0x403: {  	v61 =	vmovc v30;
	v62 =	vmovc v2;
	v34 =	vmov v32;
	v35 =	vmov v14;
	v36 =	vmov v1;
	[sflag:s20] =	ssyncset.done $0x0;
	v44 =	vld [tilespmem:$0x1FC10]  }
0x404: {  	s23 =	simm.s32 $0x0;
	p1 =	por $0x1, $0x1;
	v21 =	vmovc v3;
	v58 =	vmovc v5;
	v23 =	vmov v7;
	v32 =	vmov v9;
	v33 =	vmov v11;
	v16 =	vld [tilespmem:$0x1FC20];
	[sflag:s20] =	ssyncadd.s32 $0xFFFFE000  }
.LBB2_13:
0x405: {  	v0 =	vadd.s32 s23, v43;
	s24 =	sor.u32 $0x1, s23  }
0x406: {  	v1 =	vand.u32 $0xF, v0;
	v24 =	vadd.s32 s24, v43  }
0x407: {  	v2 =	vshll.u32 v1, $0x7;
	v3 =	vand.u32 $0xF, v24  }
0x408: {  	v4 =	vor.u32 v43, v2;
	v5 =	vshll.u32 v3, $0x7  }
0x409: {  	v6 =	vor.u32 v43, v5;
	_ =	sdelay $0x3  }
0x40a: {  	v7 =	vor.u32 v48, v1;
	v4 =	vld.idx.msk [tilespmem:v4+s19+$0x0], $0xffff  }
0x40b: {  	v8 =	vor.u32 v45, v2;
	v9 =	vor.u32 v48, v3;
	v6 =	vld.idx.msk [tilespmem:v6+s19+$0x0], $0xffff  }
0x40c: {  	v10 =	vor.u32 v45, v5;
	_ =	sdelay $0x2  }
0x40d: {  	[tilespmem:v7+s21+$0x0] =	vst.idx.msk $0xffff, v4  }
0x40e: {  	v26 =	vor.u32 v50, v1;
	v4 =	vld.idx.msk [tilespmem:v8+s19+$0x0], $0xffff;
	[tilespmem:v9+s21+$0x0] =	vst.idx.msk $0xffff, v6  }
0x40f: {  	v27 =	vor.u32 v52, v2;
	v13 =	vor.u32 v50, v3;
	v12 =	vld.idx.msk [tilespmem:v10+s19+$0x0], $0xffff  }
0x410: {  	v14 =	vor.u32 v52, v5;
	_ =	sdelay $0x2  }
0x411: {  	[tilespmem:v26+s21+$0x0] =	vst.idx.msk $0xffff, v4  }
0x412: {  	v25 =	vor.u32 v54, v1;
	v4 =	vld.idx.msk [tilespmem:v27+s19+$0x0], $0xffff;
	[tilespmem:v13+s21+$0x0] =	vst.idx.msk $0xffff, v12  }
0x413: {  	v26 =	vor.u32 v46, v2;
	v27 =	vor.u32 v54, v3;
	v8 =	vld.idx.msk [tilespmem:v14+s19+$0x0], $0xffff  }
0x414: {  	v12 =	vor.u32 v46, v5;
	_ =	sdelay $0x2  }
0x415: {  	[tilespmem:v25+s21+$0x0] =	vst.idx.msk $0xffff, v4  }
0x416: {  	v13 =	vor.u32 v47, v1;
	v4 =	vld.idx.msk [tilespmem:v26+s19+$0x0], $0xffff;
	[tilespmem:v27+s21+$0x0] =	vst.idx.msk $0xffff, v8  }
0x417: {  	v14 =	vor.u32 v59, v2;
	v25 =	vor.u32 v47, v3;
	v8 =	vld.idx.msk [tilespmem:v12+s19+$0x0], $0xffff  }
0x418: {  	v26 =	vor.u32 v59, v5;
	_ =	sdelay $0x2  }
0x419: {  	[tilespmem:v13+s21+$0x0] =	vst.idx.msk $0xffff, v4  }
0x41a: {  	v27 =	vor.u32 v60, v0;
	v4 =	vld.idx.msk [tilespmem:v14+s19+$0x0], $0xffff;
	[tilespmem:v25+s21+$0x0] =	vst.idx.msk $0xffff, v8  }
0x41b: {  	v12 =	vor.u32 v37, v2;
	v13 =	vor.u32 v60, v24;
	v8 =	vld.idx.msk [tilespmem:v26+s19+$0x0], $0xffff  }
0x41c: {  	v14 =	vor.u32 v37, v5;
	_ =	sdelay $0x2  }
0x41d: {  	[tilespmem:v27+s21+$0x0] =	vst.idx.msk $0xffff, v4  }
0x41e: {  	v25 =	vor.u32 v38, v0;
	v4 =	vld.idx.msk [tilespmem:v12+s19+$0x0], $0xffff;
	[tilespmem:v13+s21+$0x0] =	vst.idx.msk $0xffff, v8  }
0x41f: {  	v26 =	vor.u32 v61, v2;
	v27 =	vor.u32 v38, v24;
	v8 =	vld.idx.msk [tilespmem:v14+s19+$0x0], $0xffff  }
0x420: {  	v12 =	vor.u32 v61, v5;
	_ =	sdelay $0x2  }
0x421: {  	[tilespmem:v25+s21+$0x0] =	vst.idx.msk $0xffff, v4  }
0x422: {  	v13 =	vor.u32 v39, v0;
	v4 =	vld.idx.msk [tilespmem:v26+s19+$0x0], $0xffff;
	[tilespmem:v27+s21+$0x0] =	vst.idx.msk $0xffff, v8  }
0x423: {  	v14 =	vor.u32 v62, v2;
	v25 =	vor.u32 v39, v24;
	v8 =	vld.idx.msk [tilespmem:v12+s19+$0x0], $0xffff  }
0x424: {  	v26 =	vor.u32 v62, v5;
	_ =	sdelay $0x2  }
0x425: {  	[tilespmem:v13+s21+$0x0] =	vst.idx.msk $0xffff, v4  }
0x426: {  	v27 =	vor.u32 v63, v0;
	v4 =	vld.idx.msk [tilespmem:v14+s19+$0x0], $0xffff;
	[tilespmem:v25+s21+$0x0] =	vst.idx.msk $0xffff, v8  }
0x427: {  	v12 =	vor.u32 v36, v2;
	v13 =	vor.u32 v63, v24;
	v8 =	vld.idx.msk [tilespmem:v26+s19+$0x0], $0xffff  }
0x428: {  	v14 =	vor.u32 v36, v5;
	_ =	sdelay $0x2  }
0x429: {  	[tilespmem:v27+s21+$0x0] =	vst.idx.msk $0xffff, v4  }
0x42a: {  	v25 =	vor.u32 v21, v1;
	v4 =	vld.idx.msk [tilespmem:v12+s19+$0x0], $0xffff;
	[tilespmem:v13+s21+$0x0] =	vst.idx.msk $0xffff, v8  }
0x42b: {  	v26 =	vor.u32 v58, v2;
	v27 =	vor.u32 v21, v3;
	v8 =	vld.idx.msk [tilespmem:v14+s19+$0x0], $0xffff  }
0x42c: {  	v12 =	vor.u32 v58, v5;
	_ =	sdelay $0x2  }
0x42d: {  	[tilespmem:v25+s21+$0x0] =	vst.idx.msk $0xffff, v4  }
0x42e: {  	v13 =	vor.u32 v23, v1;
	v4 =	vld.idx.msk [tilespmem:v26+s19+$0x0], $0xffff;
	[tilespmem:v27+s21+$0x0] =	vst.idx.msk $0xffff, v8  }
0x42f: {  	v14 =	vor.u32 v32, v2;
	v25 =	vor.u32 v23, v3;
	v8 =	vld.idx.msk [tilespmem:v12+s19+$0x0], $0xffff  }
0x430: {  	v26 =	vor.u32 v32, v5;
	_ =	sdelay $0x2  }
0x431: {  	[tilespmem:v13+s21+$0x0] =	vst.idx.msk $0xffff, v4  }
0x432: {  	v27 =	vor.u32 v33, v1;
	v4 =	vld.idx.msk [tilespmem:v14+s19+$0x0], $0xffff;
	[tilespmem:v25+s21+$0x0] =	vst.idx.msk $0xffff, v8  }
0x433: {  	v12 =	vor.u32 v34, v2;
	v13 =	vor.u32 v33, v3;
	v8 =	vld.idx.msk [tilespmem:v26+s19+$0x0], $0xffff  }
0x434: {  	v14 =	vor.u32 v34, v5;
	_ =	sdelay $0x2  }
0x435: {  	[tilespmem:v27+s21+$0x0] =	vst.idx.msk $0xffff, v4  }
0x436: {  	v1 =	vor.u32 v35, v1;
	v4 =	vld.idx.msk [tilespmem:v12+s19+$0x0], $0xffff;
	[tilespmem:v13+s21+$0x0] =	vst.idx.msk $0xffff, v8  }
0x437: {  	v3 =	vor.u32 v35, v3;
	v25 =	vor.u32 v40, v2;
	v26 =	vld.idx.msk [tilespmem:v14+s19+$0x0], $0xffff  }
0x438: {  	v27 =	vor.u32 v40, v5;
	_ =	sdelay $0x2  }
0x439: {  	[tilespmem:v1+s21+$0x0] =	vst.idx.msk $0xffff, v4  }
0x43a: {  	v40 =	vor.u32 v31, v0;
	v1 =	vld.idx.msk [tilespmem:v25+s19+$0x0], $0xffff;
	[tilespmem:v3+s21+$0x0] =	vst.idx.msk $0xffff, v26  }
0x43b: {  	v12 =	vor.u32 v41, v2;
	v14 =	vor.u32 v31, v24;
	v13 =	vld.idx.msk [tilespmem:v27+s19+$0x0], $0xffff  }
0x43c: {  	v25 =	vor.u32 v41, v5;
	_ =	sdelay $0x2  }
0x43d: {  	[tilespmem:v40+s21+$0x0] =	vst.idx.msk $0xffff, v1  }
0x43e: {  	v26 =	vor.u32 v42, v0;
	v1 =	vld.idx.msk [tilespmem:v12+s19+$0x0], $0xffff;
	[tilespmem:v14+s21+$0x0] =	vst.idx.msk $0xffff, v13  }
0x43f: {  	v27 =	vor.u32 v44, v2;
	v40 =	vor.u32 v42, v24;
	v6 =	vld.idx.msk [tilespmem:v25+s19+$0x0], $0xffff  }
0x440: {  	v41 =	vor.u32 v44, v5  }
0x441: {  	s29 =	sor.u32 $0x5, s23  }
0x442: {  	s30 =	sor.u32 $0x6, s23;
	v11 =	vor.u32 v20, v0;
	v9 =	vadd.s32 s29, v43  }
0x443: {  	s25 =	sor.u32 $0x2, s23;
	s28 =	sor.u32 $0x4, s23;
	v29 =	vand.u32 $0xF, v9;
	v10 =	vadd.s32 s30, v43;
	v3 =	vor.u32 v16, v0;
	[tilespmem:v26+s21+$0x0] =	vst.idx.msk $0xffff, v1  }
0x444: {  	s26 =	sor.u32 $0x3, s23;
	v8 =	vadd.s32 s28, v43;
	v16 =	vor.u32 v20, v24;
	v0 =	vadd.s32 s25, v43;
	v4 =	vld.idx.msk [tilespmem:v27+s19+$0x0], $0xffff;
	[tilespmem:v40+s21+$0x0] =	vst.idx.msk $0xffff, v6  }
0x445: {  	v2 =	vor.u32 v22, v2;
	v26 =	vand.u32 $0xF, v0;
	v1 =	vadd.s32 s26, v43;
	v6 =	vld.idx.msk [tilespmem:v41+s19+$0x0], $0xffff  }
0x446: {  	v5 =	vor.u32 v22, v5;
	v44 =	vld [tilespmem:$0x1FC20];
	v12 =	vshll.u32 v26, $0x7;
	v27 =	vand.u32 $0xF, v1  }
0x447: {  	v28 =	vand.u32 $0xF, v8;
	v42 =	vor.u32 v43, v12;
	v13 =	vshll.u32 v27, $0x7  }
0x448: {  	s31 =	sor.u32 $0x7, s23;
	v15 =	vshll.u32 v29, $0x7;
	v14 =	vshll.u32 v28, $0x7;
	v17 =	vor.u32 v43, v13  }
0x449: {  	v30 =	vand.u32 $0xF, v10;
	v18 =	vor.u32 v43, v14;
	[tilespmem:v11+s21+$0x0] =	vst.idx.msk $0xffff, v4;
	v11 =	vadd.s32 s31, v43  }
0x44a: {  	v25 =	vshll.u32 v30, $0x7;
	v4 =	vor.u32 v43, v15;
	v2 =	vld.idx.msk [tilespmem:v2+s19+$0x0], $0xffff;
	[tilespmem:v16+s21+$0x0] =	vst.idx.msk $0xffff, v6;
	v31 =	vand.u32 $0xF, v11  }
0x44b: {  	v6 =	vor.u32 v44, v24;
	v16 =	vor.u32 v43, v25;
	v5 =	vld.idx.msk [tilespmem:v5+s19+$0x0], $0xffff;
	v24 =	vshll.u32 v31, $0x7  }
0x44c: {  	v19 =	vor.u32 v48, v26;
	v7 =	vld.idx.msk [tilespmem:v42+s19+$0x0], $0xffff;
	v40 =	vor.u32 v43, v24  }
0x44d: {  	v41 =	vor.u32 v45, v12;
	v42 =	vor.u32 v48, v27;
	v17 =	vld.idx.msk [tilespmem:v17+s19+$0x0], $0xffff  }
0x44e: {  	v18 =	vld.idx.msk [tilespmem:v18+s19+$0x0], $0xffff;
	v44 =	vor.u32 v48, v28;
	v43 =	vor.u32 v45, v13  }
0x44f: {  	[tilespmem:v3+s21+$0x0] =	vst.idx.msk $0xffff, v2;
	v2 =	vor.u32 v45, v14;
	v3 =	vld.idx.msk [tilespmem:v4+s19+$0x0], $0xffff;
	v4 =	vor.u32 v48, v29  }
0x450: {  	[tilespmem:v6+s21+$0x0] =	vst.idx.msk $0xffff, v5;
	v5 =	vor.u32 v45, v15;
	v6 =	vld.idx.msk [tilespmem:v16+s19+$0x0], $0xffff;
	v16 =	vor.u32 v48, v30  }
0x451: {  	[tilespmem:v19+s21+$0x0] =	vst.idx.msk $0xffff, v7;
	v7 =	vor.u32 v45, v25;
	v19 =	vld.idx.msk [tilespmem:v40+s19+$0x0], $0xffff;
	v40 =	vor.u32 v48, v31  }
0x452: {  	v41 =	vld.idx.msk [tilespmem:v41+s19+$0x0], $0xffff;
	[tilespmem:v42+s21+$0x0] =	vst.idx.msk $0xffff, v17;
	v17 =	vor.u32 v50, v26;
	v42 =	vor.u32 v45, v24  }
0x453: {  	[tilespmem:v44+s21+$0x0] =	vst.idx.msk $0xffff, v18;
	v18 =	vor.u32 v52, v12;
	v44 =	vor.u32 v50, v27;
	v43 =	vld.idx.msk [tilespmem:v43+s19+$0x0], $0xffff  }
0x454: {  	[tilespmem:v4+s21+$0x0] =	vst.idx.msk $0xffff, v3;
	v3 =	vor.u32 v52, v13;
	v2 =	vld.idx.msk [tilespmem:v2+s19+$0x0], $0xffff;
	v4 =	vor.u32 v50, v28  }
0x455: {  	[tilespmem:v16+s21+$0x0] =	vst.idx.msk $0xffff, v6;
	v6 =	vor.u32 v52, v14;
	v5 =	vld.idx.msk [tilespmem:v5+s19+$0x0], $0xffff;
	v16 =	vor.u32 v50, v29  }
0x456: {  	[tilespmem:v40+s21+$0x0] =	vst.idx.msk $0xffff, v19;
	v19 =	vor.u32 v52, v15;
	v7 =	vld.idx.msk [tilespmem:v7+s19+$0x0], $0xffff;
	v40 =	vor.u32 v50, v30  }
0x457: {  	[tilespmem:v17+s21+$0x0] =	vst.idx.msk $0xffff, v41;
	v17 =	vor.u32 v52, v25;
	v41 =	vld.idx.msk [tilespmem:v42+s19+$0x0], $0xffff;
	v42 =	vor.u32 v50, v31  }
0x458: {  	v18 =	vld.idx.msk [tilespmem:v18+s19+$0x0], $0xffff;
	[tilespmem:v44+s21+$0x0] =	vst.idx.msk $0xffff, v43;
	v43 =	vor.u32 v54, v26;
	v44 =	vor.u32 v52, v24  }
0x459: {  	[tilespmem:v4+s21+$0x0] =	vst.idx.msk $0xffff, v2;
	v2 =	vor.u32 v46, v12;
	v3 =	vld.idx.msk [tilespmem:v3+s19+$0x0], $0xffff;
	v4 =	vor.u32 v54, v27  }
0x45a: {  	[tilespmem:v16+s21+$0x0] =	vst.idx.msk $0xffff, v5;
	v5 =	vor.u32 v46, v13;
	v6 =	vld.idx.msk [tilespmem:v6+s19+$0x0], $0xffff;
	v16 =	vor.u32 v54, v28  }
0x45b: {  	[tilespmem:v40+s21+$0x0] =	vst.idx.msk $0xffff, v7;
	v7 =	vor.u32 v46, v14;
	v19 =	vld.idx.msk [tilespmem:v19+s19+$0x0], $0xffff;
	v40 =	vor.u32 v54, v29  }
0x45c: {  	[tilespmem:v42+s21+$0x0] =	vst.idx.msk $0xffff, v41;
	v41 =	vor.u32 v46, v15;
	v17 =	vld.idx.msk [tilespmem:v17+s19+$0x0], $0xffff;
	v42 =	vor.u32 v54, v30  }
0x45d: {  	[tilespmem:v43+s21+$0x0] =	vst.idx.msk $0xffff, v18;
	v18 =	vor.u32 v46, v25;
	v43 =	vld.idx.msk [tilespmem:v44+s19+$0x0], $0xffff;
	v44 =	vor.u32 v54, v31  }
0x45e: {  	v2 =	vld.idx.msk [tilespmem:v2+s19+$0x0], $0xffff;
	[tilespmem:v4+s21+$0x0] =	vst.idx.msk $0xffff, v3;
	v3 =	vor.u32 v47, v26;
	v4 =	vor.u32 v46, v24  }
0x45f: {  	[tilespmem:v16+s21+$0x0] =	vst.idx.msk $0xffff, v6;
	v6 =	vor.u32 v59, v12;
	v5 =	vld.idx.msk [tilespmem:v5+s19+$0x0], $0xffff;
	v16 =	vor.u32 v47, v27  }
0x460: {  	[tilespmem:v40+s21+$0x0] =	vst.idx.msk $0xffff, v19;
	v19 =	vor.u32 v59, v13;
	v7 =	vld.idx.msk [tilespmem:v7+s19+$0x0], $0xffff;
	v40 =	vor.u32 v47, v28  }
0x461: {  	[tilespmem:v42+s21+$0x0] =	vst.idx.msk $0xffff, v17;
	v17 =	vor.u32 v59, v14;
	v41 =	vld.idx.msk [tilespmem:v41+s19+$0x0], $0xffff;
	v42 =	vor.u32 v47, v29  }
0x462: {  	[tilespmem:v44+s21+$0x0] =	vst.idx.msk $0xffff, v43;
	v43 =	vor.u32 v59, v15;
	v18 =	vld.idx.msk [tilespmem:v18+s19+$0x0], $0xffff;
	v44 =	vor.u32 v47, v30  }
0x463: {  	[tilespmem:v3+s21+$0x0] =	vst.idx.msk $0xffff, v2;
	v2 =	vor.u32 v59, v25;
	v3 =	vld.idx.msk [tilespmem:v4+s19+$0x0], $0xffff;
	v4 =	vor.u32 v47, v31  }
0x464: {  	v6 =	vld.idx.msk [tilespmem:v6+s19+$0x0], $0xffff;
	[tilespmem:v16+s21+$0x0] =	vst.idx.msk $0xffff, v5;
	v5 =	vor.u32 v60, v0;
	v16 =	vor.u32 v59, v24  }
0x465: {  	[tilespmem:v40+s21+$0x0] =	vst.idx.msk $0xffff, v7;
	v7 =	vor.u32 v37, v12;
	v19 =	vld.idx.msk [tilespmem:v19+s19+$0x0], $0xffff;
	v40 =	vor.u32 v60, v1  }
0x466: {  	[tilespmem:v42+s21+$0x0] =	vst.idx.msk $0xffff, v41;
	v41 =	vor.u32 v37, v13;
	v17 =	vld.idx.msk [tilespmem:v17+s19+$0x0], $0xffff;
	v42 =	vor.u32 v60, v8  }
0x467: {  	[tilespmem:v44+s21+$0x0] =	vst.idx.msk $0xffff, v18;
	v18 =	vor.u32 v37, v14;
	v43 =	vld.idx.msk [tilespmem:v43+s19+$0x0], $0xffff;
	v44 =	vor.u32 v60, v9  }
0x468: {  	[tilespmem:v4+s21+$0x0] =	vst.idx.msk $0xffff, v3;
	v3 =	vor.u32 v37, v15;
	v2 =	vld.idx.msk [tilespmem:v2+s19+$0x0], $0xffff;
	v4 =	vor.u32 v60, v10  }
0x469: {  	[tilespmem:v5+s21+$0x0] =	vst.idx.msk $0xffff, v6;
	v5 =	vor.u32 v37, v25;
	v6 =	vld.idx.msk [tilespmem:v16+s19+$0x0], $0xffff;
	v16 =	vor.u32 v60, v11  }
0x46a: {  	v7 =	vld.idx.msk [tilespmem:v7+s19+$0x0], $0xffff;
	[tilespmem:v40+s21+$0x0] =	vst.idx.msk $0xffff, v19;
	v19 =	vor.u32 v38, v0;
	v40 =	vor.u32 v37, v24  }
0x46b: {  	[tilespmem:v42+s21+$0x0] =	vst.idx.msk $0xffff, v17;
	v17 =	vor.u32 v61, v12;
	v41 =	vld.idx.msk [tilespmem:v41+s19+$0x0], $0xffff;
	v42 =	vor.u32 v38, v1  }
0x46c: {  	[tilespmem:v44+s21+$0x0] =	vst.idx.msk $0xffff, v43;
	v43 =	vor.u32 v61, v13;
	v18 =	vld.idx.msk [tilespmem:v18+s19+$0x0], $0xffff;
	v44 =	vor.u32 v38, v8  }
0x46d: {  	[tilespmem:v4+s21+$0x0] =	vst.idx.msk $0xffff, v2;
	v2 =	vor.u32 v61, v14;
	v3 =	vld.idx.msk [tilespmem:v3+s19+$0x0], $0xffff;
	v4 =	vor.u32 v38, v9  }
0x46e: {  	[tilespmem:v16+s21+$0x0] =	vst.idx.msk $0xffff, v6;
	v6 =	vor.u32 v61, v15;
	v5 =	vld.idx.msk [tilespmem:v5+s19+$0x0], $0xffff;
	v16 =	vor.u32 v38, v10  }
0x46f: {  	[tilespmem:v19+s21+$0x0] =	vst.idx.msk $0xffff, v7;
	v7 =	vor.u32 v61, v25;
	v19 =	vld.idx.msk [tilespmem:v40+s19+$0x0], $0xffff;
	v40 =	vor.u32 v38, v11  }
0x470: {  	v17 =	vld.idx.msk [tilespmem:v17+s19+$0x0], $0xffff;
	[tilespmem:v42+s21+$0x0] =	vst.idx.msk $0xffff, v41;
	v41 =	vor.u32 v39, v0;
	v42 =	vor.u32 v61, v24  }
0x471: {  	[tilespmem:v44+s21+$0x0] =	vst.idx.msk $0xffff, v18;
	v18 =	vor.u32 v62, v12;
	v43 =	vld.idx.msk [tilespmem:v43+s19+$0x0], $0xffff;
	v44 =	vor.u32 v39, v1  }
0x472: {  	[tilespmem:v4+s21+$0x0] =	vst.idx.msk $0xffff, v3;
	v3 =	vor.u32 v62, v13;
	v2 =	vld.idx.msk [tilespmem:v2+s19+$0x0], $0xffff;
	v4 =	vor.u32 v39, v8  }
0x473: {  	[tilespmem:v16+s21+$0x0] =	vst.idx.msk $0xffff, v5;
	v5 =	vor.u32 v62, v14;
	v6 =	vld.idx.msk [tilespmem:v6+s19+$0x0], $0xffff;
	v16 =	vor.u32 v39, v9  }
0x474: {  	[tilespmem:v40+s21+$0x0] =	vst.idx.msk $0xffff, v19;
	v19 =	vor.u32 v62, v15;
	v7 =	vld.idx.msk [tilespmem:v7+s19+$0x0], $0xffff;
	v40 =	vor.u32 v39, v10  }
0x475: {  	[tilespmem:v41+s21+$0x0] =	vst.idx.msk $0xffff, v17;
	v17 =	vor.u32 v62, v25;
	v41 =	vld.idx.msk [tilespmem:v42+s19+$0x0], $0xffff;
	v42 =	vor.u32 v39, v11  }
0x476: {  	v18 =	vld.idx.msk [tilespmem:v18+s19+$0x0], $0xffff;
	[tilespmem:v44+s21+$0x0] =	vst.idx.msk $0xffff, v43;
	v43 =	vor.u32 v63, v0;
	v44 =	vor.u32 v62, v24  }
0x477: {  	[tilespmem:v4+s21+$0x0] =	vst.idx.msk $0xffff, v2;
	v2 =	vor.u32 v36, v12;
	v3 =	vld.idx.msk [tilespmem:v3+s19+$0x0], $0xffff;
	v4 =	vor.u32 v63, v1  }
0x478: {  	[tilespmem:v16+s21+$0x0] =	vst.idx.msk $0xffff, v6;
	v6 =	vor.u32 v36, v13;
	v5 =	vld.idx.msk [tilespmem:v5+s19+$0x0], $0xffff;
	v16 =	vor.u32 v63, v8  }
0x479: {  	[tilespmem:v40+s21+$0x0] =	vst.idx.msk $0xffff, v7;
	v7 =	vor.u32 v36, v14;
	v19 =	vld.idx.msk [tilespmem:v19+s19+$0x0], $0xffff;
	v40 =	vor.u32 v63, v9  }
0x47a: {  	[tilespmem:v42+s21+$0x0] =	vst.idx.msk $0xffff, v41;
	v41 =	vor.u32 v36, v15;
	v17 =	vld.idx.msk [tilespmem:v17+s19+$0x0], $0xffff;
	v42 =	vor.u32 v63, v10  }
0x47b: {  	[tilespmem:v43+s21+$0x0] =	vst.idx.msk $0xffff, v18;
	v18 =	vor.u32 v36, v25;
	v43 =	vld.idx.msk [tilespmem:v44+s19+$0x0], $0xffff;
	v44 =	vor.u32 v63, v11  }
0x47c: {  	v2 =	vld.idx.msk [tilespmem:v2+s19+$0x0], $0xffff;
	[tilespmem:v4+s21+$0x0] =	vst.idx.msk $0xffff, v3;
	v3 =	vor.u32 v21, v26;
	v4 =	vor.u32 v36, v24  }
0x47d: {  	[tilespmem:v16+s21+$0x0] =	vst.idx.msk $0xffff, v5;
	v5 =	vor.u32 v58, v12;
	v6 =	vld.idx.msk [tilespmem:v6+s19+$0x0], $0xffff;
	v16 =	vor.u32 v21, v27  }
0x47e: {  	[tilespmem:v40+s21+$0x0] =	vst.idx.msk $0xffff, v19;
	v19 =	vor.u32 v58, v13;
	v7 =	vld.idx.msk [tilespmem:v7+s19+$0x0], $0xffff;
	v40 =	vor.u32 v21, v28  }
0x47f: {  	[tilespmem:v42+s21+$0x0] =	vst.idx.msk $0xffff, v17;
	v17 =	vor.u32 v58, v14;
	v41 =	vld.idx.msk [tilespmem:v41+s19+$0x0], $0xffff;
	v42 =	vor.u32 v21, v29  }
0x480: {  	[tilespmem:v44+s21+$0x0] =	vst.idx.msk $0xffff, v43;
	v43 =	vor.u32 v58, v15;
	v18 =	vld.idx.msk [tilespmem:v18+s19+$0x0], $0xffff;
	v44 =	vor.u32 v21, v30  }
0x481: {  	[tilespmem:v3+s21+$0x0] =	vst.idx.msk $0xffff, v2;
	v2 =	vor.u32 v58, v25;
	v3 =	vld.idx.msk [tilespmem:v4+s19+$0x0], $0xffff;
	v4 =	vor.u32 v21, v31  }
0x482: {  	v5 =	vld.idx.msk [tilespmem:v5+s19+$0x0], $0xffff;
	[tilespmem:v16+s21+$0x0] =	vst.idx.msk $0xffff, v6;
	v6 =	vor.u32 v23, v26;
	v16 =	vor.u32 v58, v24  }
0x483: {  	[tilespmem:v40+s21+$0x0] =	vst.idx.msk $0xffff, v7;
	v7 =	vor.u32 v32, v12;
	v19 =	vld.idx.msk [tilespmem:v19+s19+$0x0], $0xffff;
	v40 =	vor.u32 v23, v27  }
0x484: {  	[tilespmem:v42+s21+$0x0] =	vst.idx.msk $0xffff, v41;
	v41 =	vor.u32 v32, v13;
	v17 =	vld.idx.msk [tilespmem:v17+s19+$0x0], $0xffff;
	v42 =	vor.u32 v23, v28  }
0x485: {  	[tilespmem:v44+s21+$0x0] =	vst.idx.msk $0xffff, v18;
	v18 =	vor.u32 v32, v14;
	v43 =	vld.idx.msk [tilespmem:v43+s19+$0x0], $0xffff;
	v44 =	vor.u32 v23, v29  }
0x486: {  	[tilespmem:v4+s21+$0x0] =	vst.idx.msk $0xffff, v3;
	v3 =	vor.u32 v32, v15;
	v2 =	vld.idx.msk [tilespmem:v2+s19+$0x0], $0xffff;
	v4 =	vor.u32 v23, v30  }
0x487: {  	[tilespmem:v6+s21+$0x0] =	vst.idx.msk $0xffff, v5;
	v5 =	vor.u32 v32, v25;
	v6 =	vld.idx.msk [tilespmem:v16+s19+$0x0], $0xffff;
	v16 =	vor.u32 v23, v31  }
0x488: {  	v7 =	vld.idx.msk [tilespmem:v7+s19+$0x0], $0xffff;
	[tilespmem:v40+s21+$0x0] =	vst.idx.msk $0xffff, v19;
	v19 =	vor.u32 v33, v26;
	v40 =	vor.u32 v32, v24  }
0x489: {  	[tilespmem:v42+s21+$0x0] =	vst.idx.msk $0xffff, v17;
	v17 =	vor.u32 v34, v12;
	v41 =	vld.idx.msk [tilespmem:v41+s19+$0x0], $0xffff  }
0x48a: {  	[tilespmem:v44+s21+$0x0] =	vst.idx.msk $0xffff, v43;
	v18 =	vld.idx.msk [tilespmem:v18+s19+$0x0], $0xffff;
	v44 =	vor.u32 v33, v28  }
0x48b: {  	v42 =	vor.u32 v33, v27;
	[tilespmem:v4+s21+$0x0] =	vst.idx.msk $0xffff, v2;
	v3 =	vld.idx.msk [tilespmem:v3+s19+$0x0], $0xffff  }
0x48c: {  	v43 =	vor.u32 v34, v13;
	[tilespmem:v16+s21+$0x0] =	vst.idx.msk $0xffff, v6;
	v5 =	vld.idx.msk [tilespmem:v5+s19+$0x0], $0xffff  }
0x48d: {  	v4 =	vor.u32 v33, v29;
	[tilespmem:v19+s21+$0x0] =	vst.idx.msk $0xffff, v7;
	v19 =	vld.idx.msk [tilespmem:v40+s19+$0x0], $0xffff  }
0x48e: {  	v2 =	vor.u32 v34, v14;
	v17 =	vld.idx.msk [tilespmem:v17+s19+$0x0], $0xffff  }
0x48f: {  	v16 =	vor.u32 v33, v30;
	[tilespmem:v44+s21+$0x0] =	vst.idx.msk $0xffff, v18;
	v44 =	vld [tilespmem:$0x1FC10]  }
0x490: {  	v40 =	vor.u32 v33, v31;
	[tilespmem:v42+s21+$0x0] =	vst.idx.msk $0xffff, v41;
	v18 =	vld [tilespmem:$0x1FC60]  }
0x491: {  	v42 =	vld.idx.msk [tilespmem:v43+s19+$0x0], $0xffff  }
0x492: {  	v26 =	vor.u32 v35, v26;
	v41 =	vor.u32 v34, v24;
	[tilespmem:v4+s21+$0x0] =	vst.idx.msk $0xffff, v3;
	v3 =	vld [tilespmem:$0x1FC60]  }
0x493: {  	v2 =	vld.idx.msk [tilespmem:v2+s19+$0x0], $0xffff  }
0x494: {  	v6 =	vor.u32 v34, v15;
	[tilespmem:v16+s21+$0x0] =	vst.idx.msk $0xffff, v5;
	v5 =	vld [tilespmem:$0x1FC60]  }
0x495: {  	v7 =	vor.u32 v34, v25;
	[tilespmem:v40+s21+$0x0] =	vst.idx.msk $0xffff, v19;
	v40 =	vld [tilespmem:$0x1FC60]  }
0x496: {  	v27 =	vor.u32 v35, v27;
	v16 =	vor.u32 v35, v29;
	v29 =	vor.u32 v35, v31;
	v31 =	vld [tilespmem:$0x1FC70]  }
0x497: {  	[tilespmem:v26+s21+$0x0] =	vst.idx.msk $0xffff, v17;
	v26 =	vld.idx.msk [tilespmem:v41+s19+$0x0], $0xffff;
	v18 =	vor.u32 v18, v12  }
0x498: {  	v4 =	vor.u32 v35, v28;
	v41 =	vld [tilespmem:$0x1FC80];
	v3 =	vor.u32 v3, v13  }
0x499: {  	v6 =	vld.idx.msk [tilespmem:v6+s19+$0x0], $0xffff;
	v5 =	vor.u32 v5, v14  }
0x49a: {  	v28 =	vor.u32 v35, v30;
	v7 =	vld.idx.msk [tilespmem:v7+s19+$0x0], $0xffff;
	v19 =	vor.u32 v40, v15  }
0x49b: {  	[tilespmem:v27+s21+$0x0] =	vst.idx.msk $0xffff, v42;
	v42 =	vld [tilespmem:$0x1FC90];
	v17 =	vor.u32 v40, v25  }
0x49c: {  	v27 =	vor.u32 v31, v0;
	v30 =	vor.u32 v40, v24;
	v18 =	vld.idx.msk [tilespmem:v18+s19+$0x0], $0xffff  }
0x49d: {  	[tilespmem:v4+s21+$0x0] =	vst.idx.msk $0xffff, v2;
	v4 =	vor.u32 v31, v1;
	v2 =	vor.u32 v41, v12;
	v3 =	vld.idx.msk [tilespmem:v3+s19+$0x0], $0xffff  }
0x49e: {  	[tilespmem:v16+s21+$0x0] =	vst.idx.msk $0xffff, v6;
	v16 =	vor.u32 v31, v8;
	v6 =	vor.u32 v41, v13;
	v5 =	vld.idx.msk [tilespmem:v5+s19+$0x0], $0xffff  }
0x49f: {  	[tilespmem:v28+s21+$0x0] =	vst.idx.msk $0xffff, v7;
	v28 =	vor.u32 v31, v9;
	v19 =	vld.idx.msk [tilespmem:v19+s19+$0x0], $0xffff  }
0x4a0: {  	[tilespmem:v29+s21+$0x0] =	vst.idx.msk $0xffff, v26;
	v29 =	vor.u32 v31, v10;
	v17 =	vld.idx.msk [tilespmem:v17+s19+$0x0], $0xffff  }
0x4a1: {  	v7 =	vor.u32 v41, v14;
	[tilespmem:v27+s21+$0x0] =	vst.idx.msk $0xffff, v18;
	v27 =	vld.idx.msk [tilespmem:v30+s19+$0x0], $0xffff;
	v30 =	vor.u32 v31, v11  }
0x4a2: {  	v2 =	vld.idx.msk [tilespmem:v2+s19+$0x0], $0xffff;
	[tilespmem:v4+s21+$0x0] =	vst.idx.msk $0xffff, v3;
	v3 =	vor.u32 v42, v0;
	v4 =	vor.u32 v41, v24  }
0x4a3: {  	[tilespmem:v16+s21+$0x0] =	vst.idx.msk $0xffff, v5;
	v5 =	vor.u32 v44, v12;
	v6 =	vld.idx.msk [tilespmem:v6+s19+$0x0], $0xffff;
	v16 =	vor.u32 v42, v1  }
0x4a4: {  	v26 =	vor.u32 v41, v15;
	[tilespmem:v28+s21+$0x0] =	vst.idx.msk $0xffff, v19  }
0x4a5: {  	v18 =	vor.u32 v41, v25;
	[tilespmem:v29+s21+$0x0] =	vst.idx.msk $0xffff, v17  }
0x4a6: {  	v19 =	vor.u32 v44, v13;
	v7 =	vld.idx.msk [tilespmem:v7+s19+$0x0], $0xffff;
	v28 =	vor.u32 v42, v8;
	[tilespmem:v30+s21+$0x0] =	vst.idx.msk $0xffff, v27  }
0x4a7: {  	v17 =	vor.u32 v44, v14;
	[tilespmem:v3+s21+$0x0] =	vst.idx.msk $0xffff, v2;
	v3 =	vld.idx.msk [tilespmem:v4+s19+$0x0], $0xffff;
	v4 =	vor.u32 v42, v11  }
0x4a8: {  	v5 =	vld.idx.msk [tilespmem:v5+s19+$0x0], $0xffff;
	[tilespmem:v16+s21+$0x0] =	vst.idx.msk $0xffff, v6;
	v6 =	vor.u32 v20, v0;
	v16 =	vor.u32 v44, v24  }
0x4a9: {  	v26 =	vld.idx.msk [tilespmem:v26+s19+$0x0], $0xffff  }
0x4aa: {  	v29 =	vor.u32 v42, v9;
	v27 =	vor.u32 v44, v15;
	v18 =	vld.idx.msk [tilespmem:v18+s19+$0x0], $0xffff  }
0x4ab: {  	v30 =	vor.u32 v42, v10;
	[tilespmem:v28+s21+$0x0] =	vst.idx.msk $0xffff, v7;
	v7 =	vor.u32 v22, v12;
	v12 =	vld.idx.msk [tilespmem:v19+s19+$0x0], $0xffff  }
0x4ac: {  	v2 =	vor.u32 v44, v25;
	v17 =	vld.idx.msk [tilespmem:v17+s19+$0x0], $0xffff;
	[tilespmem:v4+s21+$0x0] =	vst.idx.msk $0xffff, v3  }
0x4ad: {  	[tilespmem:v6+s21+$0x0] =	vst.idx.msk $0xffff, v5;
	v6 =	vld.idx.msk [tilespmem:v16+s19+$0x0], $0xffff  }
0x4ae: {  	v19 =	vor.u32 v20, v1;
	v5 =	vor.u32 v22, v25;
	v25 =	vld [tilespmem:$0x1FC20]  }
0x4af: {  	v13 =	vor.u32 v22, v13;
	[tilespmem:v29+s21+$0x0] =	vst.idx.msk $0xffff, v26;
	v26 =	vor.u32 v20, v8;
	v16 =	vld [tilespmem:$0x1FC20]  }
0x4b0: {  	v14 =	vor.u32 v22, v14;
	[tilespmem:v30+s21+$0x0] =	vst.idx.msk $0xffff, v18;
	v18 =	vld.idx.msk [tilespmem:v27+s19+$0x0], $0xffff;
	v27 =	vor.u32 v20, v9  }
0x4b1: {  	v3 =	vor.u32 v22, v15;
	v2 =	vld.idx.msk [tilespmem:v2+s19+$0x0], $0xffff;
	v4 =	vor.u32 v20, v10  }
0x4b2: {  	v15 =	vor.u32 v20, v11  }
0x4b3: {  	[tilespmem:v19+s21+$0x0] =	vst.idx.msk $0xffff, v12;
	v7 =	vld.idx.msk [tilespmem:v7+s19+$0x0], $0xffff;
	v12 =	vor.u32 v22, v24;
	v0 =	vor.u32 v25, v0  }
0x4b4: {  	[tilespmem:v26+s21+$0x0] =	vst.idx.msk $0xffff, v17;
	v13 =	vld.idx.msk [tilespmem:v13+s19+$0x0], $0xffff;
	v1 =	vor.u32 v16, v1  }
0x4b5: {  	[tilespmem:v27+s21+$0x0] =	vst.idx.msk $0xffff, v18;
	v14 =	vld.idx.msk [tilespmem:v14+s19+$0x0], $0xffff;
	v8 =	vor.u32 v16, v8  }
0x4b6: {  	[tilespmem:v4+s21+$0x0] =	vst.idx.msk $0xffff, v2;
	v2 =	vld.idx.msk [tilespmem:v3+s19+$0x0], $0xffff;
	v24 =	vor.u32 v16, v9  }
0x4b7: {  	[tilespmem:v15+s21+$0x0] =	vst.idx.msk $0xffff, v6;
	v4 =	vld.idx.msk [tilespmem:v5+s19+$0x0], $0xffff;
	v25 =	vor.u32 v16, v10  }
0x4b8: {  	p2 =	por p1, p1;
	v27 =	vor.u32 v16, v11;
	v26 =	vld.idx.msk [tilespmem:v12+s19+$0x0], $0xffff;
	[tilespmem:v0+s21+$0x0] =	vst.idx.msk $0xffff, v7  }
.Ltmp10:
0x4b9: {  	[tilespmem:v1+s21+$0x0] =	vst.idx.msk $0xffff, v13;
	(pc) =	sbr.rel @p2 .LBB2_13-.Ltmp10, $4  }
0x4ba: {  	[tilespmem:v8+s21+$0x0] =	vst.idx.msk $0xffff, v14  }
0x4bb: {  	[tilespmem:v24+s21+$0x0] =	vst.idx.msk $0xffff, v2  }
0x4bc: {  	[tilespmem:v25+s21+$0x0] =	vst.idx.msk $0xffff, v4  }
0x4bd: {  	s23 =	simm.s32 $0x8;
	p1 =	por $0x0, $0x0;
	v43 =	vlaneseq.u32;
	[tilespmem:v27+s21+$0x0] =	vst.idx.msk $0xffff, v26  }
.Ltmp11:
0x4be: {  	(pc) =	sbr.rel .LBB2_15-.Ltmp11, $4  }
0x4bf: {  	[hbm4b:s8+s2] =	stream.linear.scatter [tilespmem:s21], [sflag:$0x5], $0x1000, $0x38;
	v8 =	vmovc v49;
	v10 =	vmovc v51;
	v25 =	vmov v56;
	v26 =	vmov v57;
	v49 =	vmov v59;
	[tilespmem:$0xB000] =	vst v63  }
0x4c0: {  	v29 =	vmovc v60;
	v16 =	vmovc v37;
	v17 =	vmov v38;
	v30 =	vmov v61;
	v51 =	vmov v39;
	_ =	swait.ge [sflag:s20], $0x1000  }
0x4c1: {  	v2 =	vmovc v62;
	v1 =	vmovc v36;
	v3 =	vmov v21;
	v5 =	vmov v58;
	v58 =	vmov v45;
	[sflag:s20] =	ssyncset.done $0x0;
	v44 =	vld [tilespmem:$0x1FCA0]  }
0x4c2: {  	v7 =	vmovc v23;
	v9 =	vmovc v32;
	v11 =	vmov v33;
	v32 =	vmov v34;
	v14 =	vmov v35;
	v60 =	vld [tilespmem:$0x1FCB0];
	[sflag:s20] =	ssyncadd.s32 $0xFFFFF000  }
.LBB2_16:
0x4c3: {  	_ =	sfence.sel $0x180000  }
0x4c4: {  	[bflag:$0x0] =	sbarrier.arrive $0xFFFF  }
0x4c5: {  	p0 =	sne.s32 s1, $0x0;
	_ =	strace $0x90000047  }
0x4c6: {  	s0 =	sadd.s32 @!p0 $0x100000, s0;
	[bflag:$0x2] =	sbarrier.arrive $0xFFFF  }
0x4c7: {  	[sflag:s0] =	ssyncadd.tile.s32 @!p0 $0x1;
	_ =	shalt  }
.Lfunc_end2:
_tile_overlayer_lowered:
.L_overlay_start_2:
0x4c8: {  	(tag) =	ssettag $0x2  }
0x4c9: {  	s0 =	rddreg [dreg:$0x0];
	s2 =	stileid.u32  }
0x4ca: {  	s1 =	rddreg [dreg:$0x1];
	p0 =	sne.s32 s2, $0x0  }
0x4cb: {  	s3 =	rddreg [dreg:$0x2];
	[bflag:$0x3] =	sbarrier.arrive $0xFFFF;
	s2 =	simm.s32 @!p0 $0x1C05  }
0x4cc: {  	[timem:s3], [sflag:s2] =	dma.local @!p0 [hbm:s0], s1  }
0x4cd: {  	s0 =	simm.s32 @!p0 $0x5  }
0x4ce: {  	_ =	swait.ge @!p0 [sflag:s0], s1  }
0x4cf: {  	s1 =	ssub.s32 @!p0 $0x0, s1;
	[sflag:s0] =	ssyncset.done @!p0 $0x0  }
0x4d0: {  	[sflag:s0] =	ssyncadd.s32 @!p0 s1  }
0x4d1: {  	[bflag:$0x3] =	sbarrier.arrive $0xFFFF  }
0x4d2: {  	_ =	shalt  }

// kernel: _pe_embed.7.cloned.1.call-start
scs
__scs_entry_jumppad:
0x0: {  	(pc) =	sbr.rel $0x88, $3  }
0x1: {  	(tag) =	ssettag $0x0;
	lr =	simm.s32 $0x1  }
0x2: {  	[smem:$0x3F9E] =	sst lr;
	_ =	strace $0xD0000000  }
0x3: {  	_ = 	snop  }
0x4: {  	_ = 	snop  }
0x5: {  	_ = 	snop  }
0x6: {  	_ = 	snop  }
0x7: {  	_ = 	snop  }
__scs_overlays_trampoline_lowered:
0x8: {  	[smem:$0x3FAD] =	sst s0  }
0x9: {  	[smem:$0x3FAE] =	sst s1  }
0xa: {  	[smem:$0x3FAF] =	sst s2  }
0xb: {  	[smem:$0x3FB0] =	sst s3  }
0xc: {  	[smem:$0x3FB1] =	sst s4  }
0xd: {  	[smem:$0x3FB2] =	sst s5  }
0xe: {  	[smem:$0x3FB3] =	sst s6  }
0xf: {  	[smem:$0x3FB4] =	sst s7  }
0x10: {  	[smem:$0x3FB5] =	sst s8  }
0x11: {  	[smem:$0x3FB6] =	sst s9;
	s0 =	simm.s32 @!p0 $0x0  }
0x12: {  	s1 =	sld [smem:$0x3F9C];
	s0 =	simm.s32 @p0 $0x1  }
0x13: {  	[smem:$0x3FB7] =	sst s0;
	s0 =	simm.s32 @!p1 $0x0  }
0x14: {  	s2 =	sld [smem:$0x3F9B];
	s0 =	simm.s32 @p1 $0x1  }
0x15: {  	[smem:$0x3FB8] =	sst s0;
	s0 =	simm.s32 @!p2 $0x0  }
0x16: {  	s3 =	sld [smem:$0x3FDB];
	s0 =	simm.s32 @p2 $0x1  }
0x17: {  	s4 =	simm.s32 $0x1BF5;
	[smem:$0x3FBA] =	sst s0  }
0x18: {  	s0 =	sld [smem:$0x3F9D];
	_ =	swait.ge [sflag:s4], $0x0  }
0x19: {  	s7 =	sld [smem:$0x3F9E]  }
0x1a: {  	s8 =	sadd.s32 $0xFFFFE003, lr  }
0x1b: {  	s9 =	sadd.s32 $0xFFFFFEF7, lr;
	s5 =	simm.s32 $0xFFFFFFFF;
	p2 =	slt.u32 s8, $0xFFFFF086  }
0x1c: {  	p1 =	slt.u32 s9, $0xF7A;
	s5 =	simm.s32 @!p2 $0x0  }
0x1d: {  	s5 =	simm.s32 @p1 $0x1;
	p0 =	seq.s32 s7, s2  }
0x1e: {  	s7 =	smul.u32 @!p0 $0xF7A, s2;
	p2 =	seq.s32 @!p0 s5, $0x0  }
0x1f: {  	s9 =	smul.u32 $0xF7A, s1;
	s8 =	simm.s32 @!p0 $0x1BF5;
	p2 =	por !p2, p0  }
0x20: {  	[sflag:s8] =	ssyncset.s32 @!p0 $0xFFFFF086;
	s6 =	sadd.s32 @!p0 s3, s7;
	s7 =	simm.s32 @!p0 $0x108  }
0x21: {  	s3 =	sadd.s32 s3, s9;
	s6 =	sadd.s32 @!p0 $0x88, s6;
	s7 =	simm.s32 @p2 $0x1082  }
0x22: {  	[simem:s7], [sflag:s8] =	dma.local @!p0 [hbm:s6], $0xF7A  }
0x23: {  	s9 =	sor.u32 $0xD0000000, s2;
	s6 =	simm.s32 $0x108;
	_ =	swait.ge @!p0 [sflag:s8], $0x0  }
0x24: {  	s3 =	sadd.s32 $0x88, s3;
	s6 =	simm.s32 @!p1 $0x1082;
	[sflag:s4] =	ssyncset.s32 $0xFFFFF086  }
0x25: {  	[simem:s6], [sflag:s4] =	dma.local [hbm:s3], $0xF7A  }
0x26: {  	[smem:$0x3F9E] =	sst s1;
	(tag) =	ssettag s2;
	_ =	strace s9  }
0x27: {  	s1 =	sld [smem:$0x3FAE]  }
0x28: {  	s2 =	sld [smem:$0x3FAF]  }
0x29: {  	s4 =	sld [smem:$0x3FB1]  }
0x2a: {  	p0 =	seq.s32 s5, $0x0;
	s5 =	sld [smem:$0x3FB2]  }
0x2b: {  	s6 =	sld [smem:$0x3FB3]  }
0x2c: {  	s7 =	sld [smem:$0x3FB4]  }
0x2d: {  	s3 =	simm.s32 $0x108;
	s8 =	sld [smem:$0x3FB5]  }
0x2e: {  	s3 =	simm.s32 @!p0 $0x1082;
	s9 =	sld [smem:$0x3FB6]  }
0x2f: {  	lr =	sadd.s32 s0, s3;
	s0 =	sld [smem:$0x3FAD]  }
0x30: {  	s3 =	sld [smem:$0x3FB0]  }
0x31: {  	[smem:$0x3FB9] =	sst s10  }
0x32: {  	s10 =	sld [smem:$0x3FB7];
	_ =	sdelay $0x3  }
0x33: {  	p0 =	seq.s32 s10, $0x1;
	s10 =	sld [smem:$0x3FB9];
	_ =	sdelay $0x3  }
0x34: {  	[smem:$0x3FB9] =	sst s10  }
0x35: {  	s10 =	sld [smem:$0x3FB8];
	_ =	sdelay $0x3  }
0x36: {  	p1 =	seq.s32 s10, $0x1;
	s10 =	sld [smem:$0x3FB9];
	_ =	sdelay $0x3  }
0x37: {  	[smem:$0x3FB9] =	sst s10  }
0x38: {  	s10 =	sld [smem:$0x3FBA]  }
0x39: {  	_ = 	snop;
	(pc) =	sbr.ind lr, $3  }
0x3a: {  	_ = 	snop  }
0x3b: {  	_ = 	snop  }
0x3c: {  	p2 =	seq.s32 s10, $0x1;
	s10 =	sld [smem:$0x3FB9]  }
0x3d: {  	_ =	shalt  }
0x3e: {  	_ =	shalt  }
0x3f: {  	_ =	shalt  }
0x40: {  	_ =	shalt  }
0x41: {  	_ =	shalt  }
0x42: {  	_ =	shalt  }
0x43: {  	_ =	shalt  }
0x44: {  	_ =	shalt  }
0x45: {  	_ =	shalt  }
0x46: {  	_ =	shalt  }
0x47: {  	_ =	shalt  }
0x48: {  	_ =	shalt  }
0x49: {  	_ =	shalt  }
0x4a: {  	_ =	shalt  }
0x4b: {  	_ =	shalt  }
0x4c: {  	_ =	shalt  }
0x4d: {  	_ =	shalt  }
0x4e: {  	_ =	shalt  }
0x4f: {  	_ =	shalt  }
0x50: {  	_ =	shalt  }
0x51: {  	_ =	shalt  }
0x52: {  	_ =	shalt  }
0x53: {  	_ =	shalt  }
0x54: {  	_ =	shalt  }
0x55: {  	_ =	shalt  }
0x56: {  	_ =	shalt  }
0x57: {  	_ =	shalt  }
0x58: {  	_ =	shalt  }
0x59: {  	_ =	shalt  }
0x5a: {  	_ =	shalt  }
0x5b: {  	_ =	shalt  }
0x5c: {  	_ =	shalt  }
0x5d: {  	_ =	shalt  }
0x5e: {  	_ =	shalt  }
0x5f: {  	_ =	shalt  }
0x60: {  	_ =	shalt  }
0x61: {  	_ =	shalt  }
0x62: {  	_ =	shalt  }
0x63: {  	_ =	shalt  }
0x64: {  	_ =	shalt  }
0x65: {  	_ =	shalt  }
0x66: {  	_ =	shalt  }
0x67: {  	_ =	shalt  }
0x68: {  	_ =	shalt  }
0x69: {  	_ =	shalt  }
0x6a: {  	_ =	shalt  }
0x6b: {  	_ =	shalt  }
0x6c: {  	_ =	shalt  }
0x6d: {  	_ =	shalt  }
0x6e: {  	_ =	shalt  }
0x6f: {  	_ =	shalt  }
0x70: {  	_ =	shalt  }
0x71: {  	_ =	shalt  }
0x72: {  	_ =	shalt  }
0x73: {  	_ =	shalt  }
0x74: {  	_ =	shalt  }
0x75: {  	_ =	shalt  }
0x76: {  	_ =	shalt  }
0x77: {  	_ =	shalt  }
0x78: {  	_ =	shalt  }
0x79: {  	_ =	shalt  }
0x7a: {  	_ =	shalt  }
0x7b: {  	_ =	shalt  }
0x7c: {  	_ =	shalt  }
0x7d: {  	_ =	shalt  }
0x7e: {  	_ =	shalt  }
0x7f: {  	_ =	shalt  }
0x80: {  	_ =	shalt  }
0x81: {  	_ =	shalt  }
0x82: {  	_ =	shalt  }
0x83: {  	_ =	shalt  }
0x84: {  	_ =	shalt  }
0x85: {  	_ =	shalt  }
0x86: {  	_ =	shalt  }
0x87: {  	_ =	shalt  }
.Lfunc_end0:
.L_simem_size_0:
called_computation.1_lowered:
.L_overlay_start_0:
0x88: {  	s2 =	sld [smem:$0x3FD9]  }
0x89: {  	s3 =	sld [smem:$0x3FFE];
	_ =	sdelay $0x1  }
0x8a: {  	s1 =	srdreg.scid  }
0x8b: {  	s0 =	sand.u32 $0x1, s1  }
0x8c: {  	s17 =	sshll.u32 s0, $0xA;
	s2 =	sadd.s32 s3, s2  }
0x8d: {  	s2 =	sadd.s32 s2, s17  }
0x8e: {  	[smem:$0x3FC5] =	sst s2  }
0x8f: {  	_ = 	snop  }
0x90: {  	s2 =	sld [smem:$0x3FD0];
	(tm) =	ssettm $0x1  }
0x91: {  	s18 =	sld [smem:$0x3FFB];
	_ =	sdelay $0x3  }
0x92: {  	_ =	strace s18  }
0x93: {  	s3 =	sld [smem:$0x3FFC];
	_ =	sdelay $0x3  }
0x94: {  	_ =	strace s3  }
0x95: {  	s3 =	sld [smem:$0x3FFD];
	_ =	sdelay $0x3  }
0x96: {  	_ =	strace s3  }
0x97: {  	_ =	strace $0x8FFFFFFF  }
0x98: {  	s19 =	sld [smem:$0x3FDB];
	_ =	sdelay $0x1  }
0x99: {  	s4 =	simm.s32 $_scs_section_size  }
0x9a: {  	s5 =	simm.s32 $_size__tile_overlayer_lowered;
	s6 =	simm.s32 $_tile_overlayer_lowered  }
0x9b: {  	s22 =	simm.s32 $0x1BFF;
	s21 =	sshll.u32 s6, $0x1;
	s3 =	sadd.s32 s4, s19  }
0x9c: {  	s7 =	simm.s32 $0x0;
	s20 =	sshll.u32 s5, $0x1;
	s5 =	sadd.s32 s21, s3  }
0x9d: {  	[timem:s7], [sflag:s22] =	dma.local [hbm:s5], s20  }
0x9e: {  	_ =	swait.ge [sflag:s22], s20  }
0x9f: {  	s4 =	ssub.s32 $0x0, s20;
	[sflag:s22] =	ssyncset.done $0x0  }
0xa0: {  	[sflag:s22] =	ssyncadd.s32 s4;
	_ =	sdelay $0x1  }
0xa1: {  	s23 =	simm.s32 $0x1B8B  }
0xa2: {  	_ =	swait.ge [sflag:s23], $0x1  }
0xa3: {  	[sflag:s23] =	ssyncset.done $0x0  }
0xa4: {  	s25 =	simm.s32 $0x1B8E;
	s24 =	sld [smem:$0x3FFE];
	[sflag:s23] =	ssyncadd.s32 $0xFFFFFFFF  }
0xa5: {  	s26 =	simm.s32 $execute0_lowered;
	[smem:$0x3FD2] =	sst s25  }
0xa6: {  	s5 =	sshll.u32 s26, $0x1;
	_ =	strace $0x80000049;
	[dreg:$0x1] =	wrdreg $0xFFFFFFFF  }
0xa7: {  	s28 =	simm.s32 $_size_execute0_lowered;
	s3 =	sadd.s32 s3, s5;
	[dreg:$0x0] =	wrdreg $0x0  }
0xa8: {  	s5 =	sshll.u32 s28, $0x1;
	[dreg:$0x2] =	wrdreg s3  }
0xa9: {  	[dreg:$0x3] =	wrdreg s5  }
0xaa: {  	[dreg:$0x4] =	wrdreg $0xC0  }
0xab: {  	_ =	task [dreg:s7], $0x5FFFF  }
0xac: {  	[dreg:$0x1] =	wrdreg $0xFFFFFFFF  }
0xad: {  	[dreg:$0x0] =	wrdreg $0x60  }
0xae: {  	[dreg:$0x2] =	wrdreg s2  }
0xaf: {  	[dreg:$0x3] =	wrdreg s24  }
0xb0: {  	[dreg:$0x4] =	wrdreg $0x9  }
0xb1: {  	_ =	task.clear_ibuf [dreg:s7], $0x5FFFF;
	_ =	strace $0x90000049  }
0xb2: {  	s29 =	simm.s32 $0x9;
	_ =	strace $0x8000004B  }
0xb3: {  	_ =	swait.ge [sflag:s29], $0x1  }
0xb4: {  	[sflag:s29] =	ssyncadd.s32 $0xFFFFFFFF  }
0xb5: {  	_ =	strace $0x9000004B  }
0xb6: {  	_ =	sfence  }
0xb7: {  	s30 =	sld [smem:$0x0];
	_ =	sdelay $0x2  }
0xb8: {  	s31 =	sshll.u32 s1, $0xD;
	s1 =	sshrl.u32 s1, $0x2  }
0xb9: {  	s3 =	sand.u32 $0x4000, s31;
	s1 =	sadd.s32 s1, s30  }
0xba: {  	s0 =	sor.u32 s3, s0;
	s1 =	sshll.u32 s1, $0x11  }
0xbb: {  	s0 =	sor.u32 s1, s0  }
0xbc: {  	s0 =	sadd.s32 $0x8F2B, s0  }
0xbd: {  	[sflag:s0] =	ssyncadd.remote.s32 $0x1  }
0xbe: {  	_ =	sfence.sel $0xFFFF  }
0xbf: {  	[dreg:$0x0] =	wrdreg $0xFFFFFFFF;
	(pc) =	sbr.abs _section_cstart, $3  }
0xc0: {  	[dreg:$0x1] =	wrdreg $0xFFFFFFFF  }
0xc1: {  	_ =	task.clear_ibuf [dreg:s7], $0x2FFFF;
	_ =	strace $0x9FFFFFFF  }
0xc2: {  	(tm) =	ssettm $0x7FFFFFFF  }
0xc3: {  	_ =	shalt  }
tec
execute0_lowered:
.L_overlay_start_1:
0x0: {  	(tag) =	ssettag $0x1  }
0x1: {  	v0 =	vimm.s32 $0xC3824100;
	v20 =	vlaneseq.u32;
	v2 =	vimm.s32 $0x7C7  }
0x2: {  	vm12 =	vcmask $0x300;
	vm0 =	vcmask $0xF00;
	vm13 =	vcmask $0x704  }
0x3: {  	vm14 =	vcmask $0xB08;
	vm10 =	vcmask $0x1310;
	vm11 =	vcmask $0xF0C  }
0x4: {  	vm9 =	vcmask $0x1714;
	vm8 =	vcmask $0x1B18;
	vm7 =	vcmask $0x1F1C  }
0x5: {  	vm6 =	vcmask $0x2320;
	vm5 =	vcmask $0x2724;
	vm4 =	vcmask $0x2B28  }
0x6: {  	vm3 =	vcmask $0x2F2C;
	vm2 =	vcmask $0x3330;
	vm15 =	vcmask $0x3734  }
0x7: {  	v3 =	vimm.s32 $0xBC7;
	vm1 =	vcmask $0x3B38;
	v5 =	vimm.s32 $0xFC7  }
0x8: {  	v6 =	vimm.s32 $0x13C7;
	v9 =	vimm.s32 $0x17C7;
	v11 =	vimm.s32 $0x1BC7  }
0x9: {  	v12 =	vimm.s32 $0x1FC7;
	v1 =	vunpack.c.0.s8.s32 v0;
	v2 =	vsel vm12, $0x400, v2  }
0xa: {  	v3 =	vsel vm12, $0x800, v3;
	v5 =	vsel vm12, $0xC00, v5;
	v6 =	vsel vm12, $0x1000, v6  }
0xb: {  	v9 =	vsel vm12, $0x1400, v9;
	v11 =	vsel vm12, $0x1800, v11;
	v12 =	vsel vm12, $0x1C00, v12  }
0xc: {  	v52 =	vmul.u32 $0x40, v20;
	v14 =	vor.u32 $0x60, v20;
	v16 =	vor.u32 $0x70, v20  }
0xd: {  	v2 =	vsel vm13, $0x441, v2;
	v4 =	vsel vm13, $0x841, v3;
	v3 =	vor.u32 $0x10, v20  }
0xe: {  	v5 =	vsel vm13, $0xC41, v5;
	v6 =	vsel vm13, $0x1041, v6;
	v10 =	vsel vm13, $0x1441, v9  }
0xf: {  	v9 =	vor.u32 $0x40, v20;
	v11 =	vsel vm13, $0x1841, v11;
	v12 =	vsel vm13, $0x1C41, v12  }
0x10: {  	v1 =	vand.u32 $0xFF, v1;
	v2 =	vsel vm14, $0x482, v2;
	v4 =	vsel vm14, $0x882, v4  }
0x11: {  	v5 =	vsel vm14, $0xC82, v5;
	v6 =	vsel vm14, $0x1082, v6;
	v10 =	vsel vm14, $0x1482, v10  }
0x12: {  	v11 =	vsel vm14, $0x1882, v11;
	v12 =	vsel vm14, $0x1C82, v12;
	v54 =	vor.u32 $0x400, v52  }
0x13: {  	v55 =	vor.u32 $0x800, v52;
	v58 =	vor.u32 $0xC00, v52;
	v59 =	vor.u32 $0x1000, v52  }
0x14: {  	v1 =	vnsel vm0, $0x3C7, v1;
	v2 =	vsel vm11, $0x4C3, v2;
	v4 =	vsel vm11, $0x8C3, v4  }
0x15: {  	v5 =	vsel vm11, $0xCC3, v5;
	v6 =	vsel vm11, $0x10C3, v6;
	v10 =	vsel vm11, $0x14C3, v10  }
0x16: {  	v11 =	vsel vm11, $0x18C3, v11;
	v12 =	vsel vm11, $0x1CC3, v12;
	v1 =	vsel vm10, $0x104, v1  }
0x17: {  	v2 =	vsel vm10, $0x504, v2;
	v4 =	vsel vm10, $0x904, v4;
	v5 =	vsel vm10, $0xD04, v5  }
0x18: {  	v6 =	vsel vm10, $0x1104, v6;
	v10 =	vsel vm10, $0x1504, v10;
	v11 =	vsel vm10, $0x1904, v11  }
0x19: {  	v12 =	vsel vm10, $0x1D04, v12;
	v1 =	vsel vm9, $0x145, v1;
	v2 =	vsel vm9, $0x545, v2  }
0x1a: {  	v4 =	vsel vm9, $0x945, v4;
	v5 =	vsel vm9, $0xD45, v5;
	v6 =	vsel vm9, $0x1145, v6  }
0x1b: {  	v10 =	vsel vm9, $0x1545, v10;
	v11 =	vsel vm9, $0x1945, v11;
	v12 =	vsel vm9, $0x1D45, v12  }
0x1c: {  	v1 =	vsel vm8, $0x186, v1;
	v2 =	vsel vm8, $0x586, v2;
	v4 =	vsel vm8, $0x986, v4  }
0x1d: {  	v5 =	vsel vm8, $0xD86, v5;
	v6 =	vsel vm8, $0x1186, v6;
	v10 =	vsel vm8, $0x1586, v10  }
0x1e: {  	v11 =	vsel vm8, $0x1986, v11;
	v12 =	vsel vm8, $0x1D86, v12;
	v1 =	vsel vm7, $0x1C7, v1  }
0x1f: {  	v2 =	vsel vm7, $0x5C7, v2;
	v4 =	vsel vm7, $0x9C7, v4;
	v5 =	vsel vm7, $0xDC7, v5  }
0x20: {  	v6 =	vsel vm7, $0x11C7, v6;
	v10 =	vsel vm7, $0x15C7, v10;
	v11 =	vsel vm7, $0x19C7, v11  }
0x21: {  	v12 =	vsel vm7, $0x1DC7, v12;
	v1 =	vsel vm6, $0x200, v1;
	v2 =	vsel vm6, $0x600, v2  }
0x22: {  	v4 =	vsel vm6, $0xA00, v4;
	v5 =	vsel vm6, $0xE00, v5;
	v6 =	vsel vm6, $0x1200, v6  }
0x23: {  	v10 =	vsel vm6, $0x1600, v10;
	v11 =	vsel vm6, $0x1A00, v11;
	v12 =	vsel vm6, $0x1E00, v12  }
0x24: {  	v1 =	vsel vm5, $0x241, v1;
	v2 =	vsel vm5, $0x641, v2;
	v4 =	vsel vm5, $0xA41, v4  }
0x25: {  	v5 =	vsel vm5, $0xE41, v5;
	v6 =	vsel vm5, $0x1241, v6;
	v10 =	vsel vm5, $0x1641, v10  }
0x26: {  	v11 =	vsel vm5, $0x1A41, v11;
	v12 =	vsel vm5, $0x1E41, v12;
	v1 =	vsel vm4, $0x282, v1  }
0x27: {  	s7 =	rddreg [dreg:$0x0];
	v2 =	vsel vm4, $0x682, v2;
	v4 =	vsel vm4, $0xA82, v4;
	v5 =	vsel vm4, $0xE82, v5  }
0x28: {  	s6 =	rddreg [dreg:$0x1];
	s1 =	simm.s32 $0x0;
	v6 =	vsel vm4, $0x1282, v6;
	v10 =	vsel vm4, $0x1682, v10;
	v11 =	vsel vm4, $0x1A82, v11  }
0x29: {  	[smem:$0x7FF] =	sst s1;
	v12 =	vsel vm4, $0x1E82, v12;
	v1 =	vsel vm3, $0x2C3, v1;
	v2 =	vsel vm3, $0x6C3, v2  }
0x2a: {  	s0 =	rddreg [dreg:$0x2];
	_ =	strace $0x8000004A;
	[tilespmem:$0x1FFC0] =	vst v52;
	v4 =	vsel vm3, $0xAC3, v4;
	v7 =	vsel vm3, $0xEC3, v5;
	v6 =	vsel vm3, $0x12C3, v6  }
0x2b: {  	[tilespmem:$0x1FFD0] =	vst v58;
	v10 =	vsel vm3, $0x16C3, v10;
	v13 =	vsel vm3, $0x1AC3, v11;
	v1 =	vsel vm2, $0x304, v1  }
0x2c: {  	s4 =	srdreg.scid;
	[tilespmem:$0x1FFE0] =	vst v59;
	v12 =	vsel vm3, $0x1EC3, v12;
	v2 =	vsel vm2, $0x704, v2;
	v1 =	vsel vm15, $0x345, v1  }
0x2d: {  	s2 =	stileid.u32;
	s11 =	simm.s32 $0x5;
	s12 =	simm.s32 $0x6400;
	[tilespmem:$0x1FFF0] =	vst v54;
	v4 =	vsel vm2, $0xB04, v4;
	v2 =	vsel vm15, $0x745, v2;
	v24 =	vsel vm1, $0x386, v1  }
0x2e: {  	s13 =	simm.s32 $0x9600;
	s14 =	simm.s32 $0xB600;
	s15 =	simm.s32 $0x1;
	v7 =	vsel vm2, $0xF04, v7;
	v4 =	vsel vm15, $0xB45, v4;
	v25 =	vsel vm1, $0x786, v2;
	[tilespmem:$0x1FF40] =	vst v24  }
0x2f: {  	s16 =	simm.s32 $0xD600;
	s17 =	simm.s32 $0x2;
	s18 =	simm.s32 $0xF600;
	v8 =	vsel vm2, $0x1304, v6;
	v7 =	vsel vm15, $0xF45, v7;
	v26 =	vsel vm1, $0xB86, v4;
	[tilespmem:$0x1FF50] =	vst v25  }
0x30: {  	s19 =	simm.s32 $0x3;
	s20 =	simm.s32 $0x4;
	s21 =	simm.s32 $0x0;
	v10 =	vsel vm2, $0x1704, v10;
	v8 =	vsel vm15, $0x1345, v8;
	v27 =	vsel vm1, $0xF86, v7;
	[tilespmem:$0x1FF60] =	vst v26  }
0x31: {  	s3 =	sadd.s32 $0xC00, s6;
	s4 =	sand.u32 $0x1, s4;
	s5 =	sshll.u32 s2, $0x8;
	v13 =	vsel vm2, $0x1B04, v13;
	v10 =	vsel vm15, $0x1745, v10;
	v56 =	vsel vm1, $0x1386, v8;
	[tilespmem:$0x1FF70] =	vst v27  }
0x32: {  	s8 =	ssub.s32 $0x2, s4;
	s9 =	sshll.u32 s4, $0x7;
	s4 =	sadd.s32 $0x7A1E00, s6;
	v15 =	vsel vm2, $0x1F04, v12;
	v13 =	vsel vm15, $0x1B45, v13;
	v57 =	vsel vm1, $0x1786, v10;
	[tilespmem:$0x1FF80] =	vst v56  }
0x33: {  	s6 =	sadd.s32 $0x7A2600, s6;
	s10 =	sshrl.u32 s8, $0x1;
	s5 =	sor.u32 s9, s5;
	v21 =	vor.u32 $0x1400, v52;
	v15 =	vsel vm15, $0x1F45, v15;
	v12 =	vsel vm1, $0x1B86, v13;
	[tilespmem:$0x1FF90] =	vst v57  }
0x34: {  	v22 =	vor.u32 $0x1800, v52;
	v23 =	vor.u32 $0x1C00, v52;
	s8 =	ssub.s32 s8, s10;
	s9 =	sshrl.u32 s5, $0x3;
	s10 =	simm.s32 $0x1000;
	v53 =	vsel vm1, $0x1F86, v15;
	[tilespmem:$0x1FFA0] =	vst v12  }
0x35: {  	s7 =	sadd.s32 s7, s9;
	s8 =	smax.u32 s8, $0x1;
	s9 =	simm.s32 $0x80;
	v5 =	vor.u32 $0x20, v20;
	v11 =	vor.u32 $0x50, v20;
	v7 =	vor.u32 $0x30, v20;
	[tilespmem:$0x1FFB0] =	vst v53  }
.LBB2_1:
0x36: {  	[tilespmem:s1], [sflag:$0x5] =	stream.strided.gather [hbm4b:s7+s9], $0x6400, s10, s9, $0x38;
	[tilespmem:$0x11600] =	vst v63  }
0x37: {  	_ =	swait.ge [sflag:s11], $0x6400  }
0x38: {  	[sflag:s11] =	ssyncset.done $0x0  }
0x39: {  	[sflag:s11] =	ssyncadd.s32 $0xFFFF9C00  }
0x3a: {  	[tilespmem:s12], [sflag:$0x5] =	stream.linear.gather [hbm4b:s4+s1], $0x3200, $0x38;
	[tilespmem:$0x11600] =	vst v63  }
0x3b: {  	_ =	swait.ge [sflag:s11], $0x3200  }
0x3c: {  	[sflag:s11] =	ssyncset.done $0x0  }
0x3d: {  	[sflag:s11] =	ssyncadd.s32 $0xFFFFCE00  }
0x3e: {  	[tilespmem:s13], [sflag:$0x1] =	stream.indirect.gather [hbm4b:s3+s9], $0x40, s1, s9, $0xb8;
	[tilespmem:$0x11600] =	vst v63  }
0x3f: {  	s22 =	simm.s32 $0x0  }
0x40: {  	[tilespmem:s14], [sflag:$0x2] =	stream.indirect.gather [hbm4b:s3+s9], $0x40, s9, s9, $0xb8;
	[tilespmem:$0x11600] =	vst v63  }
.LBB2_2:
0x41: {  	p0 =	seq.s32 s22, $0x0  }
0x42: {  	s23 =	simm.s32 @!p0 $0x3  }
0x43: {  	_ =	swait.ge @!p0 [sflag:s23], $0x2000  }
0x44: {  	[sflag:s23] =	ssyncset.done @!p0 $0x0  }
0x45: {  	[sflag:s23] =	ssyncadd.s32 @!p0 $0xFFFFE000  }
0x46: {  	_ =	swait.ge [sflag:s15], $0x2000  }
0x47: {  	s31 =	sshll.u32 s22, $0x7;
	[sflag:s15] =	ssyncset.done $0x0  }
0x48: {  	s23 =	sand.u32 $0x3FFFFF80, s31;
	[sflag:s15] =	ssyncadd.s32 $0xFFFFE000  }
0x49: {  	v0 =	vld [tilespmem:s23+$0x6400];
	_ =	sdelay $0x4  }
0x4a: {  	[tilespmem:$0x1FF00] =	vst v0;
	v0 =	vld [tilespmem:s23+$0x6410];
	_ =	sdelay $0x4  }
0x4b: {  	[tilespmem:$0x1FF10] =	vst v0;
	v0 =	vld [tilespmem:s23+$0x6420];
	_ =	sdelay $0x4  }
0x4c: {  	[tilespmem:$0x1FF20] =	vst v0;
	v0 =	vld [tilespmem:s23+$0x6430];
	_ =	sdelay $0x4  }
0x4d: {  	s24 =	sshll.u32 s22, $0x1;
	p1 =	por $0x1, $0x1;
	s23 =	simm.s32 $0x0;
	[tilespmem:$0x1FF30] =	vst v0  }
.LBB2_3:
0x4e: {  	v29 =	vadd.s32 s23, v20  }
0x4f: {  	v30 =	vand.u32 $0x8, v29  }
0x50: {  	v31 =	vor.u32 v24, v30;
	_ =	sdelay $0x2  }
0x51: {  	v1 =	vmov v12;
	v12 =	vld [tilespmem:$0x1FF00];
	_ =	sdelay $0x1  }
0x52: {  	v28 =	vand.u32 $0xF, v29;
	v31 =	vld.idx.msk [tilespmem:v31+s13+$0x0], $0xffff  }
0x53: {  	v33 =	vshll.u32 v28, $0x7  }
0x54: {  	v32 =	vor.u32 v20, v33  }
0x55: {  	v35 =	vor.u32 v25, v30;
	v34 =	vperm.xlane v12, v28;
	_ =	sdelay $0x1  }
0x56: {  	v31 =	vadd.f32 v31, v34;
	_ =	sdelay $0x1  }
0x57: {  	[tilespmem:v32+s16+$0x0] =	vst.idx.msk $0xffff, v31  }
0x58: {  	v31 =	vld.idx.msk [tilespmem:v35+s13+$0x0], $0xffff;
	_ =	sdelay $0x1  }
0x59: {  	v36 =	vor.u32 v3, v33  }
0x5a: {  	v37 =	vor.u32 v26, v30;
	_ =	sdelay $0x1  }
0x5b: {  	v31 =	vadd.f32 v31, v34;
	_ =	sdelay $0x1  }
0x5c: {  	[tilespmem:v36+s16+$0x0] =	vst.idx.msk $0xffff, v31  }
0x5d: {  	v31 =	vld.idx.msk [tilespmem:v37+s13+$0x0], $0xffff;
	_ =	sdelay $0x1  }
0x5e: {  	v38 =	vor.u32 v5, v33  }
0x5f: {  	v39 =	vor.u32 v27, v30;
	_ =	sdelay $0x1  }
0x60: {  	v31 =	vadd.f32 v31, v34;
	_ =	sdelay $0x1  }
0x61: {  	[tilespmem:v38+s16+$0x0] =	vst.idx.msk $0xffff, v31  }
0x62: {  	v31 =	vld.idx.msk [tilespmem:v39+s13+$0x0], $0xffff;
	_ =	sdelay $0x1  }
0x63: {  	v40 =	vor.u32 v7, v33  }
0x64: {  	v41 =	vor.u32 v56, v30;
	_ =	sdelay $0x1  }
0x65: {  	v31 =	vadd.f32 v31, v34;
	_ =	sdelay $0x1  }
0x66: {  	[tilespmem:v40+s16+$0x0] =	vst.idx.msk $0xffff, v31  }
0x67: {  	v31 =	vld.idx.msk [tilespmem:v41+s13+$0x0], $0xffff;
	_ =	sdelay $0x1  }
0x68: {  	v42 =	vor.u32 v9, v33  }
0x69: {  	v43 =	vor.u32 v57, v30;
	_ =	sdelay $0x1  }
0x6a: {  	v31 =	vadd.f32 v31, v34;
	_ =	sdelay $0x1  }
0x6b: {  	[tilespmem:v42+s16+$0x0] =	vst.idx.msk $0xffff, v31  }
0x6c: {  	v35 =	vld.idx.msk [tilespmem:v43+s13+$0x0], $0xffff  }
0x6d: {  	s25 =	sor.u32 $0x1, s23  }
0x6e: {  	v0 =	vadd.s32 s25, v20;
	v36 =	vor.u32 v11, v33  }
0x6f: {  	v37 =	vor.u32 v1, v30;
	v31 =	vand.u32 $0xF, v0  }
0x70: {  	v38 =	vor.u32 v52, v31  }
0x71: {  	v35 =	vadd.f32 v35, v34;
	_ =	sdelay $0x1  }
0x72: {  	[tilespmem:v36+s16+$0x0] =	vst.idx.msk $0xffff, v35  }
0x73: {  	v35 =	vld.idx.msk [tilespmem:v37+s13+$0x0], $0xffff  }
0x74: {  	v44 =	vld.idx.msk [tilespmem:v38+s13+$0x0], $0xffff  }
0x75: {  	v45 =	vor.u32 v14, v33;
	v38 =	vshll.u32 v31, $0x7  }
0x76: {  	v30 =	vor.u32 v53, v30;
	v39 =	vor.u32 v20, v38  }
0x77: {  	v40 =	vperm.xlane v12, v31;
	v41 =	vor.u32 v54, v31  }
0x78: {  	v35 =	vadd.f32 v35, v34  }
0x79: {  	v36 =	vadd.f32 v44, v40  }
0x7a: {  	[tilespmem:v45+s16+$0x0] =	vst.idx.msk $0xffff, v35  }
0x7b: {  	[tilespmem:v39+s16+$0x0] =	vst.idx.msk $0xffff, v36;
	v30 =	vld.idx.msk [tilespmem:v30+s13+$0x0], $0xffff  }
0x7c: {  	v46 =	vor.u32 $0x10, v29;
	v36 =	vld.idx.msk [tilespmem:v41+s13+$0x0], $0xffff  }
0x7d: {  	v33 =	vor.u32 v16, v33;
	v37 =	vand.u32 $0x18, v46  }
0x7e: {  	v48 =	vor.u32 v3, v38;
	v47 =	vor.u32 v24, v37  }
0x7f: {  	v42 =	vor.u32 v55, v31  }
0x80: {  	v30 =	vadd.f32 v30, v34  }
0x81: {  	v32 =	vld [tilespmem:$0x1FF10];
	v49 =	vadd.f32 v36, v40  }
0x82: {  	[tilespmem:v33+s16+$0x0] =	vst.idx.msk $0xffff, v30  }
0x83: {  	[tilespmem:v48+s16+$0x0] =	vst.idx.msk $0xffff, v49;
	v30 =	vld.idx.msk [tilespmem:v47+s13+$0x0], $0xffff  }
0x84: {  	v35 =	vshll.u32 v46, $0x7;
	v50 =	vld.idx.msk [tilespmem:v42+s13+$0x0], $0xffff  }
0x85: {  	v51 =	vor.u32 v20, v35  }
0x86: {  	v61 =	vor.u32 v5, v38;
	v60 =	vor.u32 v25, v37;
	v36 =	vperm.xlane v32, v28  }
0x87: {  	v62 =	vor.u32 v58, v31  }
0x88: {  	v30 =	vadd.f32 v30, v36  }
0x89: {  	v33 =	vadd.f32 v50, v40  }
0x8a: {  	[tilespmem:v51+s16+$0x0] =	vst.idx.msk $0xffff, v30  }
0x8b: {  	[tilespmem:v61+s16+$0x0] =	vst.idx.msk $0xffff, v33;
	v30 =	vld.idx.msk [tilespmem:v60+s13+$0x0], $0xffff  }
0x8c: {  	v33 =	vld.idx.msk [tilespmem:v62+s13+$0x0], $0xffff  }
0x8d: {  	v63 =	vor.u32 v3, v35  }
0x8e: {  	v45 =	vor.u32 v26, v37;
	v46 =	vor.u32 v7, v38  }
0x8f: {  	v47 =	vor.u32 v59, v31  }
0x90: {  	v30 =	vadd.f32 v30, v36  }
0x91: {  	v33 =	vadd.f32 v33, v40  }
0x92: {  	[tilespmem:v63+s16+$0x0] =	vst.idx.msk $0xffff, v30  }
0x93: {  	[tilespmem:v46+s16+$0x0] =	vst.idx.msk $0xffff, v33;
	v30 =	vld.idx.msk [tilespmem:v45+s13+$0x0], $0xffff  }
0x94: {  	v33 =	vld.idx.msk [tilespmem:v47+s13+$0x0], $0xffff  }
0x95: {  	v48 =	vor.u32 v5, v35  }
0x96: {  	v49 =	vor.u32 v27, v37;
	v50 =	vor.u32 v9, v38  }
0x97: {  	v51 =	vor.u32 v21, v31  }
0x98: {  	v30 =	vadd.f32 v30, v36  }
0x99: {  	v33 =	vadd.f32 v33, v40  }
0x9a: {  	[tilespmem:v48+s16+$0x0] =	vst.idx.msk $0xffff, v30  }
0x9b: {  	[tilespmem:v50+s16+$0x0] =	vst.idx.msk $0xffff, v33;
	v30 =	vld.idx.msk [tilespmem:v49+s13+$0x0], $0xffff  }
0x9c: {  	v33 =	vld.idx.msk [tilespmem:v51+s13+$0x0], $0xffff  }
0x9d: {  	v60 =	vor.u32 v7, v35  }
0x9e: {  	v61 =	vor.u32 v56, v37;
	v62 =	vor.u32 v11, v38  }
0x9f: {  	v63 =	vor.u32 v22, v31  }
0xa0: {  	v30 =	vadd.f32 v30, v36  }
0xa1: {  	v33 =	vadd.f32 v33, v40  }
0xa2: {  	[tilespmem:v60+s16+$0x0] =	vst.idx.msk $0xffff, v30  }
0xa3: {  	[tilespmem:v62+s16+$0x0] =	vst.idx.msk $0xffff, v33;
	v30 =	vld.idx.msk [tilespmem:v61+s13+$0x0], $0xffff  }
0xa4: {  	v33 =	vld.idx.msk [tilespmem:v63+s13+$0x0], $0xffff  }
0xa5: {  	v45 =	vor.u32 v9, v35  }
0xa6: {  	v46 =	vor.u32 v57, v37;
	v47 =	vor.u32 v14, v38  }
0xa7: {  	v48 =	vor.u32 v23, v31  }
0xa8: {  	v30 =	vadd.f32 v30, v36  }
0xa9: {  	s31 =	sor.u32 $0x2, s23;
	v33 =	vadd.f32 v33, v40  }
0xaa: {  	v8 =	vadd.s32 s31, v20;
	[tilespmem:v45+s16+$0x0] =	vst.idx.msk $0xffff, v30  }
0xab: {  	[tilespmem:v47+s16+$0x0] =	vst.idx.msk $0xffff, v33;
	v33 =	vand.u32 $0xF, v8;
	v30 =	vld.idx.msk [tilespmem:v46+s13+$0x0], $0xffff  }
0xac: {  	v49 =	vld.idx.msk [tilespmem:v48+s13+$0x0], $0xffff;
	v50 =	vor.u32 v52, v33  }
0xad: {  	v43 =	vor.u32 $0x10, v0;
	v51 =	vor.u32 v11, v35  }
0xae: {  	v44 =	vor.u32 v1, v37;
	v38 =	vor.u32 v16, v38;
	v45 =	vand.u32 $0x1F, v43  }
0xaf: {  	v46 =	vor.u32 v52, v45  }
0xb0: {  	v30 =	vadd.f32 v30, v36  }
0xb1: {  	v39 =	vadd.f32 v49, v40;
	v60 =	vld.idx.msk [tilespmem:v50+s13+$0x0], $0xffff  }
0xb2: {  	[tilespmem:v51+s16+$0x0] =	vst.idx.msk $0xffff, v30;
	v30 =	vshll.u32 v33, $0x7  }
0xb3: {  	[tilespmem:v38+s16+$0x0] =	vst.idx.msk $0xffff, v39;
	v61 =	vld.idx.msk [tilespmem:v44+s13+$0x0], $0xffff;
	v62 =	vor.u32 v20, v30  }
0xb4: {  	v42 =	vperm.xlane v12, v33;
	v63 =	vor.u32 v54, v33;
	v39 =	vld.idx.msk [tilespmem:v46+s13+$0x0], $0xffff  }
0xb5: {  	v34 =	vor.u32 v14, v35;
	v43 =	vshll.u32 v43, $0x7  }
0xb6: {  	v37 =	vor.u32 v53, v37;
	v47 =	vor.u32 v20, v43;
	v40 =	vadd.f32 v60, v42  }
0xb7: {  	v48 =	vperm.xlane v32, v31;
	v49 =	vor.u32 v54, v45  }
0xb8: {  	v41 =	vadd.f32 v61, v36;
	[tilespmem:v62+s16+$0x0] =	vst.idx.msk $0xffff, v40  }
0xb9: {  	v51 =	vadd.f32 v39, v48;
	v39 =	vld.idx.msk [tilespmem:v63+s13+$0x0], $0xffff  }
0xba: {  	[tilespmem:v34+s16+$0x0] =	vst.idx.msk $0xffff, v41  }
0xbb: {  	v38 =	vor.u32 v3, v30;
	[tilespmem:v47+s16+$0x0] =	vst.idx.msk $0xffff, v51;
	v37 =	vld.idx.msk [tilespmem:v37+s13+$0x0], $0xffff  }
0xbc: {  	v40 =	vor.u32 $0x20, v28;
	v60 =	vld.idx.msk [tilespmem:v49+s13+$0x0], $0xffff;
	v61 =	vor.u32 v55, v33  }
0xbd: {  	v35 =	vor.u32 v16, v35;
	v46 =	vand.u32 $0x28, v40  }
0xbe: {  	v63 =	vor.u32 v3, v43;
	v62 =	vor.u32 v24, v46;
	v39 =	vadd.f32 v39, v42  }
0xbf: {  	v50 =	vor.u32 v55, v45  }
0xc0: {  	v34 =	vld [tilespmem:$0x1FF20];
	v36 =	vadd.f32 v37, v36;
	[tilespmem:v38+s16+$0x0] =	vst.idx.msk $0xffff, v39  }
0xc1: {  	v51 =	vadd.f32 v60, v48;
	v38 =	vld.idx.msk [tilespmem:v61+s13+$0x0], $0xffff  }
0xc2: {  	[tilespmem:v35+s16+$0x0] =	vst.idx.msk $0xffff, v36  }
0xc3: {  	[tilespmem:v63+s16+$0x0] =	vst.idx.msk $0xffff, v51;
	v36 =	vor.u32 v5, v30;
	v35 =	vld.idx.msk [tilespmem:v62+s13+$0x0], $0xffff  }
0xc4: {  	v37 =	vshll.u32 v40, $0x7;
	v39 =	vld.idx.msk [tilespmem:v50+s13+$0x0], $0xffff;
	v40 =	vor.u32 v58, v33  }
0xc5: {  	v47 =	vperm.xlane v34, v28;
	v60 =	vor.u32 v20, v37  }
0xc6: {  	v61 =	vor.u32 v25, v46;
	v62 =	vor.u32 v5, v43;
	v38 =	vadd.f32 v38, v42  }
0xc7: {  	v63 =	vor.u32 v58, v45  }
0xc8: {  	v35 =	vadd.f32 v35, v47;
	[tilespmem:v36+s16+$0x0] =	vst.idx.msk $0xffff, v38  }
0xc9: {  	v51 =	vadd.f32 v39, v48;
	v38 =	vld.idx.msk [tilespmem:v40+s13+$0x0], $0xffff  }
0xca: {  	[tilespmem:v60+s16+$0x0] =	vst.idx.msk $0xffff, v35  }
0xcb: {  	[tilespmem:v62+s16+$0x0] =	vst.idx.msk $0xffff, v51;
	v36 =	vor.u32 v7, v30;
	v35 =	vld.idx.msk [tilespmem:v61+s13+$0x0], $0xffff  }
0xcc: {  	v39 =	vld.idx.msk [tilespmem:v63+s13+$0x0], $0xffff;
	v40 =	vor.u32 v59, v33  }
0xcd: {  	v60 =	vor.u32 v3, v37  }
0xce: {  	v62 =	vor.u32 v7, v43;
	v61 =	vor.u32 v26, v46;
	v38 =	vadd.f32 v38, v42  }
0xcf: {  	v63 =	vor.u32 v59, v45  }
0xd0: {  	v35 =	vadd.f32 v35, v47;
	[tilespmem:v36+s16+$0x0] =	vst.idx.msk $0xffff, v38  }
0xd1: {  	v51 =	vadd.f32 v39, v48;
	v38 =	vld.idx.msk [tilespmem:v40+s13+$0x0], $0xffff  }
0xd2: {  	[tilespmem:v60+s16+$0x0] =	vst.idx.msk $0xffff, v35  }
0xd3: {  	[tilespmem:v62+s16+$0x0] =	vst.idx.msk $0xffff, v51;
	v36 =	vor.u32 v9, v30;
	v35 =	vld.idx.msk [tilespmem:v61+s13+$0x0], $0xffff  }
0xd4: {  	v39 =	vld.idx.msk [tilespmem:v63+s13+$0x0], $0xffff;
	v40 =	vor.u32 v21, v33  }
0xd5: {  	v60 =	vor.u32 v5, v37  }
0xd6: {  	v62 =	vor.u32 v9, v43;
	v61 =	vor.u32 v27, v46;
	v38 =	vadd.f32 v38, v42  }
0xd7: {  	v63 =	vor.u32 v21, v45  }
0xd8: {  	v35 =	vadd.f32 v35, v47;
	[tilespmem:v36+s16+$0x0] =	vst.idx.msk $0xffff, v38  }
0xd9: {  	v51 =	vadd.f32 v39, v48;
	v38 =	vld.idx.msk [tilespmem:v40+s13+$0x0], $0xffff  }
0xda: {  	[tilespmem:v60+s16+$0x0] =	vst.idx.msk $0xffff, v35  }
0xdb: {  	[tilespmem:v62+s16+$0x0] =	vst.idx.msk $0xffff, v51;
	v36 =	vor.u32 v11, v30;
	v35 =	vld.idx.msk [tilespmem:v61+s13+$0x0], $0xffff  }
0xdc: {  	v39 =	vld.idx.msk [tilespmem:v63+s13+$0x0], $0xffff;
	v40 =	vor.u32 v22, v33  }
0xdd: {  	v60 =	vor.u32 v7, v37  }
0xde: {  	v62 =	vor.u32 v11, v43;
	v61 =	vor.u32 v56, v46;
	v38 =	vadd.f32 v38, v42  }
0xdf: {  	v63 =	vor.u32 v22, v45  }
0xe0: {  	v35 =	vadd.f32 v35, v47;
	[tilespmem:v36+s16+$0x0] =	vst.idx.msk $0xffff, v38  }
0xe1: {  	v51 =	vadd.f32 v39, v48;
	v38 =	vld.idx.msk [tilespmem:v40+s13+$0x0], $0xffff  }
0xe2: {  	[tilespmem:v60+s16+$0x0] =	vst.idx.msk $0xffff, v35  }
0xe3: {  	[tilespmem:v62+s16+$0x0] =	vst.idx.msk $0xffff, v51;
	v36 =	vor.u32 v14, v30;
	v35 =	vld.idx.msk [tilespmem:v61+s13+$0x0], $0xffff  }
0xe4: {  	v39 =	vld.idx.msk [tilespmem:v63+s13+$0x0], $0xffff;
	v60 =	vor.u32 v23, v33  }
0xe5: {  	v61 =	vor.u32 v9, v37  }
0xe6: {  	v62 =	vor.u32 v57, v46;
	v63 =	vor.u32 v14, v43;
	v38 =	vadd.f32 v38, v42  }
0xe7: {  	v45 =	vor.u32 v23, v45  }
0xe8: {  	v35 =	vadd.f32 v35, v47;
	[tilespmem:v36+s16+$0x0] =	vst.idx.msk $0xffff, v38  }
0xe9: {  	v51 =	vadd.f32 v39, v48;
	v39 =	vld.idx.msk [tilespmem:v60+s13+$0x0], $0xffff  }
0xea: {  	[tilespmem:v61+s16+$0x0] =	vst.idx.msk $0xffff, v35;
	v61 =	vor.u32 v1, v46;
	v1 =	vld [tilespmem:$0x1FFC0]  }
0xeb: {  	v30 =	vor.u32 v16, v30;
	[tilespmem:v63+s16+$0x0] =	vst.idx.msk $0xffff, v51;
	v35 =	vor.u32 $0x10, v8;
	v40 =	vld.idx.msk [tilespmem:v62+s13+$0x0], $0xffff  }
0xec: {  	v36 =	vor.u32 v11, v37;
	v41 =	vld.idx.msk [tilespmem:v45+s13+$0x0], $0xffff;
	v45 =	vor.u32 $0x20, v31;
	v38 =	vand.u32 $0x1F, v35  }
0xed: {  	v51 =	vand.u32 $0x28, v45;
	v62 =	vand.u32 $0x7, v0;
	v60 =	vor.u32 v52, v38  }
0xee: {  	v63 =	vor.u32 v16, v43;
	v44 =	vor.u32 v62, v51  }
0xef: {  	v39 =	vadd.f32 v39, v42;
	v51 =	vor.u32 v1, v44  }
0xf0: {  	v40 =	vadd.f32 v40, v47  }
0xf1: {  	[tilespmem:v30+s16+$0x0] =	vst.idx.msk $0xffff, v39;
	v30 =	vadd.f32 v41, v48  }
0xf2: {  	v41 =	vld.idx.msk [tilespmem:v60+s13+$0x0], $0xffff;
	[tilespmem:v36+s16+$0x0] =	vst.idx.msk $0xffff, v40  }
0xf3: {  	v43 =	vshll.u32 v35, $0x7;
	[tilespmem:v63+s16+$0x0] =	vst.idx.msk $0xffff, v30;
	v35 =	vld.idx.msk [tilespmem:v61+s13+$0x0], $0xffff  }
0xf4: {  	v39 =	vperm.xlane v32, v33;
	v30 =	vor.u32 v20, v43;
	v36 =	vld.idx.msk [tilespmem:v51+s13+$0x0], $0xffff  }
0xf5: {  	v60 =	vor.u32 v54, v38;
	v40 =	vshll.u32 v45, $0x7;
	v61 =	vor.u32 v14, v37  }
0xf6: {  	v62 =	vor.u32 v53, v46;
	v63 =	vor.u32 v20, v40  }
0xf7: {  	v52 =	vor.u32 v54, v44;
	v49 =	vadd.f32 v41, v39;
	v41 =	vperm.xlane v34, v31  }
0xf8: {  	v35 =	vadd.f32 v35, v47  }
0xf9: {  	[tilespmem:v30+s16+$0x0] =	vst.idx.msk $0xffff, v49;
	v30 =	vadd.f32 v36, v41  }
0xfa: {  	v53 =	vld.idx.msk [tilespmem:v60+s13+$0x0], $0xffff;
	[tilespmem:v61+s16+$0x0] =	vst.idx.msk $0xffff, v35  }
0xfb: {  	v35 =	vld.idx.msk [tilespmem:v62+s13+$0x0], $0xffff;
	[tilespmem:v63+s16+$0x0] =	vst.idx.msk $0xffff, v30  }
0xfc: {  	v29 =	vor.u32 $0x30, v29;
	v42 =	vor.u32 v3, v43;
	v62 =	vld.idx.msk [tilespmem:v52+s13+$0x0], $0xffff  }
0xfd: {  	v6 =	vand.u32 $0x38, v29;
	v46 =	vor.u32 v55, v38;
	v63 =	vor.u32 v16, v37  }
0xfe: {  	v60 =	vor.u32 v24, v6;
	v61 =	vor.u32 v3, v40  }
0xff: {  	v36 =	vadd.f32 v53, v39  }
0x100: {  	[tilespmem:$0x1FEC0] =	vst v8;
	v47 =	vadd.f32 v35, v47  }
0x101: {  	v1 =	vld [tilespmem:$0x1FFC0];
	[tilespmem:v42+s16+$0x0] =	vst.idx.msk $0xffff, v36;
	v62 =	vadd.f32 v62, v41  }
0x102: {  	v51 =	vor.u32 v55, v44;
	v42 =	vld.idx.msk [tilespmem:v46+s13+$0x0], $0xffff;
	[tilespmem:v63+s16+$0x0] =	vst.idx.msk $0xffff, v47  }
0x103: {  	s26 =	sor.u32 $0x3, s23;
	v46 =	vld.idx.msk [tilespmem:v60+s13+$0x0], $0xffff;
	[tilespmem:v61+s16+$0x0] =	vst.idx.msk $0xffff, v62  }
0x104: {  	v17 =	vadd.s32 s26, v20;
	v10 =	vld [tilespmem:$0x1FF30]  }
0x105: {  	v35 =	vand.u32 $0xF, v17  }
0x106: {  	v45 =	vor.u32 v1, v35  }
0x107: {  	v37 =	vshll.u32 v29, $0x7;
	v36 =	vor.u32 v5, v43;
	v63 =	vld.idx.msk [tilespmem:v51+s13+$0x0], $0xffff  }
0x108: {  	v48 =	vor.u32 v58, v38;
	v60 =	vor.u32 v20, v37  }
0x109: {  	v61 =	vor.u32 v5, v40;
	v51 =	vor.u32 v25, v6;
	v2 =	vperm.xlane v10, v28  }
0x10a: {  	v62 =	vor.u32 v58, v44;
	v42 =	vadd.f32 v42, v39  }
0x10b: {  	v45 =	vld.idx.msk [tilespmem:v45+s13+$0x0], $0xffff;
	v46 =	vadd.f32 v46, v2  }
0x10c: {  	v49 =	vshll.u32 v35, $0x7;
	[tilespmem:v36+s16+$0x0] =	vst.idx.msk $0xffff, v42;
	v63 =	vadd.f32 v63, v41  }
0x10d: {  	v47 =	vld.idx.msk [tilespmem:v48+s13+$0x0], $0xffff;
	v48 =	vor.u32 v20, v49;
	[tilespmem:v60+s16+$0x0] =	vst.idx.msk $0xffff, v46  }
0x10e: {  	v36 =	vperm.xlane v12, v35;
	[tilespmem:v61+s16+$0x0] =	vst.idx.msk $0xffff, v63;
	v60 =	vor.u32 v54, v35;
	v50 =	vld.idx.msk [tilespmem:v51+s13+$0x0], $0xffff  }
0x10f: {  	v42 =	vor.u32 v7, v43;
	v61 =	vld.idx.msk [tilespmem:v62+s13+$0x0], $0xffff  }
0x110: {  	v52 =	vor.u32 v59, v38;
	v53 =	vor.u32 v3, v37;
	v45 =	vadd.f32 v45, v36  }
0x111: {  	v63 =	vor.u32 v7, v40;
	v62 =	vor.u32 v26, v6  }
0x112: {  	v47 =	vadd.f32 v47, v39;
	[tilespmem:v48+s16+$0x0] =	vst.idx.msk $0xffff, v45;
	v45 =	vor.u32 v59, v44  }
0x113: {  	v46 =	vld.idx.msk [tilespmem:v60+s13+$0x0], $0xffff;
	v60 =	vadd.f32 v50, v2  }
0x114: {  	[tilespmem:v42+s16+$0x0] =	vst.idx.msk $0xffff, v47;
	v61 =	vadd.f32 v61, v41  }
0x115: {  	v29 =	vmov v55;
	v47 =	vld.idx.msk [tilespmem:v52+s13+$0x0], $0xffff;
	v50 =	vor.u32 v3, v49;
	[tilespmem:v53+s16+$0x0] =	vst.idx.msk $0xffff, v60  }
0x116: {  	v48 =	vor.u32 v29, v35;
	[tilespmem:v63+s16+$0x0] =	vst.idx.msk $0xffff, v61;
	v62 =	vld.idx.msk [tilespmem:v62+s13+$0x0], $0xffff  }
0x117: {  	v63 =	vor.u32 v9, v43;
	v45 =	vld.idx.msk [tilespmem:v45+s13+$0x0], $0xffff  }
0x118: {  	v52 =	vor.u32 v21, v38;
	v53 =	vor.u32 v5, v37;
	v46 =	vadd.f32 v46, v36  }
0x119: {  	v61 =	vor.u32 v9, v40;
	v60 =	vor.u32 v27, v6  }
0x11a: {  	v47 =	vadd.f32 v47, v39;
	[tilespmem:v50+s16+$0x0] =	vst.idx.msk $0xffff, v46;
	v46 =	vor.u32 v21, v44  }
0x11b: {  	v48 =	vld.idx.msk [tilespmem:v48+s13+$0x0], $0xffff;
	v62 =	vadd.f32 v62, v2  }
0x11c: {  	[tilespmem:v63+s16+$0x0] =	vst.idx.msk $0xffff, v47;
	v63 =	vadd.f32 v45, v41  }
0x11d: {  	v47 =	vor.u32 v5, v49;
	v45 =	vld.idx.msk [tilespmem:v52+s13+$0x0], $0xffff;
	[tilespmem:v53+s16+$0x0] =	vst.idx.msk $0xffff, v62  }
0x11e: {  	v50 =	vor.u32 v58, v35;
	[tilespmem:v61+s16+$0x0] =	vst.idx.msk $0xffff, v63;
	v60 =	vld.idx.msk [tilespmem:v60+s13+$0x0], $0xffff  }
0x11f: {  	v61 =	vor.u32 v11, v43;
	v46 =	vld.idx.msk [tilespmem:v46+s13+$0x0], $0xffff  }
0x120: {  	v52 =	vor.u32 v22, v38;
	v53 =	vor.u32 v7, v37;
	v48 =	vadd.f32 v48, v36  }
0x121: {  	v63 =	vor.u32 v11, v40;
	v62 =	vor.u32 v56, v6  }
0x122: {  	v58 =	vor.u32 v22, v44;
	v45 =	vadd.f32 v45, v39;
	[tilespmem:v47+s16+$0x0] =	vst.idx.msk $0xffff, v48  }
0x123: {  	v48 =	vld.idx.msk [tilespmem:v50+s13+$0x0], $0xffff;
	v60 =	vadd.f32 v60, v2  }
0x124: {  	v1 =	vld [tilespmem:$0x1FFC0];
	[tilespmem:v61+s16+$0x0] =	vst.idx.msk $0xffff, v45;
	v61 =	vadd.f32 v46, v41  }
0x125: {  	v45 =	vld.idx.msk [tilespmem:v52+s13+$0x0], $0xffff;
	v46 =	vor.u32 v7, v49;
	[tilespmem:v53+s16+$0x0] =	vst.idx.msk $0xffff, v60  }
0x126: {  	v50 =	vor.u32 v59, v35;
	[tilespmem:v63+s16+$0x0] =	vst.idx.msk $0xffff, v61;
	v51 =	vld.idx.msk [tilespmem:v62+s13+$0x0], $0xffff  }
0x127: {  	v62 =	vor.u32 v14, v43;
	v47 =	vld.idx.msk [tilespmem:v58+s13+$0x0], $0xffff  }
0x128: {  	s28 =	sor.u32 $0x4, s23;
	v59 =	vor.u32 v9, v37;
	v63 =	vor.u32 v23, v38;
	v58 =	vadd.f32 v48, v36  }
0x129: {  	v42 =	vadd.s32 s28, v20;
	v60 =	vor.u32 v57, v6;
	v61 =	vor.u32 v14, v40  }
0x12a: {  	v38 =	vand.u32 $0xF, v42;
	v45 =	vadd.f32 v45, v39;
	[tilespmem:v46+s16+$0x0] =	vst.idx.msk $0xffff, v58  }
0x12b: {  	v46 =	vld.idx.msk [tilespmem:v50+s13+$0x0], $0xffff;
	v50 =	vor.u32 v1, v38;
	v51 =	vadd.f32 v51, v2  }
0x12c: {  	[tilespmem:v62+s16+$0x0] =	vst.idx.msk $0xffff, v45;
	v62 =	vadd.f32 v47, v41  }
0x12d: {  	v53 =	vor.u32 v9, v49;
	v48 =	vor.u32 $0x20, v33;
	v52 =	vld.idx.msk [tilespmem:v63+s13+$0x0], $0xffff;
	[tilespmem:v59+s16+$0x0] =	vst.idx.msk $0xffff, v51  }
0x12e: {  	v44 =	vor.u32 v23, v44;
	[tilespmem:v61+s16+$0x0] =	vst.idx.msk $0xffff, v62;
	v61 =	vand.u32 $0x28, v48;
	v63 =	vld.idx.msk [tilespmem:v60+s13+$0x0], $0xffff;
	v60 =	vand.u32 $0x7, v8  }
0x12f: {  	v47 =	vor.u32 v60, v61;
	v61 =	vor.u32 $0x30, v0;
	v0 =	vld [tilespmem:$0x1FFC0]  }
0x130: {  	v62 =	vadd.f32 v46, v36;
	v45 =	vld.idx.msk [tilespmem:v50+s13+$0x0], $0xffff  }
0x131: {  	v55 =	vor.u32 v16, v43;
	v54 =	vshll.u32 v38, $0x7  }
0x132: {  	v51 =	vor.u32 v21, v35;
	[tilespmem:v53+s16+$0x0] =	vst.idx.msk $0xffff, v62;
	v53 =	vor.u32 v20, v54  }
0x133: {  	v44 =	vld.idx.msk [tilespmem:v44+s13+$0x0], $0xffff;
	v30 =	vand.u32 $0x3F, v61;
	v50 =	vadd.f32 v52, v39;
	v52 =	vperm.xlane v12, v38  }
0x134: {  	v60 =	vadd.f32 v63, v2;
	v63 =	vor.u32 v0, v30;
	v0 =	vld [tilespmem:$0x1FFC0]  }
0x135: {  	v45 =	vadd.f32 v45, v52  }
0x136: {  	s30 =	sor.u32 $0x6, s23;
	v1 =	vld [tilespmem:$0x1FFC0]  }
0x137: {  	v51 =	vld.idx.msk [tilespmem:v51+s13+$0x0], $0xffff;
	[tilespmem:v53+s16+$0x0] =	vst.idx.msk $0xffff, v45;
	v45 =	vadd.s32 s30, v20  }
0x138: {  	[tilespmem:v55+s16+$0x0] =	vst.idx.msk $0xffff, v50;
	v55 =	vadd.f32 v44, v41;
	v41 =	vand.u32 $0xF, v45  }
0x139: {  	[tilespmem:$0x1FEF0] =	vst v2;
	v50 =	vor.u32 v11, v49;
	v2 =	vor.u32 v0, v41;
	v0 =	vld [tilespmem:$0x1FFC0];
	_ =	sdelay $0x1  }
0x13a: {  	s31 =	sor.u32 $0x7, s23;
	v4 =	vld [tilespmem:$0x1FFF0]  }
0x13b: {  	v46 =	vor.u32 v1, v47;
	v1 =	vld [tilespmem:$0x1FFC0];
	v44 =	vadd.s32 s31, v20;
	v51 =	vadd.f32 v51, v36  }
0x13c: {  	v62 =	vor.u32 v16, v40;
	v40 =	vand.u32 $0xF, v44  }
0x13d: {  	s29 =	sor.u32 $0x5, s23;
	[tilespmem:v50+s16+$0x0] =	vst.idx.msk $0xffff, v51;
	v51 =	vor.u32 v0, v40;
	v0 =	vld [tilespmem:$0x1FFF0]  }
0x13e: {  	v43 =	vadd.s32 s29, v20  }
0x13f: {  	v57 =	vor.u32 v4, v38;
	v39 =	vand.u32 $0xF, v43  }
0x140: {  	v56 =	vor.u32 v1, v39;
	_ =	sdelay $0x1  }
0x141: {  	[tilespmem:v62+s16+$0x0] =	vst.idx.msk $0xffff, v55;
	v55 =	vor.u32 v0, v39;
	v0 =	vld [tilespmem:$0x1FFF0]  }
0x142: {  	v19 =	vld [tilespmem:$0x1FFD0];
	v59 =	vor.u32 v22, v35  }
0x143: {  	v53 =	vld.idx.msk [tilespmem:v57+s13+$0x0], $0xffff  }
0x144: {  	v1 =	vld.idx.msk [tilespmem:v56+s13+$0x0], $0xffff  }
0x145: {  	v58 =	vld.idx.msk [tilespmem:v46+s13+$0x0], $0xffff;
	v57 =	vshll.u32 v39, $0x7;
	v50 =	vor.u32 v3, v54  }
0x146: {  	v13 =	vor.u32 v23, v35;
	[tilespmem:$0x1FED0] =	vst v6;
	v6 =	vor.u32 v20, v57;
	v15 =	vor.u32 v0, v47;
	v0 =	vld [tilespmem:$0x1FFF0]  }
0x147: {  	v18 =	vperm.xlane v10, v31;
	v48 =	vshll.u32 v48, $0x7;
	v59 =	vld.idx.msk [tilespmem:v59+s13+$0x0], $0xffff;
	v56 =	vperm.xlane v12, v39  }
0x148: {  	v8 =	vor.u32 v29, v38;
	v46 =	vperm.xlane v34, v33;
	v62 =	vld.idx.msk [tilespmem:v63+s13+$0x0], $0xffff;
	v53 =	vadd.f32 v53, v52  }
0x149: {  	v10 =	vor.u32 v20, v48;
	v63 =	vor.u32 v14, v49;
	v2 =	vld.idx.msk [tilespmem:v2+s13+$0x0], $0xffff;
	v1 =	vadd.f32 v1, v56  }
0x14a: {  	v4 =	vadd.f32 v58, v46;
	v58 =	vshll.u32 v41, $0x7;
	[tilespmem:v50+s16+$0x0] =	vst.idx.msk $0xffff, v53;
	v50 =	vld.idx.msk [tilespmem:v51+s13+$0x0], $0xffff  }
0x14b: {  	[tilespmem:v6+s16+$0x0] =	vst.idx.msk $0xffff, v1;
	v1 =	vor.u32 v20, v58;
	v24 =	vor.u32 v0, v41;
	v0 =	vld [tilespmem:$0x1FFF0]  }
0x14c: {  	v53 =	vperm.xlane v12, v41;
	v51 =	vadd.f32 v59, v36;
	v59 =	vshll.u32 v40, $0x7;
	v6 =	vld.idx.msk [tilespmem:v55+s13+$0x0], $0xffff  }
0x14d: {  	v31 =	vmovc v17;
	v26 =	vor.u32 $0x10, v17;
	v17 =	vld [tilespmem:$0x1FFD0];
	v27 =	vor.u32 v3, v57;
	v25 =	vor.u32 v20, v59  }
0x14e: {  	v8 =	vld.idx.msk [tilespmem:v8+s13+$0x0], $0xffff;
	v2 =	vadd.f32 v2, v53;
	[tilespmem:v63+s16+$0x0] =	vst.idx.msk $0xffff, v51;
	v55 =	vperm.xlane v12, v40  }
0x14f: {  	[tilespmem:v10+s16+$0x0] =	vst.idx.msk $0xffff, v4;
	v13 =	vld.idx.msk [tilespmem:v13+s13+$0x0], $0xffff  }
0x150: {  	[tilespmem:v1+s16+$0x0] =	vst.idx.msk $0xffff, v2;
	v1 =	vld [tilespmem:$0x1FFC0];
	v50 =	vadd.f32 v50, v55;
	v63 =	vor.u32 v0, v40  }
0x151: {  	v12 =	vor.u32 v29, v39;
	v2 =	vadd.f32 v6, v56;
	v0 =	vor.u32 v5, v54;
	v6 =	vld.idx.msk [tilespmem:v24+s13+$0x0], $0xffff  }
0x152: {  	v17 =	vor.u32 v17, v38;
	v49 =	vor.u32 v16, v49;
	v51 =	vand.u32 $0x1F, v26;
	[tilespmem:v25+s16+$0x0] =	vst.idx.msk $0xffff, v50  }
0x153: {  	v50 =	vshll.u32 v26, $0x7;
	v26 =	vor.u32 v19, v39;
	v19 =	vld [tilespmem:$0x1FFE0];
	[tilespmem:v27+s16+$0x0] =	vst.idx.msk $0xffff, v2;
	v2 =	vor.u32 v3, v58  }
0x154: {  	v4 =	vadd.f32 v8, v52;
	v10 =	vld.idx.msk [tilespmem:v15+s13+$0x0], $0xffff  }
0x155: {  	v1 =	vor.u32 v1, v51;
	v13 =	vadd.f32 v13, v36;
	v8 =	vld.idx.msk [tilespmem:v63+s13+$0x0], $0xffff  }
0x156: {  	[tilespmem:v0+s16+$0x0] =	vst.idx.msk $0xffff, v4;
	v0 =	vld.idx.msk [tilespmem:v12+s13+$0x0], $0xffff;
	v4 =	vor.u32 v29, v41;
	v6 =	vadd.f32 v6, v53  }
0x157: {  	[tilespmem:v49+s16+$0x0] =	vst.idx.msk $0xffff, v13;
	v12 =	vor.u32 v3, v59;
	v13 =	vld.idx.msk [tilespmem:v17+s13+$0x0], $0xffff  }
0x158: {  	v15 =	vor.u32 v29, v40;
	[tilespmem:v2+s16+$0x0] =	vst.idx.msk $0xffff, v6;
	v2 =	vld [tilespmem:$0x1FFF0]  }
0x159: {  	v25 =	vor.u32 v7, v54;
	v63 =	vor.u32 v19, v38;
	v19 =	vld [tilespmem:$0x1FFD0]  }
0x15a: {  	v1 =	vld.idx.msk [tilespmem:v1+s13+$0x0], $0xffff;
	v17 =	vor.u32 v5, v57;
	v8 =	vadd.f32 v8, v55  }
0x15b: {  	v27 =	vor.u32 v20, v50;
	v4 =	vld.idx.msk [tilespmem:v4+s13+$0x0], $0xffff  }
0x15c: {  	[tilespmem:v12+s16+$0x0] =	vst.idx.msk $0xffff, v8;
	v8 =	vadd.f32 v10, v46;
	v10 =	vadd.f32 v13, v52;
	v13 =	vld [tilespmem:$0x1FFD0]  }
0x15d: {  	v49 =	vperm.xlane v32, v35;
	v0 =	vadd.f32 v0, v56;
	v2 =	vor.u32 v2, v51;
	v12 =	vld.idx.msk [tilespmem:v15+s13+$0x0], $0xffff  }
0x15e: {  	[tilespmem:v25+s16+$0x0] =	vst.idx.msk $0xffff, v10;
	v25 =	vor.u32 v19, v40;
	v19 =	vld [tilespmem:$0x1FFE0]  }
0x15f: {  	v1 =	vadd.f32 v1, v49;
	[tilespmem:v17+s16+$0x0] =	vst.idx.msk $0xffff, v0;
	v0 =	vor.u32 v5, v58  }
0x160: {  	v15 =	vor.u32 v5, v59;
	v10 =	vld.idx.msk [tilespmem:v26+s13+$0x0], $0xffff  }
0x161: {  	v24 =	vadd.f32 v62, v18;
	[tilespmem:v27+s16+$0x0] =	vst.idx.msk $0xffff, v1;
	v17 =	vor.u32 v3, v48;
	v1 =	vld.idx.msk [tilespmem:v63+s13+$0x0], $0xffff  }
0x162: {  	v27 =	vor.u32 v7, v57;
	v4 =	vadd.f32 v4, v53;
	v13 =	vor.u32 v13, v41;
	v2 =	vld.idx.msk [tilespmem:v2+s13+$0x0], $0xffff  }
0x163: {  	v62 =	vor.u32 v9, v54;
	v12 =	vadd.f32 v12, v55;
	v63 =	vor.u32 v19, v39  }
0x164: {  	v36 =	vor.u32 v3, v50;
	[tilespmem:v0+s16+$0x0] =	vst.idx.msk $0xffff, v4;
	v4 =	vor.u32 v21, v38  }
0x165: {  	v10 =	vadd.f32 v10, v56;
	[tilespmem:v15+s16+$0x0] =	vst.idx.msk $0xffff, v12;
	v12 =	vld [tilespmem:$0x1FFE0]  }
0x166: {  	[tilespmem:v17+s16+$0x0] =	vst.idx.msk $0xffff, v8;
	v1 =	vadd.f32 v1, v52;
	v8 =	vld.idx.msk [tilespmem:v25+s13+$0x0], $0xffff  }
0x167: {  	[tilespmem:v27+s16+$0x0] =	vst.idx.msk $0xffff, v10;
	v13 =	vld.idx.msk [tilespmem:v13+s13+$0x0], $0xffff;
	v2 =	vadd.f32 v2, v49  }
0x168: {  	[tilespmem:v62+s16+$0x0] =	vst.idx.msk $0xffff, v1;
	v1 =	vld.idx.msk [tilespmem:v63+s13+$0x0], $0xffff  }
0x169: {  	v26 =	vor.u32 v29, v47;
	[tilespmem:v36+s16+$0x0] =	vst.idx.msk $0xffff, v2;
	v2 =	vld.idx.msk [tilespmem:v4+s13+$0x0], $0xffff  }
0x16a: {  	v0 =	vor.u32 v29, v51;
	v4 =	vld [tilespmem:$0x1FFE0]  }
0x16b: {  	v10 =	vor.u32 v7, v58;
	v17 =	vor.u32 v12, v41;
	v12 =	vld [tilespmem:$0x1FFF0]  }
0x16c: {  	v25 =	vor.u32 v7, v59  }
0x16d: {  	v28 =	vshll.u32 v61, $0x7;
	v61 =	vor.u32 v11, v54;
	v36 =	vor.u32 v9, v57  }
0x16e: {  	v15 =	vld.idx.msk [tilespmem:v26+s13+$0x0], $0xffff;
	v26 =	vor.u32 v20, v28;
	v62 =	vor.u32 v21, v39;
	v13 =	vadd.f32 v13, v53  }
0x16f: {  	v63 =	vor.u32 v5, v50;
	v0 =	vld.idx.msk [tilespmem:v0+s13+$0x0], $0xffff;
	v8 =	vadd.f32 v8, v55;
	v4 =	vor.u32 v4, v40  }
0x170: {  	[tilespmem:v10+s16+$0x0] =	vst.idx.msk $0xffff, v13;
	v1 =	vadd.f32 v1, v56;
	v27 =	vor.u32 v12, v30;
	v12 =	vld [tilespmem:$0x1FFD0]  }
0x171: {  	[tilespmem:v25+s16+$0x0] =	vst.idx.msk $0xffff, v8;
	v10 =	vor.u32 v22, v38;
	v2 =	vadd.f32 v2, v52;
	v17 =	vld.idx.msk [tilespmem:v17+s13+$0x0], $0xffff  }
0x172: {  	[tilespmem:v36+s16+$0x0] =	vst.idx.msk $0xffff, v1  }
0x173: {  	v1 =	vor.u32 v9, v58;
	[tilespmem:v61+s16+$0x0] =	vst.idx.msk $0xffff, v2;
	v2 =	vld.idx.msk [tilespmem:v62+s13+$0x0], $0xffff  }
0x174: {  	[tilespmem:v26+s16+$0x0] =	vst.idx.msk $0xffff, v24;
	v24 =	vor.u32 v21, v41;
	v0 =	vadd.f32 v0, v49;
	v4 =	vld.idx.msk [tilespmem:v4+s13+$0x0], $0xffff  }
0x175: {  	v13 =	vor.u32 v12, v51;
	v12 =	vld [tilespmem:$0x1FFD0]  }
0x176: {  	v36 =	vor.u32 v11, v57;
	[tilespmem:v63+s16+$0x0] =	vst.idx.msk $0xffff, v0;
	v0 =	vld.idx.msk [tilespmem:v10+s13+$0x0], $0xffff;
	v17 =	vadd.f32 v17, v53  }
0x177: {  	v8 =	vadd.f32 v15, v46;
	v25 =	vor.u32 v9, v59  }
0x178: {  	v61 =	vor.u32 v14, v54;
	v62 =	vor.u32 v22, v39;
	v15 =	vld.idx.msk [tilespmem:v27+s13+$0x0], $0xffff;
	[tilespmem:v1+s16+$0x0] =	vst.idx.msk $0xffff, v17  }
0x179: {  	v26 =	vor.u32 v5, v48;
	v10 =	vor.u32 v21, v40;
	v2 =	vadd.f32 v2, v56;
	v24 =	vld.idx.msk [tilespmem:v24+s13+$0x0], $0xffff  }
0x17a: {  	v6 =	vor.u32 v11, v37;
	v4 =	vadd.f32 v4, v55;
	v27 =	vor.u32 v12, v47;
	v12 =	vld [tilespmem:$0x1FFE0]  }
0x17b: {  	v1 =	vor.u32 v23, v38;
	v0 =	vadd.f32 v0, v52;
	[tilespmem:v36+s16+$0x0] =	vst.idx.msk $0xffff, v2;
	v13 =	vld.idx.msk [tilespmem:v13+s13+$0x0], $0xffff  }
0x17c: {  	v2 =	vor.u32 v11, v58;
	[tilespmem:v25+s16+$0x0] =	vst.idx.msk $0xffff, v4  }
0x17d: {  	v63 =	vor.u32 v7, v50;
	[tilespmem:v61+s16+$0x0] =	vst.idx.msk $0xffff, v0;
	v0 =	vld.idx.msk [tilespmem:v62+s13+$0x0], $0xffff  }
0x17e: {  	[tilespmem:v26+s16+$0x0] =	vst.idx.msk $0xffff, v8;
	v4 =	vadd.f32 v15, v18;
	v15 =	vor.u32 v22, v41;
	v8 =	vld.idx.msk [tilespmem:v10+s13+$0x0], $0xffff  }
0x17f: {  	v36 =	vor.u32 v14, v57;
	v24 =	vadd.f32 v24, v53;
	v17 =	vor.u32 v12, v51;
	v12 =	vld [tilespmem:$0x1FFC0]  }
0x180: {  	[tilespmem:v6+s16+$0x0] =	vst.idx.msk $0xffff, v60;
	v25 =	vor.u32 v11, v59;
	v1 =	vld.idx.msk [tilespmem:v1+s13+$0x0], $0xffff;
	v13 =	vadd.f32 v13, v49  }
0x181: {  	v6 =	vor.u32 v23, v39;
	v26 =	vor.u32 v22, v40;
	v10 =	vld.idx.msk [tilespmem:v27+s13+$0x0], $0xffff;
	[tilespmem:v2+s16+$0x0] =	vst.idx.msk $0xffff, v24  }
0x182: {  	v27 =	vor.u32 v16, v54;
	v0 =	vadd.f32 v0, v56;
	[tilespmem:v63+s16+$0x0] =	vst.idx.msk $0xffff, v13;
	v13 =	vor.u32 $0x10, v42  }
0x183: {  	v15 =	vld.idx.msk [tilespmem:v15+s13+$0x0], $0xffff;
	v8 =	vadd.f32 v8, v55;
	v54 =	vand.u32 $0x1F, v13  }
0x184: {  	[tilespmem:v36+s16+$0x0] =	vst.idx.msk $0xffff, v0;
	v61 =	vor.u32 v12, v54  }
0x185: {  	v1 =	vadd.f32 v1, v52;
	v0 =	vor.u32 v14, v58;
	[tilespmem:v25+s16+$0x0] =	vst.idx.msk $0xffff, v8  }
0x186: {  	v60 =	vor.u32 v3, v28;
	v24 =	vld.idx.msk [tilespmem:v26+s13+$0x0], $0xffff  }
0x187: {  	v8 =	vadd.f32 v10, v46;
	v10 =	vor.u32 v7, v48;
	[tilespmem:v27+s16+$0x0] =	vst.idx.msk $0xffff, v1;
	v1 =	vld.idx.msk [tilespmem:v6+s13+$0x0], $0xffff  }
0x188: {  	v12 =	vld [tilespmem:$0x1FFC0];
	v15 =	vadd.f32 v15, v53  }
0x189: {  	v27 =	vld.idx.msk [tilespmem:v61+s13+$0x0], $0xffff  }
0x18a: {  	[tilespmem:v0+s16+$0x0] =	vst.idx.msk $0xffff, v15;
	v0 =	vld [tilespmem:$0x1FFF0]  }
0x18b: {  	[tilespmem:v60+s16+$0x0] =	vst.idx.msk $0xffff, v4;
	v4 =	vor.u32 v16, v57;
	v52 =	vperm.xlane v32, v38  }
0x18c: {  	v57 =	vshll.u32 v13, $0x7;
	[tilespmem:v10+s16+$0x0] =	vst.idx.msk $0xffff, v8;
	v10 =	vadd.f32 v24, v55;
	v24 =	vor.u32 $0x10, v45  }
0x18d: {  	v6 =	vor.u32 v23, v41;
	v8 =	vld [tilespmem:$0x1FFC0];
	v1 =	vadd.f32 v1, v56;
	v56 =	vand.u32 $0x1F, v24  }
0x18e: {  	v13 =	vor.u32 v20, v57;
	v15 =	vadd.f32 v27, v52;
	v27 =	vor.u32 v12, v56;
	v12 =	vld [tilespmem:$0x1FFC0]  }
0x18f: {  	v25 =	vor.u32 v14, v59;
	v0 =	vor.u32 v0, v54  }
0x190: {  	v36 =	vor.u32 $0x10, v43;
	v61 =	vor.u32 v23, v40  }
0x191: {  	v62 =	vand.u32 $0x1F, v36;
	v17 =	vld.idx.msk [tilespmem:v17+s13+$0x0], $0xffff;
	[tilespmem:v4+s16+$0x0] =	vst.idx.msk $0xffff, v1;
	v4 =	vor.u32 $0x10, v44  }
0x192: {  	v6 =	vld.idx.msk [tilespmem:v6+s13+$0x0], $0xffff;
	v60 =	vand.u32 $0x1F, v4;
	v8 =	vor.u32 v8, v62  }
0x193: {  	v26 =	vor.u32 v9, v50;
	[tilespmem:v13+s16+$0x0] =	vst.idx.msk $0xffff, v15;
	v13 =	vor.u32 v12, v60;
	v12 =	vld [tilespmem:$0x1FFF0]  }
0x194: {  	[tilespmem:v25+s16+$0x0] =	vst.idx.msk $0xffff, v10;
	v0 =	vld.idx.msk [tilespmem:v0+s13+$0x0], $0xffff  }
0x195: {  	v2 =	vor.u32 v29, v30;
	v1 =	vor.u32 v16, v58;
	v25 =	vld.idx.msk [tilespmem:v61+s13+$0x0], $0xffff  }
0x196: {  	v17 =	vadd.f32 v17, v49;
	v61 =	vshll.u32 v36, $0x7;
	v36 =	vor.u32 v3, v57  }
0x197: {  	v59 =	vor.u32 v16, v59;
	v8 =	vld.idx.msk [tilespmem:v8+s13+$0x0], $0xffff  }
0x198: {  	[tilespmem:v26+s16+$0x0] =	vst.idx.msk $0xffff, v17;
	v6 =	vadd.f32 v6, v53;
	v17 =	vor.u32 v12, v62;
	v12 =	vld [tilespmem:$0x1FFE0]  }
0x199: {  	v15 =	vor.u32 v20, v61;
	v0 =	vadd.f32 v0, v52  }
0x19a: {  	v2 =	vld.idx.msk [tilespmem:v2+s13+$0x0], $0xffff;
	v58 =	vperm.xlane v32, v39;
	[tilespmem:v1+s16+$0x0] =	vst.idx.msk $0xffff, v6;
	v25 =	vadd.f32 v25, v55  }
0x19b: {  	[tilespmem:v36+s16+$0x0] =	vst.idx.msk $0xffff, v0;
	v0 =	vld [tilespmem:$0x1FFF0]  }
0x19c: {  	[tilespmem:v59+s16+$0x0] =	vst.idx.msk $0xffff, v25;
	v6 =	vadd.f32 v8, v58;
	v8 =	vld.idx.msk [tilespmem:v27+s13+$0x0], $0xffff  }
0x19d: {  	v63 =	vshll.u32 v24, $0x7;
	v26 =	vor.u32 v5, v28;
	v13 =	vld.idx.msk [tilespmem:v13+s13+$0x0], $0xffff;
	v25 =	vor.u32 v12, v47  }
0x19e: {  	v10 =	vor.u32 v21, v51;
	v59 =	vshll.u32 v4, $0x7;
	[tilespmem:v15+s16+$0x0] =	vst.idx.msk $0xffff, v6;
	v6 =	vor.u32 v20, v63;
	v15 =	vld [tilespmem:$0x1FFF0]  }
0x19f: {  	v53 =	vperm.xlane v32, v41;
	v4 =	vld.idx.msk [tilespmem:v17+s13+$0x0], $0xffff;
	v17 =	vor.u32 v20, v59  }
0x1a0: {  	v2 =	vadd.f32 v2, v18;
	v55 =	vperm.xlane v32, v40;
	v0 =	vor.u32 v0, v60  }
0x1a1: {  	v1 =	vor.u32 v29, v54;
	v32 =	vor.u32 v3, v61;
	v8 =	vadd.f32 v8, v53  }
0x1a2: {  	[tilespmem:v26+s16+$0x0] =	vst.idx.msk $0xffff, v2;
	v13 =	vadd.f32 v13, v55;
	v2 =	vld.idx.msk [tilespmem:v25+s13+$0x0], $0xffff;
	v25 =	vor.u32 v29, v62  }
0x1a3: {  	v10 =	vld.idx.msk [tilespmem:v10+s13+$0x0], $0xffff;
	[tilespmem:v6+s16+$0x0] =	vst.idx.msk $0xffff, v8  }
0x1a4: {  	v15 =	vor.u32 v15, v56;
	v6 =	vld [tilespmem:$0x1FFD0];
	v4 =	vadd.f32 v4, v58;
	[tilespmem:v17+s16+$0x0] =	vst.idx.msk $0xffff, v13  }
0x1a5: {  	v27 =	vor.u32 v11, v50;
	v0 =	vld.idx.msk [tilespmem:v0+s13+$0x0], $0xffff  }
0x1a6: {  	v24 =	vor.u32 v22, v51;
	v1 =	vld.idx.msk [tilespmem:v1+s13+$0x0], $0xffff;
	[tilespmem:v32+s16+$0x0] =	vst.idx.msk $0xffff, v4  }
0x1a7: {  	v17 =	vld.idx.msk [tilespmem:v25+s13+$0x0], $0xffff;
	v25 =	vor.u32 v3, v59  }
0x1a8: {  	v10 =	vadd.f32 v10, v49;
	v13 =	vor.u32 v9, v48  }
0x1a9: {  	v26 =	vor.u32 v5, v57;
	v8 =	vld.idx.msk [tilespmem:v15+s13+$0x0], $0xffff  }
0x1aa: {  	[tilespmem:v27+s16+$0x0] =	vst.idx.msk $0xffff, v10;
	v12 =	vld [tilespmem:$0x1FFA0];
	v6 =	vor.u32 v6, v54;
	v0 =	vadd.f32 v0, v55  }
0x1ab: {  	v10 =	vld.idx.msk [tilespmem:v24+s13+$0x0], $0xffff;
	v4 =	vor.u32 v3, v63;
	v2 =	vadd.f32 v2, v46  }
0x1ac: {  	v1 =	vadd.f32 v1, v52;
	[tilespmem:v25+s16+$0x0] =	vst.idx.msk $0xffff, v0;
	v0 =	vld [tilespmem:$0x1FED0]  }
0x1ad: {  	[tilespmem:v13+s16+$0x0] =	vst.idx.msk $0xffff, v2;
	v2 =	vld [tilespmem:$0x1FFD0]  }
0x1ae: {  	[tilespmem:v26+s16+$0x0] =	vst.idx.msk $0xffff, v1;
	v15 =	vor.u32 v21, v47;
	v8 =	vadd.f32 v8, v53  }
0x1af: {  	v27 =	vor.u32 v14, v50;
	v24 =	vor.u32 v29, v56;
	v6 =	vld.idx.msk [tilespmem:v6+s13+$0x0], $0xffff  }
0x1b0: {  	v26 =	vor.u32 v23, v51;
	[tilespmem:v4+s16+$0x0] =	vst.idx.msk $0xffff, v8;
	v4 =	vld [tilespmem:$0x1FFE0]  }
0x1b1: {  	v32 =	vor.u32 v5, v61;
	v0 =	vor.u32 v12, v0;
	v12 =	vld [tilespmem:$0x1FFD0]  }
0x1b2: {  	v10 =	vadd.f32 v10, v49;
	v2 =	vor.u32 v2, v62  }
0x1b3: {  	v13 =	vld.idx.msk [tilespmem:v15+s13+$0x0], $0xffff;
	v15 =	vor.u32 v7, v57  }
0x1b4: {  	v1 =	vor.u32 v29, v60;
	[tilespmem:v27+s16+$0x0] =	vst.idx.msk $0xffff, v10;
	v8 =	vadd.f32 v17, v58;
	v17 =	vld.idx.msk [tilespmem:v24+s13+$0x0], $0xffff  }
0x1b5: {  	v10 =	vld.idx.msk [tilespmem:v26+s13+$0x0], $0xffff;
	v6 =	vadd.f32 v6, v52;
	v4 =	vor.u32 v4, v54  }
0x1b6: {  	[tilespmem:v32+s16+$0x0] =	vst.idx.msk $0xffff, v8;
	v8 =	vor.u32 v5, v63;
	v25 =	vor.u32 v12, v56;
	v12 =	vld [tilespmem:$0x1FFE0]  }
0x1b7: {  	v2 =	vld.idx.msk [tilespmem:v2+s13+$0x0], $0xffff  }
0x1b8: {  	v36 =	vor.u32 $0x20, v35;
	[tilespmem:v15+s16+$0x0] =	vst.idx.msk $0xffff, v6;
	v6 =	vld [tilespmem:$0x1FFD0]  }
0x1b9: {  	v51 =	vor.u32 v7, v61;
	v27 =	vor.u32 v16, v50;
	v1 =	vld.idx.msk [tilespmem:v1+s13+$0x0], $0xffff;
	v17 =	vadd.f32 v17, v53  }
0x1ba: {  	v26 =	vor.u32 v5, v59;
	v24 =	vand.u32 $0x7, v31;
	v15 =	vand.u32 $0x28, v36;
	v4 =	vld.idx.msk [tilespmem:v4+s13+$0x0], $0xffff  }
0x1bb: {  	v50 =	vor.u32 v24, v15;
	[tilespmem:v8+s16+$0x0] =	vst.idx.msk $0xffff, v17;
	v15 =	vor.u32 v12, v62;
	v12 =	vld [tilespmem:$0x1FFC0]  }
0x1bc: {  	v8 =	vor.u32 v9, v57;
	v2 =	vadd.f32 v2, v58;
	v25 =	vld.idx.msk [tilespmem:v25+s13+$0x0], $0xffff  }
0x1bd: {  	v6 =	vor.u32 v6, v60  }
0x1be: {  	v1 =	vadd.f32 v1, v55;
	[tilespmem:v51+s16+$0x0] =	vst.idx.msk $0xffff, v2;
	v2 =	vor.u32 v7, v63  }
0x1bf: {  	v4 =	vadd.f32 v4, v52  }
0x1c0: {  	[tilespmem:v26+s16+$0x0] =	vst.idx.msk $0xffff, v1;
	v24 =	vor.u32 v12, v50;
	v12 =	vld [tilespmem:$0x1FFE0]  }
0x1c1: {  	v17 =	vor.u32 v21, v54;
	[tilespmem:v8+s16+$0x0] =	vst.idx.msk $0xffff, v4;
	v4 =	vld [tilespmem:$0x1FFE0];
	v25 =	vadd.f32 v25, v53  }
0x1c2: {  	v10 =	vadd.f32 v10, v49;
	v6 =	vld.idx.msk [tilespmem:v6+s13+$0x0], $0xffff  }
0x1c3: {  	[tilespmem:v2+s16+$0x0] =	vst.idx.msk $0xffff, v25;
	v2 =	vld [tilespmem:$0x1FFF0]  }
0x1c4: {  	[tilespmem:v27+s16+$0x0] =	vst.idx.msk $0xffff, v10;
	v1 =	vadd.f32 v13, v46;
	v13 =	vor.u32 v11, v48;
	v10 =	vld.idx.msk [tilespmem:v15+s13+$0x0], $0xffff  }
0x1c5: {  	v26 =	vor.u32 v7, v59;
	v15 =	vor.u32 v12, v56;
	v24 =	vld.idx.msk [tilespmem:v24+s13+$0x0], $0xffff  }
0x1c6: {  	v51 =	vshll.u32 v36, $0x7;
	v8 =	vld.idx.msk [tilespmem:v17+s13+$0x0], $0xffff;
	v17 =	vor.u32 v9, v61;
	v4 =	vor.u32 v4, v60  }
0x1c7: {  	v36 =	vor.u32 v21, v62;
	v27 =	vor.u32 v20, v51  }
0x1c8: {  	v49 =	vperm.xlane v34, v35;
	v6 =	vadd.f32 v6, v55;
	v2 =	vor.u32 v2, v50  }
0x1c9: {  	[tilespmem:v13+s16+$0x0] =	vst.idx.msk $0xffff, v1;
	v25 =	vor.u32 v11, v57;
	v10 =	vadd.f32 v10, v58;
	v12 =	vld [tilespmem:$0x1FFD0]  }
0x1ca: {  	[tilespmem:v26+s16+$0x0] =	vst.idx.msk $0xffff, v6;
	v6 =	vor.u32 v22, v54;
	v15 =	vld.idx.msk [tilespmem:v15+s13+$0x0], $0xffff;
	v1 =	vadd.f32 v24, v49  }
0x1cb: {  	v4 =	vld.idx.msk [tilespmem:v4+s13+$0x0], $0xffff;
	[tilespmem:v17+s16+$0x0] =	vst.idx.msk $0xffff, v10  }
0x1cc: {  	v8 =	vadd.f32 v8, v52;
	v10 =	vor.u32 v9, v63;
	[tilespmem:v27+s16+$0x0] =	vst.idx.msk $0xffff, v1;
	v1 =	vld.idx.msk [tilespmem:v36+s13+$0x0], $0xffff  }
0x1cd: {  	v17 =	vor.u32 v9, v59;
	v2 =	vld.idx.msk [tilespmem:v2+s13+$0x0], $0xffff  }
0x1ce: {  	[tilespmem:v25+s16+$0x0] =	vst.idx.msk $0xffff, v8;
	v8 =	vor.u32 v21, v60;
	v25 =	vor.u32 v11, v61  }
0x1cf: {  	v6 =	vld.idx.msk [tilespmem:v6+s13+$0x0], $0xffff;
	v27 =	vor.u32 v3, v51;
	v36 =	vor.u32 v22, v62;
	v15 =	vadd.f32 v15, v53  }
0x1d0: {  	v19 =	vmov v30;
	v13 =	vor.u32 v21, v56;
	v4 =	vadd.f32 v4, v55  }
0x1d1: {  	v0 =	vld.idx.msk [tilespmem:v0+s13+$0x0], $0xffff;
	[tilespmem:v10+s16+$0x0] =	vst.idx.msk $0xffff, v15;
	v15 =	vor.u32 v14, v57;
	v1 =	vadd.f32 v1, v58  }
0x1d2: {  	v26 =	vor.u32 v12, v19;
	v12 =	vld [tilespmem:$0x1FEF0];
	[tilespmem:v17+s16+$0x0] =	vst.idx.msk $0xffff, v4;
	v2 =	vadd.f32 v2, v49  }
0x1d3: {  	v8 =	vld.idx.msk [tilespmem:v8+s13+$0x0], $0xffff;
	[tilespmem:v25+s16+$0x0] =	vst.idx.msk $0xffff, v1  }
0x1d4: {  	v4 =	vor.u32 v14, v37;
	v6 =	vadd.f32 v6, v52;
	[tilespmem:v27+s16+$0x0] =	vst.idx.msk $0xffff, v2;
	v2 =	vld.idx.msk [tilespmem:v36+s13+$0x0], $0xffff  }
0x1d5: {  	v17 =	vor.u32 v23, v54;
	v13 =	vld.idx.msk [tilespmem:v13+s13+$0x0], $0xffff;
	v27 =	vor.u32 v11, v59  }
0x1d6: {  	[tilespmem:v15+s16+$0x0] =	vst.idx.msk $0xffff, v6;
	v6 =	vor.u32 v14, v61;
	v15 =	vor.u32 v22, v60  }
0x1d7: {  	v0 =	vadd.f32 v0, v12;
	v1 =	vor.u32 v11, v63  }
0x1d8: {  	[tilespmem:$0x1FEE0] =	vst v37;
	v26 =	vld.idx.msk [tilespmem:v26+s13+$0x0], $0xffff;
	v25 =	vor.u32 v22, v56;
	v8 =	vadd.f32 v8, v55  }
0x1d9: {  	v54 =	vor.u32 v23, v62;
	v12 =	vld [tilespmem:$0x1FFE0];
	[tilespmem:v4+s16+$0x0] =	vst.idx.msk $0xffff, v0;
	v2 =	vadd.f32 v2, v58  }
0x1da: {  	v13 =	vadd.f32 v13, v53;
	v17 =	vld.idx.msk [tilespmem:v17+s13+$0x0], $0xffff;
	[tilespmem:v27+s16+$0x0] =	vst.idx.msk $0xffff, v8  }
0x1db: {  	v10 =	vor.u32 v29, v50;
	[tilespmem:v6+s16+$0x0] =	vst.idx.msk $0xffff, v2;
	v6 =	vld.idx.msk [tilespmem:v15+s13+$0x0], $0xffff  }
0x1dc: {  	v37 =	vor.u32 v16, v57;
	[tilespmem:v1+s16+$0x0] =	vst.idx.msk $0xffff, v13;
	v15 =	vld [tilespmem:$0x1FFC0]  }
0x1dd: {  	v0 =	vor.u32 $0x20, v39;
	v4 =	vor.u32 v23, v56;
	v26 =	vadd.f32 v26, v18;
	v25 =	vld.idx.msk [tilespmem:v25+s13+$0x0], $0xffff  }
0x1de: {  	v30 =	vmovc v18;
	v36 =	vor.u32 v7, v28;
	v1 =	vor.u32 $0x20, v38;
	v13 =	vand.u32 $0x7, v42;
	v18 =	vld.idx.msk [tilespmem:v54+s13+$0x0], $0xffff  }
0x1df: {  	v32 =	vmovc v31;
	v8 =	vand.u32 $0x28, v1;
	v2 =	vor.u32 v14, v63;
	v54 =	vshll.u32 v1, $0x7;
	v1 =	vld [tilespmem:$0x1FFC0]  }
0x1e0: {  	v12 =	vor.u32 v12, v19;
	v10 =	vld.idx.msk [tilespmem:v10+s13+$0x0], $0xffff;
	v57 =	vor.u32 v13, v8;
	v13 =	vadd.f32 v17, v52  }
0x1e1: {  	v31 =	vmovc v19;
	v19 =	vor.u32 v14, v59;
	v60 =	vor.u32 v23, v60;
	v15 =	vor.u32 v15, v57  }
0x1e2: {  	v17 =	vand.u32 $0x7, v43;
	[tilespmem:v37+s16+$0x0] =	vst.idx.msk $0xffff, v13;
	v13 =	vand.u32 $0x28, v0;
	v25 =	vadd.f32 v25, v53  }
0x1e3: {  	v24 =	vor.u32 v22, v47;
	v61 =	vor.u32 v16, v61;
	v56 =	vor.u32 v17, v13  }
0x1e4: {  	v17 =	vld [tilespmem:$0x1FFF0];
	v1 =	vor.u32 v1, v56;
	[tilespmem:v2+s16+$0x0] =	vst.idx.msk $0xffff, v25;
	v2 =	vadd.f32 v6, v55  }
0x1e5: {  	[tilespmem:v36+s16+$0x0] =	vst.idx.msk $0xffff, v26;
	v36 =	vor.u32 $0x20, v40;
	v10 =	vadd.f32 v10, v49;
	v4 =	vld.idx.msk [tilespmem:v4+s13+$0x0], $0xffff  }
0x1e6: {  	v8 =	vor.u32 v5, v51;
	[tilespmem:v19+s16+$0x0] =	vst.idx.msk $0xffff, v2;
	v6 =	vld.idx.msk [tilespmem:v15+s13+$0x0], $0xffff;
	v15 =	vadd.f32 v18, v58  }
0x1e7: {  	v13 =	vor.u32 v20, v54;
	v2 =	vand.u32 $0x7, v45;
	v26 =	vld.idx.msk [tilespmem:v60+s13+$0x0], $0xffff;
	v18 =	vor.u32 $0x20, v41  }
0x1e8: {  	v19 =	vor.u32 v16, v63;
	v25 =	vand.u32 $0x28, v18;
	[tilespmem:v61+s16+$0x0] =	vst.idx.msk $0xffff, v15;
	v61 =	vshll.u32 v0, $0x7;
	v0 =	vld [tilespmem:$0x1FFC0]  }
0x1e9: {  	v63 =	vor.u32 v2, v25;
	v2 =	vand.u32 $0x7, v44;
	v15 =	vand.u32 $0x28, v36;
	v1 =	vld.idx.msk [tilespmem:v1+s13+$0x0], $0xffff  }
0x1ea: {  	v52 =	vperm.xlane v34, v38;
	v17 =	vor.u32 v17, v57;
	v60 =	vor.u32 v2, v15;
	v2 =	vld [tilespmem:$0x1FFC0]  }
0x1eb: {  	v62 =	vld [tilespmem:$0x1FFD0];
	v4 =	vadd.f32 v4, v53  }
0x1ec: {  	[tilespmem:v8+s16+$0x0] =	vst.idx.msk $0xffff, v10;
	v8 =	vor.u32 v20, v61;
	v6 =	vadd.f32 v6, v52  }
0x1ed: {  	v24 =	vld.idx.msk [tilespmem:v24+s13+$0x0], $0xffff;
	v58 =	vperm.xlane v34, v39;
	v15 =	vor.u32 v16, v59;
	[tilespmem:v19+s16+$0x0] =	vst.idx.msk $0xffff, v4  }
0x1ee: {  	v19 =	vld [tilespmem:$0x1FFF0];
	v0 =	vor.u32 v0, v60;
	[tilespmem:v13+s16+$0x0] =	vst.idx.msk $0xffff, v6  }
0x1ef: {  	v2 =	vor.u32 v2, v63;
	v13 =	vld.idx.msk [tilespmem:v17+s13+$0x0], $0xffff;
	v1 =	vadd.f32 v1, v58  }
0x1f0: {  	v62 =	vor.u32 v62, v50;
	v6 =	vadd.f32 v26, v55;
	v17 =	vld [tilespmem:$0x1FFF0]  }
0x1f1: {  	[tilespmem:v8+s16+$0x0] =	vst.idx.msk $0xffff, v1;
	v8 =	vld.idx.msk [tilespmem:v12+s13+$0x0], $0xffff  }
0x1f2: {  	[tilespmem:v15+s16+$0x0] =	vst.idx.msk $0xffff, v6;
	v12 =	vld [tilespmem:$0x1FFF0]  }
0x1f3: {  	v27 =	vor.u32 v14, v48;
	v0 =	vld.idx.msk [tilespmem:v0+s13+$0x0], $0xffff  }
0x1f4: {  	v59 =	vshll.u32 v36, $0x7;
	v2 =	vld.idx.msk [tilespmem:v2+s13+$0x0], $0xffff  }
0x1f5: {  	v10 =	vld.idx.msk [tilespmem:v62+s13+$0x0], $0xffff;
	v62 =	vshll.u32 v18, $0x7;
	v18 =	vor.u32 v20, v59;
	v17 =	vor.u32 v17, v56  }
0x1f6: {  	v24 =	vadd.f32 v24, v46;
	v53 =	vperm.xlane v34, v40;
	v25 =	vld [tilespmem:$0x1FFE0];
	v1 =	vor.u32 v20, v62  }
0x1f7: {  	v55 =	vperm.xlane v34, v41;
	v6 =	vor.u32 v3, v54;
	v12 =	vor.u32 v12, v63  }
0x1f8: {  	[tilespmem:v27+s16+$0x0] =	vst.idx.msk $0xffff, v24;
	v15 =	vor.u32 v29, v57;
	v0 =	vadd.f32 v0, v53  }
0x1f9: {  	v4 =	vor.u32 v7, v51;
	v19 =	vor.u32 v19, v60;
	v2 =	vadd.f32 v2, v55  }
0x1fa: {  	v24 =	vor.u32 v23, v47;
	v13 =	vadd.f32 v13, v52;
	v17 =	vld.idx.msk [tilespmem:v17+s13+$0x0], $0xffff;
	[tilespmem:v18+s16+$0x0] =	vst.idx.msk $0xffff, v0  }
0x1fb: {  	v10 =	vadd.f32 v10, v49;
	v25 =	vor.u32 v25, v50;
	v18 =	vld [tilespmem:$0x1FFD0];
	[tilespmem:v1+s16+$0x0] =	vst.idx.msk $0xffff, v2  }
0x1fc: {  	[tilespmem:v6+s16+$0x0] =	vst.idx.msk $0xffff, v13;
	v6 =	vor.u32 v3, v61;
	v1 =	vadd.f32 v8, v30;
	v8 =	vld.idx.msk [tilespmem:v12+s13+$0x0], $0xffff  }
0x1fd: {  	v13 =	vld.idx.msk [tilespmem:v15+s13+$0x0], $0xffff;
	v2 =	vor.u32 v9, v28  }
0x1fe: {  	[tilespmem:v4+s16+$0x0] =	vst.idx.msk $0xffff, v10;
	v10 =	vld.idx.msk [tilespmem:v19+s13+$0x0], $0xffff;
	v19 =	vor.u32 v3, v62  }
0x1ff: {  	v15 =	vor.u32 v29, v56;
	v4 =	vadd.f32 v17, v58  }
0x200: {  	v24 =	vld.idx.msk [tilespmem:v24+s13+$0x0], $0xffff;
	v0 =	vor.u32 v5, v54  }
0x201: {  	v17 =	vld.idx.msk [tilespmem:v25+s13+$0x0], $0xffff;
	v18 =	vor.u32 v18, v57;
	[tilespmem:v6+s16+$0x0] =	vst.idx.msk $0xffff, v4;
	v8 =	vadd.f32 v8, v55  }
0x202: {  	v13 =	vadd.f32 v13, v52;
	[tilespmem:v2+s16+$0x0] =	vst.idx.msk $0xffff, v1;
	v1 =	vld [tilespmem:$0x1FEC0]  }
0x203: {  	v4 =	vor.u32 v29, v63;
	v6 =	vor.u32 v3, v59;
	[tilespmem:v19+s16+$0x0] =	vst.idx.msk $0xffff, v8;
	v8 =	vld [tilespmem:$0x1FFD0]  }
0x204: {  	v26 =	vor.u32 v29, v60;
	v25 =	vor.u32 v9, v51;
	v15 =	vld.idx.msk [tilespmem:v15+s13+$0x0], $0xffff  }
0x205: {  	[tilespmem:v0+s16+$0x0] =	vst.idx.msk $0xffff, v13;
	v2 =	vor.u32 v21, v50;
	v19 =	vld [tilespmem:$0x1FFC0]  }
0x206: {  	v12 =	vor.u32 v16, v48;
	v10 =	vadd.f32 v10, v53;
	v13 =	vadd.f32 v17, v49;
	v17 =	vld.idx.msk [tilespmem:v18+s13+$0x0], $0xffff  }
0x207: {  	v0 =	vor.u32 v5, v61;
	v18 =	vadd.f32 v24, v46;
	v24 =	vld [tilespmem:$0x1FFD0]  }
0x208: {  	v4 =	vld.idx.msk [tilespmem:v4+s13+$0x0], $0xffff;
	[tilespmem:v6+s16+$0x0] =	vst.idx.msk $0xffff, v10;
	v8 =	vor.u32 v8, v56  }
0x209: {  	[tilespmem:v25+s16+$0x0] =	vst.idx.msk $0xffff, v13;
	v13 =	vld.idx.msk [tilespmem:v26+s13+$0x0], $0xffff  }
0x20a: {  	v1 =	vor.u32 $0x30, v1;
	v6 =	vor.u32 v7, v54;
	v10 =	vadd.f32 v15, v58;
	v2 =	vld.idx.msk [tilespmem:v2+s13+$0x0], $0xffff  }
0x20b: {  	v34 =	vand.u32 $0x3F, v1;
	[tilespmem:v12+s16+$0x0] =	vst.idx.msk $0xffff, v18;
	v12 =	vld [tilespmem:$0x1FFE0];
	v15 =	vor.u32 v5, v62  }
0x20c: {  	v18 =	vor.u32 v11, v51;
	v19 =	vor.u32 v19, v34;
	[tilespmem:v0+s16+$0x0] =	vst.idx.msk $0xffff, v10;
	v0 =	vld [tilespmem:$0x1FFD0]  }
0x20d: {  	v25 =	vor.u32 v22, v50;
	v10 =	vor.u32 v5, v59;
	v17 =	vadd.f32 v17, v52;
	v8 =	vld.idx.msk [tilespmem:v8+s13+$0x0], $0xffff  }
0x20e: {  	v36 =	vld [tilespmem:$0x1FF30];
	v46 =	vshll.u32 v1, $0x7;
	v1 =	vor.u32 v7, v61;
	v4 =	vadd.f32 v4, v55  }
0x20f: {  	[tilespmem:v6+s16+$0x0] =	vst.idx.msk $0xffff, v17;
	v6 =	vadd.f32 v13, v53;
	v2 =	vadd.f32 v2, v49;
	v13 =	vld [tilespmem:$0x1FFE0]  }
0x210: {  	v12 =	vor.u32 v12, v57;
	[tilespmem:v15+s16+$0x0] =	vst.idx.msk $0xffff, v4;
	v15 =	vld [tilespmem:$0x1FFF0]  }
0x211: {  	v0 =	vor.u32 v0, v63;
	v19 =	vld.idx.msk [tilespmem:v19+s13+$0x0], $0xffff;
	[tilespmem:v18+s16+$0x0] =	vst.idx.msk $0xffff, v2  }
0x212: {  	v24 =	vor.u32 v24, v60;
	[tilespmem:v10+s16+$0x0] =	vst.idx.msk $0xffff, v6;
	v17 =	vld.idx.msk [tilespmem:v25+s13+$0x0], $0xffff;
	v6 =	vadd.f32 v8, v58  }
0x213: {  	v25 =	vld [tilespmem:$0x1FFE0]  }
0x214: {  	[tilespmem:v1+s16+$0x0] =	vst.idx.msk $0xffff, v6;
	v1 =	vld [tilespmem:$0x1FFE0]  }
0x215: {  	v4 =	vor.u32 v20, v46;
	v12 =	vld.idx.msk [tilespmem:v12+s13+$0x0], $0xffff;
	v13 =	vor.u32 v13, v56  }
0x216: {  	v33 =	vperm.xlane v36, v33;
	v15 =	vor.u32 v15, v34;
	v0 =	vld.idx.msk [tilespmem:v0+s13+$0x0], $0xffff  }
0x217: {  	v2 =	vor.u32 v9, v54;
	v8 =	vld.idx.msk [tilespmem:v24+s13+$0x0], $0xffff  }
0x218: {  	v18 =	vor.u32 v21, v57;
	v10 =	vadd.f32 v19, v33;
	v19 =	vor.u32 v7, v62  }
0x219: {  	v24 =	vor.u32 v14, v51;
	v6 =	vor.u32 v7, v59;
	v1 =	vor.u32 v1, v63  }
0x21a: {  	v25 =	vor.u32 v25, v60;
	[tilespmem:v4+s16+$0x0] =	vst.idx.msk $0xffff, v10;
	v12 =	vadd.f32 v12, v52;
	v13 =	vld.idx.msk [tilespmem:v13+s13+$0x0], $0xffff  }
0x21b: {  	v4 =	vor.u32 v23, v50;
	v10 =	vld.idx.msk [tilespmem:v15+s13+$0x0], $0xffff;
	v0 =	vadd.f32 v0, v55  }
0x21c: {  	v27 =	vld [tilespmem:$0x1FFC0];
	[tilespmem:v2+s16+$0x0] =	vst.idx.msk $0xffff, v12;
	v2 =	vor.u32 v9, v61;
	v8 =	vadd.f32 v8, v53  }
0x21d: {  	v12 =	vadd.f32 v17, v49;
	v15 =	vld.idx.msk [tilespmem:v18+s13+$0x0], $0xffff;
	[tilespmem:v19+s16+$0x0] =	vst.idx.msk $0xffff, v0  }
0x21e: {  	v26 =	vor.u32 v3, v46;
	v17 =	vor.u32 v21, v56;
	[tilespmem:v6+s16+$0x0] =	vst.idx.msk $0xffff, v8;
	v1 =	vld.idx.msk [tilespmem:v1+s13+$0x0], $0xffff  }
0x21f: {  	[tilespmem:v24+s16+$0x0] =	vst.idx.msk $0xffff, v12;
	v6 =	vor.u32 v11, v54;
	v8 =	vadd.f32 v13, v58;
	v12 =	vld.idx.msk [tilespmem:v25+s13+$0x0], $0xffff  }
0x220: {  	v18 =	vor.u32 v22, v57;
	v19 =	vor.u32 v9, v62;
	v4 =	vld.idx.msk [tilespmem:v4+s13+$0x0], $0xffff;
	v10 =	vadd.f32 v10, v33  }
0x221: {  	v24 =	vor.u32 $0x30, v32;
	[tilespmem:v2+s16+$0x0] =	vst.idx.msk $0xffff, v8;
	v2 =	vor.u32 v21, v63;
	v8 =	vor.u32 v9, v59  }
0x222: {  	v13 =	vor.u32 v16, v51;
	v47 =	vand.u32 $0x3F, v24;
	v15 =	vadd.f32 v15, v52  }
0x223: {  	v27 =	vor.u32 v27, v47;
	v17 =	vld.idx.msk [tilespmem:v17+s13+$0x0], $0xffff;
	[tilespmem:v26+s16+$0x0] =	vst.idx.msk $0xffff, v10;
	v1 =	vadd.f32 v1, v55  }
0x224: {  	v25 =	vor.u32 v21, v60;
	[tilespmem:v6+s16+$0x0] =	vst.idx.msk $0xffff, v15;
	v12 =	vadd.f32 v12, v53  }
0x225: {  	v6 =	vor.u32 v11, v61;
	[tilespmem:v19+s16+$0x0] =	vst.idx.msk $0xffff, v1;
	v1 =	vadd.f32 v4, v49;
	v4 =	vld.idx.msk [tilespmem:v18+s13+$0x0], $0xffff  }
0x226: {  	v0 =	vor.u32 v21, v31;
	[tilespmem:v8+s16+$0x0] =	vst.idx.msk $0xffff, v12;
	v2 =	vld.idx.msk [tilespmem:v2+s13+$0x0], $0xffff  }
0x227: {  	v15 =	vor.u32 v22, v56;
	[tilespmem:v13+s16+$0x0] =	vst.idx.msk $0xffff, v1;
	v1 =	vor.u32 v14, v54  }
0x228: {  	v12 =	vadd.f32 v17, v58;
	v17 =	vor.u32 v23, v57;
	v18 =	vor.u32 v11, v62;
	v10 =	vld.idx.msk [tilespmem:v27+s13+$0x0], $0xffff  }
0x229: {  	v8 =	vor.u32 v29, v34;
	v13 =	vld.idx.msk [tilespmem:v25+s13+$0x0], $0xffff  }
0x22a: {  	v35 =	vperm.xlane v36, v35;
	v37 =	vshll.u32 v24, $0x7;
	[tilespmem:v6+s16+$0x0] =	vst.idx.msk $0xffff, v12;
	v25 =	vld [tilespmem:$0x1FFF0];
	v4 =	vadd.f32 v4, v52  }
0x22b: {  	v0 =	vld.idx.msk [tilespmem:v0+s13+$0x0], $0xffff;
	v6 =	vor.u32 v22, v63;
	v12 =	vor.u32 v11, v59;
	v2 =	vadd.f32 v2, v55  }
0x22c: {  	v24 =	vor.u32 v22, v60;
	v19 =	vor.u32 v20, v37;
	v15 =	vld.idx.msk [tilespmem:v15+s13+$0x0], $0xffff;
	[tilespmem:v1+s16+$0x0] =	vst.idx.msk $0xffff, v4  }
0x22d: {  	[tilespmem:v18+s16+$0x0] =	vst.idx.msk $0xffff, v2;
	v2 =	vadd.f32 v10, v35;
	v10 =	vld.idx.msk [tilespmem:v17+s13+$0x0], $0xffff  }
0x22e: {  	v1 =	vld.idx.msk [tilespmem:v8+s13+$0x0], $0xffff;
	v8 =	vadd.f32 v13, v53  }
0x22f: {  	v25 =	vor.u32 v25, v47;
	v4 =	vor.u32 v14, v61  }
0x230: {  	v13 =	vor.u32 v23, v56;
	[tilespmem:v12+s16+$0x0] =	vst.idx.msk $0xffff, v8;
	v6 =	vld.idx.msk [tilespmem:v6+s13+$0x0], $0xffff  }
0x231: {  	v38 =	vperm.xlane v36, v38;
	[tilespmem:v19+s16+$0x0] =	vst.idx.msk $0xffff, v2;
	v2 =	vor.u32 v16, v54;
	v12 =	vld.idx.msk [tilespmem:v24+s13+$0x0], $0xffff  }
0x232: {  	v26 =	vor.u32 v23, v60;
	v8 =	vadd.f32 v15, v58;
	v10 =	vadd.f32 v10, v52;
	v52 =	vld [tilespmem:$0x1FFC0]  }
0x233: {  	v0 =	vadd.f32 v0, v30;
	v27 =	vor.u32 $0x30, v45;
	v19 =	vor.u32 v14, v62  }
0x234: {  	v17 =	vld.idx.msk [tilespmem:v25+s13+$0x0], $0xffff;
	[tilespmem:v4+s16+$0x0] =	vst.idx.msk $0xffff, v8;
	v4 =	vor.u32 v23, v63;
	v8 =	vor.u32 v14, v59  }
0x235: {  	v60 =	vand.u32 $0x3F, v27;
	v18 =	vor.u32 $0x30, v42;
	v25 =	vor.u32 v5, v46;
	v13 =	vld.idx.msk [tilespmem:v13+s13+$0x0], $0xffff  }
0x236: {  	v32 =	vand.u32 $0x3F, v18;
	v6 =	vadd.f32 v6, v55;
	[tilespmem:v2+s16+$0x0] =	vst.idx.msk $0xffff, v10;
	v2 =	vor.u32 v16, v61  }
0x237: {  	v10 =	vor.u32 $0x30, v43;
	v12 =	vadd.f32 v12, v53;
	v24 =	vor.u32 v52, v32  }
0x238: {  	v15 =	vor.u32 v11, v28;
	v42 =	vshll.u32 v18, $0x7;
	[tilespmem:v19+s16+$0x0] =	vst.idx.msk $0xffff, v6;
	v6 =	vld [tilespmem:$0x1FFD0];
	v43 =	vand.u32 $0x3F, v10  }
0x239: {  	v1 =	vadd.f32 v1, v33;
	[tilespmem:v8+s16+$0x0] =	vst.idx.msk $0xffff, v12;
	v4 =	vld.idx.msk [tilespmem:v4+s13+$0x0], $0xffff;
	v12 =	vor.u32 v52, v43  }
0x23a: {  	v54 =	vld [tilespmem:$0x1FFF0];
	v19 =	vor.u32 v29, v47;
	v8 =	vor.u32 v3, v37;
	v13 =	vadd.f32 v13, v58  }
0x23b: {  	v17 =	vadd.f32 v17, v35;
	[tilespmem:v25+s16+$0x0] =	vst.idx.msk $0xffff, v1;
	v1 =	vor.u32 v16, v62;
	v18 =	vld.idx.msk [tilespmem:v26+s13+$0x0], $0xffff  }
0x23c: {  	[tilespmem:v2+s16+$0x0] =	vst.idx.msk $0xffff, v13;
	v2 =	vor.u32 v52, v60;
	v13 =	vor.u32 $0x30, v44;
	v24 =	vld.idx.msk [tilespmem:v24+s13+$0x0], $0xffff  }
0x23d: {  	[tilespmem:v15+s16+$0x0] =	vst.idx.msk $0xffff, v0;
	v26 =	vor.u32 v16, v59;
	v6 =	vor.u32 v6, v34;
	v61 =	vand.u32 $0x3F, v13  }
0x23e: {  	v25 =	vor.u32 v20, v42;
	v4 =	vadd.f32 v4, v55;
	v0 =	vld.idx.msk [tilespmem:v12+s13+$0x0], $0xffff;
	v12 =	vor.u32 v52, v61  }
0x23f: {  	v39 =	vperm.xlane v36, v39;
	v15 =	vor.u32 v54, v32;
	v62 =	vshll.u32 v10, $0x7;
	v58 =	vld [tilespmem:$0x1FFD0];
	[tilespmem:v8+s16+$0x0] =	vst.idx.msk $0xffff, v17  }
0x240: {  	v17 =	vor.u32 v20, v62;
	v10 =	vld.idx.msk [tilespmem:v19+s13+$0x0], $0xffff;
	[tilespmem:v1+s16+$0x0] =	vst.idx.msk $0xffff, v4;
	v1 =	vadd.f32 v18, v53  }
0x241: {  	v41 =	vperm.xlane v36, v41;
	v45 =	vshll.u32 v27, $0x7;
	v2 =	vld.idx.msk [tilespmem:v2+s13+$0x0], $0xffff;
	v8 =	vadd.f32 v24, v38  }
0x242: {  	v40 =	vperm.xlane v36, v40;
	v18 =	vor.u32 v20, v45;
	v6 =	vld.idx.msk [tilespmem:v6+s13+$0x0], $0xffff;
	[tilespmem:v26+s16+$0x0] =	vst.idx.msk $0xffff, v1  }
0x243: {  	v1 =	vor.u32 v54, v43;
	v0 =	vadd.f32 v0, v39;
	v12 =	vld.idx.msk [tilespmem:v12+s13+$0x0], $0xffff;
	[tilespmem:v25+s16+$0x0] =	vst.idx.msk $0xffff, v8  }
0x244: {  	v63 =	vshll.u32 v13, $0x7;
	v19 =	vor.u32 v54, v60;
	v4 =	vor.u32 v5, v37;
	v15 =	vld.idx.msk [tilespmem:v15+s13+$0x0], $0xffff  }
0x245: {  	v59 =	vld [tilespmem:$0x1FFE0];
	v8 =	vor.u32 v58, v47;
	[tilespmem:v17+s16+$0x0] =	vst.idx.msk $0xffff, v0;
	v0 =	vor.u32 v20, v63  }
0x246: {  	v13 =	vor.u32 v3, v42;
	v2 =	vadd.f32 v2, v41;
	v17 =	vor.u32 v54, v61  }
0x247: {  	v24 =	vor.u32 v7, v46;
	v10 =	vadd.f32 v10, v35;
	v25 =	vor.u32 v29, v32  }
0x248: {  	v1 =	vld.idx.msk [tilespmem:v1+s13+$0x0], $0xffff;
	[tilespmem:v18+s16+$0x0] =	vst.idx.msk $0xffff, v2;
	v2 =	vadd.f32 v12, v40  }
0x249: {  	[tilespmem:v4+s16+$0x0] =	vst.idx.msk $0xffff, v10;
	v6 =	vadd.f32 v6, v33;
	v10 =	vld.idx.msk [tilespmem:v19+s13+$0x0], $0xffff;
	v4 =	vadd.f32 v15, v38  }
0x24a: {  	v12 =	vor.u32 v59, v34;
	v8 =	vld.idx.msk [tilespmem:v8+s13+$0x0], $0xffff;
	[tilespmem:v0+s16+$0x0] =	vst.idx.msk $0xffff, v2;
	v15 =	vor.u32 v3, v62  }
0x24b: {  	v0 =	vor.u32 v29, v43;
	v2 =	vor.u32 v3, v45;
	[tilespmem:v13+s16+$0x0] =	vst.idx.msk $0xffff, v4;
	v4 =	vld.idx.msk [tilespmem:v17+s13+$0x0], $0xffff  }
0x24c: {  	[tilespmem:v24+s16+$0x0] =	vst.idx.msk $0xffff, v6;
	v6 =	vor.u32 v7, v37;
	v17 =	vor.u32 v29, v60;
	v13 =	vld.idx.msk [tilespmem:v25+s13+$0x0], $0xffff  }
0x24d: {  	v19 =	vor.u32 v3, v63;
	v1 =	vadd.f32 v1, v39  }
0x24e: {  	v24 =	vor.u32 v5, v42;
	v10 =	vadd.f32 v10, v41;
	v25 =	vor.u32 v29, v61  }
0x24f: {  	v18 =	vor.u32 v59, v47;
	v12 =	vld.idx.msk [tilespmem:v12+s13+$0x0], $0xffff;
	v8 =	vadd.f32 v8, v35;
	[tilespmem:v15+s16+$0x0] =	vst.idx.msk $0xffff, v1  }
0x250: {  	[tilespmem:v2+s16+$0x0] =	vst.idx.msk $0xffff, v10;
	v1 =	vor.u32 v58, v32;
	v0 =	vld.idx.msk [tilespmem:v0+s13+$0x0], $0xffff;
	v2 =	vadd.f32 v4, v40  }
0x251: {  	[tilespmem:v6+s16+$0x0] =	vst.idx.msk $0xffff, v8;
	v6 =	vld.idx.msk [tilespmem:v17+s13+$0x0], $0xffff;
	v17 =	vor.u32 v9, v46;
	v4 =	vadd.f32 v13, v38  }
0x252: {  	v10 =	vor.u32 v5, v62;
	v15 =	vor.u32 v22, v31;
	[tilespmem:v19+s16+$0x0] =	vst.idx.msk $0xffff, v2  }
0x253: {  	v2 =	vor.u32 v58, v43;
	[tilespmem:v24+s16+$0x0] =	vst.idx.msk $0xffff, v4;
	v4 =	vor.u32 v5, v45;
	v13 =	vld.idx.msk [tilespmem:v25+s13+$0x0], $0xffff  }
0x254: {  	v8 =	vld.idx.msk [tilespmem:v18+s13+$0x0], $0xffff;
	v18 =	vor.u32 v58, v60;
	v12 =	vadd.f32 v12, v33  }
0x255: {  	v19 =	vor.u32 v5, v63;
	v24 =	vor.u32 v9, v37;
	v1 =	vld.idx.msk [tilespmem:v1+s13+$0x0], $0xffff;
	v0 =	vadd.f32 v0, v39  }
0x256: {  	v25 =	vor.u32 v58, v61;
	v6 =	vadd.f32 v6, v41;
	[tilespmem:v17+s16+$0x0] =	vst.idx.msk $0xffff, v12  }
0x257: {  	v12 =	vld.idx.msk [tilespmem:v15+s13+$0x0], $0xffff;
	[tilespmem:v10+s16+$0x0] =	vst.idx.msk $0xffff, v0;
	v10 =	vor.u32 v7, v42  }
0x258: {  	v0 =	vor.u32 v21, v34;
	v2 =	vld.idx.msk [tilespmem:v2+s13+$0x0], $0xffff;
	[tilespmem:v4+s16+$0x0] =	vst.idx.msk $0xffff, v6;
	v4 =	vadd.f32 v13, v40  }
0x259: {  	v15 =	vor.u32 v7, v62;
	v6 =	vadd.f32 v8, v35;
	v8 =	vld.idx.msk [tilespmem:v18+s13+$0x0], $0xffff  }
0x25a: {  	v13 =	vor.u32 v59, v32;
	v1 =	vadd.f32 v1, v38;
	[tilespmem:v19+s16+$0x0] =	vst.idx.msk $0xffff, v4  }
0x25b: {  	[tilespmem:v24+s16+$0x0] =	vst.idx.msk $0xffff, v6;
	v4 =	vor.u32 v59, v43;
	v6 =	vor.u32 v7, v45;
	v17 =	vld.idx.msk [tilespmem:v25+s13+$0x0], $0xffff  }
0x25c: {  	[tilespmem:v10+s16+$0x0] =	vst.idx.msk $0xffff, v1  }
0x25d: {  	v0 =	vld.idx.msk [tilespmem:v0+s13+$0x0], $0xffff;
	v10 =	vor.u32 v7, v63;
	v1 =	vadd.f32 v2, v39;
	v2 =	vor.u32 v59, v60  }
0x25e: {  	v18 =	vor.u32 v21, v47;
	v19 =	vor.u32 v14, v28;
	v8 =	vadd.f32 v8, v41  }
0x25f: {  	v24 =	vor.u32 v59, v61;
	v13 =	vld.idx.msk [tilespmem:v13+s13+$0x0], $0xffff;
	[tilespmem:v15+s16+$0x0] =	vst.idx.msk $0xffff, v1;
	v1 =	vor.u32 v11, v46  }
0x260: {  	v4 =	vld.idx.msk [tilespmem:v4+s13+$0x0], $0xffff;
	[tilespmem:v6+s16+$0x0] =	vst.idx.msk $0xffff, v8;
	v6 =	vadd.f32 v17, v40  }
0x261: {  	v15 =	vor.u32 v9, v42;
	v8 =	vadd.f32 v12, v30  }
0x262: {  	v0 =	vadd.f32 v0, v33;
	v2 =	vld.idx.msk [tilespmem:v2+s13+$0x0], $0xffff;
	[tilespmem:v10+s16+$0x0] =	vst.idx.msk $0xffff, v6;
	v10 =	vor.u32 v9, v62  }
0x263: {  	v12 =	vld.idx.msk [tilespmem:v18+s13+$0x0], $0xffff;
	v6 =	vor.u32 v21, v32;
	[tilespmem:v19+s16+$0x0] =	vst.idx.msk $0xffff, v8;
	v8 =	vor.u32 v21, v43  }
0x264: {  	v17 =	vld.idx.msk [tilespmem:v24+s13+$0x0], $0xffff;
	[tilespmem:v1+s16+$0x0] =	vst.idx.msk $0xffff, v0;
	v0 =	vadd.f32 v13, v38;
	v1 =	vor.u32 v9, v45  }
0x265: {  	v13 =	vor.u32 v21, v60;
	v4 =	vadd.f32 v4, v39  }
0x266: {  	v18 =	vor.u32 v9, v63;
	[tilespmem:v15+s16+$0x0] =	vst.idx.msk $0xffff, v0;
	v0 =	vor.u32 v11, v37  }
0x267: {  	v15 =	vor.u32 v21, v61;
	v2 =	vadd.f32 v2, v41;
	[tilespmem:v10+s16+$0x0] =	vst.idx.msk $0xffff, v4  }
0x268: {  	v4 =	vor.u32 v22, v34;
	v8 =	vld.idx.msk [tilespmem:v8+s13+$0x0], $0xffff  }
0x269: {  	v6 =	vld.idx.msk [tilespmem:v6+s13+$0x0], $0xffff;
	v10 =	vadd.f32 v12, v35;
	v12 =	vadd.f32 v17, v40;
	[tilespmem:v1+s16+$0x0] =	vst.idx.msk $0xffff, v2  }
0x26a: {  	v2 =	vor.u32 v11, v62;
	v13 =	vld.idx.msk [tilespmem:v13+s13+$0x0], $0xffff  }
0x26b: {  	v1 =	vor.u32 v11, v42;
	[tilespmem:v18+s16+$0x0] =	vst.idx.msk $0xffff, v12  }
0x26c: {  	[tilespmem:v0+s16+$0x0] =	vst.idx.msk $0xffff, v10;
	v0 =	vld.idx.msk [tilespmem:v15+s13+$0x0], $0xffff  }
0x26d: {  	v53 =	vld [tilespmem:$0x1FFB0];
	v17 =	vor.u32 v22, v47;
	v12 =	vor.u32 v11, v45;
	v8 =	vadd.f32 v8, v39  }
0x26e: {  	v18 =	vor.u32 v11, v63;
	v15 =	vor.u32 v22, v43;
	v6 =	vadd.f32 v6, v38;
	v4 =	vld.idx.msk [tilespmem:v4+s13+$0x0], $0xffff  }
0x26f: {  	[tilespmem:v2+s16+$0x0] =	vst.idx.msk $0xffff, v8;
	v2 =	vadd.f32 v13, v41;
	v13 =	vld [tilespmem:$0x1FED0]  }
0x270: {  	[tilespmem:v1+s16+$0x0] =	vst.idx.msk $0xffff, v6;
	v1 =	vor.u32 v14, v46  }
0x271: {  	v10 =	vor.u32 v22, v32;
	v0 =	vadd.f32 v0, v40  }
0x272: {  	v6 =	vld.idx.msk [tilespmem:v17+s13+$0x0], $0xffff;
	v17 =	vor.u32 v22, v60;
	[tilespmem:v12+s16+$0x0] =	vst.idx.msk $0xffff, v2  }
0x273: {  	v8 =	vor.u32 v22, v61;
	v12 =	vld.idx.msk [tilespmem:v15+s13+$0x0], $0xffff;
	[tilespmem:v18+s16+$0x0] =	vst.idx.msk $0xffff, v0;
	v0 =	vadd.f32 v4, v33  }
0x274: {  	v19 =	vor.u32 v14, v37;
	v13 =	vor.u32 v53, v13  }
0x275: {  	v26 =	vld [tilespmem:$0x1FEE0];
	[tilespmem:v1+s16+$0x0] =	vst.idx.msk $0xffff, v0;
	v1 =	vor.u32 v14, v62  }
0x276: {  	v10 =	vld.idx.msk [tilespmem:v10+s13+$0x0], $0xffff;
	v2 =	vor.u32 v23, v31  }
0x277: {  	v4 =	vor.u32 v23, v34;
	v6 =	vadd.f32 v6, v35;
	v17 =	vld.idx.msk [tilespmem:v17+s13+$0x0], $0xffff  }
0x278: {  	v15 =	vor.u32 v23, v47;
	v18 =	vor.u32 v14, v42;
	v8 =	vld.idx.msk [tilespmem:v8+s13+$0x0], $0xffff;
	v12 =	vadd.f32 v12, v39  }
0x279: {  	v0 =	vor.u32 v23, v32;
	[tilespmem:v19+s16+$0x0] =	vst.idx.msk $0xffff, v6;
	v13 =	vld.idx.msk [tilespmem:v13+s13+$0x0], $0xffff  }
0x27a: {  	v6 =	vor.u32 v23, v43;
	v19 =	vor.u32 v14, v45;
	[tilespmem:v1+s16+$0x0] =	vst.idx.msk $0xffff, v12;
	v12 =	vld [tilespmem:$0x1FEF0]  }
0x27b: {  	v25 =	vor.u32 v14, v63;
	v24 =	vor.u32 v23, v60;
	v10 =	vadd.f32 v10, v38;
	v2 =	vld.idx.msk [tilespmem:v2+s13+$0x0], $0xffff  }
0x27c: {  	v27 =	vor.u32 v23, v61;
	v26 =	vor.u32 v16, v26;
	v4 =	vld.idx.msk [tilespmem:v4+s13+$0x0], $0xffff  }
0x27d: {  	v15 =	vld.idx.msk [tilespmem:v15+s13+$0x0], $0xffff;
	[tilespmem:v18+s16+$0x0] =	vst.idx.msk $0xffff, v10;
	v10 =	vor.u32 v16, v28;
	v17 =	vadd.f32 v17, v41  }
0x27e: {  	v1 =	vor.u32 v16, v46;
	v0 =	vld.idx.msk [tilespmem:v0+s13+$0x0], $0xffff;
	v8 =	vadd.f32 v8, v40  }
0x27f: {  	[tilespmem:v19+s16+$0x0] =	vst.idx.msk $0xffff, v17;
	v6 =	vld.idx.msk [tilespmem:v6+s13+$0x0], $0xffff;
	v12 =	vadd.f32 v13, v12;
	v13 =	vor.u32 v16, v37  }
0x280: {  	[tilespmem:v25+s16+$0x0] =	vst.idx.msk $0xffff, v8;
	v2 =	vadd.f32 v2, v30;
	v8 =	vor.u32 v16, v42;
	v17 =	vld.idx.msk [tilespmem:v24+s13+$0x0], $0xffff  }
0x281: {  	v4 =	vadd.f32 v4, v33;
	v18 =	vld.idx.msk [tilespmem:v27+s13+$0x0], $0xffff;
	[tilespmem:v26+s16+$0x0] =	vst.idx.msk $0xffff, v12;
	v12 =	vor.u32 v16, v62  }
0x282: {  	v57 =	vld [tilespmem:$0x1FF90];
	[tilespmem:v10+s16+$0x0] =	vst.idx.msk $0xffff, v2;
	v2 =	vadd.f32 v15, v35;
	v10 =	vor.u32 v16, v45  }
0x283: {  	p2 =	por p1, p1;
	v56 =	vld [tilespmem:$0x1FF80];
	[tilespmem:v1+s16+$0x0] =	vst.idx.msk $0xffff, v4;
	v0 =	vadd.f32 v0, v38;
	v1 =	vor.u32 v16, v63  }
.Ltmp0:
0x284: {  	v25 =	vld [tilespmem:$0x1FF50];
	[tilespmem:v13+s16+$0x0] =	vst.idx.msk $0xffff, v2;
	v2 =	vadd.f32 v6, v39;
	(pc) =	sbr.rel @p2 .LBB2_3-.Ltmp0, $4  }
0x285: {  	v24 =	vld [tilespmem:$0x1FF40];
	[tilespmem:v8+s16+$0x0] =	vst.idx.msk $0xffff, v0;
	v0 =	vadd.f32 v17, v41  }
0x286: {  	v27 =	vld [tilespmem:$0x1FF70];
	[tilespmem:v12+s16+$0x0] =	vst.idx.msk $0xffff, v2;
	v2 =	vadd.f32 v18, v40  }
0x287: {  	v26 =	vld [tilespmem:$0x1FF60];
	[tilespmem:v10+s16+$0x0] =	vst.idx.msk $0xffff, v0  }
0x288: {  	p1 =	por $0x0, $0x0;
	s23 =	simm.s32 $0x8;
	v55 =	vmov v29;
	v12 =	vld [tilespmem:$0x1FFA0];
	[tilespmem:v1+s16+$0x0] =	vst.idx.msk $0xffff, v2  }
0x289: {  	p1 =	seq.s32 s22, $0x63  }
0x28a: {  	s23 =	sshll.u32 @!p1 s22, $0x8  }
0x28b: {  	s30 =	sshll.u32 s22, $0x13;
	s23 =	sand.u32 @!p1 $0x3FFFFF00, s23  }
0x28c: {  	s26 =	simm.s32 @!p1 $0x80;
	s28 =	simm.s32 @!p1 $0x9600;
	s25 =	sadd.s32 @!p1 $0x100, s23  }
0x28d: {  	[tilespmem:s28], [sflag:$0x1] =	stream.indirect.gather @!p1 [hbm4b:s3+s26], $0x40, s25, s26, $0xb8;
	[tilespmem:$0x11600] =	vst v63  }
0x28e: {  	s25 =	sor.u32 s5, s30  }
0x28f: {  	s25 =	sshrl.u32 s25, $0x3  }
0x290: {  	s25 =	sadd.s32 s6, s25  }
0x291: {  	[hbm4b:s25+s9] =	stream.strided.scatter [tilespmem:s16], [sflag:$0x3], $0x2000, s10, s9, $0x38;
	[tilespmem:$0x11600] =	vst v63  }
0x292: {  	s25 =	simm.s32 @!p0 $0x4  }
0x293: {  	_ =	swait.ge @!p0 [sflag:s25], $0x2000  }
0x294: {  	[sflag:s25] =	ssyncset.done @!p0 $0x0  }
0x295: {  	[sflag:s25] =	ssyncadd.s32 @!p0 $0xFFFFE000  }
0x296: {  	s24 =	sor.u32 $0x1, s24;
	_ =	swait.ge [sflag:s17], $0x2000  }
0x297: {  	s31 =	sshll.u32 s24, $0x6;
	[sflag:s17] =	ssyncset.done $0x0  }
0x298: {  	s25 =	sand.u32 $0x3FFFFFC0, s31;
	[sflag:s17] =	ssyncadd.s32 $0xFFFFE000  }
0x299: {  	v0 =	vld [tilespmem:s25+$0x6400];
	_ =	sdelay $0x4  }
0x29a: {  	[tilespmem:$0x1FE80] =	vst v0;
	v0 =	vld [tilespmem:s25+$0x6410];
	_ =	sdelay $0x4  }
0x29b: {  	[tilespmem:$0x1FE90] =	vst v0;
	v0 =	vld [tilespmem:s25+$0x6420];
	_ =	sdelay $0x4  }
0x29c: {  	[tilespmem:$0x1FEA0] =	vst v0;
	v0 =	vld [tilespmem:s25+$0x6430];
	_ =	sdelay $0x4  }
0x29d: {  	p0 =	por $0x1, $0x1;
	s25 =	simm.s32 $0x0;
	[tilespmem:$0x1FEB0] =	vst v0  }
.LBB2_5:
0x29e: {  	v42 =	vadd.s32 s25, v20  }
0x29f: {  	v0 =	vand.u32 $0x8, v42  }
0x2a0: {  	v1 =	vor.u32 v24, v0;
	_ =	sdelay $0x2  }
0x2a1: {  	v51 =	vld [tilespmem:$0x1FE80];
	_ =	sdelay $0x1  }
0x2a2: {  	v28 =	vand.u32 $0xF, v42;
	v1 =	vld.idx.msk [tilespmem:v1+s14+$0x0], $0xffff  }
0x2a3: {  	v2 =	vshll.u32 v28, $0x7  }
0x2a4: {  	v4 =	vor.u32 v20, v2  }
0x2a5: {  	v8 =	vor.u32 v25, v0;
	v6 =	vperm.xlane v51, v28;
	_ =	sdelay $0x1  }
0x2a6: {  	v1 =	vadd.f32 v1, v6;
	_ =	sdelay $0x1  }
0x2a7: {  	[tilespmem:v4+s18+$0x0] =	vst.idx.msk $0xffff, v1  }
0x2a8: {  	v1 =	vld.idx.msk [tilespmem:v8+s14+$0x0], $0xffff;
	_ =	sdelay $0x1  }
0x2a9: {  	v4 =	vor.u32 v3, v2  }
0x2aa: {  	v8 =	vor.u32 v26, v0;
	_ =	sdelay $0x1  }
0x2ab: {  	v1 =	vadd.f32 v1, v6;
	_ =	sdelay $0x1  }
0x2ac: {  	[tilespmem:v4+s18+$0x0] =	vst.idx.msk $0xffff, v1  }
0x2ad: {  	v1 =	vld.idx.msk [tilespmem:v8+s14+$0x0], $0xffff;
	_ =	sdelay $0x1  }
0x2ae: {  	v4 =	vor.u32 v5, v2  }
0x2af: {  	v8 =	vor.u32 v27, v0;
	_ =	sdelay $0x1  }
0x2b0: {  	v1 =	vadd.f32 v1, v6;
	_ =	sdelay $0x1  }
0x2b1: {  	[tilespmem:v4+s18+$0x0] =	vst.idx.msk $0xffff, v1  }
0x2b2: {  	v1 =	vld.idx.msk [tilespmem:v8+s14+$0x0], $0xffff;
	_ =	sdelay $0x1  }
0x2b3: {  	v4 =	vor.u32 v7, v2  }
0x2b4: {  	v8 =	vor.u32 v56, v0;
	_ =	sdelay $0x1  }
0x2b5: {  	v1 =	vadd.f32 v1, v6;
	_ =	sdelay $0x1  }
0x2b6: {  	[tilespmem:v4+s18+$0x0] =	vst.idx.msk $0xffff, v1  }
0x2b7: {  	v1 =	vld.idx.msk [tilespmem:v8+s14+$0x0], $0xffff;
	_ =	sdelay $0x1  }
0x2b8: {  	v4 =	vor.u32 v9, v2  }
0x2b9: {  	v8 =	vor.u32 v57, v0;
	_ =	sdelay $0x1  }
0x2ba: {  	v1 =	vadd.f32 v1, v6;
	_ =	sdelay $0x1  }
0x2bb: {  	[tilespmem:v4+s18+$0x0] =	vst.idx.msk $0xffff, v1  }
0x2bc: {  	v1 =	vld.idx.msk [tilespmem:v8+s14+$0x0], $0xffff;
	_ =	sdelay $0x1  }
0x2bd: {  	s26 =	sor.u32 $0x1, s25;
	v4 =	vor.u32 v11, v2  }
0x2be: {  	v45 =	vadd.s32 s26, v20;
	v8 =	vor.u32 v12, v0  }
0x2bf: {  	v31 =	vand.u32 $0xF, v45  }
0x2c0: {  	v10 =	vor.u32 v52, v31;
	v1 =	vadd.f32 v1, v6;
	_ =	sdelay $0x1  }
0x2c1: {  	[tilespmem:v4+s18+$0x0] =	vst.idx.msk $0xffff, v1  }
0x2c2: {  	v1 =	vld.idx.msk [tilespmem:v8+s14+$0x0], $0xffff;
	_ =	sdelay $0x1  }
0x2c3: {  	v4 =	vld.idx.msk [tilespmem:v10+s14+$0x0], $0xffff;
	v8 =	vor.u32 v14, v2  }
0x2c4: {  	v0 =	vor.u32 v53, v0;
	v10 =	vshll.u32 v31, $0x7  }
0x2c5: {  	v18 =	vmov v12;
	v12 =	vor.u32 v20, v10  }
0x2c6: {  	v15 =	vor.u32 v54, v31;
	v13 =	vperm.xlane v51, v31;
	v1 =	vadd.f32 v1, v6;
	_ =	sdelay $0x1  }
0x2c7: {  	v4 =	vadd.f32 v4, v13;
	[tilespmem:v8+s18+$0x0] =	vst.idx.msk $0xffff, v1  }
0x2c8: {  	v0 =	vld.idx.msk [tilespmem:v0+s14+$0x0], $0xffff  }
0x2c9: {  	[tilespmem:v12+s18+$0x0] =	vst.idx.msk $0xffff, v4;
	v1 =	vor.u32 $0x10, v42  }
0x2ca: {  	v2 =	vor.u32 v16, v2;
	v4 =	vld.idx.msk [tilespmem:v15+s14+$0x0], $0xffff;
	v8 =	vand.u32 $0x18, v1  }
0x2cb: {  	v12 =	vor.u32 v24, v8  }
0x2cc: {  	v15 =	vor.u32 v3, v10  }
0x2cd: {  	v17 =	vor.u32 v55, v31;
	v0 =	vadd.f32 v0, v6  }
0x2ce: {  	v34 =	vld [tilespmem:$0x1FE90]  }
0x2cf: {  	v4 =	vadd.f32 v4, v13;
	[tilespmem:v2+s18+$0x0] =	vst.idx.msk $0xffff, v0  }
0x2d0: {  	v0 =	vld.idx.msk [tilespmem:v12+s14+$0x0], $0xffff  }
0x2d1: {  	v1 =	vshll.u32 v1, $0x7;
	[tilespmem:v15+s18+$0x0] =	vst.idx.msk $0xffff, v4  }
0x2d2: {  	v4 =	vor.u32 v20, v1;
	v2 =	vld.idx.msk [tilespmem:v17+s14+$0x0], $0xffff  }
0x2d3: {  	v6 =	vperm.xlane v34, v28;
	v12 =	vor.u32 v25, v8  }
0x2d4: {  	v15 =	vor.u32 v5, v10  }
0x2d5: {  	v17 =	vor.u32 v58, v31;
	v0 =	vadd.f32 v0, v6;
	_ =	sdelay $0x1  }
0x2d6: {  	v2 =	vadd.f32 v2, v13;
	[tilespmem:v4+s18+$0x0] =	vst.idx.msk $0xffff, v0  }
0x2d7: {  	v0 =	vld.idx.msk [tilespmem:v12+s14+$0x0], $0xffff  }
0x2d8: {  	[tilespmem:v15+s18+$0x0] =	vst.idx.msk $0xffff, v2  }
0x2d9: {  	v2 =	vld.idx.msk [tilespmem:v17+s14+$0x0], $0xffff;
	v4 =	vor.u32 v3, v1  }
0x2da: {  	v12 =	vor.u32 v26, v8  }
0x2db: {  	v15 =	vor.u32 v7, v10  }
0x2dc: {  	v17 =	vor.u32 v59, v31;
	v0 =	vadd.f32 v0, v6;
	_ =	sdelay $0x1  }
0x2dd: {  	v2 =	vadd.f32 v2, v13;
	[tilespmem:v4+s18+$0x0] =	vst.idx.msk $0xffff, v0  }
0x2de: {  	v0 =	vld.idx.msk [tilespmem:v12+s14+$0x0], $0xffff  }
0x2df: {  	[tilespmem:v15+s18+$0x0] =	vst.idx.msk $0xffff, v2  }
0x2e0: {  	v2 =	vld.idx.msk [tilespmem:v17+s14+$0x0], $0xffff;
	v4 =	vor.u32 v5, v1  }
0x2e1: {  	v12 =	vor.u32 v27, v8  }
0x2e2: {  	v15 =	vor.u32 v9, v10  }
0x2e3: {  	v17 =	vor.u32 v21, v31;
	v0 =	vadd.f32 v0, v6;
	_ =	sdelay $0x1  }
0x2e4: {  	v2 =	vadd.f32 v2, v13;
	[tilespmem:v4+s18+$0x0] =	vst.idx.msk $0xffff, v0  }
0x2e5: {  	v0 =	vld.idx.msk [tilespmem:v12+s14+$0x0], $0xffff  }
0x2e6: {  	[tilespmem:v15+s18+$0x0] =	vst.idx.msk $0xffff, v2  }
0x2e7: {  	v2 =	vld.idx.msk [tilespmem:v17+s14+$0x0], $0xffff;
	v4 =	vor.u32 v7, v1  }
0x2e8: {  	v12 =	vor.u32 v56, v8  }
0x2e9: {  	v15 =	vor.u32 v11, v10  }
0x2ea: {  	v17 =	vor.u32 v22, v31;
	v0 =	vadd.f32 v0, v6;
	_ =	sdelay $0x1  }
0x2eb: {  	v2 =	vadd.f32 v2, v13;
	[tilespmem:v4+s18+$0x0] =	vst.idx.msk $0xffff, v0  }
0x2ec: {  	v0 =	vld.idx.msk [tilespmem:v12+s14+$0x0], $0xffff  }
0x2ed: {  	[tilespmem:v15+s18+$0x0] =	vst.idx.msk $0xffff, v2  }
0x2ee: {  	v2 =	vld.idx.msk [tilespmem:v17+s14+$0x0], $0xffff;
	v4 =	vor.u32 v9, v1  }
0x2ef: {  	v12 =	vor.u32 v57, v8  }
0x2f0: {  	v15 =	vor.u32 v14, v10  }
0x2f1: {  	v17 =	vor.u32 v23, v31;
	v0 =	vadd.f32 v0, v6;
	_ =	sdelay $0x1  }
0x2f2: {  	v2 =	vadd.f32 v2, v13;
	[tilespmem:v4+s18+$0x0] =	vst.idx.msk $0xffff, v0  }
0x2f3: {  	v0 =	vld.idx.msk [tilespmem:v12+s14+$0x0], $0xffff  }
0x2f4: {  	s30 =	sor.u32 $0x2, s25;
	[tilespmem:v15+s18+$0x0] =	vst.idx.msk $0xffff, v2  }
0x2f5: {  	v38 =	vadd.s32 s30, v20;
	v2 =	vld.idx.msk [tilespmem:v17+s14+$0x0], $0xffff;
	v12 =	vor.u32 v11, v1  }
0x2f6: {  	v33 =	vand.u32 $0xF, v38;
	v15 =	vor.u32 $0x10, v45;
	v17 =	vor.u32 v18, v8  }
0x2f7: {  	v10 =	vor.u32 v16, v10;
	v4 =	vor.u32 v52, v33;
	v18 =	vand.u32 $0x1F, v15  }
0x2f8: {  	v19 =	vor.u32 v52, v18;
	v0 =	vadd.f32 v0, v6;
	_ =	sdelay $0x1  }
0x2f9: {  	v2 =	vadd.f32 v2, v13;
	[tilespmem:v12+s18+$0x0] =	vst.idx.msk $0xffff, v0  }
0x2fa: {  	v12 =	vld.idx.msk [tilespmem:v17+s14+$0x0], $0xffff  }
0x2fb: {  	v4 =	vld.idx.msk [tilespmem:v4+s14+$0x0], $0xffff;
	[tilespmem:v10+s18+$0x0] =	vst.idx.msk $0xffff, v2  }
0x2fc: {  	v0 =	vshll.u32 v33, $0x7;
	v10 =	vld.idx.msk [tilespmem:v19+s14+$0x0], $0xffff;
	v19 =	vor.u32 v14, v1  }
0x2fd: {  	v8 =	vor.u32 v53, v8;
	v2 =	vor.u32 v20, v0  }
0x2fe: {  	v15 =	vshll.u32 v15, $0x7;
	v13 =	vperm.xlane v51, v33;
	v17 =	vor.u32 v54, v33  }
0x2ff: {  	v30 =	vor.u32 v20, v15;
	v12 =	vadd.f32 v12, v6  }
0x300: {  	v35 =	vperm.xlane v34, v31;
	v36 =	vor.u32 v54, v18;
	v4 =	vadd.f32 v4, v13  }
0x301: {  	[tilespmem:v19+s18+$0x0] =	vst.idx.msk $0xffff, v12  }
0x302: {  	[tilespmem:v2+s18+$0x0] =	vst.idx.msk $0xffff, v4;
	v2 =	vadd.f32 v10, v35;
	v8 =	vld.idx.msk [tilespmem:v8+s14+$0x0], $0xffff  }
0x303: {  	v10 =	vor.u32 $0x20, v28;
	v4 =	vld.idx.msk [tilespmem:v17+s14+$0x0], $0xffff  }
0x304: {  	v1 =	vor.u32 v16, v1;
	[tilespmem:v30+s18+$0x0] =	vst.idx.msk $0xffff, v2;
	v19 =	vand.u32 $0x28, v10  }
0x305: {  	v2 =	vor.u32 v3, v0;
	v12 =	vld.idx.msk [tilespmem:v36+s14+$0x0], $0xffff;
	v30 =	vor.u32 v24, v19  }
0x306: {  	v17 =	vor.u32 v55, v33  }
0x307: {  	v41 =	vor.u32 v3, v15;
	v6 =	vadd.f32 v8, v6  }
0x308: {  	v48 =	vld [tilespmem:$0x1FEA0];
	v37 =	vor.u32 v55, v18;
	v4 =	vadd.f32 v4, v13  }
0x309: {  	[tilespmem:v1+s18+$0x0] =	vst.idx.msk $0xffff, v6  }
0x30a: {  	[tilespmem:v2+s18+$0x0] =	vst.idx.msk $0xffff, v4;
	v2 =	vadd.f32 v12, v35;
	v1 =	vld.idx.msk [tilespmem:v30+s14+$0x0], $0xffff  }
0x30b: {  	v4 =	vld.idx.msk [tilespmem:v17+s14+$0x0], $0xffff;
	v6 =	vshll.u32 v10, $0x7  }
0x30c: {  	[tilespmem:v41+s18+$0x0] =	vst.idx.msk $0xffff, v2;
	v17 =	vor.u32 v20, v6  }
0x30d: {  	v12 =	vperm.xlane v48, v28;
	v2 =	vor.u32 v5, v0;
	v8 =	vld.idx.msk [tilespmem:v37+s14+$0x0], $0xffff;
	v30 =	vor.u32 v25, v19  }
0x30e: {  	v10 =	vor.u32 v58, v33  }
0x30f: {  	v43 =	vor.u32 v5, v15;
	v1 =	vadd.f32 v1, v12  }
0x310: {  	v44 =	vor.u32 v58, v18;
	v4 =	vadd.f32 v4, v13  }
0x311: {  	[tilespmem:v17+s18+$0x0] =	vst.idx.msk $0xffff, v1  }
0x312: {  	[tilespmem:v2+s18+$0x0] =	vst.idx.msk $0xffff, v4;
	v2 =	vadd.f32 v8, v35;
	v1 =	vld.idx.msk [tilespmem:v30+s14+$0x0], $0xffff  }
0x313: {  	v4 =	vld.idx.msk [tilespmem:v10+s14+$0x0], $0xffff  }
0x314: {  	[tilespmem:v43+s18+$0x0] =	vst.idx.msk $0xffff, v2;
	v17 =	vor.u32 v3, v6  }
0x315: {  	v2 =	vor.u32 v7, v0;
	v8 =	vld.idx.msk [tilespmem:v44+s14+$0x0], $0xffff;
	v30 =	vor.u32 v26, v19  }
0x316: {  	v10 =	vor.u32 v59, v33  }
0x317: {  	v46 =	vor.u32 v7, v15;
	v1 =	vadd.f32 v1, v12  }
0x318: {  	v47 =	vor.u32 v59, v18;
	v4 =	vadd.f32 v4, v13  }
0x319: {  	[tilespmem:v17+s18+$0x0] =	vst.idx.msk $0xffff, v1  }
0x31a: {  	[tilespmem:v2+s18+$0x0] =	vst.idx.msk $0xffff, v4;
	v2 =	vadd.f32 v8, v35;
	v1 =	vld.idx.msk [tilespmem:v30+s14+$0x0], $0xffff  }
0x31b: {  	v4 =	vld.idx.msk [tilespmem:v10+s14+$0x0], $0xffff  }
0x31c: {  	[tilespmem:v46+s18+$0x0] =	vst.idx.msk $0xffff, v2;
	v17 =	vor.u32 v5, v6  }
0x31d: {  	v2 =	vor.u32 v9, v0;
	v8 =	vld.idx.msk [tilespmem:v47+s14+$0x0], $0xffff;
	v30 =	vor.u32 v27, v19  }
0x31e: {  	v10 =	vor.u32 v21, v33  }
0x31f: {  	v49 =	vor.u32 v9, v15;
	v1 =	vadd.f32 v1, v12  }
0x320: {  	v50 =	vor.u32 v21, v18;
	v4 =	vadd.f32 v4, v13  }
0x321: {  	[tilespmem:v17+s18+$0x0] =	vst.idx.msk $0xffff, v1  }
0x322: {  	[tilespmem:v2+s18+$0x0] =	vst.idx.msk $0xffff, v4;
	v2 =	vadd.f32 v8, v35;
	v1 =	vld.idx.msk [tilespmem:v30+s14+$0x0], $0xffff  }
0x323: {  	v4 =	vld.idx.msk [tilespmem:v10+s14+$0x0], $0xffff  }
0x324: {  	[tilespmem:v49+s18+$0x0] =	vst.idx.msk $0xffff, v2;
	v17 =	vor.u32 v7, v6  }
0x325: {  	v2 =	vor.u32 v11, v0;
	v8 =	vld.idx.msk [tilespmem:v50+s14+$0x0], $0xffff;
	v30 =	vor.u32 v56, v19  }
0x326: {  	v10 =	vor.u32 v22, v33  }
0x327: {  	v60 =	vor.u32 v11, v15;
	v1 =	vadd.f32 v1, v12  }
0x328: {  	v61 =	vor.u32 v22, v18;
	v4 =	vadd.f32 v4, v13  }
0x329: {  	[tilespmem:v17+s18+$0x0] =	vst.idx.msk $0xffff, v1  }
0x32a: {  	[tilespmem:v2+s18+$0x0] =	vst.idx.msk $0xffff, v4;
	v2 =	vadd.f32 v8, v35;
	v1 =	vld.idx.msk [tilespmem:v30+s14+$0x0], $0xffff  }
0x32b: {  	v4 =	vld.idx.msk [tilespmem:v10+s14+$0x0], $0xffff  }
0x32c: {  	[tilespmem:v60+s18+$0x0] =	vst.idx.msk $0xffff, v2;
	v17 =	vor.u32 v9, v6  }
0x32d: {  	v2 =	vor.u32 v14, v0;
	v8 =	vld.idx.msk [tilespmem:v61+s14+$0x0], $0xffff;
	v30 =	vor.u32 v57, v19;
	_ =	sdelay $0x1  }
0x32e: {  	v10 =	vor.u32 v23, v33;
	v1 =	vadd.f32 v1, v12  }
0x32f: {  	v4 =	vadd.f32 v4, v13  }
0x330: {  	v62 =	vor.u32 v14, v15;
	[tilespmem:v17+s18+$0x0] =	vst.idx.msk $0xffff, v1  }
0x331: {  	v18 =	vor.u32 v23, v18;
	[tilespmem:v2+s18+$0x0] =	vst.idx.msk $0xffff, v4;
	v2 =	vadd.f32 v8, v35;
	v8 =	vld.idx.msk [tilespmem:v30+s14+$0x0], $0xffff  }
0x332: {  	v30 =	vld [tilespmem:$0x1FFA0]  }
0x333: {  	v4 =	vld.idx.msk [tilespmem:v10+s14+$0x0], $0xffff  }
0x334: {  	v1 =	vor.u32 $0x10, v38  }
0x335: {  	v0 =	vor.u32 v16, v0;
	[tilespmem:v62+s18+$0x0] =	vst.idx.msk $0xffff, v2;
	v63 =	vand.u32 $0x1F, v1  }
0x336: {  	v2 =	vor.u32 v11, v6;
	v17 =	vor.u32 $0x20, v31;
	v10 =	vld.idx.msk [tilespmem:v18+s14+$0x0], $0xffff;
	v18 =	vor.u32 v52, v63  }
0x337: {  	v43 =	vand.u32 $0x7, v45;
	v44 =	vand.u32 $0x28, v17;
	v30 =	vor.u32 v30, v19  }
0x338: {  	v15 =	vor.u32 v16, v15;
	v44 =	vor.u32 v43, v44;
	v4 =	vadd.f32 v4, v13  }
0x339: {  	v13 =	vor.u32 v52, v44;
	v8 =	vadd.f32 v8, v12  }
0x33a: {  	[tilespmem:v0+s18+$0x0] =	vst.idx.msk $0xffff, v4  }
0x33b: {  	v0 =	vadd.f32 v10, v35;
	v4 =	vld.idx.msk [tilespmem:v18+s14+$0x0], $0xffff;
	[tilespmem:v2+s18+$0x0] =	vst.idx.msk $0xffff, v8  }
0x33c: {  	v43 =	vshll.u32 v1, $0x7;
	v1 =	vld.idx.msk [tilespmem:v30+s14+$0x0], $0xffff  }
0x33d: {  	[tilespmem:v15+s18+$0x0] =	vst.idx.msk $0xffff, v0;
	v0 =	vor.u32 v20, v43  }
0x33e: {  	v39 =	vperm.xlane v34, v33;
	v10 =	vor.u32 v14, v6;
	v8 =	vor.u32 v54, v63;
	v2 =	vld.idx.msk [tilespmem:v13+s14+$0x0], $0xffff  }
0x33f: {  	v40 =	vshll.u32 v17, $0x7;
	v13 =	vor.u32 v53, v19  }
0x340: {  	v15 =	vor.u32 v20, v40;
	v4 =	vadd.f32 v4, v39  }
0x341: {  	v41 =	vperm.xlane v48, v31;
	v1 =	vadd.f32 v1, v12  }
0x342: {  	v17 =	vor.u32 v54, v44;
	[tilespmem:v0+s18+$0x0] =	vst.idx.msk $0xffff, v4  }
0x343: {  	v0 =	vadd.f32 v2, v41;
	v2 =	vld.idx.msk [tilespmem:v8+s14+$0x0], $0xffff;
	[tilespmem:v10+s18+$0x0] =	vst.idx.msk $0xffff, v1  }
0x344: {  	v1 =	vld.idx.msk [tilespmem:v13+s14+$0x0], $0xffff  }
0x345: {  	[tilespmem:v15+s18+$0x0] =	vst.idx.msk $0xffff, v0;
	v0 =	vor.u32 v3, v43  }
0x346: {  	v6 =	vor.u32 v16, v6;
	v10 =	vor.u32 v55, v63  }
0x347: {  	v4 =	vor.u32 $0x30, v42;
	v8 =	vld.idx.msk [tilespmem:v17+s14+$0x0], $0xffff  }
0x348: {  	[tilespmem:$0x1FE40] =	vst v38;
	v15 =	vand.u32 $0x38, v4;
	v2 =	vadd.f32 v2, v39  }
0x349: {  	v13 =	vor.u32 v24, v15;
	v24 =	vmovc v15;
	v15 =	vor.u32 v3, v40;
	v1 =	vadd.f32 v1, v12  }
0x34a: {  	s31 =	sor.u32 $0x3, s25;
	v17 =	vor.u32 v55, v44;
	[tilespmem:v0+s18+$0x0] =	vst.idx.msk $0xffff, v2  }
0x34b: {  	v37 =	vadd.s32 s31, v20;
	v2 =	vld.idx.msk [tilespmem:v10+s14+$0x0], $0xffff;
	[tilespmem:v6+s18+$0x0] =	vst.idx.msk $0xffff, v1  }
0x34c: {  	v35 =	vand.u32 $0xF, v37;
	v0 =	vadd.f32 v8, v41;
	v50 =	vld [tilespmem:$0x1FEB0]  }
0x34d: {  	v1 =	vor.u32 v52, v35  }
0x34e: {  	[tilespmem:v15+s18+$0x0] =	vst.idx.msk $0xffff, v0;
	v0 =	vor.u32 v5, v43;
	v6 =	vld.idx.msk [tilespmem:v13+s14+$0x0], $0xffff  }
0x34f: {  	v19 =	vshll.u32 v4, $0x7;
	v8 =	vor.u32 v58, v63;
	v4 =	vld.idx.msk [tilespmem:v17+s14+$0x0], $0xffff  }
0x350: {  	v10 =	vor.u32 v20, v19;
	v12 =	vor.u32 v25, v24  }
0x351: {  	v13 =	vor.u32 v5, v40;
	v2 =	vadd.f32 v2, v39;
	v18 =	vperm.xlane v50, v28  }
0x352: {  	v15 =	vor.u32 v58, v44;
	v1 =	vld.idx.msk [tilespmem:v1+s14+$0x0], $0xffff  }
0x353: {  	v49 =	vshll.u32 v35, $0x7;
	[tilespmem:v0+s18+$0x0] =	vst.idx.msk $0xffff, v2;
	v6 =	vadd.f32 v6, v18  }
0x354: {  	v0 =	vadd.f32 v4, v41;
	v2 =	vld.idx.msk [tilespmem:v8+s14+$0x0], $0xffff;
	v4 =	vor.u32 v20, v49  }
0x355: {  	v36 =	vperm.xlane v51, v35;
	[tilespmem:v10+s18+$0x0] =	vst.idx.msk $0xffff, v6;
	v6 =	vor.u32 v54, v35  }
0x356: {  	[tilespmem:v13+s18+$0x0] =	vst.idx.msk $0xffff, v0;
	v0 =	vor.u32 v7, v43;
	v8 =	vld.idx.msk [tilespmem:v12+s14+$0x0], $0xffff  }
0x357: {  	v10 =	vld.idx.msk [tilespmem:v15+s14+$0x0], $0xffff;
	v1 =	vadd.f32 v1, v36;
	v12 =	vor.u32 v59, v63  }
0x358: {  	v17 =	vor.u32 v7, v40;
	v13 =	vor.u32 v3, v19  }
0x359: {  	v15 =	vor.u32 v26, v24;
	v2 =	vadd.f32 v2, v39;
	[tilespmem:v4+s18+$0x0] =	vst.idx.msk $0xffff, v1  }
0x35a: {  	v1 =	vor.u32 v59, v44;
	v4 =	vld.idx.msk [tilespmem:v6+s14+$0x0], $0xffff  }
0x35b: {  	[tilespmem:v0+s18+$0x0] =	vst.idx.msk $0xffff, v2;
	v6 =	vadd.f32 v8, v18  }
0x35c: {  	v0 =	vadd.f32 v10, v41;
	v2 =	vld.idx.msk [tilespmem:v12+s14+$0x0], $0xffff;
	v8 =	vor.u32 v3, v49  }
0x35d: {  	[tilespmem:v13+s18+$0x0] =	vst.idx.msk $0xffff, v6;
	v6 =	vor.u32 v55, v35  }
0x35e: {  	[tilespmem:v17+s18+$0x0] =	vst.idx.msk $0xffff, v0;
	v0 =	vor.u32 v9, v43;
	v10 =	vld.idx.msk [tilespmem:v15+s14+$0x0], $0xffff  }
0x35f: {  	v12 =	vor.u32 v21, v63;
	v1 =	vld.idx.msk [tilespmem:v1+s14+$0x0], $0xffff;
	v4 =	vadd.f32 v4, v36  }
0x360: {  	v17 =	vor.u32 v9, v40;
	v13 =	vor.u32 v5, v19  }
0x361: {  	v15 =	vor.u32 v27, v24;
	v2 =	vadd.f32 v2, v39;
	[tilespmem:v8+s18+$0x0] =	vst.idx.msk $0xffff, v4  }
0x362: {  	v4 =	vor.u32 v21, v44;
	v6 =	vld.idx.msk [tilespmem:v6+s14+$0x0], $0xffff  }
0x363: {  	[tilespmem:v0+s18+$0x0] =	vst.idx.msk $0xffff, v2;
	v8 =	vadd.f32 v10, v18  }
0x364: {  	v0 =	vadd.f32 v1, v41;
	v2 =	vor.u32 v5, v49;
	v1 =	vld.idx.msk [tilespmem:v12+s14+$0x0], $0xffff  }
0x365: {  	[tilespmem:v13+s18+$0x0] =	vst.idx.msk $0xffff, v8;
	v8 =	vor.u32 v58, v35  }
0x366: {  	[tilespmem:v17+s18+$0x0] =	vst.idx.msk $0xffff, v0;
	v0 =	vor.u32 v11, v43;
	v10 =	vld.idx.msk [tilespmem:v15+s14+$0x0], $0xffff  }
0x367: {  	v12 =	vor.u32 v22, v63;
	v4 =	vld.idx.msk [tilespmem:v4+s14+$0x0], $0xffff;
	v6 =	vadd.f32 v6, v36  }
0x368: {  	v17 =	vor.u32 v11, v40;
	v13 =	vor.u32 v7, v19  }
0x369: {  	v15 =	vor.u32 v56, v24;
	v1 =	vadd.f32 v1, v39;
	[tilespmem:v2+s18+$0x0] =	vst.idx.msk $0xffff, v6  }
0x36a: {  	v2 =	vor.u32 v22, v44;
	v6 =	vld.idx.msk [tilespmem:v8+s14+$0x0], $0xffff  }
0x36b: {  	[tilespmem:v0+s18+$0x0] =	vst.idx.msk $0xffff, v1;
	v8 =	vadd.f32 v10, v18  }
0x36c: {  	v0 =	vadd.f32 v4, v41;
	v1 =	vld.idx.msk [tilespmem:v12+s14+$0x0], $0xffff;
	v4 =	vor.u32 v7, v49  }
0x36d: {  	[tilespmem:v13+s18+$0x0] =	vst.idx.msk $0xffff, v8;
	v8 =	vor.u32 v59, v35  }
0x36e: {  	[tilespmem:v17+s18+$0x0] =	vst.idx.msk $0xffff, v0;
	v0 =	vor.u32 v14, v43;
	v10 =	vld.idx.msk [tilespmem:v15+s14+$0x0], $0xffff  }
0x36f: {  	v2 =	vld.idx.msk [tilespmem:v2+s14+$0x0], $0xffff;
	v6 =	vadd.f32 v6, v36  }
0x370: {  	s28 =	sor.u32 $0x4, s25;
	v12 =	vor.u32 v23, v63;
	v13 =	vor.u32 v9, v19;
	v17 =	vor.u32 v14, v40  }
0x371: {  	v42 =	vadd.s32 s28, v20;
	v15 =	vor.u32 v57, v24;
	v1 =	vadd.f32 v1, v39;
	[tilespmem:v4+s18+$0x0] =	vst.idx.msk $0xffff, v6  }
0x372: {  	v46 =	vmov v38;
	v38 =	vand.u32 $0xF, v42;
	v4 =	vld.idx.msk [tilespmem:v8+s14+$0x0], $0xffff  }
0x373: {  	v6 =	vor.u32 v52, v38;
	[tilespmem:v0+s18+$0x0] =	vst.idx.msk $0xffff, v1;
	v8 =	vadd.f32 v10, v18  }
0x374: {  	v10 =	vor.u32 v23, v44;
	v0 =	vadd.f32 v2, v41;
	v2 =	vor.u32 v9, v49  }
0x375: {  	v1 =	vld.idx.msk [tilespmem:v12+s14+$0x0], $0xffff;
	v12 =	vor.u32 v21, v35;
	[tilespmem:v13+s18+$0x0] =	vst.idx.msk $0xffff, v8;
	v8 =	vor.u32 $0x20, v33  }
0x376: {  	[tilespmem:v17+s18+$0x0] =	vst.idx.msk $0xffff, v0;
	v0 =	vand.u32 $0x7, v46;
	v13 =	vld.idx.msk [tilespmem:v15+s14+$0x0], $0xffff;
	v15 =	vand.u32 $0x28, v8  }
0x377: {  	v47 =	vor.u32 v0, v15;
	v0 =	vadd.f32 v4, v36  }
0x378: {  	v4 =	vld.idx.msk [tilespmem:v6+s14+$0x0], $0xffff  }
0x379: {  	v17 =	vor.u32 v16, v43;
	v6 =	vld.idx.msk [tilespmem:v10+s14+$0x0], $0xffff;
	[tilespmem:v2+s18+$0x0] =	vst.idx.msk $0xffff, v0  }
0x37a: {  	v2 =	vld.idx.msk [tilespmem:v12+s14+$0x0], $0xffff  }
0x37b: {  	v12 =	vld [tilespmem:$0x1FFF0]  }
0x37c: {  	v54 =	vshll.u32 v38, $0x7;
	v1 =	vadd.f32 v1, v39;
	v60 =	vadd.f32 v13, v18;
	v13 =	vld [tilespmem:$0x1FFC0]  }
0x37d: {  	v10 =	vor.u32 v52, v47;
	v0 =	vor.u32 v20, v54  }
0x37e: {  	s29 =	sor.u32 $0x5, s25;
	v52 =	vperm.xlane v51, v38;
	[tilespmem:v17+s18+$0x0] =	vst.idx.msk $0xffff, v1;
	v17 =	vor.u32 v16, v40  }
0x37f: {  	v43 =	vadd.s32 s29, v20;
	v1 =	vor.u32 v11, v49  }
0x380: {  	v39 =	vand.u32 $0xF, v43;
	v4 =	vadd.f32 v4, v52;
	v12 =	vor.u32 v12, v38  }
0x381: {  	[tilespmem:$0x1FE70] =	vst v18;
	v6 =	vadd.f32 v6, v41;
	v13 =	vor.u32 v13, v39  }
0x382: {  	v18 =	vld [tilespmem:$0x1FFC0];
	[tilespmem:v0+s18+$0x0] =	vst.idx.msk $0xffff, v4;
	v0 =	vadd.f32 v2, v36  }
0x383: {  	v15 =	vor.u32 v22, v35;
	[tilespmem:v17+s18+$0x0] =	vst.idx.msk $0xffff, v6;
	v6 =	vld [tilespmem:$0x1FFF0]  }
0x384: {  	[tilespmem:v1+s18+$0x0] =	vst.idx.msk $0xffff, v0;
	v1 =	vld [tilespmem:$0x1FFC0]  }
0x385: {  	v2 =	vld.idx.msk [tilespmem:v12+s14+$0x0], $0xffff  }
0x386: {  	v61 =	vor.u32 $0x30, v45;
	v4 =	vld.idx.msk [tilespmem:v13+s14+$0x0], $0xffff  }
0x387: {  	v28 =	vand.u32 $0x3F, v61;
	v57 =	vshll.u32 v39, $0x7;
	v12 =	vld [tilespmem:$0x1FFC0]  }
0x388: {  	v18 =	vor.u32 v18, v28;
	v13 =	vld.idx.msk [tilespmem:v15+s14+$0x0], $0xffff;
	v15 =	vor.u32 v20, v57  }
0x389: {  	s30 =	sor.u32 $0x6, s25;
	s31 =	sor.u32 $0x7, s25;
	v56 =	vperm.xlane v51, v39;
	v6 =	vor.u32 v6, v39  }
0x38a: {  	v30 =	vadd.s32 s30, v20;
	v44 =	vadd.s32 s31, v20  }
0x38b: {  	v25 =	vld [tilespmem:$0x1FFD0];
	v46 =	vperm.xlane v48, v33;
	v41 =	vand.u32 $0xF, v30;
	v4 =	vadd.f32 v4, v56  }
0x38c: {  	v32 =	vmovc v48;
	[tilespmem:$0x1FE50] =	vst v24;
	v24 =	vld [tilespmem:$0x1FFF0];
	v48 =	vshll.u32 v8, $0x7;
	v40 =	vand.u32 $0xF, v44;
	v12 =	vor.u32 v12, v41  }
0x38d: {  	v0 =	vor.u32 v3, v54;
	v8 =	vld.idx.msk [tilespmem:v18+s14+$0x0], $0xffff;
	v1 =	vor.u32 v1, v40;
	[tilespmem:v15+s18+$0x0] =	vst.idx.msk $0xffff, v4  }
0x38e: {  	v4 =	vld.idx.msk [tilespmem:v6+s14+$0x0], $0xffff  }
0x38f: {  	v17 =	vor.u32 v14, v49;
	v18 =	vor.u32 v55, v38;
	v6 =	vld [tilespmem:$0x1FFF0]  }
0x390: {  	v45 =	vor.u32 v23, v35;
	v2 =	vadd.f32 v2, v52;
	v15 =	vld [tilespmem:$0x1FFF0]  }
0x391: {  	v63 =	vor.u32 v5, v54;
	v12 =	vld.idx.msk [tilespmem:v12+s14+$0x0], $0xffff  }
0x392: {  	v58 =	vshll.u32 v41, $0x7;
	[tilespmem:v0+s18+$0x0] =	vst.idx.msk $0xffff, v2;
	v0 =	vld.idx.msk [tilespmem:v1+s14+$0x0], $0xffff;
	v1 =	vadd.f32 v13, v36  }
0x393: {  	v59 =	vshll.u32 v40, $0x7;
	v10 =	vld.idx.msk [tilespmem:v10+s14+$0x0], $0xffff;
	v53 =	vperm.xlane v51, v41;
	v2 =	vor.u32 v20, v58  }
0x394: {  	v13 =	vor.u32 v20, v59;
	[tilespmem:v17+s18+$0x0] =	vst.idx.msk $0xffff, v1;
	v1 =	vld.idx.msk [tilespmem:v18+s14+$0x0], $0xffff;
	v6 =	vor.u32 v6, v41  }
0x395: {  	v55 =	vperm.xlane v51, v40;
	v18 =	vld.idx.msk [tilespmem:v45+s14+$0x0], $0xffff;
	v45 =	vor.u32 v3, v57;
	v15 =	vor.u32 v15, v40  }
0x396: {  	v62 =	vor.u32 v24, v47;
	v24 =	vor.u32 v29, v39;
	v12 =	vadd.f32 v12, v53  }
0x397: {  	v31 =	vperm.xlane v50, v31;
	v26 =	vld [tilespmem:$0x1FFE0];
	v27 =	vmovc v19;
	v19 =	vor.u32 v20, v48;
	v0 =	vadd.f32 v0, v55  }
0x398: {  	v25 =	vor.u32 v25, v38;
	v4 =	vadd.f32 v4, v56;
	[tilespmem:v2+s18+$0x0] =	vst.idx.msk $0xffff, v12;
	v2 =	vld [tilespmem:$0x1FFC0]  }
0x399: {  	v49 =	vor.u32 v16, v49;
	[tilespmem:v13+s18+$0x0] =	vst.idx.msk $0xffff, v0;
	v1 =	vadd.f32 v1, v52;
	v6 =	vld.idx.msk [tilespmem:v6+s14+$0x0], $0xffff  }
0x39a: {  	v10 =	vadd.f32 v10, v46;
	v0 =	vadd.f32 v8, v31;
	[tilespmem:v45+s18+$0x0] =	vst.idx.msk $0xffff, v4;
	v8 =	vld.idx.msk [tilespmem:v15+s14+$0x0], $0xffff  }
0x39b: {  	v17 =	vor.u32 $0x10, v37;
	v4 =	vor.u32 v3, v58;
	[tilespmem:v63+s18+$0x0] =	vst.idx.msk $0xffff, v1;
	v1 =	vld.idx.msk [tilespmem:v24+s14+$0x0], $0xffff  }
0x39c: {  	[tilespmem:v19+s18+$0x0] =	vst.idx.msk $0xffff, v10;
	v51 =	vand.u32 $0x1F, v17;
	v12 =	vadd.f32 v18, v36;
	v24 =	vld [tilespmem:$0x1FFD0];
	v15 =	vor.u32 v3, v59  }
0x39d: {  	v10 =	vld.idx.msk [tilespmem:v62+s14+$0x0], $0xffff;
	v50 =	vshll.u32 v17, $0x7;
	v17 =	vor.u32 v5, v57;
	v2 =	vor.u32 v2, v51  }
0x39e: {  	v13 =	vor.u32 v29, v41;
	[tilespmem:v49+s18+$0x0] =	vst.idx.msk $0xffff, v12;
	v12 =	vld.idx.msk [tilespmem:v25+s14+$0x0], $0xffff;
	v6 =	vadd.f32 v6, v53  }
0x39f: {  	v63 =	vor.u32 v26, v38;
	v26 =	vld [tilespmem:$0x1FFE0];
	v18 =	vor.u32 v29, v40;
	v8 =	vadd.f32 v8, v55  }
0x3a0: {  	v19 =	vor.u32 v7, v54;
	[tilespmem:v4+s18+$0x0] =	vst.idx.msk $0xffff, v6;
	v4 =	vld [tilespmem:$0x1FFF0]  }
0x3a1: {  	v24 =	vor.u32 v24, v39;
	[tilespmem:v15+s18+$0x0] =	vst.idx.msk $0xffff, v8;
	v15 =	vld [tilespmem:$0x1FFD0]  }
0x3a2: {  	v1 =	vadd.f32 v1, v56;
	v2 =	vld.idx.msk [tilespmem:v2+s14+$0x0], $0xffff  }
0x3a3: {  	v12 =	vadd.f32 v12, v52;
	v6 =	vld.idx.msk [tilespmem:v13+s14+$0x0], $0xffff  }
0x3a4: {  	v49 =	vperm.xlane v34, v35;
	v25 =	vor.u32 v20, v50;
	[tilespmem:v17+s18+$0x0] =	vst.idx.msk $0xffff, v1;
	v13 =	vld.idx.msk [tilespmem:v18+s14+$0x0], $0xffff  }
0x3a5: {  	[tilespmem:v19+s18+$0x0] =	vst.idx.msk $0xffff, v12;
	v19 =	vld [tilespmem:$0x1FFD0];
	v18 =	vor.u32 v3, v48;
	v4 =	vor.u32 v4, v51  }
0x3a6: {  	v17 =	vor.u32 v5, v59;
	v12 =	vld.idx.msk [tilespmem:v24+s14+$0x0], $0xffff;
	v24 =	vor.u32 v29, v47  }
0x3a7: {  	v2 =	vadd.f32 v2, v49  }
0x3a8: {  	v62 =	vor.u32 v9, v54;
	v10 =	vadd.f32 v10, v46;
	v1 =	vor.u32 v5, v58  }
0x3a9: {  	v15 =	vor.u32 v15, v41;
	v13 =	vadd.f32 v13, v55;
	[tilespmem:v25+s18+$0x0] =	vst.idx.msk $0xffff, v2;
	v2 =	vld.idx.msk [tilespmem:v63+s14+$0x0], $0xffff  }
0x3aa: {  	v19 =	vor.u32 v19, v40;
	[tilespmem:v18+s18+$0x0] =	vst.idx.msk $0xffff, v10;
	v25 =	vor.u32 v7, v57;
	v4 =	vld.idx.msk [tilespmem:v4+s14+$0x0], $0xffff  }
0x3ab: {  	v6 =	vadd.f32 v6, v53;
	v63 =	vor.u32 v26, v39;
	[tilespmem:v17+s18+$0x0] =	vst.idx.msk $0xffff, v13;
	v13 =	vld.idx.msk [tilespmem:v24+s14+$0x0], $0xffff  }
0x3ac: {  	v26 =	vor.u32 v3, v50;
	v24 =	vld [tilespmem:$0x1FFF0]  }
0x3ad: {  	v12 =	vadd.f32 v12, v56;
	[tilespmem:v1+s18+$0x0] =	vst.idx.msk $0xffff, v6;
	v1 =	vor.u32 v21, v38;
	v17 =	vld [tilespmem:$0x1FFE0]  }
0x3ae: {  	v36 =	vshll.u32 v61, $0x7;
	v6 =	vor.u32 v29, v51;
	v15 =	vld.idx.msk [tilespmem:v15+s14+$0x0], $0xffff;
	v2 =	vadd.f32 v2, v52  }
0x3af: {  	v10 =	vld.idx.msk [tilespmem:v19+s14+$0x0], $0xffff;
	v19 =	vor.u32 v20, v36;
	[tilespmem:v25+s18+$0x0] =	vst.idx.msk $0xffff, v12;
	v4 =	vadd.f32 v4, v49  }
0x3b0: {  	v12 =	vor.u32 v7, v58;
	[tilespmem:v62+s18+$0x0] =	vst.idx.msk $0xffff, v2;
	v2 =	vld.idx.msk [tilespmem:v63+s14+$0x0], $0xffff  }
0x3b1: {  	v18 =	vor.u32 v7, v59;
	v24 =	vor.u32 v24, v28;
	[tilespmem:v26+s18+$0x0] =	vst.idx.msk $0xffff, v4;
	v4 =	vld [tilespmem:$0x1FFE0]  }
0x3b2: {  	v61 =	vor.u32 v21, v39;
	v1 =	vld.idx.msk [tilespmem:v1+s14+$0x0], $0xffff  }
0x3b3: {  	v17 =	vor.u32 v17, v41;
	v25 =	vor.u32 v9, v57;
	v15 =	vadd.f32 v15, v53;
	v6 =	vld.idx.msk [tilespmem:v6+s14+$0x0], $0xffff  }
0x3b4: {  	v10 =	vadd.f32 v10, v55;
	[tilespmem:v19+s18+$0x0] =	vst.idx.msk $0xffff, v0;
	v26 =	vor.u32 v11, v54  }
0x3b5: {  	v62 =	vor.u32 v5, v50;
	[tilespmem:v12+s18+$0x0] =	vst.idx.msk $0xffff, v15;
	v12 =	vor.u32 v22, v38;
	v15 =	vld [tilespmem:$0x1FFD0]  }
0x3b6: {  	[tilespmem:v18+s18+$0x0] =	vst.idx.msk $0xffff, v10;
	v10 =	vld.idx.msk [tilespmem:v24+s14+$0x0], $0xffff;
	v2 =	vadd.f32 v2, v56;
	v4 =	vor.u32 v4, v40  }
0x3b7: {  	v24 =	vld [tilespmem:$0x1FFD0];
	v1 =	vadd.f32 v1, v52  }
0x3b8: {  	v17 =	vld.idx.msk [tilespmem:v17+s14+$0x0], $0xffff;
	[tilespmem:v25+s18+$0x0] =	vst.idx.msk $0xffff, v2;
	v6 =	vadd.f32 v6, v49  }
0x3b9: {  	v19 =	vor.u32 v5, v48;
	[tilespmem:v26+s18+$0x0] =	vst.idx.msk $0xffff, v1;
	v1 =	vld.idx.msk [tilespmem:v61+s14+$0x0], $0xffff  }
0x3ba: {  	v2 =	vor.u32 v9, v58;
	v15 =	vor.u32 v15, v51;
	[tilespmem:v62+s18+$0x0] =	vst.idx.msk $0xffff, v6;
	v6 =	vld.idx.msk [tilespmem:v12+s14+$0x0], $0xffff  }
0x3bb: {  	v8 =	vor.u32 v11, v27;
	v25 =	vor.u32 v11, v57;
	v4 =	vld.idx.msk [tilespmem:v4+s14+$0x0], $0xffff  }
0x3bc: {  	v0 =	vadd.f32 v13, v46;
	v13 =	vor.u32 v21, v41;
	v26 =	vor.u32 v14, v54  }
0x3bd: {  	[tilespmem:$0x1FE60] =	vst v27;
	v18 =	vor.u32 v9, v59;
	v61 =	vor.u32 v22, v39;
	v17 =	vadd.f32 v17, v53  }
0x3be: {  	v45 =	vmov v27;
	v27 =	vld [tilespmem:$0x1FFC0];
	[tilespmem:v19+s18+$0x0] =	vst.idx.msk $0xffff, v0;
	v12 =	vor.u32 v21, v40;
	v1 =	vadd.f32 v1, v56  }
0x3bf: {  	[tilespmem:v2+s18+$0x0] =	vst.idx.msk $0xffff, v17;
	v2 =	vor.u32 v23, v38;
	v15 =	vld.idx.msk [tilespmem:v15+s14+$0x0], $0xffff;
	v0 =	vadd.f32 v6, v52  }
0x3c0: {  	v24 =	vor.u32 v24, v47;
	v17 =	vld [tilespmem:$0x1FFE0];
	[tilespmem:v25+s18+$0x0] =	vst.idx.msk $0xffff, v1;
	v4 =	vadd.f32 v4, v55  }
0x3c1: {  	v13 =	vld.idx.msk [tilespmem:v13+s14+$0x0], $0xffff;
	[tilespmem:v26+s18+$0x0] =	vst.idx.msk $0xffff, v0  }
0x3c2: {  	v62 =	vor.u32 v7, v50;
	v0 =	vld.idx.msk [tilespmem:v61+s14+$0x0], $0xffff;
	[tilespmem:v18+s18+$0x0] =	vst.idx.msk $0xffff, v4  }
0x3c3: {  	v1 =	vor.u32 v11, v58;
	v6 =	vld.idx.msk [tilespmem:v12+s14+$0x0], $0xffff  }
0x3c4: {  	v2 =	vld.idx.msk [tilespmem:v2+s14+$0x0], $0xffff;
	v12 =	vadd.f32 v15, v49;
	v15 =	vor.u32 v22, v41  }
0x3c5: {  	[tilespmem:v8+s18+$0x0] =	vst.idx.msk $0xffff, v60;
	v4 =	vadd.f32 v10, v31;
	v10 =	vld.idx.msk [tilespmem:v24+s14+$0x0], $0xffff;
	v18 =	vor.u32 v11, v59  }
0x3c6: {  	v25 =	vor.u32 v14, v57;
	v17 =	vor.u32 v17, v51;
	v13 =	vadd.f32 v13, v53  }
0x3c7: {  	v8 =	vor.u32 v23, v39;
	v24 =	vor.u32 v16, v54;
	[tilespmem:v62+s18+$0x0] =	vst.idx.msk $0xffff, v12;
	v12 =	vor.u32 $0x10, v42  }
0x3c8: {  	v19 =	vor.u32 v22, v40;
	[tilespmem:v1+s18+$0x0] =	vst.idx.msk $0xffff, v13;
	v54 =	vand.u32 $0x1F, v12;
	v6 =	vadd.f32 v6, v55  }
0x3c9: {  	v0 =	vadd.f32 v0, v56;
	v2 =	vadd.f32 v2, v52;
	v60 =	vor.u32 v27, v54;
	v13 =	vld.idx.msk [tilespmem:v15+s14+$0x0], $0xffff  }
0x3ca: {  	[tilespmem:v18+s18+$0x0] =	vst.idx.msk $0xffff, v6;
	v6 =	vadd.f32 v10, v46;
	v10 =	vor.u32 v7, v48  }
0x3cb: {  	v17 =	vld.idx.msk [tilespmem:v17+s14+$0x0], $0xffff;
	[tilespmem:v25+s18+$0x0] =	vst.idx.msk $0xffff, v0;
	v0 =	vor.u32 v14, v58  }
0x3cc: {  	v26 =	vor.u32 v3, v36;
	[tilespmem:v24+s18+$0x0] =	vst.idx.msk $0xffff, v2;
	v2 =	vld.idx.msk [tilespmem:v8+s14+$0x0], $0xffff  }
0x3cd: {  	v15 =	vld.idx.msk [tilespmem:v19+s14+$0x0], $0xffff  }
0x3ce: {  	v24 =	vld.idx.msk [tilespmem:v60+s14+$0x0], $0xffff;
	v13 =	vadd.f32 v13, v53  }
0x3cf: {  	v8 =	vor.u32 v23, v41;
	[tilespmem:v10+s18+$0x0] =	vst.idx.msk $0xffff, v6;
	v6 =	vld [tilespmem:$0x1FFC0]  }
0x3d0: {  	v19 =	vor.u32 v9, v50;
	[tilespmem:v0+s18+$0x0] =	vst.idx.msk $0xffff, v13;
	v0 =	vld [tilespmem:$0x1FFF0]  }
0x3d1: {  	[tilespmem:v26+s18+$0x0] =	vst.idx.msk $0xffff, v4;
	v4 =	vor.u32 v16, v57;
	v57 =	vshll.u32 v12, $0x7;
	v18 =	vor.u32 v14, v59  }
0x3d2: {  	v52 =	vperm.xlane v34, v38;
	v25 =	vor.u32 $0x10, v43;
	v60 =	vor.u32 v23, v40  }
0x3d3: {  	v12 =	vor.u32 v20, v57;
	v62 =	vand.u32 $0x1F, v25;
	v17 =	vadd.f32 v17, v49  }
0x3d4: {  	v2 =	vadd.f32 v2, v56;
	v10 =	vadd.f32 v15, v55;
	v8 =	vld.idx.msk [tilespmem:v8+s14+$0x0], $0xffff;
	v6 =	vor.u32 v6, v62  }
0x3d5: {  	[tilespmem:v19+s18+$0x0] =	vst.idx.msk $0xffff, v17;
	v13 =	vadd.f32 v24, v52;
	v24 =	vld [tilespmem:$0x1FFC0];
	v0 =	vor.u32 v0, v54  }
0x3d6: {  	v17 =	vld [tilespmem:$0x1FFF0];
	[tilespmem:v18+s18+$0x0] =	vst.idx.msk $0xffff, v10  }
0x3d7: {  	[tilespmem:v4+s18+$0x0] =	vst.idx.msk $0xffff, v2;
	v18 =	vld.idx.msk [tilespmem:v60+s14+$0x0], $0xffff  }
0x3d8: {  	v1 =	vor.u32 v29, v28;
	v2 =	vor.u32 v16, v58;
	v15 =	vor.u32 $0x10, v30;
	[tilespmem:v12+s18+$0x0] =	vst.idx.msk $0xffff, v13;
	v12 =	vld [tilespmem:$0x1FFC0]  }
0x3d9: {  	v26 =	vor.u32 v16, v59;
	v56 =	vand.u32 $0x1F, v15;
	v6 =	vld.idx.msk [tilespmem:v6+s14+$0x0], $0xffff  }
0x3da: {  	v61 =	vshll.u32 v25, $0x7;
	v24 =	vor.u32 v24, v56;
	v0 =	vld.idx.msk [tilespmem:v0+s14+$0x0], $0xffff  }
0x3db: {  	v25 =	vor.u32 v3, v57;
	v13 =	vor.u32 v20, v61;
	v8 =	vadd.f32 v8, v53  }
0x3dc: {  	v4 =	vor.u32 $0x10, v44;
	v58 =	vperm.xlane v34, v39;
	v18 =	vadd.f32 v18, v55  }
0x3dd: {  	v1 =	vld.idx.msk [tilespmem:v1+s14+$0x0], $0xffff;
	v10 =	vor.u32 v21, v51;
	v60 =	vand.u32 $0x1F, v4;
	[tilespmem:v2+s18+$0x0] =	vst.idx.msk $0xffff, v8  }
0x3de: {  	v12 =	vor.u32 v12, v60;
	[tilespmem:v26+s18+$0x0] =	vst.idx.msk $0xffff, v18;
	v18 =	vld [tilespmem:$0x1FFE0];
	v6 =	vadd.f32 v6, v58  }
0x3df: {  	v17 =	vor.u32 v17, v62;
	v8 =	vld.idx.msk [tilespmem:v24+s14+$0x0], $0xffff;
	v0 =	vadd.f32 v0, v52  }
0x3e0: {  	v63 =	vshll.u32 v15, $0x7;
	v2 =	vor.u32 v29, v54;
	[tilespmem:v13+s18+$0x0] =	vst.idx.msk $0xffff, v6;
	v13 =	vld [tilespmem:$0x1FFF0]  }
0x3e1: {  	v6 =	vor.u32 v20, v63;
	[tilespmem:v25+s18+$0x0] =	vst.idx.msk $0xffff, v0;
	v0 =	vld [tilespmem:$0x1FFF0]  }
0x3e2: {  	v19 =	vor.u32 v5, v36;
	v53 =	vperm.xlane v34, v41;
	v10 =	vld.idx.msk [tilespmem:v10+s14+$0x0], $0xffff  }
0x3e3: {  	v12 =	vld.idx.msk [tilespmem:v12+s14+$0x0], $0xffff;
	v18 =	vor.u32 v18, v47  }
0x3e4: {  	v59 =	vshll.u32 v4, $0x7;
	v8 =	vadd.f32 v8, v53;
	v4 =	vld.idx.msk [tilespmem:v17+s14+$0x0], $0xffff  }
0x3e5: {  	v1 =	vadd.f32 v1, v31;
	v15 =	vor.u32 v20, v59;
	v2 =	vld.idx.msk [tilespmem:v2+s14+$0x0], $0xffff;
	v13 =	vor.u32 v13, v56  }
0x3e6: {  	v55 =	vperm.xlane v34, v40;
	v0 =	vor.u32 v0, v60;
	[tilespmem:v6+s18+$0x0] =	vst.idx.msk $0xffff, v8;
	v6 =	vld [tilespmem:$0x1FFD0]  }
0x3e7: {  	[tilespmem:v19+s18+$0x0] =	vst.idx.msk $0xffff, v1;
	v25 =	vor.u32 v3, v61  }
0x3e8: {  	v24 =	vor.u32 v11, v50;
	v12 =	vadd.f32 v12, v55;
	v1 =	vld.idx.msk [tilespmem:v18+s14+$0x0], $0xffff;
	v18 =	vor.u32 v29, v62  }
0x3e9: {  	v19 =	vor.u32 v5, v57;
	v17 =	vor.u32 v22, v51  }
0x3ea: {  	[tilespmem:v15+s18+$0x0] =	vst.idx.msk $0xffff, v12;
	v12 =	vor.u32 v9, v48;
	v4 =	vadd.f32 v4, v58;
	v8 =	vld.idx.msk [tilespmem:v13+s14+$0x0], $0xffff  }
0x3eb: {  	v10 =	vadd.f32 v10, v49;
	v2 =	vadd.f32 v2, v52;
	v6 =	vor.u32 v6, v54;
	v0 =	vld.idx.msk [tilespmem:v0+s14+$0x0], $0xffff  }
0x3ec: {  	[tilespmem:v25+s18+$0x0] =	vst.idx.msk $0xffff, v4;
	v4 =	vor.u32 v3, v63;
	v13 =	vor.u32 v21, v47  }
0x3ed: {  	[tilespmem:v24+s18+$0x0] =	vst.idx.msk $0xffff, v10;
	v1 =	vadd.f32 v1, v46;
	v15 =	vld.idx.msk [tilespmem:v18+s14+$0x0], $0xffff;
	v18 =	vor.u32 v3, v59  }
0x3ee: {  	v10 =	vld.idx.msk [tilespmem:v17+s14+$0x0], $0xffff;
	v17 =	vor.u32 v29, v56;
	[tilespmem:v19+s18+$0x0] =	vst.idx.msk $0xffff, v2  }
0x3ef: {  	[tilespmem:v12+s18+$0x0] =	vst.idx.msk $0xffff, v1;
	v1 =	vld [tilespmem:$0x1FFD0];
	v8 =	vadd.f32 v8, v53  }
0x3f0: {  	v6 =	vld.idx.msk [tilespmem:v6+s14+$0x0], $0xffff;
	v0 =	vadd.f32 v0, v55  }
0x3f1: {  	v12 =	vld.idx.msk [tilespmem:v13+s14+$0x0], $0xffff;
	[tilespmem:v4+s18+$0x0] =	vst.idx.msk $0xffff, v8  }
0x3f2: {  	v24 =	vor.u32 v14, v50;
	[tilespmem:v18+s18+$0x0] =	vst.idx.msk $0xffff, v0;
	v0 =	vld [tilespmem:$0x1FFA0]  }
0x3f3: {  	v25 =	vor.u32 v5, v61;
	v8 =	vadd.f32 v15, v58;
	v15 =	vld.idx.msk [tilespmem:v17+s14+$0x0], $0xffff  }
0x3f4: {  	v13 =	vor.u32 v7, v57;
	v17 =	vld [tilespmem:$0x1FE50]  }
0x3f5: {  	v10 =	vadd.f32 v10, v49;
	v4 =	vld [tilespmem:$0x1FFE0]  }
0x3f6: {  	v19 =	vor.u32 v23, v51  }
0x3f7: {  	[tilespmem:v24+s18+$0x0] =	vst.idx.msk $0xffff, v10;
	v1 =	vor.u32 v1, v62;
	v18 =	vld [tilespmem:$0x1FFD0];
	v6 =	vadd.f32 v6, v52  }
0x3f8: {  	v2 =	vor.u32 v29, v60;
	[tilespmem:v25+s18+$0x0] =	vst.idx.msk $0xffff, v8;
	v25 =	vor.u32 $0x20, v35  }
0x3f9: {  	[tilespmem:v13+s18+$0x0] =	vst.idx.msk $0xffff, v6;
	v13 =	vand.u32 $0x28, v25;
	v0 =	vor.u32 v0, v17;
	v17 =	vand.u32 $0x7, v37  }
0x3fa: {  	v24 =	vor.u32 v16, v50;
	v4 =	vor.u32 v4, v54;
	v50 =	vor.u32 v17, v13;
	v13 =	vld [tilespmem:$0x1FFE0]  }
0x3fb: {  	v10 =	vld.idx.msk [tilespmem:v19+s14+$0x0], $0xffff;
	v8 =	vor.u32 v5, v63  }
0x3fc: {  	v1 =	vld.idx.msk [tilespmem:v1+s14+$0x0], $0xffff;
	v18 =	vor.u32 v18, v56  }
0x3fd: {  	v6 =	vld [tilespmem:$0x1FFD0]  }
0x3fe: {  	v26 =	vor.u32 v7, v61;
	v2 =	vld.idx.msk [tilespmem:v2+s14+$0x0], $0xffff;
	v15 =	vadd.f32 v15, v53  }
0x3ff: {  	v4 =	vld.idx.msk [tilespmem:v4+s14+$0x0], $0xffff;
	v13 =	vor.u32 v13, v62  }
0x400: {  	v19 =	vor.u32 v5, v59;
	v17 =	vld [tilespmem:$0x1FFC0];
	[tilespmem:v8+s18+$0x0] =	vst.idx.msk $0xffff, v15  }
0x401: {  	v8 =	vor.u32 v9, v57;
	v1 =	vadd.f32 v1, v58;
	v18 =	vld.idx.msk [tilespmem:v18+s14+$0x0], $0xffff  }
0x402: {  	v10 =	vadd.f32 v10, v49;
	v6 =	vor.u32 v6, v60  }
0x403: {  	v2 =	vadd.f32 v2, v55;
	[tilespmem:v26+s18+$0x0] =	vst.idx.msk $0xffff, v1;
	v1 =	vor.u32 v7, v63  }
0x404: {  	[tilespmem:v24+s18+$0x0] =	vst.idx.msk $0xffff, v10;
	v4 =	vadd.f32 v4, v52;
	v10 =	vld.idx.msk [tilespmem:v13+s14+$0x0], $0xffff  }
0x405: {  	[tilespmem:v19+s18+$0x0] =	vst.idx.msk $0xffff, v2;
	v17 =	vor.u32 v17, v50;
	v13 =	vld [tilespmem:$0x1FFE0]  }
0x406: {  	v15 =	vor.u32 v21, v54;
	v18 =	vadd.f32 v18, v53;
	[tilespmem:v8+s18+$0x0] =	vst.idx.msk $0xffff, v4;
	v4 =	vld [tilespmem:$0x1FFE0]  }
0x407: {  	v6 =	vld.idx.msk [tilespmem:v6+s14+$0x0], $0xffff  }
0x408: {  	[tilespmem:v1+s18+$0x0] =	vst.idx.msk $0xffff, v18;
	v1 =	vld [tilespmem:$0x1FFF0]  }
0x409: {  	v2 =	vadd.f32 v12, v46;
	v12 =	vor.u32 v11, v48  }
0x40a: {  	v19 =	vor.u32 v7, v59;
	v17 =	vld.idx.msk [tilespmem:v17+s14+$0x0], $0xffff;
	v13 =	vor.u32 v13, v56  }
0x40b: {  	v51 =	vshll.u32 v25, $0x7;
	v8 =	vld.idx.msk [tilespmem:v15+s14+$0x0], $0xffff;
	v15 =	vor.u32 v9, v61;
	v4 =	vor.u32 v4, v60  }
0x40c: {  	v24 =	vor.u32 v20, v51;
	v25 =	vor.u32 v21, v62  }
0x40d: {  	v49 =	vperm.xlane v32, v35;
	v6 =	vadd.f32 v6, v55;
	v1 =	vor.u32 v1, v50  }
0x40e: {  	[tilespmem:v12+s18+$0x0] =	vst.idx.msk $0xffff, v2;
	v18 =	vor.u32 v11, v57;
	v10 =	vadd.f32 v10, v58  }
0x40f: {  	[tilespmem:v19+s18+$0x0] =	vst.idx.msk $0xffff, v6;
	v6 =	vor.u32 v22, v54;
	v2 =	vadd.f32 v17, v49;
	v13 =	vld.idx.msk [tilespmem:v13+s14+$0x0], $0xffff  }
0x410: {  	[tilespmem:v15+s18+$0x0] =	vst.idx.msk $0xffff, v10;
	v4 =	vld.idx.msk [tilespmem:v4+s14+$0x0], $0xffff  }
0x411: {  	v8 =	vadd.f32 v8, v52;
	v10 =	vor.u32 v9, v63;
	[tilespmem:v24+s18+$0x0] =	vst.idx.msk $0xffff, v2;
	v2 =	vld.idx.msk [tilespmem:v25+s14+$0x0], $0xffff  }
0x412: {  	v15 =	vor.u32 v9, v59;
	v1 =	vld.idx.msk [tilespmem:v1+s14+$0x0], $0xffff  }
0x413: {  	[tilespmem:v18+s18+$0x0] =	vst.idx.msk $0xffff, v8;
	v8 =	vor.u32 v21, v60;
	v18 =	vor.u32 v11, v61  }
0x414: {  	v24 =	vor.u32 v3, v51;
	v25 =	vor.u32 v22, v62;
	v6 =	vld.idx.msk [tilespmem:v6+s14+$0x0], $0xffff;
	v13 =	vadd.f32 v13, v53  }
0x415: {  	v20 =	vld [tilespmem:$0x1FE70];
	v4 =	vadd.f32 v4, v55  }
0x416: {  	v0 =	vld.idx.msk [tilespmem:v0+s14+$0x0], $0xffff;
	v2 =	vadd.f32 v2, v58;
	[tilespmem:v10+s18+$0x0] =	vst.idx.msk $0xffff, v13;
	v13 =	vor.u32 v14, v57  }
0x417: {  	v12 =	vor.u32 v21, v56;
	v19 =	vld [tilespmem:$0x1FFD0];
	v1 =	vadd.f32 v1, v49;
	[tilespmem:v15+s18+$0x0] =	vst.idx.msk $0xffff, v4  }
0x418: {  	[tilespmem:v18+s18+$0x0] =	vst.idx.msk $0xffff, v2;
	v8 =	vld.idx.msk [tilespmem:v8+s14+$0x0], $0xffff  }
0x419: {  	v6 =	vadd.f32 v6, v52;
	[tilespmem:v24+s18+$0x0] =	vst.idx.msk $0xffff, v1;
	v1 =	vld.idx.msk [tilespmem:v25+s14+$0x0], $0xffff  }
0x41a: {  	v15 =	vor.u32 v23, v54;
	v24 =	vor.u32 v11, v59  }
0x41b: {  	[tilespmem:v13+s18+$0x0] =	vst.idx.msk $0xffff, v6;
	v6 =	vor.u32 v14, v61;
	v13 =	vor.u32 v22, v60  }
0x41c: {  	v12 =	vld.idx.msk [tilespmem:v12+s14+$0x0], $0xffff  }
0x41d: {  	v19 =	vor.u32 v19, v28;
	v4 =	vor.u32 v14, v45;
	v8 =	vadd.f32 v8, v55  }
0x41e: {  	v0 =	vadd.f32 v0, v20;
	v20 =	vld [tilespmem:$0x1FFE0];
	v2 =	vor.u32 v11, v63;
	v1 =	vadd.f32 v1, v58  }
0x41f: {  	v18 =	vor.u32 v22, v56;
	v15 =	vld.idx.msk [tilespmem:v15+s14+$0x0], $0xffff;
	[tilespmem:v24+s18+$0x0] =	vst.idx.msk $0xffff, v8  }
0x420: {  	[tilespmem:v6+s18+$0x0] =	vst.idx.msk $0xffff, v1;
	v6 =	vld.idx.msk [tilespmem:v13+s14+$0x0], $0xffff  }
0x421: {  	v12 =	vadd.f32 v12, v53;
	v13 =	vld [tilespmem:$0x1FFC0]  }
0x422: {  	v19 =	vld.idx.msk [tilespmem:v19+s14+$0x0], $0xffff;
	v54 =	vor.u32 v23, v62;
	[tilespmem:v4+s18+$0x0] =	vst.idx.msk $0xffff, v0  }
0x423: {  	v45 =	vor.u32 v16, v57;
	v4 =	vor.u32 v23, v56;
	v56 =	vld [tilespmem:$0x1FFD0];
	[tilespmem:v2+s18+$0x0] =	vst.idx.msk $0xffff, v12;
	v2 =	vor.u32 $0x20, v38  }
0x424: {  	v26 =	vor.u32 v20, v28;
	v12 =	vand.u32 $0x7, v42;
	v8 =	vand.u32 $0x28, v2;
	v18 =	vld.idx.msk [tilespmem:v18+s14+$0x0], $0xffff  }
0x425: {  	v20 =	vor.u32 v14, v59;
	v25 =	vor.u32 v7, v36;
	v57 =	vor.u32 v12, v8  }
0x426: {  	v1 =	vor.u32 v14, v63;
	v12 =	vadd.f32 v15, v52;
	v13 =	vor.u32 v13, v57  }
0x427: {  	v34 =	vmovc v32;
	v17 =	vor.u32 v22, v47;
	v10 =	vor.u32 v29, v50;
	v0 =	vor.u32 $0x20, v39  }
0x428: {  	v19 =	vadd.f32 v19, v31;
	v15 =	vand.u32 $0x7, v43;
	v27 =	vld.idx.msk [tilespmem:v54+s14+$0x0], $0xffff;
	[tilespmem:v45+s18+$0x0] =	vst.idx.msk $0xffff, v12;
	v12 =	vand.u32 $0x28, v0  }
0x429: {  	v32 =	vmovc v28;
	v62 =	vor.u32 v56, v50;
	v18 =	vadd.f32 v18, v53;
	v56 =	vor.u32 v15, v12;
	v15 =	vld [tilespmem:$0x1FFF0]  }
0x42a: {  	v60 =	vor.u32 v23, v60;
	v61 =	vor.u32 v16, v61;
	[tilespmem:v25+s18+$0x0] =	vst.idx.msk $0xffff, v19;
	v54 =	vshll.u32 v2, $0x7;
	v2 =	vld [tilespmem:$0x1FFC0]  }
0x42b: {  	v28 =	vlaneseq.u32;
	v19 =	vor.u32 v16, v63;
	[tilespmem:v1+s18+$0x0] =	vst.idx.msk $0xffff, v18;
	v1 =	vadd.f32 v6, v55;
	v6 =	vld.idx.msk [tilespmem:v13+s14+$0x0], $0xffff  }
0x42c: {  	v24 =	vor.u32 v14, v48;
	v52 =	vperm.xlane v34, v38;
	v12 =	vor.u32 v28, v54  }
0x42d: {  	v17 =	vld.idx.msk [tilespmem:v17+s14+$0x0], $0xffff;
	v18 =	vor.u32 $0x20, v41;
	[tilespmem:v20+s18+$0x0] =	vst.idx.msk $0xffff, v1;
	v1 =	vand.u32 $0x7, v30;
	v13 =	vadd.f32 v27, v58  }
0x42e: {  	v10 =	vld.idx.msk [tilespmem:v10+s14+$0x0], $0xffff;
	v20 =	vand.u32 $0x28, v18;
	v15 =	vor.u32 v15, v57;
	v27 =	vor.u32 $0x20, v40  }
0x42f: {  	v25 =	vld.idx.msk [tilespmem:v60+s14+$0x0], $0xffff;
	v63 =	vor.u32 v1, v20;
	v1 =	vand.u32 $0x7, v44;
	[tilespmem:v61+s18+$0x0] =	vst.idx.msk $0xffff, v13;
	v13 =	vand.u32 $0x28, v27  }
0x430: {  	v2 =	vor.u32 v2, v56;
	v60 =	vor.u32 v1, v13;
	v1 =	vld [tilespmem:$0x1FFC0];
	v6 =	vadd.f32 v6, v52  }
0x431: {  	v8 =	vor.u32 v5, v51;
	v4 =	vld.idx.msk [tilespmem:v4+s14+$0x0], $0xffff  }
0x432: {  	v61 =	vshll.u32 v0, $0x7;
	v0 =	vld [tilespmem:$0x1FFC0];
	[tilespmem:v12+s18+$0x0] =	vst.idx.msk $0xffff, v6  }
0x433: {  	v17 =	vadd.f32 v17, v46;
	v12 =	vld.idx.msk [tilespmem:v15+s14+$0x0], $0xffff  }
0x434: {  	v10 =	vadd.f32 v10, v49;
	v15 =	vld [tilespmem:$0x1FFF0]  }
0x435: {  	[tilespmem:v24+s18+$0x0] =	vst.idx.msk $0xffff, v17;
	v2 =	vld.idx.msk [tilespmem:v2+s14+$0x0], $0xffff;
	v1 =	vor.u32 v1, v63  }
0x436: {  	v17 =	vld [tilespmem:$0x1FFF0];
	[tilespmem:v8+s18+$0x0] =	vst.idx.msk $0xffff, v10;
	v13 =	vor.u32 v16, v59  }
0x437: {  	v4 =	vadd.f32 v4, v53;
	v8 =	vor.u32 v28, v61;
	v0 =	vor.u32 v0, v60  }
0x438: {  	v10 =	vld.idx.msk [tilespmem:v62+s14+$0x0], $0xffff;
	v58 =	vperm.xlane v34, v39  }
0x439: {  	[tilespmem:v19+s18+$0x0] =	vst.idx.msk $0xffff, v4;
	v19 =	vld [tilespmem:$0x1FFF0];
	v6 =	vadd.f32 v25, v55;
	v15 =	vor.u32 v15, v56  }
0x43a: {  	v2 =	vadd.f32 v2, v58;
	v1 =	vld.idx.msk [tilespmem:v1+s14+$0x0], $0xffff  }
0x43b: {  	v24 =	vld [tilespmem:$0x1FFE0];
	v62 =	vshll.u32 v18, $0x7;
	v17 =	vor.u32 v17, v63;
	[tilespmem:v13+s18+$0x0] =	vst.idx.msk $0xffff, v6;
	v6 =	vor.u32 v3, v54  }
0x43c: {  	v13 =	vor.u32 v29, v57;
	[tilespmem:v8+s18+$0x0] =	vst.idx.msk $0xffff, v2;
	v2 =	vor.u32 v28, v62;
	v0 =	vld.idx.msk [tilespmem:v0+s14+$0x0], $0xffff  }
0x43d: {  	v59 =	vshll.u32 v27, $0x7;
	v4 =	vor.u32 v7, v51;
	v55 =	vperm.xlane v34, v41;
	v8 =	vld.idx.msk [tilespmem:v26+s14+$0x0], $0xffff  }
0x43e: {  	v18 =	vor.u32 v28, v59;
	v12 =	vadd.f32 v12, v52;
	v15 =	vld.idx.msk [tilespmem:v15+s14+$0x0], $0xffff  }
0x43f: {  	v53 =	vperm.xlane v34, v40;
	v19 =	vor.u32 v19, v60;
	v1 =	vadd.f32 v1, v55  }
0x440: {  	v10 =	vadd.f32 v10, v49;
	[tilespmem:v6+s18+$0x0] =	vst.idx.msk $0xffff, v12;
	v6 =	vor.u32 v3, v61  }
0x441: {  	v12 =	vld.idx.msk [tilespmem:v13+s14+$0x0], $0xffff;
	v13 =	vor.u32 v29, v56;
	v0 =	vadd.f32 v0, v53;
	[tilespmem:v2+s18+$0x0] =	vst.idx.msk $0xffff, v1  }
0x442: {  	v24 =	vor.u32 v24, v50;
	[tilespmem:v4+s18+$0x0] =	vst.idx.msk $0xffff, v10;
	v1 =	vadd.f32 v8, v31;
	v8 =	vld.idx.msk [tilespmem:v17+s14+$0x0], $0xffff  }
0x443: {  	v20 =	vor.u32 v23, v47;
	[tilespmem:v18+s18+$0x0] =	vst.idx.msk $0xffff, v0;
	v18 =	vld [tilespmem:$0x1FFD0];
	v4 =	vadd.f32 v15, v58  }
0x444: {  	v10 =	vld.idx.msk [tilespmem:v19+s14+$0x0], $0xffff;
	v19 =	vor.u32 v3, v62  }
0x445: {  	v2 =	vor.u32 v9, v36;
	[tilespmem:v6+s18+$0x0] =	vst.idx.msk $0xffff, v4  }
0x446: {  	v6 =	vor.u32 v3, v59;
	v13 =	vld.idx.msk [tilespmem:v13+s14+$0x0], $0xffff  }
0x447: {  	v0 =	vor.u32 v5, v54;
	v17 =	vld.idx.msk [tilespmem:v24+s14+$0x0], $0xffff;
	v8 =	vadd.f32 v8, v55  }
0x448: {  	v20 =	vld.idx.msk [tilespmem:v20+s14+$0x0], $0xffff;
	v24 =	vor.u32 v9, v51;
	v18 =	vor.u32 v18, v57  }
0x449: {  	v4 =	vor.u32 v29, v63;
	v10 =	vadd.f32 v10, v53;
	[tilespmem:v19+s18+$0x0] =	vst.idx.msk $0xffff, v8;
	v8 =	vld [tilespmem:$0x1FFD0]  }
0x44a: {  	v12 =	vadd.f32 v12, v52;
	[tilespmem:v2+s18+$0x0] =	vst.idx.msk $0xffff, v1;
	v1 =	vld [tilespmem:$0x1FE40];
	v2 =	vor.u32 v21, v50  }
0x44b: {  	v25 =	vor.u32 v29, v60;
	[tilespmem:v6+s18+$0x0] =	vst.idx.msk $0xffff, v10;
	v10 =	vadd.f32 v13, v58;
	v13 =	vld [tilespmem:$0x1FFE0]  }
0x44c: {  	v15 =	vor.u32 v16, v48;
	[tilespmem:v0+s18+$0x0] =	vst.idx.msk $0xffff, v12;
	v12 =	vadd.f32 v17, v49;
	v19 =	vld [tilespmem:$0x1FFC0]  }
0x44d: {  	v0 =	vor.u32 v5, v61;
	v17 =	vld.idx.msk [tilespmem:v18+s14+$0x0], $0xffff  }
0x44e: {  	[tilespmem:v24+s18+$0x0] =	vst.idx.msk $0xffff, v12;
	v4 =	vld.idx.msk [tilespmem:v4+s14+$0x0], $0xffff;
	v8 =	vor.u32 v8, v56  }
0x44f: {  	v18 =	vadd.f32 v20, v46;
	v6 =	vor.u32 v7, v54;
	v2 =	vld.idx.msk [tilespmem:v2+s14+$0x0], $0xffff  }
0x450: {  	v12 =	vld.idx.msk [tilespmem:v25+s14+$0x0], $0xffff;
	v13 =	vor.u32 v13, v57  }
0x451: {  	v20 =	vld [tilespmem:$0x1FFD0];
	v1 =	vor.u32 $0x30, v1;
	[tilespmem:v15+s18+$0x0] =	vst.idx.msk $0xffff, v18;
	v15 =	vor.u32 v5, v62  }
0x452: {  	v34 =	vand.u32 $0x3F, v1;
	v18 =	vor.u32 v11, v51;
	[tilespmem:v0+s18+$0x0] =	vst.idx.msk $0xffff, v10;
	v0 =	vld [tilespmem:$0x1FFD0];
	v17 =	vadd.f32 v17, v52  }
0x453: {  	v45 =	vmov v30;
	v19 =	vor.u32 v19, v34;
	v10 =	vor.u32 v5, v59;
	v8 =	vld.idx.msk [tilespmem:v8+s14+$0x0], $0xffff  }
0x454: {  	v30 =	vld [tilespmem:$0x1FEB0];
	v24 =	vor.u32 v22, v50;
	v46 =	vshll.u32 v1, $0x7;
	v4 =	vadd.f32 v4, v55;
	[tilespmem:v6+s18+$0x0] =	vst.idx.msk $0xffff, v17  }
0x455: {  	v1 =	vor.u32 v7, v61;
	v2 =	vadd.f32 v2, v49;
	v6 =	vadd.f32 v12, v53;
	v12 =	vld.idx.msk [tilespmem:v13+s14+$0x0], $0xffff  }
0x456: {  	[tilespmem:v15+s18+$0x0] =	vst.idx.msk $0xffff, v4;
	v13 =	vld [tilespmem:$0x1FFE0]  }
0x457: {  	v15 =	vld [tilespmem:$0x1FFF0];
	[tilespmem:v18+s18+$0x0] =	vst.idx.msk $0xffff, v2;
	v0 =	vor.u32 v0, v63  }
0x458: {  	v20 =	vor.u32 v20, v60;
	v19 =	vld.idx.msk [tilespmem:v19+s14+$0x0], $0xffff;
	[tilespmem:v10+s18+$0x0] =	vst.idx.msk $0xffff, v6;
	v6 =	vadd.f32 v8, v58  }
0x459: {  	v17 =	vld.idx.msk [tilespmem:v24+s14+$0x0], $0xffff  }
0x45a: {  	[tilespmem:v1+s18+$0x0] =	vst.idx.msk $0xffff, v6;
	v1 =	vld [tilespmem:$0x1FFE0]  }
0x45b: {  	v24 =	vld [tilespmem:$0x1FFE0];
	v13 =	vor.u32 v13, v56  }
0x45c: {  	v33 =	vperm.xlane v30, v33;
	v4 =	vor.u32 v28, v46;
	v0 =	vld.idx.msk [tilespmem:v0+s14+$0x0], $0xffff  }
0x45d: {  	v2 =	vor.u32 v9, v54;
	v15 =	vor.u32 v15, v34;
	v8 =	vld.idx.msk [tilespmem:v20+s14+$0x0], $0xffff  }
0x45e: {  	v18 =	vor.u32 v21, v57;
	v10 =	vadd.f32 v19, v33;
	v19 =	vor.u32 v7, v62  }
0x45f: {  	v6 =	vor.u32 v7, v59;
	v1 =	vor.u32 v1, v63  }
0x460: {  	v20 =	vor.u32 v14, v51;
	v24 =	vor.u32 v24, v60;
	v12 =	vadd.f32 v12, v52;
	v13 =	vld.idx.msk [tilespmem:v13+s14+$0x0], $0xffff  }
0x461: {  	v26 =	vld [tilespmem:$0x1FFC0];
	[tilespmem:v4+s18+$0x0] =	vst.idx.msk $0xffff, v10;
	v4 =	vor.u32 v23, v50;
	v0 =	vadd.f32 v0, v55  }
0x462: {  	v10 =	vld.idx.msk [tilespmem:v15+s14+$0x0], $0xffff;
	[tilespmem:v2+s18+$0x0] =	vst.idx.msk $0xffff, v12;
	v2 =	vor.u32 v9, v61;
	v8 =	vadd.f32 v8, v53  }
0x463: {  	v12 =	vadd.f32 v17, v49;
	v15 =	vld.idx.msk [tilespmem:v18+s14+$0x0], $0xffff;
	[tilespmem:v19+s18+$0x0] =	vst.idx.msk $0xffff, v0  }
0x464: {  	v25 =	vor.u32 v3, v46;
	v17 =	vor.u32 v21, v56;
	[tilespmem:v6+s18+$0x0] =	vst.idx.msk $0xffff, v8;
	v1 =	vld.idx.msk [tilespmem:v1+s14+$0x0], $0xffff  }
0x465: {  	[tilespmem:v20+s18+$0x0] =	vst.idx.msk $0xffff, v12;
	v6 =	vor.u32 v11, v54;
	v8 =	vadd.f32 v13, v58  }
0x466: {  	v18 =	vor.u32 v22, v57;
	v0 =	vor.u32 v21, v32;
	v19 =	vor.u32 v9, v62;
	v4 =	vld.idx.msk [tilespmem:v4+s14+$0x0], $0xffff  }
0x467: {  	v20 =	vor.u32 $0x30, v37;
	v12 =	vld.idx.msk [tilespmem:v24+s14+$0x0], $0xffff;
	[tilespmem:v2+s18+$0x0] =	vst.idx.msk $0xffff, v8;
	v2 =	vor.u32 v21, v63  }
0x468: {  	v47 =	vand.u32 $0x3F, v20;
	v15 =	vadd.f32 v15, v52;
	v13 =	vor.u32 v16, v51  }
0x469: {  	v26 =	vor.u32 v26, v47;
	v8 =	vor.u32 v9, v59;
	v17 =	vld.idx.msk [tilespmem:v17+s14+$0x0], $0xffff;
	v1 =	vadd.f32 v1, v55  }
0x46a: {  	v24 =	vor.u32 v21, v60;
	v10 =	vadd.f32 v10, v33;
	[tilespmem:v6+s18+$0x0] =	vst.idx.msk $0xffff, v15  }
0x46b: {  	v6 =	vor.u32 v11, v61;
	[tilespmem:v19+s18+$0x0] =	vst.idx.msk $0xffff, v1;
	v1 =	vadd.f32 v4, v49;
	v4 =	vld.idx.msk [tilespmem:v18+s14+$0x0], $0xffff  }
0x46c: {  	[tilespmem:v25+s18+$0x0] =	vst.idx.msk $0xffff, v10;
	v12 =	vadd.f32 v12, v53;
	v15 =	vor.u32 v22, v56;
	v2 =	vld.idx.msk [tilespmem:v2+s14+$0x0], $0xffff  }
0x46d: {  	v18 =	vor.u32 v11, v62;
	[tilespmem:v13+s18+$0x0] =	vst.idx.msk $0xffff, v1;
	v1 =	vor.u32 v14, v54  }
0x46e: {  	[tilespmem:v8+s18+$0x0] =	vst.idx.msk $0xffff, v12;
	v12 =	vadd.f32 v17, v58;
	v17 =	vor.u32 v23, v57;
	v10 =	vld.idx.msk [tilespmem:v26+s14+$0x0], $0xffff  }
0x46f: {  	v8 =	vor.u32 v29, v34;
	v13 =	vld.idx.msk [tilespmem:v24+s14+$0x0], $0xffff  }
0x470: {  	v35 =	vperm.xlane v30, v35;
	v37 =	vshll.u32 v20, $0x7;
	v24 =	vld [tilespmem:$0x1FFF0];
	[tilespmem:v6+s18+$0x0] =	vst.idx.msk $0xffff, v12;
	v4 =	vadd.f32 v4, v52  }
0x471: {  	v0 =	vld.idx.msk [tilespmem:v0+s14+$0x0], $0xffff;
	v6 =	vor.u32 v22, v63;
	v12 =	vor.u32 v11, v59;
	v2 =	vadd.f32 v2, v55  }
0x472: {  	v20 =	vor.u32 v22, v60;
	v19 =	vor.u32 v28, v37;
	v15 =	vld.idx.msk [tilespmem:v15+s14+$0x0], $0xffff;
	[tilespmem:v1+s18+$0x0] =	vst.idx.msk $0xffff, v4  }
0x473: {  	[tilespmem:v18+s18+$0x0] =	vst.idx.msk $0xffff, v2;
	v2 =	vadd.f32 v10, v35;
	v10 =	vld.idx.msk [tilespmem:v17+s14+$0x0], $0xffff  }
0x474: {  	v1 =	vld.idx.msk [tilespmem:v8+s14+$0x0], $0xffff;
	v8 =	vadd.f32 v13, v53  }
0x475: {  	v24 =	vor.u32 v24, v47;
	v4 =	vor.u32 v14, v61  }
0x476: {  	v13 =	vor.u32 v23, v56;
	[tilespmem:v12+s18+$0x0] =	vst.idx.msk $0xffff, v8;
	v6 =	vld.idx.msk [tilespmem:v6+s14+$0x0], $0xffff  }
0x477: {  	v38 =	vperm.xlane v30, v38;
	[tilespmem:v19+s18+$0x0] =	vst.idx.msk $0xffff, v2;
	v2 =	vor.u32 v16, v54;
	v12 =	vld.idx.msk [tilespmem:v20+s14+$0x0], $0xffff  }
0x478: {  	v25 =	vor.u32 v23, v60;
	v8 =	vadd.f32 v15, v58;
	v10 =	vadd.f32 v10, v52;
	v52 =	vld [tilespmem:$0x1FFC0]  }
0x479: {  	v0 =	vadd.f32 v0, v31;
	v26 =	vor.u32 $0x30, v45;
	v19 =	vor.u32 v14, v62  }
0x47a: {  	v17 =	vld.idx.msk [tilespmem:v24+s14+$0x0], $0xffff;
	[tilespmem:v4+s18+$0x0] =	vst.idx.msk $0xffff, v8;
	v4 =	vor.u32 v23, v63;
	v8 =	vor.u32 v14, v59  }
0x47b: {  	v60 =	vand.u32 $0x3F, v26;
	v18 =	vor.u32 $0x30, v42;
	v24 =	vor.u32 v5, v46;
	v13 =	vld.idx.msk [tilespmem:v13+s14+$0x0], $0xffff  }
0x47c: {  	v48 =	vand.u32 $0x3F, v18;
	v6 =	vadd.f32 v6, v55;
	[tilespmem:v2+s18+$0x0] =	vst.idx.msk $0xffff, v10;
	v2 =	vor.u32 v16, v61  }
0x47d: {  	v10 =	vor.u32 $0x30, v43;
	v12 =	vadd.f32 v12, v53;
	v20 =	vor.u32 v52, v48  }
0x47e: {  	v42 =	vshll.u32 v18, $0x7;
	v15 =	vor.u32 v11, v36;
	[tilespmem:v19+s18+$0x0] =	vst.idx.msk $0xffff, v6;
	v6 =	vld [tilespmem:$0x1FFD0];
	v43 =	vand.u32 $0x3F, v10  }
0x47f: {  	v1 =	vadd.f32 v1, v33;
	[tilespmem:v8+s18+$0x0] =	vst.idx.msk $0xffff, v12;
	v4 =	vld.idx.msk [tilespmem:v4+s14+$0x0], $0xffff;
	v12 =	vor.u32 v52, v43  }
0x480: {  	v54 =	vld [tilespmem:$0x1FFF0];
	v19 =	vor.u32 v29, v47;
	v8 =	vor.u32 v3, v37;
	v13 =	vadd.f32 v13, v58  }
0x481: {  	v17 =	vadd.f32 v17, v35;
	[tilespmem:v24+s18+$0x0] =	vst.idx.msk $0xffff, v1;
	v1 =	vor.u32 v16, v62;
	v18 =	vld.idx.msk [tilespmem:v25+s14+$0x0], $0xffff  }
0x482: {  	[tilespmem:v2+s18+$0x0] =	vst.idx.msk $0xffff, v13;
	v2 =	vor.u32 v52, v60;
	v13 =	vor.u32 $0x30, v44;
	v20 =	vld.idx.msk [tilespmem:v20+s14+$0x0], $0xffff  }
0x483: {  	[tilespmem:v15+s18+$0x0] =	vst.idx.msk $0xffff, v0;
	v25 =	vor.u32 v16, v59;
	v6 =	vor.u32 v6, v34;
	v61 =	vand.u32 $0x3F, v13  }
0x484: {  	v24 =	vor.u32 v28, v42;
	v4 =	vadd.f32 v4, v55;
	v0 =	vld.idx.msk [tilespmem:v12+s14+$0x0], $0xffff;
	v12 =	vor.u32 v52, v61  }
0x485: {  	v39 =	vperm.xlane v30, v39;
	v15 =	vor.u32 v54, v48;
	v62 =	vshll.u32 v10, $0x7;
	v58 =	vld [tilespmem:$0x1FFD0];
	[tilespmem:v8+s18+$0x0] =	vst.idx.msk $0xffff, v17  }
0x486: {  	v17 =	vor.u32 v28, v62;
	v10 =	vld.idx.msk [tilespmem:v19+s14+$0x0], $0xffff;
	[tilespmem:v1+s18+$0x0] =	vst.idx.msk $0xffff, v4;
	v1 =	vadd.f32 v18, v53  }
0x487: {  	v40 =	vperm.xlane v30, v40;
	v45 =	vshll.u32 v26, $0x7;
	v2 =	vld.idx.msk [tilespmem:v2+s14+$0x0], $0xffff;
	v8 =	vadd.f32 v20, v38  }
0x488: {  	v41 =	vperm.xlane v30, v41;
	v18 =	vor.u32 v28, v45;
	v6 =	vld.idx.msk [tilespmem:v6+s14+$0x0], $0xffff;
	[tilespmem:v25+s18+$0x0] =	vst.idx.msk $0xffff, v1  }
0x489: {  	v1 =	vor.u32 v54, v43;
	v0 =	vadd.f32 v0, v39;
	v12 =	vld.idx.msk [tilespmem:v12+s14+$0x0], $0xffff;
	[tilespmem:v24+s18+$0x0] =	vst.idx.msk $0xffff, v8  }
0x48a: {  	v63 =	vshll.u32 v13, $0x7;
	v19 =	vor.u32 v54, v60;
	v4 =	vor.u32 v5, v37;
	v15 =	vld.idx.msk [tilespmem:v15+s14+$0x0], $0xffff  }
0x48b: {  	v59 =	vld [tilespmem:$0x1FFE0];
	v8 =	vor.u32 v58, v47;
	[tilespmem:v17+s18+$0x0] =	vst.idx.msk $0xffff, v0;
	v0 =	vor.u32 v28, v63  }
0x48c: {  	v13 =	vor.u32 v3, v42;
	v2 =	vadd.f32 v2, v41;
	v17 =	vor.u32 v54, v61  }
0x48d: {  	v20 =	vor.u32 v7, v46;
	v10 =	vadd.f32 v10, v35;
	v24 =	vor.u32 v29, v48  }
0x48e: {  	v1 =	vld.idx.msk [tilespmem:v1+s14+$0x0], $0xffff;
	[tilespmem:v18+s18+$0x0] =	vst.idx.msk $0xffff, v2;
	v2 =	vadd.f32 v12, v40  }
0x48f: {  	[tilespmem:v4+s18+$0x0] =	vst.idx.msk $0xffff, v10;
	v6 =	vadd.f32 v6, v33;
	v10 =	vld.idx.msk [tilespmem:v19+s14+$0x0], $0xffff;
	v4 =	vadd.f32 v15, v38  }
0x490: {  	v12 =	vor.u32 v59, v34;
	v8 =	vld.idx.msk [tilespmem:v8+s14+$0x0], $0xffff;
	[tilespmem:v0+s18+$0x0] =	vst.idx.msk $0xffff, v2;
	v15 =	vor.u32 v3, v62  }
0x491: {  	v0 =	vor.u32 v29, v43;
	v2 =	vor.u32 v3, v45;
	[tilespmem:v13+s18+$0x0] =	vst.idx.msk $0xffff, v4;
	v4 =	vld.idx.msk [tilespmem:v17+s14+$0x0], $0xffff  }
0x492: {  	[tilespmem:v20+s18+$0x0] =	vst.idx.msk $0xffff, v6;
	v6 =	vor.u32 v7, v37;
	v17 =	vor.u32 v29, v60;
	v13 =	vld.idx.msk [tilespmem:v24+s14+$0x0], $0xffff  }
0x493: {  	v19 =	vor.u32 v3, v63;
	v1 =	vadd.f32 v1, v39  }
0x494: {  	v20 =	vor.u32 v5, v42;
	v10 =	vadd.f32 v10, v41;
	v24 =	vor.u32 v29, v61  }
0x495: {  	v18 =	vor.u32 v59, v47;
	v12 =	vld.idx.msk [tilespmem:v12+s14+$0x0], $0xffff;
	v8 =	vadd.f32 v8, v35;
	[tilespmem:v15+s18+$0x0] =	vst.idx.msk $0xffff, v1  }
0x496: {  	[tilespmem:v2+s18+$0x0] =	vst.idx.msk $0xffff, v10;
	v1 =	vor.u32 v58, v48;
	v0 =	vld.idx.msk [tilespmem:v0+s14+$0x0], $0xffff;
	v2 =	vadd.f32 v4, v40  }
0x497: {  	[tilespmem:v6+s18+$0x0] =	vst.idx.msk $0xffff, v8;
	v6 =	vld.idx.msk [tilespmem:v17+s14+$0x0], $0xffff;
	v17 =	vor.u32 v9, v46;
	v4 =	vadd.f32 v13, v38  }
0x498: {  	v10 =	vor.u32 v5, v62;
	v15 =	vor.u32 v22, v32;
	[tilespmem:v19+s18+$0x0] =	vst.idx.msk $0xffff, v2  }
0x499: {  	v2 =	vor.u32 v58, v43;
	[tilespmem:v20+s18+$0x0] =	vst.idx.msk $0xffff, v4;
	v4 =	vor.u32 v5, v45;
	v13 =	vld.idx.msk [tilespmem:v24+s14+$0x0], $0xffff  }
0x49a: {  	v8 =	vld.idx.msk [tilespmem:v18+s14+$0x0], $0xffff;
	v18 =	vor.u32 v58, v60;
	v12 =	vadd.f32 v12, v33  }
0x49b: {  	v19 =	vor.u32 v5, v63;
	v20 =	vor.u32 v9, v37;
	v1 =	vld.idx.msk [tilespmem:v1+s14+$0x0], $0xffff;
	v0 =	vadd.f32 v0, v39  }
0x49c: {  	v24 =	vor.u32 v58, v61;
	v6 =	vadd.f32 v6, v41;
	[tilespmem:v17+s18+$0x0] =	vst.idx.msk $0xffff, v12  }
0x49d: {  	v12 =	vld.idx.msk [tilespmem:v15+s14+$0x0], $0xffff;
	[tilespmem:v10+s18+$0x0] =	vst.idx.msk $0xffff, v0;
	v10 =	vor.u32 v7, v42  }
0x49e: {  	v0 =	vor.u32 v21, v34;
	v2 =	vld.idx.msk [tilespmem:v2+s14+$0x0], $0xffff;
	[tilespmem:v4+s18+$0x0] =	vst.idx.msk $0xffff, v6;
	v4 =	vadd.f32 v13, v40  }
0x49f: {  	v15 =	vor.u32 v7, v62;
	v6 =	vadd.f32 v8, v35;
	v8 =	vld.idx.msk [tilespmem:v18+s14+$0x0], $0xffff  }
0x4a0: {  	v13 =	vor.u32 v59, v48;
	v1 =	vadd.f32 v1, v38;
	[tilespmem:v19+s18+$0x0] =	vst.idx.msk $0xffff, v4  }
0x4a1: {  	[tilespmem:v20+s18+$0x0] =	vst.idx.msk $0xffff, v6;
	v4 =	vor.u32 v59, v43;
	v6 =	vor.u32 v7, v45;
	v17 =	vld.idx.msk [tilespmem:v24+s14+$0x0], $0xffff  }
0x4a2: {  	[tilespmem:v10+s18+$0x0] =	vst.idx.msk $0xffff, v1  }
0x4a3: {  	v0 =	vld.idx.msk [tilespmem:v0+s14+$0x0], $0xffff;
	v10 =	vor.u32 v7, v63;
	v1 =	vadd.f32 v2, v39;
	v2 =	vor.u32 v59, v60  }
0x4a4: {  	v18 =	vor.u32 v21, v47;
	v19 =	vor.u32 v14, v36;
	v8 =	vadd.f32 v8, v41  }
0x4a5: {  	v20 =	vor.u32 v59, v61;
	v13 =	vld.idx.msk [tilespmem:v13+s14+$0x0], $0xffff;
	[tilespmem:v15+s18+$0x0] =	vst.idx.msk $0xffff, v1;
	v1 =	vor.u32 v11, v46  }
0x4a6: {  	v4 =	vld.idx.msk [tilespmem:v4+s14+$0x0], $0xffff;
	[tilespmem:v6+s18+$0x0] =	vst.idx.msk $0xffff, v8;
	v6 =	vadd.f32 v17, v40  }
0x4a7: {  	v15 =	vor.u32 v9, v42;
	v8 =	vadd.f32 v12, v31  }
0x4a8: {  	v0 =	vadd.f32 v0, v33;
	v2 =	vld.idx.msk [tilespmem:v2+s14+$0x0], $0xffff;
	[tilespmem:v10+s18+$0x0] =	vst.idx.msk $0xffff, v6;
	v10 =	vor.u32 v9, v62  }
0x4a9: {  	v12 =	vld.idx.msk [tilespmem:v18+s14+$0x0], $0xffff;
	v6 =	vor.u32 v21, v48;
	[tilespmem:v19+s18+$0x0] =	vst.idx.msk $0xffff, v8;
	v8 =	vor.u32 v21, v43  }
0x4aa: {  	v17 =	vld.idx.msk [tilespmem:v20+s14+$0x0], $0xffff;
	[tilespmem:v1+s18+$0x0] =	vst.idx.msk $0xffff, v0;
	v0 =	vadd.f32 v13, v38;
	v1 =	vor.u32 v9, v45  }
0x4ab: {  	v13 =	vor.u32 v21, v60;
	v4 =	vadd.f32 v4, v39  }
0x4ac: {  	v18 =	vor.u32 v9, v63;
	[tilespmem:v15+s18+$0x0] =	vst.idx.msk $0xffff, v0;
	v0 =	vor.u32 v11, v37  }
0x4ad: {  	v15 =	vor.u32 v21, v61;
	v2 =	vadd.f32 v2, v41;
	[tilespmem:v10+s18+$0x0] =	vst.idx.msk $0xffff, v4  }
0x4ae: {  	v4 =	vor.u32 v22, v34;
	v8 =	vld.idx.msk [tilespmem:v8+s14+$0x0], $0xffff  }
0x4af: {  	v6 =	vld.idx.msk [tilespmem:v6+s14+$0x0], $0xffff;
	v10 =	vadd.f32 v12, v35;
	v12 =	vadd.f32 v17, v40;
	[tilespmem:v1+s18+$0x0] =	vst.idx.msk $0xffff, v2  }
0x4b0: {  	v2 =	vor.u32 v11, v62;
	v13 =	vld.idx.msk [tilespmem:v13+s14+$0x0], $0xffff  }
0x4b1: {  	v1 =	vor.u32 v11, v42;
	[tilespmem:v18+s18+$0x0] =	vst.idx.msk $0xffff, v12  }
0x4b2: {  	[tilespmem:v0+s18+$0x0] =	vst.idx.msk $0xffff, v10;
	v0 =	vld.idx.msk [tilespmem:v15+s14+$0x0], $0xffff  }
0x4b3: {  	v53 =	vld [tilespmem:$0x1FFB0];
	v17 =	vor.u32 v22, v47;
	v12 =	vor.u32 v11, v45;
	v8 =	vadd.f32 v8, v39  }
0x4b4: {  	v18 =	vor.u32 v11, v63;
	v15 =	vor.u32 v22, v43;
	v6 =	vadd.f32 v6, v38;
	v4 =	vld.idx.msk [tilespmem:v4+s14+$0x0], $0xffff  }
0x4b5: {  	[tilespmem:v2+s18+$0x0] =	vst.idx.msk $0xffff, v8;
	v2 =	vadd.f32 v13, v41;
	v13 =	vld [tilespmem:$0x1FE50]  }
0x4b6: {  	[tilespmem:v1+s18+$0x0] =	vst.idx.msk $0xffff, v6;
	v1 =	vor.u32 v14, v46  }
0x4b7: {  	v10 =	vor.u32 v22, v48;
	v0 =	vadd.f32 v0, v40  }
0x4b8: {  	v6 =	vld.idx.msk [tilespmem:v17+s14+$0x0], $0xffff;
	v17 =	vor.u32 v22, v60;
	[tilespmem:v12+s18+$0x0] =	vst.idx.msk $0xffff, v2  }
0x4b9: {  	v8 =	vor.u32 v22, v61;
	v12 =	vld.idx.msk [tilespmem:v15+s14+$0x0], $0xffff;
	[tilespmem:v18+s18+$0x0] =	vst.idx.msk $0xffff, v0;
	v0 =	vadd.f32 v4, v33  }
0x4ba: {  	v19 =	vor.u32 v14, v37;
	v13 =	vor.u32 v53, v13  }
0x4bb: {  	v25 =	vld [tilespmem:$0x1FE60];
	[tilespmem:v1+s18+$0x0] =	vst.idx.msk $0xffff, v0;
	v1 =	vor.u32 v14, v62  }
0x4bc: {  	v10 =	vld.idx.msk [tilespmem:v10+s14+$0x0], $0xffff;
	v2 =	vor.u32 v23, v32  }
0x4bd: {  	v4 =	vor.u32 v23, v34;
	v6 =	vadd.f32 v6, v35;
	v17 =	vld.idx.msk [tilespmem:v17+s14+$0x0], $0xffff  }
0x4be: {  	v15 =	vor.u32 v23, v47;
	v18 =	vor.u32 v14, v42;
	v8 =	vld.idx.msk [tilespmem:v8+s14+$0x0], $0xffff;
	v12 =	vadd.f32 v12, v39  }
0x4bf: {  	v0 =	vor.u32 v23, v48;
	[tilespmem:v19+s18+$0x0] =	vst.idx.msk $0xffff, v6;
	v13 =	vld.idx.msk [tilespmem:v13+s14+$0x0], $0xffff  }
0x4c0: {  	v6 =	vor.u32 v23, v43;
	v19 =	vor.u32 v14, v45;
	[tilespmem:v1+s18+$0x0] =	vst.idx.msk $0xffff, v12;
	v12 =	vld [tilespmem:$0x1FE70]  }
0x4c1: {  	v24 =	vor.u32 v14, v63;
	v20 =	vor.u32 v23, v60;
	v10 =	vadd.f32 v10, v38;
	v2 =	vld.idx.msk [tilespmem:v2+s14+$0x0], $0xffff  }
0x4c2: {  	v26 =	vor.u32 v23, v61;
	v25 =	vor.u32 v16, v25;
	v4 =	vld.idx.msk [tilespmem:v4+s14+$0x0], $0xffff  }
0x4c3: {  	v15 =	vld.idx.msk [tilespmem:v15+s14+$0x0], $0xffff;
	[tilespmem:v18+s18+$0x0] =	vst.idx.msk $0xffff, v10;
	v10 =	vor.u32 v16, v36;
	v17 =	vadd.f32 v17, v41  }
0x4c4: {  	v1 =	vor.u32 v16, v46;
	v0 =	vld.idx.msk [tilespmem:v0+s14+$0x0], $0xffff;
	v8 =	vadd.f32 v8, v40  }
0x4c5: {  	[tilespmem:v19+s18+$0x0] =	vst.idx.msk $0xffff, v17;
	v6 =	vld.idx.msk [tilespmem:v6+s14+$0x0], $0xffff;
	v12 =	vadd.f32 v13, v12;
	v13 =	vor.u32 v16, v37  }
0x4c6: {  	[tilespmem:v24+s18+$0x0] =	vst.idx.msk $0xffff, v8;
	v2 =	vadd.f32 v2, v31;
	v8 =	vor.u32 v16, v42;
	v17 =	vld.idx.msk [tilespmem:v20+s14+$0x0], $0xffff  }
0x4c7: {  	v4 =	vadd.f32 v4, v33;
	v18 =	vld.idx.msk [tilespmem:v26+s14+$0x0], $0xffff;
	[tilespmem:v25+s18+$0x0] =	vst.idx.msk $0xffff, v12;
	v12 =	vor.u32 v16, v62  }
0x4c8: {  	v27 =	vld [tilespmem:$0x1FF70];
	[tilespmem:v10+s18+$0x0] =	vst.idx.msk $0xffff, v2;
	v2 =	vadd.f32 v15, v35;
	v10 =	vor.u32 v16, v45  }
0x4c9: {  	p2 =	por p0, p0;
	v57 =	vld [tilespmem:$0x1FF90];
	[tilespmem:v1+s18+$0x0] =	vst.idx.msk $0xffff, v4;
	v0 =	vadd.f32 v0, v38;
	v1 =	vor.u32 v16, v63  }
.Ltmp1:
0x4ca: {  	v56 =	vld [tilespmem:$0x1FF80];
	[tilespmem:v13+s18+$0x0] =	vst.idx.msk $0xffff, v2;
	v2 =	vadd.f32 v6, v39;
	(pc) =	sbr.rel @p2 .LBB2_5-.Ltmp1, $4  }
0x4cb: {  	v24 =	vld [tilespmem:$0x1FF40];
	[tilespmem:v8+s18+$0x0] =	vst.idx.msk $0xffff, v0;
	v0 =	vadd.f32 v17, v41  }
0x4cc: {  	v26 =	vld [tilespmem:$0x1FF60];
	[tilespmem:v12+s18+$0x0] =	vst.idx.msk $0xffff, v2;
	v2 =	vadd.f32 v18, v40  }
0x4cd: {  	v25 =	vld [tilespmem:$0x1FF50];
	[tilespmem:v10+s18+$0x0] =	vst.idx.msk $0xffff, v0  }
0x4ce: {  	p0 =	por $0x0, $0x0;
	s25 =	simm.s32 $0x8;
	v55 =	vmov v29;
	v20 =	vlaneseq.u32;
	v12 =	vld [tilespmem:$0x1FFA0];
	[tilespmem:v1+s18+$0x0] =	vst.idx.msk $0xffff, v2  }
0x4cf: {  	s23 =	sadd.s32 @!p1 $0x180, s23  }
0x4d0: {  	s25 =	simm.s32 @!p1 $0x80;
	s26 =	simm.s32 @!p1 $0xB600;
	s22 =	sadd.s32 $0x1, s22  }
0x4d1: {  	[tilespmem:s26], [sflag:$0x2] =	stream.indirect.gather @!p1 [hbm4b:s3+s25], $0x40, s23, s25, $0xb8;
	[tilespmem:$0x11600] =	vst v63  }
0x4d2: {  	p0 =	sne.s32 s22, $0x64  }
.Ltmp2:
0x4d3: {  	s31 =	sshll.u32 s24, $0x12;
	(pc) =	sbr.rel @p0 .LBB2_2-.Ltmp2, $4  }
0x4d4: {  	s23 =	sor.u32 s5, s31  }
0x4d5: {  	s23 =	sshrl.u32 s23, $0x3  }
0x4d6: {  	s23 =	sadd.s32 s6, s23  }
0x4d7: {  	[hbm4b:s23+s9] =	stream.strided.scatter [tilespmem:s18], [sflag:$0x4], $0x2000, s10, s9, $0x38;
	[tilespmem:$0x11600] =	vst v63  }
0x4d8: {  	s21 =	sadd.s32 $0x1, s21  }
0x4d9: {  	_ =	swait.ge [sflag:s19], $0x2000;
	p0 =	sne.s32 s21, s8  }
.Ltmp3:
0x4da: {  	[sflag:s19] =	ssyncset.done $0x0;
	(pc) =	sbr.rel @p0 .LBB2_1-.Ltmp3, $4  }
0x4db: {  	[sflag:s19] =	ssyncadd.s32 $0xFFFFE000  }
0x4dc: {  	_ =	swait.ge [sflag:s20], $0x2000  }
0x4dd: {  	[sflag:s20] =	ssyncset.done $0x0  }
0x4de: {  	[sflag:s20] =	ssyncadd.s32 $0xFFFFE000  }
0x4df: {  	_ =	sfence.sel $0x180000  }
0x4e0: {  	[bflag:$0x0] =	sbarrier.arrive $0xFFFF  }
0x4e1: {  	p0 =	sne.s32 s2, $0x0;
	_ =	strace $0x9000004A  }
0x4e2: {  	s0 =	sadd.s32 @!p0 $0x100000, s0;
	[bflag:$0x2] =	sbarrier.arrive $0xFFFF  }
0x4e3: {  	[sflag:s0] =	ssyncadd.tile.s32 @!p0 $0x1;
	_ =	shalt  }
.Lfunc_end2:
_tile_overlayer_lowered:
.L_overlay_start_2:
0x4e4: {  	(tag) =	ssettag $0x2  }
0x4e5: {  	s0 =	rddreg [dreg:$0x0];
	s2 =	stileid.u32  }
0x4e6: {  	s1 =	rddreg [dreg:$0x1];
	p0 =	sne.s32 s2, $0x0  }
0x4e7: {  	s3 =	rddreg [dreg:$0x2];
	[bflag:$0x3] =	sbarrier.arrive $0xFFFF;
	s2 =	simm.s32 @!p0 $0x1C05  }
0x4e8: {  	[timem:s3], [sflag:s2] =	dma.local @!p0 [hbm:s0], s1  }
0x4e9: {  	s0 =	simm.s32 @!p0 $0x5  }
0x4ea: {  	_ =	swait.ge @!p0 [sflag:s0], s1  }
0x4eb: {  	s1 =	ssub.s32 @!p0 $0x0, s1;
	[sflag:s0] =	ssyncset.done @!p0 $0x0  }
0x4ec: {  	[sflag:s0] =	ssyncadd.s32 @!p0 s1  }
0x4ed: {  	[bflag:$0x3] =	sbarrier.arrive $0xFFFF  }
0x4ee: {  	_ =	shalt  }

</sc_bundles>
